<compile_context>
chip_gen: v7x
topology: tpu7x:2x2x1
jax: 0.10.2.dev20260603
libtpu: 0.0.44.dev20260713+nightly
codegen_flags: <defaults>
</compile_context>

<pallas_src>
import functools
import jax
import jax.numpy as jnp
from jax import lax
from jax.experimental import pallas as pl
from jax.experimental.pallas import tpu as pltpu
from jax.experimental.pallas import tpu_sc as plsc

D = 1024
E = 8
H = 512
N = 4096
NP = 2 * N
TM = 256
P_CAP = NP + E * TM
NTILES = P_CAP // TM
LANES = 128

NC, NS = 2, 16
NW = NC * NS


def _silu(x):
    return x / (1.0 + jnp.exp(-x))



def _pack_bf16_pair(a, b):
    au = jax.lax.bitcast_convert_type(a, jnp.uint32) >> 16
    bu = jax.lax.bitcast_convert_type(b, jnp.uint32) & jnp.uint32(0xFFFF0000)
    return jax.lax.bitcast_convert_type(au | bu, jnp.int32)


def _unpack_bf16_pair(xi):
    xu = jax.lax.bitcast_convert_type(xi, jnp.uint32)
    lo = jax.lax.bitcast_convert_type(xu << 16, jnp.float32)
    hi = jax.lax.bitcast_convert_type(xu & jnp.uint32(0xFFFF0000), jnp.float32)
    return lo, hi


def _router_body(x_ref, rw_ref, eb_ref, idx_ref, val_ref, xp_ref):
    x = x_ref[...]
    xp_ref[...] = _pack_bf16_pair(x[:, :D // 2], x[:, D // 2:])
    logits = jnp.dot(x, rw_ref[...], preferred_element_type=jnp.float32)
    logits = logits + eb_ref[...]
    sp = jnp.maximum(logits, 0.0) + jnp.log(1.0 + jnp.exp(-jnp.abs(logits)))
    act = jnp.sqrt(sp)
    m = x.shape[0]
    lane = lax.broadcasted_iota(jnp.int32, (m, LANES), 1)
    actm = jnp.where(lane < E, act, -1.0)
    m1 = jnp.max(actm, axis=1, keepdims=True)
    l1 = jnp.min(jnp.where(actm == m1, lane, LANES), axis=1, keepdims=True)
    act2 = jnp.where(lane == l1, -1.0, actm)
    m2 = jnp.max(act2, axis=1, keepdims=True)
    l2 = jnp.min(jnp.where(act2 == m2, lane, LANES), axis=1, keepdims=True)
    idx_ref[...] = jnp.concatenate([l1, l2], axis=1)
    val_ref[...] = jnp.concatenate([m1, m2], axis=1)


def _router(x2, routing_W, expert_bias):
    rw_pad = jnp.pad(routing_W, ((0, 0), (0, LANES - E)))
    eb_pad = jnp.pad(expert_bias, (0, LANES - E)).reshape(1, LANES)
    tm = 1024
    return pl.pallas_call(
        _router_body,
        grid=(N // tm,),
        in_specs=[
            pl.BlockSpec((tm, D), lambda t: (t, 0)),
            pl.BlockSpec((D, LANES), lambda t: (0, 0)),
            pl.BlockSpec((1, LANES), lambda t: (0, 0)),
        ],
        out_specs=[
            pl.BlockSpec((tm, 2), lambda t: (t, 0)),
            pl.BlockSpec((tm, 2), lambda t: (t, 0)),
            pl.BlockSpec((tm, D // 2), lambda t: (t, 0)),
        ],
        out_shape=[
            jax.ShapeDtypeStruct((N, 2), jnp.int32),
            jax.ShapeDtypeStruct((N, 2), jnp.float32),
            jax.ShapeDtypeStruct((N, D // 2), jnp.int32),
        ],
    )(x2, rw_pad, eb_pad)



def _dispatch(top_idx, top_vals):
    eid = top_idx.reshape(-1)
    oh = (eid[:, None] == jnp.arange(E, dtype=jnp.int32)[None, :]).astype(
        jnp.int32)
    ranks_inc = jnp.cumsum(oh, axis=0)
    cnt = ranks_inc[-1]
    rank = jnp.take_along_axis(ranks_inc, eid[:, None], axis=1)[:, 0] - 1
    padded = ((cnt + TM - 1) // TM) * TM
    pstart = jnp.concatenate([jnp.zeros(1, jnp.int32), jnp.cumsum(padded)])
    pos = pstart[eid] + rank
    gidx = jnp.zeros((P_CAP,), jnp.int32).at[pos].set(
        jnp.arange(NP, dtype=jnp.int32) // 2)
    wgt = jnp.zeros((P_CAP,), jnp.float32).at[pos].set(
        top_vals.reshape(-1)).reshape(P_CAP, 1)
    tstart = jnp.arange(NTILES, dtype=jnp.int32) * TM
    te = jnp.sum(tstart[:, None] >= pstart[1:][None, :], axis=1,
                 dtype=jnp.int32)
    te = jnp.minimum(te, E - 1)
    return gidx, wgt, te, pos



RPW = P_CAP // NW
CH = 16
NCH = RPW // CH
NB3 = 8


def _k3_body(x_hbm, gidx_hbm, xs_hbm, *refs):
    wid = lax.axis_index("s") * NC + lax.axis_index("c")
    base = wid * RPW
    idx_b = refs[0:NB3]
    rows = refs[NB3:2 * NB3]
    sem_i = refs[2 * NB3:3 * NB3]
    sem_g = refs[3 * NB3:4 * NB3]
    sem_w = refs[4 * NB3:5 * NB3]

    def load_idx(c):
        b = c % NB3
        return pltpu.async_copy(gidx_hbm.at[pl.ds(base + c * CH, CH)],
                                idx_b[b], sem_i[b])

    def gather(c):
        b = c % NB3
        return pltpu.async_copy(x_hbm.at[pl.ds(base % 2048 + c * CH, CH)],
                                rows[b], sem_g[b])

    def write(c):
        b = c % NB3
        return pltpu.async_copy(rows[b],
                                xs_hbm.at[pl.ds(base + c * CH, CH)],
                                sem_w[b])

    idn = [None] * NCH
    gd = [None] * NCH
    wd = [None] * NCH
    npro = min(NB3, NCH)
    for c in range(npro):
        idn[c] = load_idx(c)
    for c in range(npro):
        idn[c].wait()
        gd[c] = gather(c)
    for c in range(NCH):
        gd[c].wait()
        wd[c] = write(c)
        m = c + NB3 - 1
        if NB3 <= m < NCH:
            idn[m].wait()
            wd[m - NB3].wait()
            gd[m] = gather(m)
        n = c + NB3
        if n < NCH:
            idn[n] = load_idx(n)
    for c in range(max(0, NCH - NB3), NCH):
        wd[c].wait()


def _sc_gather(x2, gidx):
    mesh = plsc.VectorSubcoreMesh(core_axis_name="c", subcore_axis_name="s")
    f = functools.partial(
        pl.kernel, mesh=mesh,
        out_type=jax.ShapeDtypeStruct((P_CAP, D // 2), jnp.int32),
        scratch_types=(
            [pltpu.VMEM((CH,), jnp.int32)] * NB3
            + [pltpu.VMEM((CH, D // 2), jnp.int32)] * NB3
            + [pltpu.SemaphoreType.DMA] * (3 * NB3)
        ),
    )(_k3_body)
    return f(x2, gidx)



def _group_body(te_ref, xs_ref, w1_ref, b1_ref, w2_ref, b2_ref, wgt_ref,
                y_ref):
    xlo, xhi = _unpack_bf16_pair(xs_ref[...])
    w1 = w1_ref[0]
    h = jnp.dot(xlo.astype(jnp.bfloat16),
                w1[:D // 2, :].astype(jnp.bfloat16),
                preferred_element_type=jnp.float32)
    h += jnp.dot(xhi.astype(jnp.bfloat16),
                 w1[D // 2:, :].astype(jnp.bfloat16),
                 preferred_element_type=jnp.float32)
    h += b1_ref[0]
    h = _silu(h)
    w2b = w2_ref[0].astype(jnp.bfloat16)
    y = jnp.dot(h.astype(jnp.bfloat16), w2b,
                preferred_element_type=jnp.float32) + b2_ref[0]
    y = y * wgt_ref[...]
    y_ref[...] = _pack_bf16_pair(y[:, :D // 2], y[:, D // 2:])


def _grouped_ffn(xs, routed_W1, routed_b1, routed_W2, routed_b2, wgt, te):
    b1 = routed_b1.reshape(E, 1, H)
    b2 = routed_b2.reshape(E, 1, D)
    grid_spec = pltpu.PrefetchScalarGridSpec(
        num_scalar_prefetch=1,
        grid=(NTILES,),
        in_specs=[
            pl.BlockSpec((TM, D // 2), lambda t, te: (t, 0)),
            pl.BlockSpec((1, D, H), lambda t, te: (te[t], 0, 0)),
            pl.BlockSpec((1, 1, H), lambda t, te: (te[t], 0, 0)),
            pl.BlockSpec((1, H, D), lambda t, te: (te[t], 0, 0)),
            pl.BlockSpec((1, 1, D), lambda t, te: (te[t], 0, 0)),
            pl.BlockSpec((TM, 1), lambda t, te: (t, 0)),
        ],
        out_specs=pl.BlockSpec((TM, D // 2), lambda t, te: (t, 0)),
    )
    return pl.pallas_call(
        _group_body,
        grid_spec=grid_spec,
        out_shape=jax.ShapeDtypeStruct((P_CAP, D // 2), jnp.int32),
        compiler_params=pltpu.CompilerParams(
            dimension_semantics=("arbitrary",),
        ),
    )(te, xs, routed_W1, b1, routed_W2, b2, wgt)



def _shared_body(x_ref, w1_ref, b1_ref, w2_ref, b2_ref, s_ref):
    x = x_ref[...]
    h = jnp.dot(x, w1_ref[...], preferred_element_type=jnp.float32) + b1_ref[...]
    h = _silu(h)
    s_ref[...] = jnp.dot(h, w2_ref[...], preferred_element_type=jnp.float32) \
        + b2_ref[...]


def _shared_ffn(x2, W1, b1, W2, b2):
    tm = 512
    return pl.pallas_call(
        _shared_body,
        grid=(N // tm,),
        in_specs=[
            pl.BlockSpec((tm, D), lambda t: (t, 0)),
            pl.BlockSpec((D, H), lambda t: (0, 0)),
            pl.BlockSpec((1, H), lambda t: (0, 0)),
            pl.BlockSpec((H, D), lambda t: (0, 0)),
            pl.BlockSpec((1, D), lambda t: (0, 0)),
        ],
        out_specs=pl.BlockSpec((tm, D), lambda t: (t, 0)),
        out_shape=jax.ShapeDtypeStruct((N, D), jnp.float32),
    )(x2, W1, b1.reshape(1, H), W2, b2.reshape(1, D))



TPW = N // NW
CC = 16
NCC = TPW // CC


def _k6_body(s_hbm, y_hbm, pos_hbm, out_hbm,
             pidx_b0, pidx_b1, y01_0, y01_1, s_0, s_1,
             sem_i0, sem_i1, sem_g0, sem_g1, sem_s0, sem_s1,
             sem_w0, sem_w1):
    wid = lax.axis_index("s") * NC + lax.axis_index("c")
    base = wid * TPW
    pidx_b = [pidx_b0, pidx_b1]
    y01 = [y01_0, y01_1]
    sb = [s_0, s_1]
    sem_i = [sem_i0, sem_i1]
    sem_g = [sem_g0, sem_g1]
    sem_s = [sem_s0, sem_s1]
    sem_w = [sem_w0, sem_w1]

    def load_pidx(c):
        b = c % 2
        return pltpu.async_copy(pos_hbm.at[pl.ds(2 * (base + c * CC), 2 * CC)],
                                pidx_b[b], sem_i[b])

    gd = [None] * NCC
    sd = [None] * NCC
    wd = [None] * NCC
    idn = [load_pidx(0), load_pidx(1)]
    idn[0].wait()
    gd[0] = pltpu.async_copy(y_hbm.at[pidx_b[0]], y01[0], sem_g[0])
    sd[0] = pltpu.async_copy(s_hbm.at[pl.ds(base, CC)], sb[0], sem_s[0])
    for c in range(NCC):
        b = c % 2
        if c + 1 < NCC:
            nb = (c + 1) % 2
            idn[nb].wait()
            if c >= 1:
                wd[c - 1].wait()
            gd[c + 1] = pltpu.async_copy(y_hbm.at[pidx_b[nb]], y01[nb],
                                         sem_g[nb])
            sd[c + 1] = pltpu.async_copy(
                s_hbm.at[pl.ds(base + (c + 1) * CC, CC)], sb[nb], sem_s[nb])
        gd[c].wait()
        if c + 2 < NCC:
            idn[b] = load_pidx(c + 2)
        sd[c].wait()

        def row(r, _):
            def col(i, _):
                for u in range(2):
                    g = i * 2 + u
                    cs = pl.ds(g * 16, 16)
                    csh = pl.ds(D // 2 + g * 16, 16)
                    lo0, hi0 = _unpack_bf16_pair(y01[b][2 * r, cs])
                    lo1, hi1 = _unpack_bf16_pair(y01[b][2 * r + 1, cs])
                    sb[b][r, cs] = sb[b][r, cs] + (lo0 + lo1)
                    sb[b][r, csh] = sb[b][r, csh] + (hi0 + hi1)
                return 0
            lax.fori_loop(0, D // 64, col, 0)
            return 0

        lax.fori_loop(0, CC, row, 0)
        wd[c] = pltpu.async_copy(sb[b], out_hbm.at[pl.ds(base + c * CC, CC)],
                                 sem_w[b])
    wd[NCC - 2].wait()
    wd[NCC - 1].wait()


def _sc_combine(S, Y, pos):
    mesh = plsc.VectorSubcoreMesh(core_axis_name="c", subcore_axis_name="s")
    f = functools.partial(
        pl.kernel, mesh=mesh,
        out_type=jax.ShapeDtypeStruct((N, D), jnp.float32),
        scratch_types=[
            pltpu.VMEM((2 * CC,), jnp.int32),
            pltpu.VMEM((2 * CC,), jnp.int32),
            pltpu.VMEM((2 * CC, D // 2), jnp.int32),
            pltpu.VMEM((2 * CC, D // 2), jnp.int32),
            pltpu.VMEM((CC, D), jnp.float32),
            pltpu.VMEM((CC, D), jnp.float32),
            pltpu.SemaphoreType.DMA,
            pltpu.SemaphoreType.DMA,
            pltpu.SemaphoreType.DMA,
            pltpu.SemaphoreType.DMA,
            pltpu.SemaphoreType.DMA,
            pltpu.SemaphoreType.DMA,
            pltpu.SemaphoreType.DMA,
            pltpu.SemaphoreType.DMA,
        ],
    )(_k6_body)
    return f(S, Y, pos)



def kernel(X, shared_W1, shared_b1, shared_W2, shared_b2,
           routed_W1, routed_b1, routed_W2, routed_b2,
           routing_W, expert_bias):
    B, T, _ = X.shape
    x2 = X.reshape(N, D)

    top_idx, top_vals, xp = _router(x2, routing_W, expert_bias)
    gidx, wgt, te, pos = _dispatch(top_idx, top_vals)
    xs = _sc_gather(xp, gidx)
    y = _grouped_ffn(xs, routed_W1, routed_b1, routed_W2, routed_b2, wgt, te)
    s = _shared_ffn(x2, shared_W1, shared_b1, shared_W2, shared_b2)
    out = _sc_combine(s, y, pos)
    return out.reshape(B, T, D)

# --- scband reference (transcript-rebuilt; emitter-appended) ---
"""Pipeline reference for scband-deep-seek-mo-e-43276090474633 (READ-ONLY COPY).

The authoritative reference and input builder live on the scoring server;
editing this copy changes nothing except your own understanding.
"""

import jax, jax.numpy as jnp
import numpy as np

B, T, D = 2, 2048, 1024
E, K = 8, 2
H = 4 * D // E


def _expert(x, W1, b1, W2, b2):
    h = x @ W1 + b1
    h = h * jax.nn.sigmoid(h)  # SiLU
    return h @ W2 + b2


def setup_inputs(seed: int = 0) -> dict:
    key = jax.random.key(seed)
    ks = jax.random.split(key, 8)
    s = 0.02
    X = jax.random.normal(ks[0], (B, T, D), dtype=jnp.float32)
    shared_W1 = jax.random.normal(ks[1], (D, H), dtype=jnp.float32) * s
    shared_b1 = jnp.zeros((H,), dtype=jnp.float32)
    shared_W2 = jax.random.normal(ks[2], (H, D), dtype=jnp.float32) * s
    shared_b2 = jnp.zeros((D,), dtype=jnp.float32)
    routed_W1 = jax.random.normal(ks[3], (E, D, H), dtype=jnp.float32) * s
    routed_b1 = jnp.zeros((E, H), dtype=jnp.float32)
    routed_W2 = jax.random.normal(ks[4], (E, H, D), dtype=jnp.float32) * s
    routed_b2 = jnp.zeros((E, D), dtype=jnp.float32)
    routing_W = jax.random.normal(ks[5], (D, E), dtype=jnp.float32) * s
    expert_bias = jnp.zeros((E,), dtype=jnp.float32)
    return {"X": X, "shared_W1": shared_W1, "shared_b1": shared_b1,
            "shared_W2": shared_W2, "shared_b2": shared_b2,
            "routed_W1": routed_W1, "routed_b1": routed_b1,
            "routed_W2": routed_W2, "routed_b2": routed_b2,
            "routing_W": routing_W, "expert_bias": expert_bias}


def reference(X, shared_W1, shared_b1, shared_W2, shared_b2,
              routed_W1, routed_b1, routed_W2, routed_b2,
              routing_W, expert_bias):
    # shared expert (always applied)
    out = _expert(X, shared_W1, shared_b1, shared_W2, shared_b2)
    # routing (layer_idx=3 path): logits = Linear(d, E, bias=False)(X) + expert_bias
    logits = X @ routing_W + expert_bias
    activation = jnp.sqrt(jax.nn.softplus(logits))
    top_vals, top_idx = jax.lax.top_k(activation, K)
    # per-token per-expert combine weight: top_vals scattered at top_idx
    oh0 = jax.nn.one_hot(top_idx[..., 0], E, dtype=X.dtype)
    oh1 = jax.nn.one_hot(top_idx[..., 1], E, dtype=X.dtype)
    w = oh0 * top_vals[..., 0:1] + oh1 * top_vals[..., 1:2]
    routed_out = jnp.zeros_like(X)
    for i in range(E):
        eo = _expert(X, routed_W1[i], routed_b1[i], routed_W2[i], routed_b2[i])
        routed_out = routed_out + w[..., i:i + 1] * eo
    return out + routed_out

if __name__ == "__main__":
    import jax
    _d = setup_inputs()
    print(jax.jit(kernel)(*tuple(_d.values())))

</pallas_src>

<mosaic_0001>
#map = affine_map<(d0, d1) -> (0, 0)>
#map1 = affine_map<(d0, d1) -> (0)>
module attributes {stable_mosaic.version = 14 : i64} {
  func.func @_k3_body(%arg0: i32, %arg1: i32, %arg2: memref<4096x512xi32, #tpu.memory_space<hbm>>, %arg3: memref<10240xi32, #tpu.memory_space<hbm>>, %arg4: memref<10240x512xi32, #tpu.memory_space<hbm>>, %arg5: memref<16xi32, #tpu.memory_space<vmem>>, %arg6: memref<16xi32, #tpu.memory_space<vmem>>, %arg7: memref<16xi32, #tpu.memory_space<vmem>>, %arg8: memref<16xi32, #tpu.memory_space<vmem>>, %arg9: memref<16xi32, #tpu.memory_space<vmem>>, %arg10: memref<16xi32, #tpu.memory_space<vmem>>, %arg11: memref<16xi32, #tpu.memory_space<vmem>>, %arg12: memref<16xi32, #tpu.memory_space<vmem>>, %arg13: memref<16x512xi32, #tpu.memory_space<vmem>>, %arg14: memref<16x512xi32, #tpu.memory_space<vmem>>, %arg15: memref<16x512xi32, #tpu.memory_space<vmem>>, %arg16: memref<16x512xi32, #tpu.memory_space<vmem>>, %arg17: memref<16x512xi32, #tpu.memory_space<vmem>>, %arg18: memref<16x512xi32, #tpu.memory_space<vmem>>, %arg19: memref<16x512xi32, #tpu.memory_space<vmem>>, %arg20: memref<16x512xi32, #tpu.memory_space<vmem>>, %arg21: memref<!tpu.dma_semaphore, #tpu.memory_space<semaphore_mem>>, %arg22: memref<!tpu.dma_semaphore, #tpu.memory_space<semaphore_mem>>, %arg23: memref<!tpu.dma_semaphore, #tpu.memory_space<semaphore_mem>>, %arg24: memref<!tpu.dma_semaphore, #tpu.memory_space<semaphore_mem>>, %arg25: memref<!tpu.dma_semaphore, #tpu.memory_space<semaphore_mem>>, %arg26: memref<!tpu.dma_semaphore, #tpu.memory_space<semaphore_mem>>, %arg27: memref<!tpu.dma_semaphore, #tpu.memory_space<semaphore_mem>>, %arg28: memref<!tpu.dma_semaphore, #tpu.memory_space<semaphore_mem>>, %arg29: memref<!tpu.dma_semaphore, #tpu.memory_space<semaphore_mem>>, %arg30: memref<!tpu.dma_semaphore, #tpu.memory_space<semaphore_mem>>, %arg31: memref<!tpu.dma_semaphore, #tpu.memory_space<semaphore_mem>>, %arg32: memref<!tpu.dma_semaphore, #tpu.memory_space<semaphore_mem>>, %arg33: memref<!tpu.dma_semaphore, #tpu.memory_space<semaphore_mem>>, %arg34: memref<!tpu.dma_semaphore, #tpu.memory_space<semaphore_mem>>, %arg35: memref<!tpu.dma_semaphore, #tpu.memory_space<semaphore_mem>>, %arg36: memref<!tpu.dma_semaphore, #tpu.memory_space<semaphore_mem>>, %arg37: memref<!tpu.dma_semaphore, #tpu.memory_space<semaphore_mem>>, %arg38: memref<!tpu.dma_semaphore, #tpu.memory_space<semaphore_mem>>, %arg39: memref<!tpu.dma_semaphore, #tpu.memory_space<semaphore_mem>>, %arg40: memref<!tpu.dma_semaphore, #tpu.memory_space<semaphore_mem>>, %arg41: memref<!tpu.dma_semaphore, #tpu.memory_space<semaphore_mem>>, %arg42: memref<!tpu.dma_semaphore, #tpu.memory_space<semaphore_mem>>, %arg43: memref<!tpu.dma_semaphore, #tpu.memory_space<semaphore_mem>>, %arg44: memref<!tpu.dma_semaphore, #tpu.memory_space<semaphore_mem>>) attributes {dimension_semantics = [#tpu.dimension_semantics<core_parallel>, #tpu.dimension_semantics<subcore_parallel>], iteration_bounds = array<i64: 2, 16>, scalar_prefetch = 0 : i64, scratch_operands = 40 : i64, tpu.core_type = #tpu.core_type<sc_vector_subcore>, window_params = [{transform_indices = #map}, {transform_indices = #map1}, {transform_indices = #map}]} {
    %mul3A = arith.constant 2 : i32
    %mul3A_0 = arith.muli %arg1, %mul3A : i32
    %add3A = arith.addi %mul3A_0, %arg0 : i32
    %mul3A_1 = arith.constant 320 : i32
    %mul3A_2 = arith.muli %add3A, %mul3A_1 : i32
    %add3A_3 = arith.constant 0 : i32
    %add3A_4 = arith.addi %mul3A_2, %add3A_3 : i32
    %dma_start3A = tpu.memref_slice %arg3[%add3A_4] : memref<10240xi32, #tpu.memory_space<hbm>> -> memref<16xi32, #tpu.memory_space<hbm>>
    %dma_start3A_5 = tpu.memref_slice %arg3[%add3A_4] : memref<10240xi32, #tpu.memory_space<hbm>> -> memref<16xi32, #tpu.memory_space<hbm>>
    tpu.enqueue_dma source(%dma_start3A_5 : memref<16xi32, #tpu.memory_space<hbm>>) target(%arg5 : memref<16xi32, #tpu.memory_space<vmem>>) target_semaphore(%arg21 : memref<!tpu.dma_semaphore, #tpu.memory_space<semaphore_mem>>)
    %add3A_6 = arith.constant 16 : i32
    %add3A_7 = arith.addi %mul3A_2, %add3A_6 : i32
    %dma_start3A_8 = tpu.memref_slice %arg3[%add3A_7] : memref<10240xi32, #tpu.memory_space<hbm>> -> memref<16xi32, #tpu.memory_space<hbm>>
    %dma_start3A_9 = tpu.memref_slice %arg3[%add3A_7] : memref<10240xi32, #tpu.memory_space<hbm>> -> memref<16xi32, #tpu.memory_space<hbm>>
    tpu.enqueue_dma source(%dma_start3A_9 : memref<16xi32, #tpu.memory_space<hbm>>) target(%arg6 : memref<16xi32, #tpu.memory_space<vmem>>) target_semaphore(%arg22 : memref<!tpu.dma_semaphore, #tpu.memory_space<semaphore_mem>>)
    %add3A_10 = arith.constant 32 : i32
    %add3A_11 = arith.addi %mul3A_2, %add3A_10 : i32
    %dma_start3A_12 = tpu.memref_slice %arg3[%add3A_11] : memref<10240xi32, #tpu.memory_space<hbm>> -> memref<16xi32, #tpu.memory_space<hbm>>
    %dma_start3A_13 = tpu.memref_slice %arg3[%add3A_11] : memref<10240xi32, #tpu.memory_space<hbm>> -> memref<16xi32, #tpu.memory_space<hbm>>
    tpu.enqueue_dma source(%dma_start3A_13 : memref<16xi32, #tpu.memory_space<hbm>>) target(%arg7 : memref<16xi32, #tpu.memory_space<vmem>>) target_semaphore(%arg23 : memref<!tpu.dma_semaphore, #tpu.memory_space<semaphore_mem>>)
    %add3A_14 = arith.constant 48 : i32
    %add3A_15 = arith.addi %mul3A_2, %add3A_14 : i32
    %dma_start3A_16 = tpu.memref_slice %arg3[%add3A_15] : memref<10240xi32, #tpu.memory_space<hbm>> -> memref<16xi32, #tpu.memory_space<hbm>>
    %dma_start3A_17 = tpu.memref_slice %arg3[%add3A_15] : memref<10240xi32, #tpu.memory_space<hbm>> -> memref<16xi32, #tpu.memory_space<hbm>>
    tpu.enqueue_dma source(%dma_start3A_17 : memref<16xi32, #tpu.memory_space<hbm>>) target(%arg8 : memref<16xi32, #tpu.memory_space<vmem>>) target_semaphore(%arg24 : memref<!tpu.dma_semaphore, #tpu.memory_space<semaphore_mem>>)
    %add3A_18 = arith.constant 64 : i32
    %add3A_19 = arith.addi %mul3A_2, %add3A_18 : i32
    %dma_start3A_20 = tpu.memref_slice %arg3[%add3A_19] : memref<10240xi32, #tpu.memory_space<hbm>> -> memref<16xi32, #tpu.memory_space<hbm>>
    %dma_start3A_21 = tpu.memref_slice %arg3[%add3A_19] : memref<10240xi32, #tpu.memory_space<hbm>> -> memref<16xi32, #tpu.memory_space<hbm>>
    tpu.enqueue_dma source(%dma_start3A_21 : memref<16xi32, #tpu.memory_space<hbm>>) target(%arg9 : memref<16xi32, #tpu.memory_space<vmem>>) target_semaphore(%arg25 : memref<!tpu.dma_semaphore, #tpu.memory_space<semaphore_mem>>)
    %add3A_22 = arith.constant 80 : i32
    %add3A_23 = arith.addi %mul3A_2, %add3A_22 : i32
    %dma_start3A_24 = tpu.memref_slice %arg3[%add3A_23] : memref<10240xi32, #tpu.memory_space<hbm>> -> memref<16xi32, #tpu.memory_space<hbm>>
    %dma_start3A_25 = tpu.memref_slice %arg3[%add3A_23] : memref<10240xi32, #tpu.memory_space<hbm>> -> memref<16xi32, #tpu.memory_space<hbm>>
    tpu.enqueue_dma source(%dma_start3A_25 : memref<16xi32, #tpu.memory_space<hbm>>) target(%arg10 : memref<16xi32, #tpu.memory_space<vmem>>) target_semaphore(%arg26 : memref<!tpu.dma_semaphore, #tpu.memory_space<semaphore_mem>>)
    %add3A_26 = arith.constant 96 : i32
    %add3A_27 = arith.addi %mul3A_2, %add3A_26 : i32
    %dma_start3A_28 = tpu.memref_slice %arg3[%add3A_27] : memref<10240xi32, #tpu.memory_space<hbm>> -> memref<16xi32, #tpu.memory_space<hbm>>
    %dma_start3A_29 = tpu.memref_slice %arg3[%add3A_27] : memref<10240xi32, #tpu.memory_space<hbm>> -> memref<16xi32, #tpu.memory_space<hbm>>
    tpu.enqueue_dma source(%dma_start3A_29 : memref<16xi32, #tpu.memory_space<hbm>>) target(%arg11 : memref<16xi32, #tpu.memory_space<vmem>>) target_semaphore(%arg27 : memref<!tpu.dma_semaphore, #tpu.memory_space<semaphore_mem>>)
    %add3A_30 = arith.constant 112 : i32
    %add3A_31 = arith.addi %mul3A_2, %add3A_30 : i32
    %dma_start3A_32 = tpu.memref_slice %arg3[%add3A_31] : memref<10240xi32, #tpu.memory_space<hbm>> -> memref<16xi32, #tpu.memory_space<hbm>>
    %dma_start3A_33 = tpu.memref_slice %arg3[%add3A_31] : memref<10240xi32, #tpu.memory_space<hbm>> -> memref<16xi32, #tpu.memory_space<hbm>>
    tpu.enqueue_dma source(%dma_start3A_33 : memref<16xi32, #tpu.memory_space<hbm>>) target(%arg12 : memref<16xi32, #tpu.memory_space<vmem>>) target_semaphore(%arg28 : memref<!tpu.dma_semaphore, #tpu.memory_space<semaphore_mem>>)
    %dma_wait3A = tpu.memref_slice %arg3[%add3A_4] : memref<10240xi32, #tpu.memory_space<hbm>> -> memref<16xi32, #tpu.memory_space<hbm>>
    %dma_wait3A_34 = tpu.memref_slice %arg3[%add3A_4] : memref<10240xi32, #tpu.memory_space<hbm>> -> memref<16xi32, #tpu.memory_space<hbm>>
    tpu.wait_dma2 semaphore(%arg21 : memref<!tpu.dma_semaphore, #tpu.memory_space<semaphore_mem>>) src(%dma_wait3A_34 : memref<16xi32, #tpu.memory_space<hbm>>) dst(%arg5 : memref<16xi32, #tpu.memory_space<vmem>>)
    %jit3A = arith.constant 2048 : i32
    %eq3A = arith.constant 0 : i32
    %eq3A_35 = arith.cmpi eq, %jit3A, %eq3A : i32
    %jit3A_36 = arith.constant 1 : i32
    %select_n3A = arith.select %eq3A_35, %jit3A_36, %jit3A : i32
    %rem3A = arith.remsi %mul3A_2, %select_n3A : i32
    %ne3A = arith.constant 0 : i32
    %ne3A_37 = arith.cmpi ne, %rem3A, %ne3A : i32
    %lt3A = arith.constant 0 : i32
    %lt3A_38 = arith.cmpi slt, %rem3A, %lt3A : i32
    %lt3A_39 = arith.constant 0 : i32
    %lt3A_40 = arith.cmpi slt, %select_n3A, %lt3A_39 : i32
    %ne3A_41 = arith.xori %lt3A_38, %lt3A_40 : i1
    %and3A = arith.andi %ne3A_41, %ne3A_37 : i1
    %add3A_42 = arith.addi %rem3A, %select_n3A : i32
    %select_n3A_43 = arith.select %and3A, %add3A_42, %rem3A : i32
    %add3A_44 = arith.constant 0 : i32
    %add3A_45 = arith.addi %select_n3A_43, %add3A_44 : i32
    %dma_start3A_46 = arith.constant 0 : i32
    %dma_start3A_47 = tpu.memref_slice %arg2[%add3A_45, %dma_start3A_46] : memref<4096x512xi32, #tpu.memory_space<hbm>> -> memref<16x512xi32, #tpu.memory_space<hbm>>
    %dma_start3A_48 = arith.constant 0 : i32
    %dma_start3A_49 = tpu.memref_slice %arg2[%add3A_45, %dma_start3A_48] : memref<4096x512xi32, #tpu.memory_space<hbm>> -> memref<16x512xi32, #tpu.memory_space<hbm>>
    tpu.enqueue_dma source(%dma_start3A_49 : memref<16x512xi32, #tpu.memory_space<hbm>>) target(%arg13 : memref<16x512xi32, #tpu.memory_space<vmem>>) target_semaphore(%arg29 : memref<!tpu.dma_semaphore, #tpu.memory_space<semaphore_mem>>)
    %dma_wait3A_50 = tpu.memref_slice %arg3[%add3A_7] : memref<10240xi32, #tpu.memory_space<hbm>> -> memref<16xi32, #tpu.memory_space<hbm>>
    %dma_wait3A_51 = tpu.memref_slice %arg3[%add3A_7] : memref<10240xi32, #tpu.memory_space<hbm>> -> memref<16xi32, #tpu.memory_space<hbm>>
    tpu.wait_dma2 semaphore(%arg22 : memref<!tpu.dma_semaphore, #tpu.memory_space<semaphore_mem>>) src(%dma_wait3A_51 : memref<16xi32, #tpu.memory_space<hbm>>) dst(%arg6 : memref<16xi32, #tpu.memory_space<vmem>>)
    %jit3A_52 = arith.constant 2048 : i32
    %eq3A_53 = arith.constant 0 : i32
    %eq3A_54 = arith.cmpi eq, %jit3A_52, %eq3A_53 : i32
    %jit3A_55 = arith.constant 1 : i32
    %select_n3A_56 = arith.select %eq3A_54, %jit3A_55, %jit3A_52 : i32
    %rem3A_57 = arith.remsi %mul3A_2, %select_n3A_56 : i32
    %ne3A_58 = arith.constant 0 : i32
    %ne3A_59 = arith.cmpi ne, %rem3A_57, %ne3A_58 : i32
    %lt3A_60 = arith.constant 0 : i32
    %lt3A_61 = arith.cmpi slt, %rem3A_57, %lt3A_60 : i32
    %lt3A_62 = arith.constant 0 : i32
    %lt3A_63 = arith.cmpi slt, %select_n3A_56, %lt3A_62 : i32
    %ne3A_64 = arith.xori %lt3A_61, %lt3A_63 : i1
    %and3A_65 = arith.andi %ne3A_64, %ne3A_59 : i1
    %add3A_66 = arith.addi %rem3A_57, %select_n3A_56 : i32
    %select_n3A_67 = arith.select %and3A_65, %add3A_66, %rem3A_57 : i32
    %add3A_68 = arith.constant 16 : i32
    %add3A_69 = arith.addi %select_n3A_67, %add3A_68 : i32
    %dma_start3A_70 = arith.constant 0 : i32
    %dma_start3A_71 = tpu.memref_slice %arg2[%add3A_69, %dma_start3A_70] : memref<4096x512xi32, #tpu.memory_space<hbm>> -> memref<16x512xi32, #tpu.memory_space<hbm>>
    %dma_start3A_72 = arith.constant 0 : i32
    %dma_start3A_73 = tpu.memref_slice %arg2[%add3A_69, %dma_start3A_72] : memref<4096x512xi32, #tpu.memory_space<hbm>> -> memref<16x512xi32, #tpu.memory_space<hbm>>
    tpu.enqueue_dma source(%dma_start3A_73 : memref<16x512xi32, #tpu.memory_space<hbm>>) target(%arg14 : memref<16x512xi32, #tpu.memory_space<vmem>>) target_semaphore(%arg30 : memref<!tpu.dma_semaphore, #tpu.memory_space<semaphore_mem>>)
    %dma_wait3A_74 = tpu.memref_slice %arg3[%add3A_11] : memref<10240xi32, #tpu.memory_space<hbm>> -> memref<16xi32, #tpu.memory_space<hbm>>
    %dma_wait3A_75 = tpu.memref_slice %arg3[%add3A_11] : memref<10240xi32, #tpu.memory_space<hbm>> -> memref<16xi32, #tpu.memory_space<hbm>>
    tpu.wait_dma2 semaphore(%arg23 : memref<!tpu.dma_semaphore, #tpu.memory_space<semaphore_mem>>) src(%dma_wait3A_75 : memref<16xi32, #tpu.memory_space<hbm>>) dst(%arg7 : memref<16xi32, #tpu.memory_space<vmem>>)
    %jit3A_76 = arith.constant 2048 : i32
    %eq3A_77 = arith.constant 0 : i32
    %eq3A_78 = arith.cmpi eq, %jit3A_76, %eq3A_77 : i32
    %jit3A_79 = arith.constant 1 : i32
    %select_n3A_80 = arith.select %eq3A_78, %jit3A_79, %jit3A_76 : i32
    %rem3A_81 = arith.remsi %mul3A_2, %select_n3A_80 : i32
    %ne3A_82 = arith.constant 0 : i32
    %ne3A_83 = arith.cmpi ne, %rem3A_81, %ne3A_82 : i32
    %lt3A_84 = arith.constant 0 : i32
    %lt3A_85 = arith.cmpi slt, %rem3A_81, %lt3A_84 : i32
    %lt3A_86 = arith.constant 0 : i32
    %lt3A_87 = arith.cmpi slt, %select_n3A_80, %lt3A_86 : i32
    %ne3A_88 = arith.xori %lt3A_85, %lt3A_87 : i1
    %and3A_89 = arith.andi %ne3A_88, %ne3A_83 : i1
    %add3A_90 = arith.addi %rem3A_81, %select_n3A_80 : i32
    %select_n3A_91 = arith.select %and3A_89, %add3A_90, %rem3A_81 : i32
    %add3A_92 = arith.constant 32 : i32
    %add3A_93 = arith.addi %select_n3A_91, %add3A_92 : i32
    %dma_start3A_94 = arith.constant 0 : i32
    %dma_start3A_95 = tpu.memref_slice %arg2[%add3A_93, %dma_start3A_94] : memref<4096x512xi32, #tpu.memory_space<hbm>> -> memref<16x512xi32, #tpu.memory_space<hbm>>
    %dma_start3A_96 = arith.constant 0 : i32
    %dma_start3A_97 = tpu.memref_slice %arg2[%add3A_93, %dma_start3A_96] : memref<4096x512xi32, #tpu.memory_space<hbm>> -> memref<16x512xi32, #tpu.memory_space<hbm>>
    tpu.enqueue_dma source(%dma_start3A_97 : memref<16x512xi32, #tpu.memory_space<hbm>>) target(%arg15 : memref<16x512xi32, #tpu.memory_space<vmem>>) target_semaphore(%arg31 : memref<!tpu.dma_semaphore, #tpu.memory_space<semaphore_mem>>)
    %dma_wait3A_98 = tpu.memref_slice %arg3[%add3A_15] : memref<10240xi32, #tpu.memory_space<hbm>> -> memref<16xi32, #tpu.memory_space<hbm>>
    %dma_wait3A_99 = tpu.memref_slice %arg3[%add3A_15] : memref<10240xi32, #tpu.memory_space<hbm>> -> memref<16xi32, #tpu.memory_space<hbm>>
    tpu.wait_dma2 semaphore(%arg24 : memref<!tpu.dma_semaphore, #tpu.memory_space<semaphore_mem>>) src(%dma_wait3A_99 : memref<16xi32, #tpu.memory_space<hbm>>) dst(%arg8 : memref<16xi32, #tpu.memory_space<vmem>>)
    %jit3A_100 = arith.constant 2048 : i32
    %eq3A_101 = arith.constant 0 : i32
    %eq3A_102 = arith.cmpi eq, %jit3A_100, %eq3A_101 : i32
    %jit3A_103 = arith.constant 1 : i32
    %select_n3A_104 = arith.select %eq3A_102, %jit3A_103, %jit3A_100 : i32
    %rem3A_105 = arith.remsi %mul3A_2, %select_n3A_104 : i32
    %ne3A_106 = arith.constant 0 : i32
    %ne3A_107 = arith.cmpi ne, %rem3A_105, %ne3A_106 : i32
    %lt3A_108 = arith.constant 0 : i32
    %lt3A_109 = arith.cmpi slt, %rem3A_105, %lt3A_108 : i32
    %lt3A_110 = arith.constant 0 : i32
    %lt3A_111 = arith.cmpi slt, %select_n3A_104, %lt3A_110 : i32
    %ne3A_112 = arith.xori %lt3A_109, %lt3A_111 : i1
    %and3A_113 = arith.andi %ne3A_112, %ne3A_107 : i1
    %add3A_114 = arith.addi %rem3A_105, %select_n3A_104 : i32
    %select_n3A_115 = arith.select %and3A_113, %add3A_114, %rem3A_105 : i32
    %add3A_116 = arith.constant 48 : i32
    %add3A_117 = arith.addi %select_n3A_115, %add3A_116 : i32
    %dma_start3A_118 = arith.constant 0 : i32
    %dma_start3A_119 = tpu.memref_slice %arg2[%add3A_117, %dma_start3A_118] : memref<4096x512xi32, #tpu.memory_space<hbm>> -> memref<16x512xi32, #tpu.memory_space<hbm>>
    %dma_start3A_120 = arith.constant 0 : i32
    %dma_start3A_121 = tpu.memref_slice %arg2[%add3A_117, %dma_start3A_120] : memref<4096x512xi32, #tpu.memory_space<hbm>> -> memref<16x512xi32, #tpu.memory_space<hbm>>
    tpu.enqueue_dma source(%dma_start3A_121 : memref<16x512xi32, #tpu.memory_space<hbm>>) target(%arg16 : memref<16x512xi32, #tpu.memory_space<vmem>>) target_semaphore(%arg32 : memref<!tpu.dma_semaphore, #tpu.memory_space<semaphore_mem>>)
    %dma_wait3A_122 = tpu.memref_slice %arg3[%add3A_19] : memref<10240xi32, #tpu.memory_space<hbm>> -> memref<16xi32, #tpu.memory_space<hbm>>
    %dma_wait3A_123 = tpu.memref_slice %arg3[%add3A_19] : memref<10240xi32, #tpu.memory_space<hbm>> -> memref<16xi32, #tpu.memory_space<hbm>>
    tpu.wait_dma2 semaphore(%arg25 : memref<!tpu.dma_semaphore, #tpu.memory_space<semaphore_mem>>) src(%dma_wait3A_123 : memref<16xi32, #tpu.memory_space<hbm>>) dst(%arg9 : memref<16xi32, #tpu.memory_space<vmem>>)
    %jit3A_124 = arith.constant 2048 : i32
    %eq3A_125 = arith.constant 0 : i32
    %eq3A_126 = arith.cmpi eq, %jit3A_124, %eq3A_125 : i32
    %jit3A_127 = arith.constant 1 : i32
    %select_n3A_128 = arith.select %eq3A_126, %jit3A_127, %jit3A_124 : i32
    %rem3A_129 = arith.remsi %mul3A_2, %select_n3A_128 : i32
    %ne3A_130 = arith.constant 0 : i32
    %ne3A_131 = arith.cmpi ne, %rem3A_129, %ne3A_130 : i32
    %lt3A_132 = arith.constant 0 : i32
    %lt3A_133 = arith.cmpi slt, %rem3A_129, %lt3A_132 : i32
    %lt3A_134 = arith.constant 0 : i32
    %lt3A_135 = arith.cmpi slt, %select_n3A_128, %lt3A_134 : i32
    %ne3A_136 = arith.xori %lt3A_133, %lt3A_135 : i1
    %and3A_137 = arith.andi %ne3A_136, %ne3A_131 : i1
    %add3A_138 = arith.addi %rem3A_129, %select_n3A_128 : i32
    %select_n3A_139 = arith.select %and3A_137, %add3A_138, %rem3A_129 : i32
    %add3A_140 = arith.constant 64 : i32
    %add3A_141 = arith.addi %select_n3A_139, %add3A_140 : i32
    %dma_start3A_142 = arith.constant 0 : i32
    %dma_start3A_143 = tpu.memref_slice %arg2[%add3A_141, %dma_start3A_142] : memref<4096x512xi32, #tpu.memory_space<hbm>> -> memref<16x512xi32, #tpu.memory_space<hbm>>
    %dma_start3A_144 = arith.constant 0 : i32
    %dma_start3A_145 = tpu.memref_slice %arg2[%add3A_141, %dma_start3A_144] : memref<4096x512xi32, #tpu.memory_space<hbm>> -> memref<16x512xi32, #tpu.memory_space<hbm>>
    tpu.enqueue_dma source(%dma_start3A_145 : memref<16x512xi32, #tpu.memory_space<hbm>>) target(%arg17 : memref<16x512xi32, #tpu.memory_space<vmem>>) target_semaphore(%arg33 : memref<!tpu.dma_semaphore, #tpu.memory_space<semaphore_mem>>)
    %dma_wait3A_146 = tpu.memref_slice %arg3[%add3A_23] : memref<10240xi32, #tpu.memory_space<hbm>> -> memref<16xi32, #tpu.memory_space<hbm>>
    %dma_wait3A_147 = tpu.memref_slice %arg3[%add3A_23] : memref<10240xi32, #tpu.memory_space<hbm>> -> memref<16xi32, #tpu.memory_space<hbm>>
    tpu.wait_dma2 semaphore(%arg26 : memref<!tpu.dma_semaphore, #tpu.memory_space<semaphore_mem>>) src(%dma_wait3A_147 : memref<16xi32, #tpu.memory_space<hbm>>) dst(%arg10 : memref<16xi32, #tpu.memory_space<vmem>>)
    %jit3A_148 = arith.constant 2048 : i32
    %eq3A_149 = arith.constant 0 : i32
    %eq3A_150 = arith.cmpi eq, %jit3A_148, %eq3A_149 : i32
    %jit3A_151 = arith.constant 1 : i32
    %select_n3A_152 = arith.select %eq3A_150, %jit3A_151, %jit3A_148 : i32
    %rem3A_153 = arith.remsi %mul3A_2, %select_n3A_152 : i32
    %ne3A_154 = arith.constant 0 : i32
    %ne3A_155 = arith.cmpi ne, %rem3A_153, %ne3A_154 : i32
    %lt3A_156 = arith.constant 0 : i32
    %lt3A_157 = arith.cmpi slt, %rem3A_153, %lt3A_156 : i32
    %lt3A_158 = arith.constant 0 : i32
    %lt3A_159 = arith.cmpi slt, %select_n3A_152, %lt3A_158 : i32
    %ne3A_160 = arith.xori %lt3A_157, %lt3A_159 : i1
    %and3A_161 = arith.andi %ne3A_160, %ne3A_155 : i1
    %add3A_162 = arith.addi %rem3A_153, %select_n3A_152 : i32
    %select_n3A_163 = arith.select %and3A_161, %add3A_162, %rem3A_153 : i32
    %add3A_164 = arith.constant 80 : i32
    %add3A_165 = arith.addi %select_n3A_163, %add3A_164 : i32
    %dma_start3A_166 = arith.constant 0 : i32
    %dma_start3A_167 = tpu.memref_slice %arg2[%add3A_165, %dma_start3A_166] : memref<4096x512xi32, #tpu.memory_space<hbm>> -> memref<16x512xi32, #tpu.memory_space<hbm>>
    %dma_start3A_168 = arith.constant 0 : i32
    %dma_start3A_169 = tpu.memref_slice %arg2[%add3A_165, %dma_start3A_168] : memref<4096x512xi32, #tpu.memory_space<hbm>> -> memref<16x512xi32, #tpu.memory_space<hbm>>
    tpu.enqueue_dma source(%dma_start3A_169 : memref<16x512xi32, #tpu.memory_space<hbm>>) target(%arg18 : memref<16x512xi32, #tpu.memory_space<vmem>>) target_semaphore(%arg34 : memref<!tpu.dma_semaphore, #tpu.memory_space<semaphore_mem>>)
    %dma_wait3A_170 = tpu.memref_slice %arg3[%add3A_27] : memref<10240xi32, #tpu.memory_space<hbm>> -> memref<16xi32, #tpu.memory_space<hbm>>
    %dma_wait3A_171 = tpu.memref_slice %arg3[%add3A_27] : memref<10240xi32, #tpu.memory_space<hbm>> -> memref<16xi32, #tpu.memory_space<hbm>>
    tpu.wait_dma2 semaphore(%arg27 : memref<!tpu.dma_semaphore, #tpu.memory_space<semaphore_mem>>) src(%dma_wait3A_171 : memref<16xi32, #tpu.memory_space<hbm>>) dst(%arg11 : memref<16xi32, #tpu.memory_space<vmem>>)
    %jit3A_172 = arith.constant 2048 : i32
    %eq3A_173 = arith.constant 0 : i32
    %eq3A_174 = arith.cmpi eq, %jit3A_172, %eq3A_173 : i32
    %jit3A_175 = arith.constant 1 : i32
    %select_n3A_176 = arith.select %eq3A_174, %jit3A_175, %jit3A_172 : i32
    %rem3A_177 = arith.remsi %mul3A_2, %select_n3A_176 : i32
    %ne3A_178 = arith.constant 0 : i32
    %ne3A_179 = arith.cmpi ne, %rem3A_177, %ne3A_178 : i32
    %lt3A_180 = arith.constant 0 : i32
    %lt3A_181 = arith.cmpi slt, %rem3A_177, %lt3A_180 : i32
    %lt3A_182 = arith.constant 0 : i32
    %lt3A_183 = arith.cmpi slt, %select_n3A_176, %lt3A_182 : i32
    %ne3A_184 = arith.xori %lt3A_181, %lt3A_183 : i1
    %and3A_185 = arith.andi %ne3A_184, %ne3A_179 : i1
    %add3A_186 = arith.addi %rem3A_177, %select_n3A_176 : i32
    %select_n3A_187 = arith.select %and3A_185, %add3A_186, %rem3A_177 : i32
    %add3A_188 = arith.constant 96 : i32
    %add3A_189 = arith.addi %select_n3A_187, %add3A_188 : i32
    %dma_start3A_190 = arith.constant 0 : i32
    %dma_start3A_191 = tpu.memref_slice %arg2[%add3A_189, %dma_start3A_190] : memref<4096x512xi32, #tpu.memory_space<hbm>> -> memref<16x512xi32, #tpu.memory_space<hbm>>
    %dma_start3A_192 = arith.constant 0 : i32
    %dma_start3A_193 = tpu.memref_slice %arg2[%add3A_189, %dma_start3A_192] : memref<4096x512xi32, #tpu.memory_space<hbm>> -> memref<16x512xi32, #tpu.memory_space<hbm>>
    tpu.enqueue_dma source(%dma_start3A_193 : memref<16x512xi32, #tpu.memory_space<hbm>>) target(%arg19 : memref<16x512xi32, #tpu.memory_space<vmem>>) target_semaphore(%arg35 : memref<!tpu.dma_semaphore, #tpu.memory_space<semaphore_mem>>)
    %dma_wait3A_194 = tpu.memref_slice %arg3[%add3A_31] : memref<10240xi32, #tpu.memory_space<hbm>> -> memref<16xi32, #tpu.memory_space<hbm>>
    %dma_wait3A_195 = tpu.memref_slice %arg3[%add3A_31] : memref<10240xi32, #tpu.memory_space<hbm>> -> memref<16xi32, #tpu.memory_space<hbm>>
    tpu.wait_dma2 semaphore(%arg28 : memref<!tpu.dma_semaphore, #tpu.memory_space<semaphore_mem>>) src(%dma_wait3A_195 : memref<16xi32, #tpu.memory_space<hbm>>) dst(%arg12 : memref<16xi32, #tpu.memory_space<vmem>>)
    %jit3A_196 = arith.constant 2048 : i32
    %eq3A_197 = arith.constant 0 : i32
    %eq3A_198 = arith.cmpi eq, %jit3A_196, %eq3A_197 : i32
    %jit3A_199 = arith.constant 1 : i32
    %select_n3A_200 = arith.select %eq3A_198, %jit3A_199, %jit3A_196 : i32
    %rem3A_201 = arith.remsi %mul3A_2, %select_n3A_200 : i32
    %ne3A_202 = arith.constant 0 : i32
    %ne3A_203 = arith.cmpi ne, %rem3A_201, %ne3A_202 : i32
    %lt3A_204 = arith.constant 0 : i32
    %lt3A_205 = arith.cmpi slt, %rem3A_201, %lt3A_204 : i32
    %lt3A_206 = arith.constant 0 : i32
    %lt3A_207 = arith.cmpi slt, %select_n3A_200, %lt3A_206 : i32
    %ne3A_208 = arith.xori %lt3A_205, %lt3A_207 : i1
    %and3A_209 = arith.andi %ne3A_208, %ne3A_203 : i1
    %add3A_210 = arith.addi %rem3A_201, %select_n3A_200 : i32
    %select_n3A_211 = arith.select %and3A_209, %add3A_210, %rem3A_201 : i32
    %add3A_212 = arith.constant 112 : i32
    %add3A_213 = arith.addi %select_n3A_211, %add3A_212 : i32
    %dma_start3A_214 = arith.constant 0 : i32
    %dma_start3A_215 = tpu.memref_slice %arg2[%add3A_213, %dma_start3A_214] : memref<4096x512xi32, #tpu.memory_space<hbm>> -> memref<16x512xi32, #tpu.memory_space<hbm>>
    %dma_start3A_216 = arith.constant 0 : i32
    %dma_start3A_217 = tpu.memref_slice %arg2[%add3A_213, %dma_start3A_216] : memref<4096x512xi32, #tpu.memory_space<hbm>> -> memref<16x512xi32, #tpu.memory_space<hbm>>
    tpu.enqueue_dma source(%dma_start3A_217 : memref<16x512xi32, #tpu.memory_space<hbm>>) target(%arg20 : memref<16x512xi32, #tpu.memory_space<vmem>>) target_semaphore(%arg36 : memref<!tpu.dma_semaphore, #tpu.memory_space<semaphore_mem>>)
    %dma_wait3A_218 = arith.constant 0 : i32
    %dma_wait3A_219 = tpu.memref_slice %arg2[%add3A_45, %dma_wait3A_218] : memref<4096x512xi32, #tpu.memory_space<hbm>> -> memref<16x512xi32, #tpu.memory_space<hbm>>
    %dma_wait3A_220 = arith.constant 0 : i32
    %dma_wait3A_221 = tpu.memref_slice %arg2[%add3A_45, %dma_wait3A_220] : memref<4096x512xi32, #tpu.memory_space<hbm>> -> memref<16x512xi32, #tpu.memory_space<hbm>>
    tpu.wait_dma2 semaphore(%arg29 : memref<!tpu.dma_semaphore, #tpu.memory_space<semaphore_mem>>) src(%dma_wait3A_221 : memref<16x512xi32, #tpu.memory_space<hbm>>) dst(%arg13 : memref<16x512xi32, #tpu.memory_space<vmem>>)
    %add3A_222 = arith.constant 0 : i32
    %add3A_223 = arith.addi %mul3A_2, %add3A_222 : i32
    %dma_start3A_224 = arith.constant 0 : i32
    %dma_start3A_225 = tpu.memref_slice %arg4[%add3A_223, %dma_start3A_224] : memref<10240x512xi32, #tpu.memory_space<hbm>> -> memref<16x512xi32, #tpu.memory_space<hbm>>
    %dma_start3A_226 = arith.constant 0 : i32
    %dma_start3A_227 = tpu.memref_slice %arg4[%add3A_223, %dma_start3A_226] : memref<10240x512xi32, #tpu.memory_space<hbm>> -> memref<16x512xi32, #tpu.memory_space<hbm>>
    tpu.enqueue_dma source(%arg13 : memref<16x512xi32, #tpu.memory_space<vmem>>) target(%dma_start3A_227 : memref<16x512xi32, #tpu.memory_space<hbm>>) target_semaphore(%arg37 : memref<!tpu.dma_semaphore, #tpu.memory_space<semaphore_mem>>)
    %add3A_228 = arith.constant 128 : i32
    %add3A_229 = arith.addi %mul3A_2, %add3A_228 : i32
    %dma_start3A_230 = tpu.memref_slice %arg3[%add3A_229] : memref<10240xi32, #tpu.memory_space<hbm>> -> memref<16xi32, #tpu.memory_space<hbm>>
    %dma_start3A_231 = tpu.memref_slice %arg3[%add3A_229] : memref<10240xi32, #tpu.memory_space<hbm>> -> memref<16xi32, #tpu.memory_space<hbm>>
    tpu.enqueue_dma source(%dma_start3A_231 : memref<16xi32, #tpu.memory_space<hbm>>) target(%arg5 : memref<16xi32, #tpu.memory_space<vmem>>) target_semaphore(%arg21 : memref<!tpu.dma_semaphore, #tpu.memory_space<semaphore_mem>>)
    %dma_wait3A_232 = arith.constant 0 : i32
    %dma_wait3A_233 = tpu.memref_slice %arg2[%add3A_69, %dma_wait3A_232] : memref<4096x512xi32, #tpu.memory_space<hbm>> -> memref<16x512xi32, #tpu.memory_space<hbm>>
    %dma_wait3A_234 = arith.constant 0 : i32
    %dma_wait3A_235 = tpu.memref_slice %arg2[%add3A_69, %dma_wait3A_234] : memref<4096x512xi32, #tpu.memory_space<hbm>> -> memref<16x512xi32, #tpu.memory_space<hbm>>
    tpu.wait_dma2 semaphore(%arg30 : memref<!tpu.dma_semaphore, #tpu.memory_space<semaphore_mem>>) src(%dma_wait3A_235 : memref<16x512xi32, #tpu.memory_space<hbm>>) dst(%arg14 : memref<16x512xi32, #tpu.memory_space<vmem>>)
    %add3A_236 = arith.constant 16 : i32
    %add3A_237 = arith.addi %mul3A_2, %add3A_236 : i32
    %dma_start3A_238 = arith.constant 0 : i32
    %dma_start3A_239 = tpu.memref_slice %arg4[%add3A_237, %dma_start3A_238] : memref<10240x512xi32, #tpu.memory_space<hbm>> -> memref<16x512xi32, #tpu.memory_space<hbm>>
    %dma_start3A_240 = arith.constant 0 : i32
    %dma_start3A_241 = tpu.memref_slice %arg4[%add3A_237, %dma_start3A_240] : memref<10240x512xi32, #tpu.memory_space<hbm>> -> memref<16x512xi32, #tpu.memory_space<hbm>>
    tpu.enqueue_dma source(%arg14 : memref<16x512xi32, #tpu.memory_space<vmem>>) target(%dma_start3A_241 : memref<16x512xi32, #tpu.memory_space<hbm>>) target_semaphore(%arg38 : memref<!tpu.dma_semaphore, #tpu.memory_space<semaphore_mem>>)
    %dma_wait3A_242 = tpu.memref_slice %arg3[%add3A_229] : memref<10240xi32, #tpu.memory_space<hbm>> -> memref<16xi32, #tpu.memory_space<hbm>>
    %dma_wait3A_243 = tpu.memref_slice %arg3[%add3A_229] : memref<10240xi32, #tpu.memory_space<hbm>> -> memref<16xi32, #tpu.memory_space<hbm>>
    tpu.wait_dma2 semaphore(%arg21 : memref<!tpu.dma_semaphore, #tpu.memory_space<semaphore_mem>>) src(%dma_wait3A_243 : memref<16xi32, #tpu.memory_space<hbm>>) dst(%arg5 : memref<16xi32, #tpu.memory_space<vmem>>)
    %dma_wait3A_244 = arith.constant 0 : i32
    %dma_wait3A_245 = tpu.memref_slice %arg4[%add3A_223, %dma_wait3A_244] : memref<10240x512xi32, #tpu.memory_space<hbm>> -> memref<16x512xi32, #tpu.memory_space<hbm>>
    %dma_wait3A_246 = arith.constant 0 : i32
    %dma_wait3A_247 = tpu.memref_slice %arg4[%add3A_223, %dma_wait3A_246] : memref<10240x512xi32, #tpu.memory_space<hbm>> -> memref<16x512xi32, #tpu.memory_space<hbm>>
    tpu.wait_dma2 semaphore(%arg37 : memref<!tpu.dma_semaphore, #tpu.memory_space<semaphore_mem>>) src(%arg13 : memref<16x512xi32, #tpu.memory_space<vmem>>) dst(%dma_wait3A_247 : memref<16x512xi32, #tpu.memory_space<hbm>>)
    %jit3A_248 = arith.constant 2048 : i32
    %eq3A_249 = arith.constant 0 : i32
    %eq3A_250 = arith.cmpi eq, %jit3A_248, %eq3A_249 : i32
    %jit3A_251 = arith.constant 1 : i32
    %select_n3A_252 = arith.select %eq3A_250, %jit3A_251, %jit3A_248 : i32
    %rem3A_253 = arith.remsi %mul3A_2, %select_n3A_252 : i32
    %ne3A_254 = arith.constant 0 : i32
    %ne3A_255 = arith.cmpi ne, %rem3A_253, %ne3A_254 : i32
    %lt3A_256 = arith.constant 0 : i32
    %lt3A_257 = arith.cmpi slt, %rem3A_253, %lt3A_256 : i32
    %lt3A_258 = arith.constant 0 : i32
    %lt3A_259 = arith.cmpi slt, %select_n3A_252, %lt3A_258 : i32
    %ne3A_260 = arith.xori %lt3A_257, %lt3A_259 : i1
    %and3A_261 = arith.andi %ne3A_260, %ne3A_255 : i1
    %add3A_262 = arith.addi %rem3A_253, %select_n3A_252 : i32
    %select_n3A_263 = arith.select %and3A_261, %add3A_262, %rem3A_253 : i32
    %add3A_264 = arith.constant 128 : i32
    %add3A_265 = arith.addi %select_n3A_263, %add3A_264 : i32
    %dma_start3A_266 = arith.constant 0 : i32
    %dma_start3A_267 = tpu.memref_slice %arg2[%add3A_265, %dma_start3A_266] : memref<4096x512xi32, #tpu.memory_space<hbm>> -> memref<16x512xi32, #tpu.memory_space<hbm>>
    %dma_start3A_268 = arith.constant 0 : i32
    %dma_start3A_269 = tpu.memref_slice %arg2[%add3A_265, %dma_start3A_268] : memref<4096x512xi32, #tpu.memory_space<hbm>> -> memref<16x512xi32, #tpu.memory_space<hbm>>
    tpu.enqueue_dma source(%dma_start3A_269 : memref<16x512xi32, #tpu.memory_space<hbm>>) target(%arg13 : memref<16x512xi32, #tpu.memory_space<vmem>>) target_semaphore(%arg29 : memref<!tpu.dma_semaphore, #tpu.memory_space<semaphore_mem>>)
    %add3A_270 = arith.constant 144 : i32
    %add3A_271 = arith.addi %mul3A_2, %add3A_270 : i32
    %dma_start3A_272 = tpu.memref_slice %arg3[%add3A_271] : memref<10240xi32, #tpu.memory_space<hbm>> -> memref<16xi32, #tpu.memory_space<hbm>>
    %dma_start3A_273 = tpu.memref_slice %arg3[%add3A_271] : memref<10240xi32, #tpu.memory_space<hbm>> -> memref<16xi32, #tpu.memory_space<hbm>>
    tpu.enqueue_dma source(%dma_start3A_273 : memref<16xi32, #tpu.memory_space<hbm>>) target(%arg6 : memref<16xi32, #tpu.memory_space<vmem>>) target_semaphore(%arg22 : memref<!tpu.dma_semaphore, #tpu.memory_space<semaphore_mem>>)
    %dma_wait3A_274 = arith.constant 0 : i32
    %dma_wait3A_275 = tpu.memref_slice %arg2[%add3A_93, %dma_wait3A_274] : memref<4096x512xi32, #tpu.memory_space<hbm>> -> memref<16x512xi32, #tpu.memory_space<hbm>>
    %dma_wait3A_276 = arith.constant 0 : i32
    %dma_wait3A_277 = tpu.memref_slice %arg2[%add3A_93, %dma_wait3A_276] : memref<4096x512xi32, #tpu.memory_space<hbm>> -> memref<16x512xi32, #tpu.memory_space<hbm>>
    tpu.wait_dma2 semaphore(%arg31 : memref<!tpu.dma_semaphore, #tpu.memory_space<semaphore_mem>>) src(%dma_wait3A_277 : memref<16x512xi32, #tpu.memory_space<hbm>>) dst(%arg15 : memref<16x512xi32, #tpu.memory_space<vmem>>)
    %add3A_278 = arith.constant 32 : i32
    %add3A_279 = arith.addi %mul3A_2, %add3A_278 : i32
    %dma_start3A_280 = arith.constant 0 : i32
    %dma_start3A_281 = tpu.memref_slice %arg4[%add3A_279, %dma_start3A_280] : memref<10240x512xi32, #tpu.memory_space<hbm>> -> memref<16x512xi32, #tpu.memory_space<hbm>>
    %dma_start3A_282 = arith.constant 0 : i32
    %dma_start3A_283 = tpu.memref_slice %arg4[%add3A_279, %dma_start3A_282] : memref<10240x512xi32, #tpu.memory_space<hbm>> -> memref<16x512xi32, #tpu.memory_space<hbm>>
    tpu.enqueue_dma source(%arg15 : memref<16x512xi32, #tpu.memory_space<vmem>>) target(%dma_start3A_283 : memref<16x512xi32, #tpu.memory_space<hbm>>) target_semaphore(%arg39 : memref<!tpu.dma_semaphore, #tpu.memory_space<semaphore_mem>>)
    %dma_wait3A_284 = tpu.memref_slice %arg3[%add3A_271] : memref<10240xi32, #tpu.memory_space<hbm>> -> memref<16xi32, #tpu.memory_space<hbm>>
    %dma_wait3A_285 = tpu.memref_slice %arg3[%add3A_271] : memref<10240xi32, #tpu.memory_space<hbm>> -> memref<16xi32, #tpu.memory_space<hbm>>
    tpu.wait_dma2 semaphore(%arg22 : memref<!tpu.dma_semaphore, #tpu.memory_space<semaphore_mem>>) src(%dma_wait3A_285 : memref<16xi32, #tpu.memory_space<hbm>>) dst(%arg6 : memref<16xi32, #tpu.memory_space<vmem>>)
    %dma_wait3A_286 = arith.constant 0 : i32
    %dma_wait3A_287 = tpu.memref_slice %arg4[%add3A_237, %dma_wait3A_286] : memref<10240x512xi32, #tpu.memory_space<hbm>> -> memref<16x512xi32, #tpu.memory_space<hbm>>
    %dma_wait3A_288 = arith.constant 0 : i32
    %dma_wait3A_289 = tpu.memref_slice %arg4[%add3A_237, %dma_wait3A_288] : memref<10240x512xi32, #tpu.memory_space<hbm>> -> memref<16x512xi32, #tpu.memory_space<hbm>>
    tpu.wait_dma2 semaphore(%arg38 : memref<!tpu.dma_semaphore, #tpu.memory_space<semaphore_mem>>) src(%arg14 : memref<16x512xi32, #tpu.memory_space<vmem>>) dst(%dma_wait3A_289 : memref<16x512xi32, #tpu.memory_space<hbm>>)
    %jit3A_290 = arith.constant 2048 : i32
    %eq3A_291 = arith.constant 0 : i32
    %eq3A_292 = arith.cmpi eq, %jit3A_290, %eq3A_291 : i32
    %jit3A_293 = arith.constant 1 : i32
    %select_n3A_294 = arith.select %eq3A_292, %jit3A_293, %jit3A_290 : i32
    %rem3A_295 = arith.remsi %mul3A_2, %select_n3A_294 : i32
    %ne3A_296 = arith.constant 0 : i32
    %ne3A_297 = arith.cmpi ne, %rem3A_295, %ne3A_296 : i32
    %lt3A_298 = arith.constant 0 : i32
    %lt3A_299 = arith.cmpi slt, %rem3A_295, %lt3A_298 : i32
    %lt3A_300 = arith.constant 0 : i32
    %lt3A_301 = arith.cmpi slt, %select_n3A_294, %lt3A_300 : i32
    %ne3A_302 = arith.xori %lt3A_299, %lt3A_301 : i1
    %and3A_303 = arith.andi %ne3A_302, %ne3A_297 : i1
    %add3A_304 = arith.addi %rem3A_295, %select_n3A_294 : i32
    %select_n3A_305 = arith.select %and3A_303, %add3A_304, %rem3A_295 : i32
    %add3A_306 = arith.constant 144 : i32
    %add3A_307 = arith.addi %select_n3A_305, %add3A_306 : i32
    %dma_start3A_308 = arith.constant 0 : i32
    %dma_start3A_309 = tpu.memref_slice %arg2[%add3A_307, %dma_start3A_308] : memref<4096x512xi32, #tpu.memory_space<hbm>> -> memref<16x512xi32, #tpu.memory_space<hbm>>
    %dma_start3A_310 = arith.constant 0 : i32
    %dma_start3A_311 = tpu.memref_slice %arg2[%add3A_307, %dma_start3A_310] : memref<4096x512xi32, #tpu.memory_space<hbm>> -> memref<16x512xi32, #tpu.memory_space<hbm>>
    tpu.enqueue_dma source(%dma_start3A_311 : memref<16x512xi32, #tpu.memory_space<hbm>>) target(%arg14 : memref<16x512xi32, #tpu.memory_space<vmem>>) target_semaphore(%arg30 : memref<!tpu.dma_semaphore, #tpu.memory_space<semaphore_mem>>)
    %add3A_312 = arith.constant 160 : i32
    %add3A_313 = arith.addi %mul3A_2, %add3A_312 : i32
    %dma_start3A_314 = tpu.memref_slice %arg3[%add3A_313] : memref<10240xi32, #tpu.memory_space<hbm>> -> memref<16xi32, #tpu.memory_space<hbm>>
    %dma_start3A_315 = tpu.memref_slice %arg3[%add3A_313] : memref<10240xi32, #tpu.memory_space<hbm>> -> memref<16xi32, #tpu.memory_space<hbm>>
    tpu.enqueue_dma source(%dma_start3A_315 : memref<16xi32, #tpu.memory_space<hbm>>) target(%arg7 : memref<16xi32, #tpu.memory_space<vmem>>) target_semaphore(%arg23 : memref<!tpu.dma_semaphore, #tpu.memory_space<semaphore_mem>>)
    %dma_wait3A_316 = arith.constant 0 : i32
    %dma_wait3A_317 = tpu.memref_slice %arg2[%add3A_117, %dma_wait3A_316] : memref<4096x512xi32, #tpu.memory_space<hbm>> -> memref<16x512xi32, #tpu.memory_space<hbm>>
    %dma_wait3A_318 = arith.constant 0 : i32
    %dma_wait3A_319 = tpu.memref_slice %arg2[%add3A_117, %dma_wait3A_318] : memref<4096x512xi32, #tpu.memory_space<hbm>> -> memref<16x512xi32, #tpu.memory_space<hbm>>
    tpu.wait_dma2 semaphore(%arg32 : memref<!tpu.dma_semaphore, #tpu.memory_space<semaphore_mem>>) src(%dma_wait3A_319 : memref<16x512xi32, #tpu.memory_space<hbm>>) dst(%arg16 : memref<16x512xi32, #tpu.memory_space<vmem>>)
    %add3A_320 = arith.constant 48 : i32
    %add3A_321 = arith.addi %mul3A_2, %add3A_320 : i32
    %dma_start3A_322 = arith.constant 0 : i32
    %dma_start3A_323 = tpu.memref_slice %arg4[%add3A_321, %dma_start3A_322] : memref<10240x512xi32, #tpu.memory_space<hbm>> -> memref<16x512xi32, #tpu.memory_space<hbm>>
    %dma_start3A_324 = arith.constant 0 : i32
    %dma_start3A_325 = tpu.memref_slice %arg4[%add3A_321, %dma_start3A_324] : memref<10240x512xi32, #tpu.memory_space<hbm>> -> memref<16x512xi32, #tpu.memory_space<hbm>>
    tpu.enqueue_dma source(%arg16 : memref<16x512xi32, #tpu.memory_space<vmem>>) target(%dma_start3A_325 : memref<16x512xi32, #tpu.memory_space<hbm>>) target_semaphore(%arg40 : memref<!tpu.dma_semaphore, #tpu.memory_space<semaphore_mem>>)
    %dma_wait3A_326 = tpu.memref_slice %arg3[%add3A_313] : memref<10240xi32, #tpu.memory_space<hbm>> -> memref<16xi32, #tpu.memory_space<hbm>>
    %dma_wait3A_327 = tpu.memref_slice %arg3[%add3A_313] : memref<10240xi32, #tpu.memory_space<hbm>> -> memref<16xi32, #tpu.memory_space<hbm>>
    tpu.wait_dma2 semaphore(%arg23 : memref<!tpu.dma_semaphore, #tpu.memory_space<semaphore_mem>>) src(%dma_wait3A_327 : memref<16xi32, #tpu.memory_space<hbm>>) dst(%arg7 : memref<16xi32, #tpu.memory_space<vmem>>)
    %dma_wait3A_328 = arith.constant 0 : i32
    %dma_wait3A_329 = tpu.memref_slice %arg4[%add3A_279, %dma_wait3A_328] : memref<10240x512xi32, #tpu.memory_space<hbm>> -> memref<16x512xi32, #tpu.memory_space<hbm>>
    %dma_wait3A_330 = arith.constant 0 : i32
    %dma_wait3A_331 = tpu.memref_slice %arg4[%add3A_279, %dma_wait3A_330] : memref<10240x512xi32, #tpu.memory_space<hbm>> -> memref<16x512xi32, #tpu.memory_space<hbm>>
    tpu.wait_dma2 semaphore(%arg39 : memref<!tpu.dma_semaphore, #tpu.memory_space<semaphore_mem>>) src(%arg15 : memref<16x512xi32, #tpu.memory_space<vmem>>) dst(%dma_wait3A_331 : memref<16x512xi32, #tpu.memory_space<hbm>>)
    %jit3A_332 = arith.constant 2048 : i32
    %eq3A_333 = arith.constant 0 : i32
    %eq3A_334 = arith.cmpi eq, %jit3A_332, %eq3A_333 : i32
    %jit3A_335 = arith.constant 1 : i32
    %select_n3A_336 = arith.select %eq3A_334, %jit3A_335, %jit3A_332 : i32
    %rem3A_337 = arith.remsi %mul3A_2, %select_n3A_336 : i32
    %ne3A_338 = arith.constant 0 : i32
    %ne3A_339 = arith.cmpi ne, %rem3A_337, %ne3A_338 : i32
    %lt3A_340 = arith.constant 0 : i32
    %lt3A_341 = arith.cmpi slt, %rem3A_337, %lt3A_340 : i32
    %lt3A_342 = arith.constant 0 : i32
    %lt3A_343 = arith.cmpi slt, %select_n3A_336, %lt3A_342 : i32
    %ne3A_344 = arith.xori %lt3A_341, %lt3A_343 : i1
    %and3A_345 = arith.andi %ne3A_344, %ne3A_339 : i1
    %add3A_346 = arith.addi %rem3A_337, %select_n3A_336 : i32
    %select_n3A_347 = arith.select %and3A_345, %add3A_346, %rem3A_337 : i32
    %add3A_348 = arith.constant 160 : i32
    %add3A_349 = arith.addi %select_n3A_347, %add3A_348 : i32
    %dma_start3A_350 = arith.constant 0 : i32
    %dma_start3A_351 = tpu.memref_slice %arg2[%add3A_349, %dma_start3A_350] : memref<4096x512xi32, #tpu.memory_space<hbm>> -> memref<16x512xi32, #tpu.memory_space<hbm>>
    %dma_start3A_352 = arith.constant 0 : i32
    %dma_start3A_353 = tpu.memref_slice %arg2[%add3A_349, %dma_start3A_352] : memref<4096x512xi32, #tpu.memory_space<hbm>> -> memref<16x512xi32, #tpu.memory_space<hbm>>
    tpu.enqueue_dma source(%dma_start3A_353 : memref<16x512xi32, #tpu.memory_space<hbm>>) target(%arg15 : memref<16x512xi32, #tpu.memory_space<vmem>>) target_semaphore(%arg31 : memref<!tpu.dma_semaphore, #tpu.memory_space<semaphore_mem>>)
    %add3A_354 = arith.constant 176 : i32
    %add3A_355 = arith.addi %mul3A_2, %add3A_354 : i32
    %dma_start3A_356 = tpu.memref_slice %arg3[%add3A_355] : memref<10240xi32, #tpu.memory_space<hbm>> -> memref<16xi32, #tpu.memory_space<hbm>>
    %dma_start3A_357 = tpu.memref_slice %arg3[%add3A_355] : memref<10240xi32, #tpu.memory_space<hbm>> -> memref<16xi32, #tpu.memory_space<hbm>>
    tpu.enqueue_dma source(%dma_start3A_357 : memref<16xi32, #tpu.memory_space<hbm>>) target(%arg8 : memref<16xi32, #tpu.memory_space<vmem>>) target_semaphore(%arg24 : memref<!tpu.dma_semaphore, #tpu.memory_space<semaphore_mem>>)
    %dma_wait3A_358 = arith.constant 0 : i32
    %dma_wait3A_359 = tpu.memref_slice %arg2[%add3A_141, %dma_wait3A_358] : memref<4096x512xi32, #tpu.memory_space<hbm>> -> memref<16x512xi32, #tpu.memory_space<hbm>>
    %dma_wait3A_360 = arith.constant 0 : i32
    %dma_wait3A_361 = tpu.memref_slice %arg2[%add3A_141, %dma_wait3A_360] : memref<4096x512xi32, #tpu.memory_space<hbm>> -> memref<16x512xi32, #tpu.memory_space<hbm>>
    tpu.wait_dma2 semaphore(%arg33 : memref<!tpu.dma_semaphore, #tpu.memory_space<semaphore_mem>>) src(%dma_wait3A_361 : memref<16x512xi32, #tpu.memory_space<hbm>>) dst(%arg17 : memref<16x512xi32, #tpu.memory_space<vmem>>)
    %add3A_362 = arith.constant 64 : i32
    %add3A_363 = arith.addi %mul3A_2, %add3A_362 : i32
    %dma_start3A_364 = arith.constant 0 : i32
    %dma_start3A_365 = tpu.memref_slice %arg4[%add3A_363, %dma_start3A_364] : memref<10240x512xi32, #tpu.memory_space<hbm>> -> memref<16x512xi32, #tpu.memory_space<hbm>>
    %dma_start3A_366 = arith.constant 0 : i32
    %dma_start3A_367 = tpu.memref_slice %arg4[%add3A_363, %dma_start3A_366] : memref<10240x512xi32, #tpu.memory_space<hbm>> -> memref<16x512xi32, #tpu.memory_space<hbm>>
    tpu.enqueue_dma source(%arg17 : memref<16x512xi32, #tpu.memory_space<vmem>>) target(%dma_start3A_367 : memref<16x512xi32, #tpu.memory_space<hbm>>) target_semaphore(%arg41 : memref<!tpu.dma_semaphore, #tpu.memory_space<semaphore_mem>>)
    %dma_wait3A_368 = tpu.memref_slice %arg3[%add3A_355] : memref<10240xi32, #tpu.memory_space<hbm>> -> memref<16xi32, #tpu.memory_space<hbm>>
    %dma_wait3A_369 = tpu.memref_slice %arg3[%add3A_355] : memref<10240xi32, #tpu.memory_space<hbm>> -> memref<16xi32, #tpu.memory_space<hbm>>
    tpu.wait_dma2 semaphore(%arg24 : memref<!tpu.dma_semaphore, #tpu.memory_space<semaphore_mem>>) src(%dma_wait3A_369 : memref<16xi32, #tpu.memory_space<hbm>>) dst(%arg8 : memref<16xi32, #tpu.memory_space<vmem>>)
    %dma_wait3A_370 = arith.constant 0 : i32
    %dma_wait3A_371 = tpu.memref_slice %arg4[%add3A_321, %dma_wait3A_370] : memref<10240x512xi32, #tpu.memory_space<hbm>> -> memref<16x512xi32, #tpu.memory_space<hbm>>
    %dma_wait3A_372 = arith.constant 0 : i32
    %dma_wait3A_373 = tpu.memref_slice %arg4[%add3A_321, %dma_wait3A_372] : memref<10240x512xi32, #tpu.memory_space<hbm>> -> memref<16x512xi32, #tpu.memory_space<hbm>>
    tpu.wait_dma2 semaphore(%arg40 : memref<!tpu.dma_semaphore, #tpu.memory_space<semaphore_mem>>) src(%arg16 : memref<16x512xi32, #tpu.memory_space<vmem>>) dst(%dma_wait3A_373 : memref<16x512xi32, #tpu.memory_space<hbm>>)
    %jit3A_374 = arith.constant 2048 : i32
    %eq3A_375 = arith.constant 0 : i32
    %eq3A_376 = arith.cmpi eq, %jit3A_374, %eq3A_375 : i32
    %jit3A_377 = arith.constant 1 : i32
    %select_n3A_378 = arith.select %eq3A_376, %jit3A_377, %jit3A_374 : i32
    %rem3A_379 = arith.remsi %mul3A_2, %select_n3A_378 : i32
    %ne3A_380 = arith.constant 0 : i32
    %ne3A_381 = arith.cmpi ne, %rem3A_379, %ne3A_380 : i32
    %lt3A_382 = arith.constant 0 : i32
    %lt3A_383 = arith.cmpi slt, %rem3A_379, %lt3A_382 : i32
    %lt3A_384 = arith.constant 0 : i32
    %lt3A_385 = arith.cmpi slt, %select_n3A_378, %lt3A_384 : i32
    %ne3A_386 = arith.xori %lt3A_383, %lt3A_385 : i1
    %and3A_387 = arith.andi %ne3A_386, %ne3A_381 : i1
    %add3A_388 = arith.addi %rem3A_379, %select_n3A_378 : i32
    %select_n3A_389 = arith.select %and3A_387, %add3A_388, %rem3A_379 : i32
    %add3A_390 = arith.constant 176 : i32
    %add3A_391 = arith.addi %select_n3A_389, %add3A_390 : i32
    %dma_start3A_392 = arith.constant 0 : i32
    %dma_start3A_393 = tpu.memref_slice %arg2[%add3A_391, %dma_start3A_392] : memref<4096x512xi32, #tpu.memory_space<hbm>> -> memref<16x512xi32, #tpu.memory_space<hbm>>
    %dma_start3A_394 = arith.constant 0 : i32
    %dma_start3A_395 = tpu.memref_slice %arg2[%add3A_391, %dma_start3A_394] : memref<4096x512xi32, #tpu.memory_space<hbm>> -> memref<16x512xi32, #tpu.memory_space<hbm>>
    tpu.enqueue_dma source(%dma_start3A_395 : memref<16x512xi32, #tpu.memory_space<hbm>>) target(%arg16 : memref<16x512xi32, #tpu.memory_space<vmem>>) target_semaphore(%arg32 : memref<!tpu.dma_semaphore, #tpu.memory_space<semaphore_mem>>)
    %add3A_396 = arith.constant 192 : i32
    %add3A_397 = arith.addi %mul3A_2, %add3A_396 : i32
    %dma_start3A_398 = tpu.memref_slice %arg3[%add3A_397] : memref<10240xi32, #tpu.memory_space<hbm>> -> memref<16xi32, #tpu.memory_space<hbm>>
    %dma_start3A_399 = tpu.memref_slice %arg3[%add3A_397] : memref<10240xi32, #tpu.memory_space<hbm>> -> memref<16xi32, #tpu.memory_space<hbm>>
    tpu.enqueue_dma source(%dma_start3A_399 : memref<16xi32, #tpu.memory_space<hbm>>) target(%arg9 : memref<16xi32, #tpu.memory_space<vmem>>) target_semaphore(%arg25 : memref<!tpu.dma_semaphore, #tpu.memory_space<semaphore_mem>>)
    %dma_wait3A_400 = arith.constant 0 : i32
    %dma_wait3A_401 = tpu.memref_slice %arg2[%add3A_165, %dma_wait3A_400] : memref<4096x512xi32, #tpu.memory_space<hbm>> -> memref<16x512xi32, #tpu.memory_space<hbm>>
    %dma_wait3A_402 = arith.constant 0 : i32
    %dma_wait3A_403 = tpu.memref_slice %arg2[%add3A_165, %dma_wait3A_402] : memref<4096x512xi32, #tpu.memory_space<hbm>> -> memref<16x512xi32, #tpu.memory_space<hbm>>
    tpu.wait_dma2 semaphore(%arg34 : memref<!tpu.dma_semaphore, #tpu.memory_space<semaphore_mem>>) src(%dma_wait3A_403 : memref<16x512xi32, #tpu.memory_space<hbm>>) dst(%arg18 : memref<16x512xi32, #tpu.memory_space<vmem>>)
    %add3A_404 = arith.constant 80 : i32
    %add3A_405 = arith.addi %mul3A_2, %add3A_404 : i32
    %dma_start3A_406 = arith.constant 0 : i32
    %dma_start3A_407 = tpu.memref_slice %arg4[%add3A_405, %dma_start3A_406] : memref<10240x512xi32, #tpu.memory_space<hbm>> -> memref<16x512xi32, #tpu.memory_space<hbm>>
    %dma_start3A_408 = arith.constant 0 : i32
    %dma_start3A_409 = tpu.memref_slice %arg4[%add3A_405, %dma_start3A_408] : memref<10240x512xi32, #tpu.memory_space<hbm>> -> memref<16x512xi32, #tpu.memory_space<hbm>>
    tpu.enqueue_dma source(%arg18 : memref<16x512xi32, #tpu.memory_space<vmem>>) target(%dma_start3A_409 : memref<16x512xi32, #tpu.memory_space<hbm>>) target_semaphore(%arg42 : memref<!tpu.dma_semaphore, #tpu.memory_space<semaphore_mem>>)
    %dma_wait3A_410 = tpu.memref_slice %arg3[%add3A_397] : memref<10240xi32, #tpu.memory_space<hbm>> -> memref<16xi32, #tpu.memory_space<hbm>>
    %dma_wait3A_411 = tpu.memref_slice %arg3[%add3A_397] : memref<10240xi32, #tpu.memory_space<hbm>> -> memref<16xi32, #tpu.memory_space<hbm>>
    tpu.wait_dma2 semaphore(%arg25 : memref<!tpu.dma_semaphore, #tpu.memory_space<semaphore_mem>>) src(%dma_wait3A_411 : memref<16xi32, #tpu.memory_space<hbm>>) dst(%arg9 : memref<16xi32, #tpu.memory_space<vmem>>)
    %dma_wait3A_412 = arith.constant 0 : i32
    %dma_wait3A_413 = tpu.memref_slice %arg4[%add3A_363, %dma_wait3A_412] : memref<10240x512xi32, #tpu.memory_space<hbm>> -> memref<16x512xi32, #tpu.memory_space<hbm>>
    %dma_wait3A_414 = arith.constant 0 : i32
    %dma_wait3A_415 = tpu.memref_slice %arg4[%add3A_363, %dma_wait3A_414] : memref<10240x512xi32, #tpu.memory_space<hbm>> -> memref<16x512xi32, #tpu.memory_space<hbm>>
    tpu.wait_dma2 semaphore(%arg41 : memref<!tpu.dma_semaphore, #tpu.memory_space<semaphore_mem>>) src(%arg17 : memref<16x512xi32, #tpu.memory_space<vmem>>) dst(%dma_wait3A_415 : memref<16x512xi32, #tpu.memory_space<hbm>>)
    %jit3A_416 = arith.constant 2048 : i32
    %eq3A_417 = arith.constant 0 : i32
    %eq3A_418 = arith.cmpi eq, %jit3A_416, %eq3A_417 : i32
    %jit3A_419 = arith.constant 1 : i32
    %select_n3A_420 = arith.select %eq3A_418, %jit3A_419, %jit3A_416 : i32
    %rem3A_421 = arith.remsi %mul3A_2, %select_n3A_420 : i32
    %ne3A_422 = arith.constant 0 : i32
    %ne3A_423 = arith.cmpi ne, %rem3A_421, %ne3A_422 : i32
    %lt3A_424 = arith.constant 0 : i32
    %lt3A_425 = arith.cmpi slt, %rem3A_421, %lt3A_424 : i32
    %lt3A_426 = arith.constant 0 : i32
    %lt3A_427 = arith.cmpi slt, %select_n3A_420, %lt3A_426 : i32
    %ne3A_428 = arith.xori %lt3A_425, %lt3A_427 : i1
    %and3A_429 = arith.andi %ne3A_428, %ne3A_423 : i1
    %add3A_430 = arith.addi %rem3A_421, %select_n3A_420 : i32
    %select_n3A_431 = arith.select %and3A_429, %add3A_430, %rem3A_421 : i32
    %add3A_432 = arith.constant 192 : i32
    %add3A_433 = arith.addi %select_n3A_431, %add3A_432 : i32
    %dma_start3A_434 = arith.constant 0 : i32
    %dma_start3A_435 = tpu.memref_slice %arg2[%add3A_433, %dma_start3A_434] : memref<4096x512xi32, #tpu.memory_space<hbm>> -> memref<16x512xi32, #tpu.memory_space<hbm>>
    %dma_start3A_436 = arith.constant 0 : i32
    %dma_start3A_437 = tpu.memref_slice %arg2[%add3A_433, %dma_start3A_436] : memref<4096x512xi32, #tpu.memory_space<hbm>> -> memref<16x512xi32, #tpu.memory_space<hbm>>
    tpu.enqueue_dma source(%dma_start3A_437 : memref<16x512xi32, #tpu.memory_space<hbm>>) target(%arg17 : memref<16x512xi32, #tpu.memory_space<vmem>>) target_semaphore(%arg33 : memref<!tpu.dma_semaphore, #tpu.memory_space<semaphore_mem>>)
    %add3A_438 = arith.constant 208 : i32
    %add3A_439 = arith.addi %mul3A_2, %add3A_438 : i32
    %dma_start3A_440 = tpu.memref_slice %arg3[%add3A_439] : memref<10240xi32, #tpu.memory_space<hbm>> -> memref<16xi32, #tpu.memory_space<hbm>>
    %dma_start3A_441 = tpu.memref_slice %arg3[%add3A_439] : memref<10240xi32, #tpu.memory_space<hbm>> -> memref<16xi32, #tpu.memory_space<hbm>>
    tpu.enqueue_dma source(%dma_start3A_441 : memref<16xi32, #tpu.memory_space<hbm>>) target(%arg10 : memref<16xi32, #tpu.memory_space<vmem>>) target_semaphore(%arg26 : memref<!tpu.dma_semaphore, #tpu.memory_space<semaphore_mem>>)
    %dma_wait3A_442 = arith.constant 0 : i32
    %dma_wait3A_443 = tpu.memref_slice %arg2[%add3A_189, %dma_wait3A_442] : memref<4096x512xi32, #tpu.memory_space<hbm>> -> memref<16x512xi32, #tpu.memory_space<hbm>>
    %dma_wait3A_444 = arith.constant 0 : i32
    %dma_wait3A_445 = tpu.memref_slice %arg2[%add3A_189, %dma_wait3A_444] : memref<4096x512xi32, #tpu.memory_space<hbm>> -> memref<16x512xi32, #tpu.memory_space<hbm>>
    tpu.wait_dma2 semaphore(%arg35 : memref<!tpu.dma_semaphore, #tpu.memory_space<semaphore_mem>>) src(%dma_wait3A_445 : memref<16x512xi32, #tpu.memory_space<hbm>>) dst(%arg19 : memref<16x512xi32, #tpu.memory_space<vmem>>)
    %add3A_446 = arith.constant 96 : i32
    %add3A_447 = arith.addi %mul3A_2, %add3A_446 : i32
    %dma_start3A_448 = arith.constant 0 : i32
    %dma_start3A_449 = tpu.memref_slice %arg4[%add3A_447, %dma_start3A_448] : memref<10240x512xi32, #tpu.memory_space<hbm>> -> memref<16x512xi32, #tpu.memory_space<hbm>>
    %dma_start3A_450 = arith.constant 0 : i32
    %dma_start3A_451 = tpu.memref_slice %arg4[%add3A_447, %dma_start3A_450] : memref<10240x512xi32, #tpu.memory_space<hbm>> -> memref<16x512xi32, #tpu.memory_space<hbm>>
    tpu.enqueue_dma source(%arg19 : memref<16x512xi32, #tpu.memory_space<vmem>>) target(%dma_start3A_451 : memref<16x512xi32, #tpu.memory_space<hbm>>) target_semaphore(%arg43 : memref<!tpu.dma_semaphore, #tpu.memory_space<semaphore_mem>>)
    %dma_wait3A_452 = tpu.memref_slice %arg3[%add3A_439] : memref<10240xi32, #tpu.memory_space<hbm>> -> memref<16xi32, #tpu.memory_space<hbm>>
    %dma_wait3A_453 = tpu.memref_slice %arg3[%add3A_439] : memref<10240xi32, #tpu.memory_space<hbm>> -> memref<16xi32, #tpu.memory_space<hbm>>
    tpu.wait_dma2 semaphore(%arg26 : memref<!tpu.dma_semaphore, #tpu.memory_space<semaphore_mem>>) src(%dma_wait3A_453 : memref<16xi32, #tpu.memory_space<hbm>>) dst(%arg10 : memref<16xi32, #tpu.memory_space<vmem>>)
    %dma_wait3A_454 = arith.constant 0 : i32
    %dma_wait3A_455 = tpu.memref_slice %arg4[%add3A_405, %dma_wait3A_454] : memref<10240x512xi32, #tpu.memory_space<hbm>> -> memref<16x512xi32, #tpu.memory_space<hbm>>
    %dma_wait3A_456 = arith.constant 0 : i32
    %dma_wait3A_457 = tpu.memref_slice %arg4[%add3A_405, %dma_wait3A_456] : memref<10240x512xi32, #tpu.memory_space<hbm>> -> memref<16x512xi32, #tpu.memory_space<hbm>>
    tpu.wait_dma2 semaphore(%arg42 : memref<!tpu.dma_semaphore, #tpu.memory_space<semaphore_mem>>) src(%arg18 : memref<16x512xi32, #tpu.memory_space<vmem>>) dst(%dma_wait3A_457 : memref<16x512xi32, #tpu.memory_space<hbm>>)
    %jit3A_458 = arith.constant 2048 : i32
    %eq3A_459 = arith.constant 0 : i32
    %eq3A_460 = arith.cmpi eq, %jit3A_458, %eq3A_459 : i32
    %jit3A_461 = arith.constant 1 : i32
    %select_n3A_462 = arith.select %eq3A_460, %jit3A_461, %jit3A_458 : i32
    %rem3A_463 = arith.remsi %mul3A_2, %select_n3A_462 : i32
    %ne3A_464 = arith.constant 0 : i32
    %ne3A_465 = arith.cmpi ne, %rem3A_463, %ne3A_464 : i32
    %lt3A_466 = arith.constant 0 : i32
    %lt3A_467 = arith.cmpi slt, %rem3A_463, %lt3A_466 : i32
    %lt3A_468 = arith.constant 0 : i32
    %lt3A_469 = arith.cmpi slt, %select_n3A_462, %lt3A_468 : i32
    %ne3A_470 = arith.xori %lt3A_467, %lt3A_469 : i1
    %and3A_471 = arith.andi %ne3A_470, %ne3A_465 : i1
    %add3A_472 = arith.addi %rem3A_463, %select_n3A_462 : i32
    %select_n3A_473 = arith.select %and3A_471, %add3A_472, %rem3A_463 : i32
    %add3A_474 = arith.constant 208 : i32
    %add3A_475 = arith.addi %select_n3A_473, %add3A_474 : i32
    %dma_start3A_476 = arith.constant 0 : i32
    %dma_start3A_477 = tpu.memref_slice %arg2[%add3A_475, %dma_start3A_476] : memref<4096x512xi32, #tpu.memory_space<hbm>> -> memref<16x512xi32, #tpu.memory_space<hbm>>
    %dma_start3A_478 = arith.constant 0 : i32
    %dma_start3A_479 = tpu.memref_slice %arg2[%add3A_475, %dma_start3A_478] : memref<4096x512xi32, #tpu.memory_space<hbm>> -> memref<16x512xi32, #tpu.memory_space<hbm>>
    tpu.enqueue_dma source(%dma_start3A_479 : memref<16x512xi32, #tpu.memory_space<hbm>>) target(%arg18 : memref<16x512xi32, #tpu.memory_space<vmem>>) target_semaphore(%arg34 : memref<!tpu.dma_semaphore, #tpu.memory_space<semaphore_mem>>)
    %add3A_480 = arith.constant 224 : i32
    %add3A_481 = arith.addi %mul3A_2, %add3A_480 : i32
    %dma_start3A_482 = tpu.memref_slice %arg3[%add3A_481] : memref<10240xi32, #tpu.memory_space<hbm>> -> memref<16xi32, #tpu.memory_space<hbm>>
    %dma_start3A_483 = tpu.memref_slice %arg3[%add3A_481] : memref<10240xi32, #tpu.memory_space<hbm>> -> memref<16xi32, #tpu.memory_space<hbm>>
    tpu.enqueue_dma source(%dma_start3A_483 : memref<16xi32, #tpu.memory_space<hbm>>) target(%arg11 : memref<16xi32, #tpu.memory_space<vmem>>) target_semaphore(%arg27 : memref<!tpu.dma_semaphore, #tpu.memory_space<semaphore_mem>>)
    %dma_wait3A_484 = arith.constant 0 : i32
    %dma_wait3A_485 = tpu.memref_slice %arg2[%add3A_213, %dma_wait3A_484] : memref<4096x512xi32, #tpu.memory_space<hbm>> -> memref<16x512xi32, #tpu.memory_space<hbm>>
    %dma_wait3A_486 = arith.constant 0 : i32
    %dma_wait3A_487 = tpu.memref_slice %arg2[%add3A_213, %dma_wait3A_486] : memref<4096x512xi32, #tpu.memory_space<hbm>> -> memref<16x512xi32, #tpu.memory_space<hbm>>
    tpu.wait_dma2 semaphore(%arg36 : memref<!tpu.dma_semaphore, #tpu.memory_space<semaphore_mem>>) src(%dma_wait3A_487 : memref<16x512xi32, #tpu.memory_space<hbm>>) dst(%arg20 : memref<16x512xi32, #tpu.memory_space<vmem>>)
    %add3A_488 = arith.constant 112 : i32
    %add3A_489 = arith.addi %mul3A_2, %add3A_488 : i32
    %dma_start3A_490 = arith.constant 0 : i32
    %dma_start3A_491 = tpu.memref_slice %arg4[%add3A_489, %dma_start3A_490] : memref<10240x512xi32, #tpu.memory_space<hbm>> -> memref<16x512xi32, #tpu.memory_space<hbm>>
    %dma_start3A_492 = arith.constant 0 : i32
    %dma_start3A_493 = tpu.memref_slice %arg4[%add3A_489, %dma_start3A_492] : memref<10240x512xi32, #tpu.memory_space<hbm>> -> memref<16x512xi32, #tpu.memory_space<hbm>>
    tpu.enqueue_dma source(%arg20 : memref<16x512xi32, #tpu.memory_space<vmem>>) target(%dma_start3A_493 : memref<16x512xi32, #tpu.memory_space<hbm>>) target_semaphore(%arg44 : memref<!tpu.dma_semaphore, #tpu.memory_space<semaphore_mem>>)
    %dma_wait3A_494 = tpu.memref_slice %arg3[%add3A_481] : memref<10240xi32, #tpu.memory_space<hbm>> -> memref<16xi32, #tpu.memory_space<hbm>>
    %dma_wait3A_495 = tpu.memref_slice %arg3[%add3A_481] : memref<10240xi32, #tpu.memory_space<hbm>> -> memref<16xi32, #tpu.memory_space<hbm>>
    tpu.wait_dma2 semaphore(%arg27 : memref<!tpu.dma_semaphore, #tpu.memory_space<semaphore_mem>>) src(%dma_wait3A_495 : memref<16xi32, #tpu.memory_space<hbm>>) dst(%arg11 : memref<16xi32, #tpu.memory_space<vmem>>)
    %dma_wait3A_496 = arith.constant 0 : i32
    %dma_wait3A_497 = tpu.memref_slice %arg4[%add3A_447, %dma_wait3A_496] : memref<10240x512xi32, #tpu.memory_space<hbm>> -> memref<16x512xi32, #tpu.memory_space<hbm>>
    %dma_wait3A_498 = arith.constant 0 : i32
    %dma_wait3A_499 = tpu.memref_slice %arg4[%add3A_447, %dma_wait3A_498] : memref<10240x512xi32, #tpu.memory_space<hbm>> -> memref<16x512xi32, #tpu.memory_space<hbm>>
    tpu.wait_dma2 semaphore(%arg43 : memref<!tpu.dma_semaphore, #tpu.memory_space<semaphore_mem>>) src(%arg19 : memref<16x512xi32, #tpu.memory_space<vmem>>) dst(%dma_wait3A_499 : memref<16x512xi32, #tpu.memory_space<hbm>>)
    %jit3A_500 = arith.constant 2048 : i32
    %eq3A_501 = arith.constant 0 : i32
    %eq3A_502 = arith.cmpi eq, %jit3A_500, %eq3A_501 : i32
    %jit3A_503 = arith.constant 1 : i32
    %select_n3A_504 = arith.select %eq3A_502, %jit3A_503, %jit3A_500 : i32
    %rem3A_505 = arith.remsi %mul3A_2, %select_n3A_504 : i32
    %ne3A_506 = arith.constant 0 : i32
    %ne3A_507 = arith.cmpi ne, %rem3A_505, %ne3A_506 : i32
    %lt3A_508 = arith.constant 0 : i32
    %lt3A_509 = arith.cmpi slt, %rem3A_505, %lt3A_508 : i32
    %lt3A_510 = arith.constant 0 : i32
    %lt3A_511 = arith.cmpi slt, %select_n3A_504, %lt3A_510 : i32
    %ne3A_512 = arith.xori %lt3A_509, %lt3A_511 : i1
    %and3A_513 = arith.andi %ne3A_512, %ne3A_507 : i1
    %add3A_514 = arith.addi %rem3A_505, %select_n3A_504 : i32
    %select_n3A_515 = arith.select %and3A_513, %add3A_514, %rem3A_505 : i32
    %add3A_516 = arith.constant 224 : i32
    %add3A_517 = arith.addi %select_n3A_515, %add3A_516 : i32
    %dma_start3A_518 = arith.constant 0 : i32
    %dma_start3A_519 = tpu.memref_slice %arg2[%add3A_517, %dma_start3A_518] : memref<4096x512xi32, #tpu.memory_space<hbm>> -> memref<16x512xi32, #tpu.memory_space<hbm>>
    %dma_start3A_520 = arith.constant 0 : i32
    %dma_start3A_521 = tpu.memref_slice %arg2[%add3A_517, %dma_start3A_520] : memref<4096x512xi32, #tpu.memory_space<hbm>> -> memref<16x512xi32, #tpu.memory_space<hbm>>
    tpu.enqueue_dma source(%dma_start3A_521 : memref<16x512xi32, #tpu.memory_space<hbm>>) target(%arg19 : memref<16x512xi32, #tpu.memory_space<vmem>>) target_semaphore(%arg35 : memref<!tpu.dma_semaphore, #tpu.memory_space<semaphore_mem>>)
    %add3A_522 = arith.constant 240 : i32
    %add3A_523 = arith.addi %mul3A_2, %add3A_522 : i32
    %dma_start3A_524 = tpu.memref_slice %arg3[%add3A_523] : memref<10240xi32, #tpu.memory_space<hbm>> -> memref<16xi32, #tpu.memory_space<hbm>>
    %dma_start3A_525 = tpu.memref_slice %arg3[%add3A_523] : memref<10240xi32, #tpu.memory_space<hbm>> -> memref<16xi32, #tpu.memory_space<hbm>>
    tpu.enqueue_dma source(%dma_start3A_525 : memref<16xi32, #tpu.memory_space<hbm>>) target(%arg12 : memref<16xi32, #tpu.memory_space<vmem>>) target_semaphore(%arg28 : memref<!tpu.dma_semaphore, #tpu.memory_space<semaphore_mem>>)
    %dma_wait3A_526 = arith.constant 0 : i32
    %dma_wait3A_527 = tpu.memref_slice %arg2[%add3A_265, %dma_wait3A_526] : memref<4096x512xi32, #tpu.memory_space<hbm>> -> memref<16x512xi32, #tpu.memory_space<hbm>>
    %dma_wait3A_528 = arith.constant 0 : i32
    %dma_wait3A_529 = tpu.memref_slice %arg2[%add3A_265, %dma_wait3A_528] : memref<4096x512xi32, #tpu.memory_space<hbm>> -> memref<16x512xi32, #tpu.memory_space<hbm>>
    tpu.wait_dma2 semaphore(%arg29 : memref<!tpu.dma_semaphore, #tpu.memory_space<semaphore_mem>>) src(%dma_wait3A_529 : memref<16x512xi32, #tpu.memory_space<hbm>>) dst(%arg13 : memref<16x512xi32, #tpu.memory_space<vmem>>)
    %add3A_530 = arith.constant 128 : i32
    %add3A_531 = arith.addi %mul3A_2, %add3A_530 : i32
    %dma_start3A_532 = arith.constant 0 : i32
    %dma_start3A_533 = tpu.memref_slice %arg4[%add3A_531, %dma_start3A_532] : memref<10240x512xi32, #tpu.memory_space<hbm>> -> memref<16x512xi32, #tpu.memory_space<hbm>>
    %dma_start3A_534 = arith.constant 0 : i32
    %dma_start3A_535 = tpu.memref_slice %arg4[%add3A_531, %dma_start3A_534] : memref<10240x512xi32, #tpu.memory_space<hbm>> -> memref<16x512xi32, #tpu.memory_space<hbm>>
    tpu.enqueue_dma source(%arg13 : memref<16x512xi32, #tpu.memory_space<vmem>>) target(%dma_start3A_535 : memref<16x512xi32, #tpu.memory_space<hbm>>) target_semaphore(%arg37 : memref<!tpu.dma_semaphore, #tpu.memory_space<semaphore_mem>>)
    %dma_wait3A_536 = tpu.memref_slice %arg3[%add3A_523] : memref<10240xi32, #tpu.memory_space<hbm>> -> memref<16xi32, #tpu.memory_space<hbm>>
    %dma_wait3A_537 = tpu.memref_slice %arg3[%add3A_523] : memref<10240xi32, #tpu.memory_space<hbm>> -> memref<16xi32, #tpu.memory_space<hbm>>
    tpu.wait_dma2 semaphore(%arg28 : memref<!tpu.dma_semaphore, #tpu.memory_space<semaphore_mem>>) src(%dma_wait3A_537 : memref<16xi32, #tpu.memory_space<hbm>>) dst(%arg12 : memref<16xi32, #tpu.memory_space<vmem>>)
    %dma_wait3A_538 = arith.constant 0 : i32
    %dma_wait3A_539 = tpu.memref_slice %arg4[%add3A_489, %dma_wait3A_538] : memref<10240x512xi32, #tpu.memory_space<hbm>> -> memref<16x512xi32, #tpu.memory_space<hbm>>
    %dma_wait3A_540 = arith.constant 0 : i32
    %dma_wait3A_541 = tpu.memref_slice %arg4[%add3A_489, %dma_wait3A_540] : memref<10240x512xi32, #tpu.memory_space<hbm>> -> memref<16x512xi32, #tpu.memory_space<hbm>>
    tpu.wait_dma2 semaphore(%arg44 : memref<!tpu.dma_semaphore, #tpu.memory_space<semaphore_mem>>) src(%arg20 : memref<16x512xi32, #tpu.memory_space<vmem>>) dst(%dma_wait3A_541 : memref<16x512xi32, #tpu.memory_space<hbm>>)
    %jit3A_542 = arith.constant 2048 : i32
    %eq3A_543 = arith.constant 0 : i32
    %eq3A_544 = arith.cmpi eq, %jit3A_542, %eq3A_543 : i32
    %jit3A_545 = arith.constant 1 : i32
    %select_n3A_546 = arith.select %eq3A_544, %jit3A_545, %jit3A_542 : i32
    %rem3A_547 = arith.remsi %mul3A_2, %select_n3A_546 : i32
    %ne3A_548 = arith.constant 0 : i32
    %ne3A_549 = arith.cmpi ne, %rem3A_547, %ne3A_548 : i32
    %lt3A_550 = arith.constant 0 : i32
    %lt3A_551 = arith.cmpi slt, %rem3A_547, %lt3A_550 : i32
    %lt3A_552 = arith.constant 0 : i32
    %lt3A_553 = arith.cmpi slt, %select_n3A_546, %lt3A_552 : i32
    %ne3A_554 = arith.xori %lt3A_551, %lt3A_553 : i1
    %and3A_555 = arith.andi %ne3A_554, %ne3A_549 : i1
    %add3A_556 = arith.addi %rem3A_547, %select_n3A_546 : i32
    %select_n3A_557 = arith.select %and3A_555, %add3A_556, %rem3A_547 : i32
    %add3A_558 = arith.constant 240 : i32
    %add3A_559 = arith.addi %select_n3A_557, %add3A_558 : i32
    %dma_start3A_560 = arith.constant 0 : i32
    %dma_start3A_561 = tpu.memref_slice %arg2[%add3A_559, %dma_start3A_560] : memref<4096x512xi32, #tpu.memory_space<hbm>> -> memref<16x512xi32, #tpu.memory_space<hbm>>
    %dma_start3A_562 = arith.constant 0 : i32
    %dma_start3A_563 = tpu.memref_slice %arg2[%add3A_559, %dma_start3A_562] : memref<4096x512xi32, #tpu.memory_space<hbm>> -> memref<16x512xi32, #tpu.memory_space<hbm>>
    tpu.enqueue_dma source(%dma_start3A_563 : memref<16x512xi32, #tpu.memory_space<hbm>>) target(%arg20 : memref<16x512xi32, #tpu.memory_space<vmem>>) target_semaphore(%arg36 : memref<!tpu.dma_semaphore, #tpu.memory_space<semaphore_mem>>)
    %add3A_564 = arith.constant 256 : i32
    %add3A_565 = arith.addi %mul3A_2, %add3A_564 : i32
    %dma_start3A_566 = tpu.memref_slice %arg3[%add3A_565] : memref<10240xi32, #tpu.memory_space<hbm>> -> memref<16xi32, #tpu.memory_space<hbm>>
    %dma_start3A_567 = tpu.memref_slice %arg3[%add3A_565] : memref<10240xi32, #tpu.memory_space<hbm>> -> memref<16xi32, #tpu.memory_space<hbm>>
    tpu.enqueue_dma source(%dma_start3A_567 : memref<16xi32, #tpu.memory_space<hbm>>) target(%arg5 : memref<16xi32, #tpu.memory_space<vmem>>) target_semaphore(%arg21 : memref<!tpu.dma_semaphore, #tpu.memory_space<semaphore_mem>>)
    %dma_wait3A_568 = arith.constant 0 : i32
    %dma_wait3A_569 = tpu.memref_slice %arg2[%add3A_307, %dma_wait3A_568] : memref<4096x512xi32, #tpu.memory_space<hbm>> -> memref<16x512xi32, #tpu.memory_space<hbm>>
    %dma_wait3A_570 = arith.constant 0 : i32
    %dma_wait3A_571 = tpu.memref_slice %arg2[%add3A_307, %dma_wait3A_570] : memref<4096x512xi32, #tpu.memory_space<hbm>> -> memref<16x512xi32, #tpu.memory_space<hbm>>
    tpu.wait_dma2 semaphore(%arg30 : memref<!tpu.dma_semaphore, #tpu.memory_space<semaphore_mem>>) src(%dma_wait3A_571 : memref<16x512xi32, #tpu.memory_space<hbm>>) dst(%arg14 : memref<16x512xi32, #tpu.memory_space<vmem>>)
    %add3A_572 = arith.constant 144 : i32
    %add3A_573 = arith.addi %mul3A_2, %add3A_572 : i32
    %dma_start3A_574 = arith.constant 0 : i32
    %dma_start3A_575 = tpu.memref_slice %arg4[%add3A_573, %dma_start3A_574] : memref<10240x512xi32, #tpu.memory_space<hbm>> -> memref<16x512xi32, #tpu.memory_space<hbm>>
    %dma_start3A_576 = arith.constant 0 : i32
    %dma_start3A_577 = tpu.memref_slice %arg4[%add3A_573, %dma_start3A_576] : memref<10240x512xi32, #tpu.memory_space<hbm>> -> memref<16x512xi32, #tpu.memory_space<hbm>>
    tpu.enqueue_dma source(%arg14 : memref<16x512xi32, #tpu.memory_space<vmem>>) target(%dma_start3A_577 : memref<16x512xi32, #tpu.memory_space<hbm>>) target_semaphore(%arg38 : memref<!tpu.dma_semaphore, #tpu.memory_space<semaphore_mem>>)
    %dma_wait3A_578 = tpu.memref_slice %arg3[%add3A_565] : memref<10240xi32, #tpu.memory_space<hbm>> -> memref<16xi32, #tpu.memory_space<hbm>>
    %dma_wait3A_579 = tpu.memref_slice %arg3[%add3A_565] : memref<10240xi32, #tpu.memory_space<hbm>> -> memref<16xi32, #tpu.memory_space<hbm>>
    tpu.wait_dma2 semaphore(%arg21 : memref<!tpu.dma_semaphore, #tpu.memory_space<semaphore_mem>>) src(%dma_wait3A_579 : memref<16xi32, #tpu.memory_space<hbm>>) dst(%arg5 : memref<16xi32, #tpu.memory_space<vmem>>)
    %dma_wait3A_580 = arith.constant 0 : i32
    %dma_wait3A_581 = tpu.memref_slice %arg4[%add3A_531, %dma_wait3A_580] : memref<10240x512xi32, #tpu.memory_space<hbm>> -> memref<16x512xi32, #tpu.memory_space<hbm>>
    %dma_wait3A_582 = arith.constant 0 : i32
    %dma_wait3A_583 = tpu.memref_slice %arg4[%add3A_531, %dma_wait3A_582] : memref<10240x512xi32, #tpu.memory_space<hbm>> -> memref<16x512xi32, #tpu.memory_space<hbm>>
    tpu.wait_dma2 semaphore(%arg37 : memref<!tpu.dma_semaphore, #tpu.memory_space<semaphore_mem>>) src(%arg13 : memref<16x512xi32, #tpu.memory_space<vmem>>) dst(%dma_wait3A_583 : memref<16x512xi32, #tpu.memory_space<hbm>>)
    %jit3A_584 = arith.constant 2048 : i32
    %eq3A_585 = arith.constant 0 : i32
    %eq3A_586 = arith.cmpi eq, %jit3A_584, %eq3A_585 : i32
    %jit3A_587 = arith.constant 1 : i32
    %select_n3A_588 = arith.select %eq3A_586, %jit3A_587, %jit3A_584 : i32
    %rem3A_589 = arith.remsi %mul3A_2, %select_n3A_588 : i32
    %ne3A_590 = arith.constant 0 : i32
    %ne3A_591 = arith.cmpi ne, %rem3A_589, %ne3A_590 : i32
    %lt3A_592 = arith.constant 0 : i32
    %lt3A_593 = arith.cmpi slt, %rem3A_589, %lt3A_592 : i32
    %lt3A_594 = arith.constant 0 : i32
    %lt3A_595 = arith.cmpi slt, %select_n3A_588, %lt3A_594 : i32
    %ne3A_596 = arith.xori %lt3A_593, %lt3A_595 : i1
    %and3A_597 = arith.andi %ne3A_596, %ne3A_591 : i1
    %add3A_598 = arith.addi %rem3A_589, %select_n3A_588 : i32
    %select_n3A_599 = arith.select %and3A_597, %add3A_598, %rem3A_589 : i32
    %add3A_600 = arith.constant 256 : i32
    %add3A_601 = arith.addi %select_n3A_599, %add3A_600 : i32
    %dma_start3A_602 = arith.constant 0 : i32
    %dma_start3A_603 = tpu.memref_slice %arg2[%add3A_601, %dma_start3A_602] : memref<4096x512xi32, #tpu.memory_space<hbm>> -> memref<16x512xi32, #tpu.memory_space<hbm>>
    %dma_start3A_604 = arith.constant 0 : i32
    %dma_start3A_605 = tpu.memref_slice %arg2[%add3A_601, %dma_start3A_604] : memref<4096x512xi32, #tpu.memory_space<hbm>> -> memref<16x512xi32, #tpu.memory_space<hbm>>
    tpu.enqueue_dma source(%dma_start3A_605 : memref<16x512xi32, #tpu.memory_space<hbm>>) target(%arg13 : memref<16x512xi32, #tpu.memory_space<vmem>>) target_semaphore(%arg29 : memref<!tpu.dma_semaphore, #tpu.memory_space<semaphore_mem>>)
    %add3A_606 = arith.constant 272 : i32
    %add3A_607 = arith.addi %mul3A_2, %add3A_606 : i32
    %dma_start3A_608 = tpu.memref_slice %arg3[%add3A_607] : memref<10240xi32, #tpu.memory_space<hbm>> -> memref<16xi32, #tpu.memory_space<hbm>>
    %dma_start3A_609 = tpu.memref_slice %arg3[%add3A_607] : memref<10240xi32, #tpu.memory_space<hbm>> -> memref<16xi32, #tpu.memory_space<hbm>>
    tpu.enqueue_dma source(%dma_start3A_609 : memref<16xi32, #tpu.memory_space<hbm>>) target(%arg6 : memref<16xi32, #tpu.memory_space<vmem>>) target_semaphore(%arg22 : memref<!tpu.dma_semaphore, #tpu.memory_space<semaphore_mem>>)
    %dma_wait3A_610 = arith.constant 0 : i32
    %dma_wait3A_611 = tpu.memref_slice %arg2[%add3A_349, %dma_wait3A_610] : memref<4096x512xi32, #tpu.memory_space<hbm>> -> memref<16x512xi32, #tpu.memory_space<hbm>>
    %dma_wait3A_612 = arith.constant 0 : i32
    %dma_wait3A_613 = tpu.memref_slice %arg2[%add3A_349, %dma_wait3A_612] : memref<4096x512xi32, #tpu.memory_space<hbm>> -> memref<16x512xi32, #tpu.memory_space<hbm>>
    tpu.wait_dma2 semaphore(%arg31 : memref<!tpu.dma_semaphore, #tpu.memory_space<semaphore_mem>>) src(%dma_wait3A_613 : memref<16x512xi32, #tpu.memory_space<hbm>>) dst(%arg15 : memref<16x512xi32, #tpu.memory_space<vmem>>)
    %add3A_614 = arith.constant 160 : i32
    %add3A_615 = arith.addi %mul3A_2, %add3A_614 : i32
    %dma_start3A_616 = arith.constant 0 : i32
    %dma_start3A_617 = tpu.memref_slice %arg4[%add3A_615, %dma_start3A_616] : memref<10240x512xi32, #tpu.memory_space<hbm>> -> memref<16x512xi32, #tpu.memory_space<hbm>>
    %dma_start3A_618 = arith.constant 0 : i32
    %dma_start3A_619 = tpu.memref_slice %arg4[%add3A_615, %dma_start3A_618] : memref<10240x512xi32, #tpu.memory_space<hbm>> -> memref<16x512xi32, #tpu.memory_space<hbm>>
    tpu.enqueue_dma source(%arg15 : memref<16x512xi32, #tpu.memory_space<vmem>>) target(%dma_start3A_619 : memref<16x512xi32, #tpu.memory_space<hbm>>) target_semaphore(%arg39 : memref<!tpu.dma_semaphore, #tpu.memory_space<semaphore_mem>>)
    %dma_wait3A_620 = tpu.memref_slice %arg3[%add3A_607] : memref<10240xi32, #tpu.memory_space<hbm>> -> memref<16xi32, #tpu.memory_space<hbm>>
    %dma_wait3A_621 = tpu.memref_slice %arg3[%add3A_607] : memref<10240xi32, #tpu.memory_space<hbm>> -> memref<16xi32, #tpu.memory_space<hbm>>
    tpu.wait_dma2 semaphore(%arg22 : memref<!tpu.dma_semaphore, #tpu.memory_space<semaphore_mem>>) src(%dma_wait3A_621 : memref<16xi32, #tpu.memory_space<hbm>>) dst(%arg6 : memref<16xi32, #tpu.memory_space<vmem>>)
    %dma_wait3A_622 = arith.constant 0 : i32
    %dma_wait3A_623 = tpu.memref_slice %arg4[%add3A_573, %dma_wait3A_622] : memref<10240x512xi32, #tpu.memory_space<hbm>> -> memref<16x512xi32, #tpu.memory_space<hbm>>
    %dma_wait3A_624 = arith.constant 0 : i32
    %dma_wait3A_625 = tpu.memref_slice %arg4[%add3A_573, %dma_wait3A_624] : memref<10240x512xi32, #tpu.memory_space<hbm>> -> memref<16x512xi32, #tpu.memory_space<hbm>>
    tpu.wait_dma2 semaphore(%arg38 : memref<!tpu.dma_semaphore, #tpu.memory_space<semaphore_mem>>) src(%arg14 : memref<16x512xi32, #tpu.memory_space<vmem>>) dst(%dma_wait3A_625 : memref<16x512xi32, #tpu.memory_space<hbm>>)
    %jit3A_626 = arith.constant 2048 : i32
    %eq3A_627 = arith.constant 0 : i32
    %eq3A_628 = arith.cmpi eq, %jit3A_626, %eq3A_627 : i32
    %jit3A_629 = arith.constant 1 : i32
    %select_n3A_630 = arith.select %eq3A_628, %jit3A_629, %jit3A_626 : i32
    %rem3A_631 = arith.remsi %mul3A_2, %select_n3A_630 : i32
    %ne3A_632 = arith.constant 0 : i32
    %ne3A_633 = arith.cmpi ne, %rem3A_631, %ne3A_632 : i32
    %lt3A_634 = arith.constant 0 : i32
    %lt3A_635 = arith.cmpi slt, %rem3A_631, %lt3A_634 : i32
    %lt3A_636 = arith.constant 0 : i32
    %lt3A_637 = arith.cmpi slt, %select_n3A_630, %lt3A_636 : i32
    %ne3A_638 = arith.xori %lt3A_635, %lt3A_637 : i1
    %and3A_639 = arith.andi %ne3A_638, %ne3A_633 : i1
    %add3A_640 = arith.addi %rem3A_631, %select_n3A_630 : i32
    %select_n3A_641 = arith.select %and3A_639, %add3A_640, %rem3A_631 : i32
    %add3A_642 = arith.constant 272 : i32
    %add3A_643 = arith.addi %select_n3A_641, %add3A_642 : i32
    %dma_start3A_644 = arith.constant 0 : i32
    %dma_start3A_645 = tpu.memref_slice %arg2[%add3A_643, %dma_start3A_644] : memref<4096x512xi32, #tpu.memory_space<hbm>> -> memref<16x512xi32, #tpu.memory_space<hbm>>
    %dma_start3A_646 = arith.constant 0 : i32
    %dma_start3A_647 = tpu.memref_slice %arg2[%add3A_643, %dma_start3A_646] : memref<4096x512xi32, #tpu.memory_space<hbm>> -> memref<16x512xi32, #tpu.memory_space<hbm>>
    tpu.enqueue_dma source(%dma_start3A_647 : memref<16x512xi32, #tpu.memory_space<hbm>>) target(%arg14 : memref<16x512xi32, #tpu.memory_space<vmem>>) target_semaphore(%arg30 : memref<!tpu.dma_semaphore, #tpu.memory_space<semaphore_mem>>)
    %add3A_648 = arith.constant 288 : i32
    %add3A_649 = arith.addi %mul3A_2, %add3A_648 : i32
    %dma_start3A_650 = tpu.memref_slice %arg3[%add3A_649] : memref<10240xi32, #tpu.memory_space<hbm>> -> memref<16xi32, #tpu.memory_space<hbm>>
    %dma_start3A_651 = tpu.memref_slice %arg3[%add3A_649] : memref<10240xi32, #tpu.memory_space<hbm>> -> memref<16xi32, #tpu.memory_space<hbm>>
    tpu.enqueue_dma source(%dma_start3A_651 : memref<16xi32, #tpu.memory_space<hbm>>) target(%arg7 : memref<16xi32, #tpu.memory_space<vmem>>) target_semaphore(%arg23 : memref<!tpu.dma_semaphore, #tpu.memory_space<semaphore_mem>>)
    %dma_wait3A_652 = arith.constant 0 : i32
    %dma_wait3A_653 = tpu.memref_slice %arg2[%add3A_391, %dma_wait3A_652] : memref<4096x512xi32, #tpu.memory_space<hbm>> -> memref<16x512xi32, #tpu.memory_space<hbm>>
    %dma_wait3A_654 = arith.constant 0 : i32
    %dma_wait3A_655 = tpu.memref_slice %arg2[%add3A_391, %dma_wait3A_654] : memref<4096x512xi32, #tpu.memory_space<hbm>> -> memref<16x512xi32, #tpu.memory_space<hbm>>
    tpu.wait_dma2 semaphore(%arg32 : memref<!tpu.dma_semaphore, #tpu.memory_space<semaphore_mem>>) src(%dma_wait3A_655 : memref<16x512xi32, #tpu.memory_space<hbm>>) dst(%arg16 : memref<16x512xi32, #tpu.memory_space<vmem>>)
    %add3A_656 = arith.constant 176 : i32
    %add3A_657 = arith.addi %mul3A_2, %add3A_656 : i32
    %dma_start3A_658 = arith.constant 0 : i32
    %dma_start3A_659 = tpu.memref_slice %arg4[%add3A_657, %dma_start3A_658] : memref<10240x512xi32, #tpu.memory_space<hbm>> -> memref<16x512xi32, #tpu.memory_space<hbm>>
    %dma_start3A_660 = arith.constant 0 : i32
    %dma_start3A_661 = tpu.memref_slice %arg4[%add3A_657, %dma_start3A_660] : memref<10240x512xi32, #tpu.memory_space<hbm>> -> memref<16x512xi32, #tpu.memory_space<hbm>>
    tpu.enqueue_dma source(%arg16 : memref<16x512xi32, #tpu.memory_space<vmem>>) target(%dma_start3A_661 : memref<16x512xi32, #tpu.memory_space<hbm>>) target_semaphore(%arg40 : memref<!tpu.dma_semaphore, #tpu.memory_space<semaphore_mem>>)
    %dma_wait3A_662 = tpu.memref_slice %arg3[%add3A_649] : memref<10240xi32, #tpu.memory_space<hbm>> -> memref<16xi32, #tpu.memory_space<hbm>>
    %dma_wait3A_663 = tpu.memref_slice %arg3[%add3A_649] : memref<10240xi32, #tpu.memory_space<hbm>> -> memref<16xi32, #tpu.memory_space<hbm>>
    tpu.wait_dma2 semaphore(%arg23 : memref<!tpu.dma_semaphore, #tpu.memory_space<semaphore_mem>>) src(%dma_wait3A_663 : memref<16xi32, #tpu.memory_space<hbm>>) dst(%arg7 : memref<16xi32, #tpu.memory_space<vmem>>)
    %dma_wait3A_664 = arith.constant 0 : i32
    %dma_wait3A_665 = tpu.memref_slice %arg4[%add3A_615, %dma_wait3A_664] : memref<10240x512xi32, #tpu.memory_space<hbm>> -> memref<16x512xi32, #tpu.memory_space<hbm>>
    %dma_wait3A_666 = arith.constant 0 : i32
    %dma_wait3A_667 = tpu.memref_slice %arg4[%add3A_615, %dma_wait3A_666] : memref<10240x512xi32, #tpu.memory_space<hbm>> -> memref<16x512xi32, #tpu.memory_space<hbm>>
    tpu.wait_dma2 semaphore(%arg39 : memref<!tpu.dma_semaphore, #tpu.memory_space<semaphore_mem>>) src(%arg15 : memref<16x512xi32, #tpu.memory_space<vmem>>) dst(%dma_wait3A_667 : memref<16x512xi32, #tpu.memory_space<hbm>>)
    %jit3A_668 = arith.constant 2048 : i32
    %eq3A_669 = arith.constant 0 : i32
    %eq3A_670 = arith.cmpi eq, %jit3A_668, %eq3A_669 : i32
    %jit3A_671 = arith.constant 1 : i32
    %select_n3A_672 = arith.select %eq3A_670, %jit3A_671, %jit3A_668 : i32
    %rem3A_673 = arith.remsi %mul3A_2, %select_n3A_672 : i32
    %ne3A_674 = arith.constant 0 : i32
    %ne3A_675 = arith.cmpi ne, %rem3A_673, %ne3A_674 : i32
    %lt3A_676 = arith.constant 0 : i32
    %lt3A_677 = arith.cmpi slt, %rem3A_673, %lt3A_676 : i32
    %lt3A_678 = arith.constant 0 : i32
    %lt3A_679 = arith.cmpi slt, %select_n3A_672, %lt3A_678 : i32
    %ne3A_680 = arith.xori %lt3A_677, %lt3A_679 : i1
    %and3A_681 = arith.andi %ne3A_680, %ne3A_675 : i1
    %add3A_682 = arith.addi %rem3A_673, %select_n3A_672 : i32
    %select_n3A_683 = arith.select %and3A_681, %add3A_682, %rem3A_673 : i32
    %add3A_684 = arith.constant 288 : i32
    %add3A_685 = arith.addi %select_n3A_683, %add3A_684 : i32
    %dma_start3A_686 = arith.constant 0 : i32
    %dma_start3A_687 = tpu.memref_slice %arg2[%add3A_685, %dma_start3A_686] : memref<4096x512xi32, #tpu.memory_space<hbm>> -> memref<16x512xi32, #tpu.memory_space<hbm>>
    %dma_start3A_688 = arith.constant 0 : i32
    %dma_start3A_689 = tpu.memref_slice %arg2[%add3A_685, %dma_start3A_688] : memref<4096x512xi32, #tpu.memory_space<hbm>> -> memref<16x512xi32, #tpu.memory_space<hbm>>
    tpu.enqueue_dma source(%dma_start3A_689 : memref<16x512xi32, #tpu.memory_space<hbm>>) target(%arg15 : memref<16x512xi32, #tpu.memory_space<vmem>>) target_semaphore(%arg31 : memref<!tpu.dma_semaphore, #tpu.memory_space<semaphore_mem>>)
    %add3A_690 = arith.constant 304 : i32
    %add3A_691 = arith.addi %mul3A_2, %add3A_690 : i32
    %dma_start3A_692 = tpu.memref_slice %arg3[%add3A_691] : memref<10240xi32, #tpu.memory_space<hbm>> -> memref<16xi32, #tpu.memory_space<hbm>>
    %dma_start3A_693 = tpu.memref_slice %arg3[%add3A_691] : memref<10240xi32, #tpu.memory_space<hbm>> -> memref<16xi32, #tpu.memory_space<hbm>>
    tpu.enqueue_dma source(%dma_start3A_693 : memref<16xi32, #tpu.memory_space<hbm>>) target(%arg8 : memref<16xi32, #tpu.memory_space<vmem>>) target_semaphore(%arg24 : memref<!tpu.dma_semaphore, #tpu.memory_space<semaphore_mem>>)
    %dma_wait3A_694 = arith.constant 0 : i32
    %dma_wait3A_695 = tpu.memref_slice %arg2[%add3A_433, %dma_wait3A_694] : memref<4096x512xi32, #tpu.memory_space<hbm>> -> memref<16x512xi32, #tpu.memory_space<hbm>>
    %dma_wait3A_696 = arith.constant 0 : i32
    %dma_wait3A_697 = tpu.memref_slice %arg2[%add3A_433, %dma_wait3A_696] : memref<4096x512xi32, #tpu.memory_space<hbm>> -> memref<16x512xi32, #tpu.memory_space<hbm>>
    tpu.wait_dma2 semaphore(%arg33 : memref<!tpu.dma_semaphore, #tpu.memory_space<semaphore_mem>>) src(%dma_wait3A_697 : memref<16x512xi32, #tpu.memory_space<hbm>>) dst(%arg17 : memref<16x512xi32, #tpu.memory_space<vmem>>)
    %add3A_698 = arith.constant 192 : i32
    %add3A_699 = arith.addi %mul3A_2, %add3A_698 : i32
    %dma_start3A_700 = arith.constant 0 : i32
    %dma_start3A_701 = tpu.memref_slice %arg4[%add3A_699, %dma_start3A_700] : memref<10240x512xi32, #tpu.memory_space<hbm>> -> memref<16x512xi32, #tpu.memory_space<hbm>>
    %dma_start3A_702 = arith.constant 0 : i32
    %dma_start3A_703 = tpu.memref_slice %arg4[%add3A_699, %dma_start3A_702] : memref<10240x512xi32, #tpu.memory_space<hbm>> -> memref<16x512xi32, #tpu.memory_space<hbm>>
    tpu.enqueue_dma source(%arg17 : memref<16x512xi32, #tpu.memory_space<vmem>>) target(%dma_start3A_703 : memref<16x512xi32, #tpu.memory_space<hbm>>) target_semaphore(%arg41 : memref<!tpu.dma_semaphore, #tpu.memory_space<semaphore_mem>>)
    %dma_wait3A_704 = tpu.memref_slice %arg3[%add3A_691] : memref<10240xi32, #tpu.memory_space<hbm>> -> memref<16xi32, #tpu.memory_space<hbm>>
    %dma_wait3A_705 = tpu.memref_slice %arg3[%add3A_691] : memref<10240xi32, #tpu.memory_space<hbm>> -> memref<16xi32, #tpu.memory_space<hbm>>
    tpu.wait_dma2 semaphore(%arg24 : memref<!tpu.dma_semaphore, #tpu.memory_space<semaphore_mem>>) src(%dma_wait3A_705 : memref<16xi32, #tpu.memory_space<hbm>>) dst(%arg8 : memref<16xi32, #tpu.memory_space<vmem>>)
    %dma_wait3A_706 = arith.constant 0 : i32
    %dma_wait3A_707 = tpu.memref_slice %arg4[%add3A_657, %dma_wait3A_706] : memref<10240x512xi32, #tpu.memory_space<hbm>> -> memref<16x512xi32, #tpu.memory_space<hbm>>
    %dma_wait3A_708 = arith.constant 0 : i32
    %dma_wait3A_709 = tpu.memref_slice %arg4[%add3A_657, %dma_wait3A_708] : memref<10240x512xi32, #tpu.memory_space<hbm>> -> memref<16x512xi32, #tpu.memory_space<hbm>>
    tpu.wait_dma2 semaphore(%arg40 : memref<!tpu.dma_semaphore, #tpu.memory_space<semaphore_mem>>) src(%arg16 : memref<16x512xi32, #tpu.memory_space<vmem>>) dst(%dma_wait3A_709 : memref<16x512xi32, #tpu.memory_space<hbm>>)
    %jit3A_710 = arith.constant 2048 : i32
    %eq3A_711 = arith.constant 0 : i32
    %eq3A_712 = arith.cmpi eq, %jit3A_710, %eq3A_711 : i32
    %jit3A_713 = arith.constant 1 : i32
    %select_n3A_714 = arith.select %eq3A_712, %jit3A_713, %jit3A_710 : i32
    %rem3A_715 = arith.remsi %mul3A_2, %select_n3A_714 : i32
    %ne3A_716 = arith.constant 0 : i32
    %ne3A_717 = arith.cmpi ne, %rem3A_715, %ne3A_716 : i32
    %lt3A_718 = arith.constant 0 : i32
    %lt3A_719 = arith.cmpi slt, %rem3A_715, %lt3A_718 : i32
    %lt3A_720 = arith.constant 0 : i32
    %lt3A_721 = arith.cmpi slt, %select_n3A_714, %lt3A_720 : i32
    %ne3A_722 = arith.xori %lt3A_719, %lt3A_721 : i1
    %and3A_723 = arith.andi %ne3A_722, %ne3A_717 : i1
    %add3A_724 = arith.addi %rem3A_715, %select_n3A_714 : i32
    %select_n3A_725 = arith.select %and3A_723, %add3A_724, %rem3A_715 : i32
    %add3A_726 = arith.constant 304 : i32
    %add3A_727 = arith.addi %select_n3A_725, %add3A_726 : i32
    %dma_start3A_728 = arith.constant 0 : i32
    %dma_start3A_729 = tpu.memref_slice %arg2[%add3A_727, %dma_start3A_728] : memref<4096x512xi32, #tpu.memory_space<hbm>> -> memref<16x512xi32, #tpu.memory_space<hbm>>
    %dma_start3A_730 = arith.constant 0 : i32
    %dma_start3A_731 = tpu.memref_slice %arg2[%add3A_727, %dma_start3A_730] : memref<4096x512xi32, #tpu.memory_space<hbm>> -> memref<16x512xi32, #tpu.memory_space<hbm>>
    tpu.enqueue_dma source(%dma_start3A_731 : memref<16x512xi32, #tpu.memory_space<hbm>>) target(%arg16 : memref<16x512xi32, #tpu.memory_space<vmem>>) target_semaphore(%arg32 : memref<!tpu.dma_semaphore, #tpu.memory_space<semaphore_mem>>)
    %dma_wait3A_732 = arith.constant 0 : i32
    %dma_wait3A_733 = tpu.memref_slice %arg2[%add3A_475, %dma_wait3A_732] : memref<4096x512xi32, #tpu.memory_space<hbm>> -> memref<16x512xi32, #tpu.memory_space<hbm>>
    %dma_wait3A_734 = arith.constant 0 : i32
    %dma_wait3A_735 = tpu.memref_slice %arg2[%add3A_475, %dma_wait3A_734] : memref<4096x512xi32, #tpu.memory_space<hbm>> -> memref<16x512xi32, #tpu.memory_space<hbm>>
    tpu.wait_dma2 semaphore(%arg34 : memref<!tpu.dma_semaphore, #tpu.memory_space<semaphore_mem>>) src(%dma_wait3A_735 : memref<16x512xi32, #tpu.memory_space<hbm>>) dst(%arg18 : memref<16x512xi32, #tpu.memory_space<vmem>>)
    %add3A_736 = arith.constant 208 : i32
    %add3A_737 = arith.addi %mul3A_2, %add3A_736 : i32
    %dma_start3A_738 = arith.constant 0 : i32
    %dma_start3A_739 = tpu.memref_slice %arg4[%add3A_737, %dma_start3A_738] : memref<10240x512xi32, #tpu.memory_space<hbm>> -> memref<16x512xi32, #tpu.memory_space<hbm>>
    %dma_start3A_740 = arith.constant 0 : i32
    %dma_start3A_741 = tpu.memref_slice %arg4[%add3A_737, %dma_start3A_740] : memref<10240x512xi32, #tpu.memory_space<hbm>> -> memref<16x512xi32, #tpu.memory_space<hbm>>
    tpu.enqueue_dma source(%arg18 : memref<16x512xi32, #tpu.memory_space<vmem>>) target(%dma_start3A_741 : memref<16x512xi32, #tpu.memory_space<hbm>>) target_semaphore(%arg42 : memref<!tpu.dma_semaphore, #tpu.memory_space<semaphore_mem>>)
    %dma_wait3A_742 = arith.constant 0 : i32
    %dma_wait3A_743 = tpu.memref_slice %arg2[%add3A_517, %dma_wait3A_742] : memref<4096x512xi32, #tpu.memory_space<hbm>> -> memref<16x512xi32, #tpu.memory_space<hbm>>
    %dma_wait3A_744 = arith.constant 0 : i32
    %dma_wait3A_745 = tpu.memref_slice %arg2[%add3A_517, %dma_wait3A_744] : memref<4096x512xi32, #tpu.memory_space<hbm>> -> memref<16x512xi32, #tpu.memory_space<hbm>>
    tpu.wait_dma2 semaphore(%arg35 : memref<!tpu.dma_semaphore, #tpu.memory_space<semaphore_mem>>) src(%dma_wait3A_745 : memref<16x512xi32, #tpu.memory_space<hbm>>) dst(%arg19 : memref<16x512xi32, #tpu.memory_space<vmem>>)
    %add3A_746 = arith.constant 224 : i32
    %add3A_747 = arith.addi %mul3A_2, %add3A_746 : i32
    %dma_start3A_748 = arith.constant 0 : i32
    %dma_start3A_749 = tpu.memref_slice %arg4[%add3A_747, %dma_start3A_748] : memref<10240x512xi32, #tpu.memory_space<hbm>> -> memref<16x512xi32, #tpu.memory_space<hbm>>
    %dma_start3A_750 = arith.constant 0 : i32
    %dma_start3A_751 = tpu.memref_slice %arg4[%add3A_747, %dma_start3A_750] : memref<10240x512xi32, #tpu.memory_space<hbm>> -> memref<16x512xi32, #tpu.memory_space<hbm>>
    tpu.enqueue_dma source(%arg19 : memref<16x512xi32, #tpu.memory_space<vmem>>) target(%dma_start3A_751 : memref<16x512xi32, #tpu.memory_space<hbm>>) target_semaphore(%arg43 : memref<!tpu.dma_semaphore, #tpu.memory_space<semaphore_mem>>)
    %dma_wait3A_752 = arith.constant 0 : i32
    %dma_wait3A_753 = tpu.memref_slice %arg2[%add3A_559, %dma_wait3A_752] : memref<4096x512xi32, #tpu.memory_space<hbm>> -> memref<16x512xi32, #tpu.memory_space<hbm>>
    %dma_wait3A_754 = arith.constant 0 : i32
    %dma_wait3A_755 = tpu.memref_slice %arg2[%add3A_559, %dma_wait3A_754] : memref<4096x512xi32, #tpu.memory_space<hbm>> -> memref<16x512xi32, #tpu.memory_space<hbm>>
    tpu.wait_dma2 semaphore(%arg36 : memref<!tpu.dma_semaphore, #tpu.memory_space<semaphore_mem>>) src(%dma_wait3A_755 : memref<16x512xi32, #tpu.memory_space<hbm>>) dst(%arg20 : memref<16x512xi32, #tpu.memory_space<vmem>>)
    %add3A_756 = arith.constant 240 : i32
    %add3A_757 = arith.addi %mul3A_2, %add3A_756 : i32
    %dma_start3A_758 = arith.constant 0 : i32
    %dma_start3A_759 = tpu.memref_slice %arg4[%add3A_757, %dma_start3A_758] : memref<10240x512xi32, #tpu.memory_space<hbm>> -> memref<16x512xi32, #tpu.memory_space<hbm>>
    %dma_start3A_760 = arith.constant 0 : i32
    %dma_start3A_761 = tpu.memref_slice %arg4[%add3A_757, %dma_start3A_760] : memref<10240x512xi32, #tpu.memory_space<hbm>> -> memref<16x512xi32, #tpu.memory_space<hbm>>
    tpu.enqueue_dma source(%arg20 : memref<16x512xi32, #tpu.memory_space<vmem>>) target(%dma_start3A_761 : memref<16x512xi32, #tpu.memory_space<hbm>>) target_semaphore(%arg44 : memref<!tpu.dma_semaphore, #tpu.memory_space<semaphore_mem>>)
    %dma_wait3A_762 = arith.constant 0 : i32
    %dma_wait3A_763 = tpu.memref_slice %arg2[%add3A_601, %dma_wait3A_762] : memref<4096x512xi32, #tpu.memory_space<hbm>> -> memref<16x512xi32, #tpu.memory_space<hbm>>
    %dma_wait3A_764 = arith.constant 0 : i32
    %dma_wait3A_765 = tpu.memref_slice %arg2[%add3A_601, %dma_wait3A_764] : memref<4096x512xi32, #tpu.memory_space<hbm>> -> memref<16x512xi32, #tpu.memory_space<hbm>>
    tpu.wait_dma2 semaphore(%arg29 : memref<!tpu.dma_semaphore, #tpu.memory_space<semaphore_mem>>) src(%dma_wait3A_765 : memref<16x512xi32, #tpu.memory_space<hbm>>) dst(%arg13 : memref<16x512xi32, #tpu.memory_space<vmem>>)
    %add3A_766 = arith.constant 256 : i32
    %add3A_767 = arith.addi %mul3A_2, %add3A_766 : i32
    %dma_start3A_768 = arith.constant 0 : i32
    %dma_start3A_769 = tpu.memref_slice %arg4[%add3A_767, %dma_start3A_768] : memref<10240x512xi32, #tpu.memory_space<hbm>> -> memref<16x512xi32, #tpu.memory_space<hbm>>
    %dma_start3A_770 = arith.constant 0 : i32
    %dma_start3A_771 = tpu.memref_slice %arg4[%add3A_767, %dma_start3A_770] : memref<10240x512xi32, #tpu.memory_space<hbm>> -> memref<16x512xi32, #tpu.memory_space<hbm>>
    tpu.enqueue_dma source(%arg13 : memref<16x512xi32, #tpu.memory_space<vmem>>) target(%dma_start3A_771 : memref<16x512xi32, #tpu.memory_space<hbm>>) target_semaphore(%arg37 : memref<!tpu.dma_semaphore, #tpu.memory_space<semaphore_mem>>)
    %dma_wait3A_772 = arith.constant 0 : i32
    %dma_wait3A_773 = tpu.memref_slice %arg2[%add3A_643, %dma_wait3A_772] : memref<4096x512xi32, #tpu.memory_space<hbm>> -> memref<16x512xi32, #tpu.memory_space<hbm>>
    %dma_wait3A_774 = arith.constant 0 : i32
    %dma_wait3A_775 = tpu.memref_slice %arg2[%add3A_643, %dma_wait3A_774] : memref<4096x512xi32, #tpu.memory_space<hbm>> -> memref<16x512xi32, #tpu.memory_space<hbm>>
    tpu.wait_dma2 semaphore(%arg30 : memref<!tpu.dma_semaphore, #tpu.memory_space<semaphore_mem>>) src(%dma_wait3A_775 : memref<16x512xi32, #tpu.memory_space<hbm>>) dst(%arg14 : memref<16x512xi32, #tpu.memory_space<vmem>>)
    %add3A_776 = arith.constant 272 : i32
    %add3A_777 = arith.addi %mul3A_2, %add3A_776 : i32
    %dma_start3A_778 = arith.constant 0 : i32
    %dma_start3A_779 = tpu.memref_slice %arg4[%add3A_777, %dma_start3A_778] : memref<10240x512xi32, #tpu.memory_space<hbm>> -> memref<16x512xi32, #tpu.memory_space<hbm>>
    %dma_start3A_780 = arith.constant 0 : i32
    %dma_start3A_781 = tpu.memref_slice %arg4[%add3A_777, %dma_start3A_780] : memref<10240x512xi32, #tpu.memory_space<hbm>> -> memref<16x512xi32, #tpu.memory_space<hbm>>
    tpu.enqueue_dma source(%arg14 : memref<16x512xi32, #tpu.memory_space<vmem>>) target(%dma_start3A_781 : memref<16x512xi32, #tpu.memory_space<hbm>>) target_semaphore(%arg38 : memref<!tpu.dma_semaphore, #tpu.memory_space<semaphore_mem>>)
    %dma_wait3A_782 = arith.constant 0 : i32
    %dma_wait3A_783 = tpu.memref_slice %arg2[%add3A_685, %dma_wait3A_782] : memref<4096x512xi32, #tpu.memory_space<hbm>> -> memref<16x512xi32, #tpu.memory_space<hbm>>
    %dma_wait3A_784 = arith.constant 0 : i32
    %dma_wait3A_785 = tpu.memref_slice %arg2[%add3A_685, %dma_wait3A_784] : memref<4096x512xi32, #tpu.memory_space<hbm>> -> memref<16x512xi32, #tpu.memory_space<hbm>>
    tpu.wait_dma2 semaphore(%arg31 : memref<!tpu.dma_semaphore, #tpu.memory_space<semaphore_mem>>) src(%dma_wait3A_785 : memref<16x512xi32, #tpu.memory_space<hbm>>) dst(%arg15 : memref<16x512xi32, #tpu.memory_space<vmem>>)
    %add3A_786 = arith.constant 288 : i32
    %add3A_787 = arith.addi %mul3A_2, %add3A_786 : i32
    %dma_start3A_788 = arith.constant 0 : i32
    %dma_start3A_789 = tpu.memref_slice %arg4[%add3A_787, %dma_start3A_788] : memref<10240x512xi32, #tpu.memory_space<hbm>> -> memref<16x512xi32, #tpu.memory_space<hbm>>
    %dma_start3A_790 = arith.constant 0 : i32
    %dma_start3A_791 = tpu.memref_slice %arg4[%add3A_787, %dma_start3A_790] : memref<10240x512xi32, #tpu.memory_space<hbm>> -> memref<16x512xi32, #tpu.memory_space<hbm>>
    tpu.enqueue_dma source(%arg15 : memref<16x512xi32, #tpu.memory_space<vmem>>) target(%dma_start3A_791 : memref<16x512xi32, #tpu.memory_space<hbm>>) target_semaphore(%arg39 : memref<!tpu.dma_semaphore, #tpu.memory_space<semaphore_mem>>)
    %dma_wait3A_792 = arith.constant 0 : i32
    %dma_wait3A_793 = tpu.memref_slice %arg2[%add3A_727, %dma_wait3A_792] : memref<4096x512xi32, #tpu.memory_space<hbm>> -> memref<16x512xi32, #tpu.memory_space<hbm>>
    %dma_wait3A_794 = arith.constant 0 : i32
    %dma_wait3A_795 = tpu.memref_slice %arg2[%add3A_727, %dma_wait3A_794] : memref<4096x512xi32, #tpu.memory_space<hbm>> -> memref<16x512xi32, #tpu.memory_space<hbm>>
    tpu.wait_dma2 semaphore(%arg32 : memref<!tpu.dma_semaphore, #tpu.memory_space<semaphore_mem>>) src(%dma_wait3A_795 : memref<16x512xi32, #tpu.memory_space<hbm>>) dst(%arg16 : memref<16x512xi32, #tpu.memory_space<vmem>>)
    %add3A_796 = arith.constant 304 : i32
    %add3A_797 = arith.addi %mul3A_2, %add3A_796 : i32
    %dma_start3A_798 = arith.constant 0 : i32
    %dma_start3A_799 = tpu.memref_slice %arg4[%add3A_797, %dma_start3A_798] : memref<10240x512xi32, #tpu.memory_space<hbm>> -> memref<16x512xi32, #tpu.memory_space<hbm>>
    %dma_start3A_800 = arith.constant 0 : i32
    %dma_start3A_801 = tpu.memref_slice %arg4[%add3A_797, %dma_start3A_800] : memref<10240x512xi32, #tpu.memory_space<hbm>> -> memref<16x512xi32, #tpu.memory_space<hbm>>
    tpu.enqueue_dma source(%arg16 : memref<16x512xi32, #tpu.memory_space<vmem>>) target(%dma_start3A_801 : memref<16x512xi32, #tpu.memory_space<hbm>>) target_semaphore(%arg40 : memref<!tpu.dma_semaphore, #tpu.memory_space<semaphore_mem>>)
    %dma_wait3A_802 = arith.constant 0 : i32
    %dma_wait3A_803 = tpu.memref_slice %arg4[%add3A_699, %dma_wait3A_802] : memref<10240x512xi32, #tpu.memory_space<hbm>> -> memref<16x512xi32, #tpu.memory_space<hbm>>
    %dma_wait3A_804 = arith.constant 0 : i32
    %dma_wait3A_805 = tpu.memref_slice %arg4[%add3A_699, %dma_wait3A_804] : memref<10240x512xi32, #tpu.memory_space<hbm>> -> memref<16x512xi32, #tpu.memory_space<hbm>>
    tpu.wait_dma2 semaphore(%arg41 : memref<!tpu.dma_semaphore, #tpu.memory_space<semaphore_mem>>) src(%arg17 : memref<16x512xi32, #tpu.memory_space<vmem>>) dst(%dma_wait3A_805 : memref<16x512xi32, #tpu.memory_space<hbm>>)
    %dma_wait3A_806 = arith.constant 0 : i32
    %dma_wait3A_807 = tpu.memref_slice %arg4[%add3A_737, %dma_wait3A_806] : memref<10240x512xi32, #tpu.memory_space<hbm>> -> memref<16x512xi32, #tpu.memory_space<hbm>>
    %dma_wait3A_808 = arith.constant 0 : i32
    %dma_wait3A_809 = tpu.memref_slice %arg4[%add3A_737, %dma_wait3A_808] : memref<10240x512xi32, #tpu.memory_space<hbm>> -> memref<16x512xi32, #tpu.memory_space<hbm>>
    tpu.wait_dma2 semaphore(%arg42 : memref<!tpu.dma_semaphore, #tpu.memory_space<semaphore_mem>>) src(%arg18 : memref<16x512xi32, #tpu.memory_space<vmem>>) dst(%dma_wait3A_809 : memref<16x512xi32, #tpu.memory_space<hbm>>)
    %dma_wait3A_810 = arith.constant 0 : i32
    %dma_wait3A_811 = tpu.memref_slice %arg4[%add3A_747, %dma_wait3A_810] : memref<10240x512xi32, #tpu.memory_space<hbm>> -> memref<16x512xi32, #tpu.memory_space<hbm>>
    %dma_wait3A_812 = arith.constant 0 : i32
    %dma_wait3A_813 = tpu.memref_slice %arg4[%add3A_747, %dma_wait3A_812] : memref<10240x512xi32, #tpu.memory_space<hbm>> -> memref<16x512xi32, #tpu.memory_space<hbm>>
    tpu.wait_dma2 semaphore(%arg43 : memref<!tpu.dma_semaphore, #tpu.memory_space<semaphore_mem>>) src(%arg19 : memref<16x512xi32, #tpu.memory_space<vmem>>) dst(%dma_wait3A_813 : memref<16x512xi32, #tpu.memory_space<hbm>>)
    %dma_wait3A_814 = arith.constant 0 : i32
    %dma_wait3A_815 = tpu.memref_slice %arg4[%add3A_757, %dma_wait3A_814] : memref<10240x512xi32, #tpu.memory_space<hbm>> -> memref<16x512xi32, #tpu.memory_space<hbm>>
    %dma_wait3A_816 = arith.constant 0 : i32
    %dma_wait3A_817 = tpu.memref_slice %arg4[%add3A_757, %dma_wait3A_816] : memref<10240x512xi32, #tpu.memory_space<hbm>> -> memref<16x512xi32, #tpu.memory_space<hbm>>
    tpu.wait_dma2 semaphore(%arg44 : memref<!tpu.dma_semaphore, #tpu.memory_space<semaphore_mem>>) src(%arg20 : memref<16x512xi32, #tpu.memory_space<vmem>>) dst(%dma_wait3A_817 : memref<16x512xi32, #tpu.memory_space<hbm>>)
    %dma_wait3A_818 = arith.constant 0 : i32
    %dma_wait3A_819 = tpu.memref_slice %arg4[%add3A_767, %dma_wait3A_818] : memref<10240x512xi32, #tpu.memory_space<hbm>> -> memref<16x512xi32, #tpu.memory_space<hbm>>
    %dma_wait3A_820 = arith.constant 0 : i32
    %dma_wait3A_821 = tpu.memref_slice %arg4[%add3A_767, %dma_wait3A_820] : memref<10240x512xi32, #tpu.memory_space<hbm>> -> memref<16x512xi32, #tpu.memory_space<hbm>>
    tpu.wait_dma2 semaphore(%arg37 : memref<!tpu.dma_semaphore, #tpu.memory_space<semaphore_mem>>) src(%arg13 : memref<16x512xi32, #tpu.memory_space<vmem>>) dst(%dma_wait3A_821 : memref<16x512xi32, #tpu.memory_space<hbm>>)
    %dma_wait3A_822 = arith.constant 0 : i32
    %dma_wait3A_823 = tpu.memref_slice %arg4[%add3A_777, %dma_wait3A_822] : memref<10240x512xi32, #tpu.memory_space<hbm>> -> memref<16x512xi32, #tpu.memory_space<hbm>>
    %dma_wait3A_824 = arith.constant 0 : i32
    %dma_wait3A_825 = tpu.memref_slice %arg4[%add3A_777, %dma_wait3A_824] : memref<10240x512xi32, #tpu.memory_space<hbm>> -> memref<16x512xi32, #tpu.memory_space<hbm>>
    tpu.wait_dma2 semaphore(%arg38 : memref<!tpu.dma_semaphore, #tpu.memory_space<semaphore_mem>>) src(%arg14 : memref<16x512xi32, #tpu.memory_space<vmem>>) dst(%dma_wait3A_825 : memref<16x512xi32, #tpu.memory_space<hbm>>)
    %dma_wait3A_826 = arith.constant 0 : i32
    %dma_wait3A_827 = tpu.memref_slice %arg4[%add3A_787, %dma_wait3A_826] : memref<10240x512xi32, #tpu.memory_space<hbm>> -> memref<16x512xi32, #tpu.memory_space<hbm>>
    %dma_wait3A_828 = arith.constant 0 : i32
    %dma_wait3A_829 = tpu.memref_slice %arg4[%add3A_787, %dma_wait3A_828] : memref<10240x512xi32, #tpu.memory_space<hbm>> -> memref<16x512xi32, #tpu.memory_space<hbm>>
    tpu.wait_dma2 semaphore(%arg39 : memref<!tpu.dma_semaphore, #tpu.memory_space<semaphore_mem>>) src(%arg15 : memref<16x512xi32, #tpu.memory_space<vmem>>) dst(%dma_wait3A_829 : memref<16x512xi32, #tpu.memory_space<hbm>>)
    %dma_wait3A_830 = arith.constant 0 : i32
    %dma_wait3A_831 = tpu.memref_slice %arg4[%add3A_797, %dma_wait3A_830] : memref<10240x512xi32, #tpu.memory_space<hbm>> -> memref<16x512xi32, #tpu.memory_space<hbm>>
    %dma_wait3A_832 = arith.constant 0 : i32
    %dma_wait3A_833 = tpu.memref_slice %arg4[%add3A_797, %dma_wait3A_832] : memref<10240x512xi32, #tpu.memory_space<hbm>> -> memref<16x512xi32, #tpu.memory_space<hbm>>
    tpu.wait_dma2 semaphore(%arg40 : memref<!tpu.dma_semaphore, #tpu.memory_space<semaphore_mem>>) src(%arg16 : memref<16x512xi32, #tpu.memory_space<vmem>>) dst(%dma_wait3A_833 : memref<16x512xi32, #tpu.memory_space<hbm>>)
    return
  }
}

#map = affine_map<(d0, d1) -> (0, 0)>
#map1 = affine_map<(d0, d1) -> (0)>
module attributes {stable_mosaic.version = 14 : i64} {
  func.func @_k6_body(%arg0: i32, %arg1: i32, %arg2: memref<4096x1024xf32, #tpu.memory_space<hbm>>, %arg3: memref<10240x512xi32, #tpu.memory_space<hbm>>, %arg4: memref<8192xi32, #tpu.memory_space<hbm>>, %arg5: memref<4096x1024xf32, #tpu.memory_space<hbm>>, %arg6: memref<32xi32, #tpu.memory_space<vmem>>, %arg7: memref<32xi32, #tpu.memory_space<vmem>>, %arg8: memref<32x512xi32, #tpu.memory_space<vmem>>, %arg9: memref<32x512xi32, #tpu.memory_space<vmem>>, %arg10: memref<16x1024xf32, #tpu.memory_space<vmem>>, %arg11: memref<16x1024xf32, #tpu.memory_space<vmem>>, %arg12: memref<!tpu.dma_semaphore, #tpu.memory_space<semaphore_mem>>, %arg13: memref<!tpu.dma_semaphore, #tpu.memory_space<semaphore_mem>>, %arg14: memref<!tpu.dma_semaphore, #tpu.memory_space<semaphore_mem>>, %arg15: memref<!tpu.dma_semaphore, #tpu.memory_space<semaphore_mem>>, %arg16: memref<!tpu.dma_semaphore, #tpu.memory_space<semaphore_mem>>, %arg17: memref<!tpu.dma_semaphore, #tpu.memory_space<semaphore_mem>>, %arg18: memref<!tpu.dma_semaphore, #tpu.memory_space<semaphore_mem>>, %arg19: memref<!tpu.dma_semaphore, #tpu.memory_space<semaphore_mem>>) attributes {dimension_semantics = [#tpu.dimension_semantics<core_parallel>, #tpu.dimension_semantics<subcore_parallel>], iteration_bounds = array<i64: 2, 16>, scalar_prefetch = 0 : i64, scratch_operands = 14 : i64, tpu.core_type = #tpu.core_type<sc_vector_subcore>, window_params = [{transform_indices = #map}, {transform_indices = #map}, {transform_indices = #map1}, {transform_indices = #map}]} {
    %mul3A = arith.constant 2 : i32
    %mul3A_0 = arith.muli %arg1, %mul3A : i32
    %add3A = arith.addi %mul3A_0, %arg0 : i32
    %mul3A_1 = arith.constant 128 : i32
    %mul3A_2 = arith.muli %add3A, %mul3A_1 : i32
    %add3A_3 = arith.constant 0 : i32
    %add3A_4 = arith.addi %mul3A_2, %add3A_3 : i32
    %mul3A_5 = arith.constant 2 : i32
    %mul3A_6 = arith.muli %mul3A_5, %add3A_4 : i32
    %dma_start3A = tpu.memref_slice %arg4[%mul3A_6] : memref<8192xi32, #tpu.memory_space<hbm>> -> memref<32xi32, #tpu.memory_space<hbm>>
    %dma_start3A_7 = tpu.memref_slice %arg4[%mul3A_6] : memref<8192xi32, #tpu.memory_space<hbm>> -> memref<32xi32, #tpu.memory_space<hbm>>
    tpu.enqueue_dma source(%dma_start3A_7 : memref<32xi32, #tpu.memory_space<hbm>>) target(%arg6 : memref<32xi32, #tpu.memory_space<vmem>>) target_semaphore(%arg12 : memref<!tpu.dma_semaphore, #tpu.memory_space<semaphore_mem>>)
    %add3A_8 = arith.constant 16 : i32
    %add3A_9 = arith.addi %mul3A_2, %add3A_8 : i32
    %mul3A_10 = arith.constant 2 : i32
    %mul3A_11 = arith.muli %mul3A_10, %add3A_9 : i32
    %dma_start3A_12 = tpu.memref_slice %arg4[%mul3A_11] : memref<8192xi32, #tpu.memory_space<hbm>> -> memref<32xi32, #tpu.memory_space<hbm>>
    %dma_start3A_13 = tpu.memref_slice %arg4[%mul3A_11] : memref<8192xi32, #tpu.memory_space<hbm>> -> memref<32xi32, #tpu.memory_space<hbm>>
    tpu.enqueue_dma source(%dma_start3A_13 : memref<32xi32, #tpu.memory_space<hbm>>) target(%arg7 : memref<32xi32, #tpu.memory_space<vmem>>) target_semaphore(%arg13 : memref<!tpu.dma_semaphore, #tpu.memory_space<semaphore_mem>>)
    %dma_wait3A = tpu.memref_slice %arg4[%mul3A_6] : memref<8192xi32, #tpu.memory_space<hbm>> -> memref<32xi32, #tpu.memory_space<hbm>>
    %dma_wait3A_14 = tpu.memref_slice %arg4[%mul3A_6] : memref<8192xi32, #tpu.memory_space<hbm>> -> memref<32xi32, #tpu.memory_space<hbm>>
    tpu.wait_dma2 semaphore(%arg12 : memref<!tpu.dma_semaphore, #tpu.memory_space<semaphore_mem>>) src(%dma_wait3A_14 : memref<32xi32, #tpu.memory_space<hbm>>) dst(%arg6 : memref<32xi32, #tpu.memory_space<vmem>>)
    %dma_start3A_15 = arith.constant 0 : i32
    %dma_start3A_16 = arith.constant 0 : i32
    %dma_start3A_17 = tpu.memref_slice %arg3[%dma_start3A_15, %dma_start3A_16] : memref<10240x512xi32, #tpu.memory_space<hbm>> -> memref<10240x512xi32, #tpu.memory_space<hbm>>
    tpu.enqueue_indirect_dma source(%dma_start3A_17 : memref<10240x512xi32, #tpu.memory_space<hbm>>) target(%arg8 : memref<32x512xi32, #tpu.memory_space<vmem>>) offsets(%arg6 : memref<32xi32, #tpu.memory_space<vmem>>) semaphore(%arg14 : memref<!tpu.dma_semaphore, #tpu.memory_space<semaphore_mem>>)
    %dma_start3A_18 = arith.constant 0 : i32
    %dma_start3A_19 = tpu.memref_slice %arg2[%mul3A_2, %dma_start3A_18] : memref<4096x1024xf32, #tpu.memory_space<hbm>> -> memref<16x1024xf32, #tpu.memory_space<hbm>>
    %dma_start3A_20 = arith.constant 0 : i32
    %dma_start3A_21 = tpu.memref_slice %arg2[%mul3A_2, %dma_start3A_20] : memref<4096x1024xf32, #tpu.memory_space<hbm>> -> memref<16x1024xf32, #tpu.memory_space<hbm>>
    tpu.enqueue_dma source(%dma_start3A_21 : memref<16x1024xf32, #tpu.memory_space<hbm>>) target(%arg10 : memref<16x1024xf32, #tpu.memory_space<vmem>>) target_semaphore(%arg16 : memref<!tpu.dma_semaphore, #tpu.memory_space<semaphore_mem>>)
    %dma_wait3A_22 = tpu.memref_slice %arg4[%mul3A_11] : memref<8192xi32, #tpu.memory_space<hbm>> -> memref<32xi32, #tpu.memory_space<hbm>>
    %dma_wait3A_23 = tpu.memref_slice %arg4[%mul3A_11] : memref<8192xi32, #tpu.memory_space<hbm>> -> memref<32xi32, #tpu.memory_space<hbm>>
    tpu.wait_dma2 semaphore(%arg13 : memref<!tpu.dma_semaphore, #tpu.memory_space<semaphore_mem>>) src(%dma_wait3A_23 : memref<32xi32, #tpu.memory_space<hbm>>) dst(%arg7 : memref<32xi32, #tpu.memory_space<vmem>>)
    %dma_start3A_24 = arith.constant 0 : i32
    %dma_start3A_25 = arith.constant 0 : i32
    %dma_start3A_26 = tpu.memref_slice %arg3[%dma_start3A_24, %dma_start3A_25] : memref<10240x512xi32, #tpu.memory_space<hbm>> -> memref<10240x512xi32, #tpu.memory_space<hbm>>
    tpu.enqueue_indirect_dma source(%dma_start3A_26 : memref<10240x512xi32, #tpu.memory_space<hbm>>) target(%arg9 : memref<32x512xi32, #tpu.memory_space<vmem>>) offsets(%arg7 : memref<32xi32, #tpu.memory_space<vmem>>) semaphore(%arg15 : memref<!tpu.dma_semaphore, #tpu.memory_space<semaphore_mem>>)
    %add3A_27 = arith.constant 16 : i32
    %add3A_28 = arith.addi %mul3A_2, %add3A_27 : i32
    %dma_start3A_29 = arith.constant 0 : i32
    %dma_start3A_30 = tpu.memref_slice %arg2[%add3A_28, %dma_start3A_29] : memref<4096x1024xf32, #tpu.memory_space<hbm>> -> memref<16x1024xf32, #tpu.memory_space<hbm>>
    %dma_start3A_31 = arith.constant 0 : i32
    %dma_start3A_32 = tpu.memref_slice %arg2[%add3A_28, %dma_start3A_31] : memref<4096x1024xf32, #tpu.memory_space<hbm>> -> memref<16x1024xf32, #tpu.memory_space<hbm>>
    tpu.enqueue_dma source(%dma_start3A_32 : memref<16x1024xf32, #tpu.memory_space<hbm>>) target(%arg11 : memref<16x1024xf32, #tpu.memory_space<vmem>>) target_semaphore(%arg17 : memref<!tpu.dma_semaphore, #tpu.memory_space<semaphore_mem>>)
    %dma_wait3A_33 = arith.constant 0 : i32
    %dma_wait3A_34 = arith.constant 0 : i32
    %dma_wait3A_35 = tpu.memref_slice %arg3[%dma_wait3A_33, %dma_wait3A_34] : memref<10240x512xi32, #tpu.memory_space<hbm>> -> memref<10240x512xi32, #tpu.memory_space<hbm>>
    tpu.wait_indirect_dma semaphore(%arg14 : memref<!tpu.dma_semaphore, #tpu.memory_space<semaphore_mem>>) src(%dma_wait3A_35 : memref<10240x512xi32, #tpu.memory_space<hbm>>) dst(%arg8 : memref<32x512xi32, #tpu.memory_space<vmem>>)
    %add3A_36 = arith.constant 32 : i32
    %add3A_37 = arith.addi %mul3A_2, %add3A_36 : i32
    %mul3A_38 = arith.constant 2 : i32
    %mul3A_39 = arith.muli %mul3A_38, %add3A_37 : i32
    %dma_start3A_40 = tpu.memref_slice %arg4[%mul3A_39] : memref<8192xi32, #tpu.memory_space<hbm>> -> memref<32xi32, #tpu.memory_space<hbm>>
    %dma_start3A_41 = tpu.memref_slice %arg4[%mul3A_39] : memref<8192xi32, #tpu.memory_space<hbm>> -> memref<32xi32, #tpu.memory_space<hbm>>
    tpu.enqueue_dma source(%dma_start3A_41 : memref<32xi32, #tpu.memory_space<hbm>>) target(%arg6 : memref<32xi32, #tpu.memory_space<vmem>>) target_semaphore(%arg12 : memref<!tpu.dma_semaphore, #tpu.memory_space<semaphore_mem>>)
    %dma_wait3A_42 = arith.constant 0 : i32
    %dma_wait3A_43 = tpu.memref_slice %arg2[%mul3A_2, %dma_wait3A_42] : memref<4096x1024xf32, #tpu.memory_space<hbm>> -> memref<16x1024xf32, #tpu.memory_space<hbm>>
    %dma_wait3A_44 = arith.constant 0 : i32
    %dma_wait3A_45 = tpu.memref_slice %arg2[%mul3A_2, %dma_wait3A_44] : memref<4096x1024xf32, #tpu.memory_space<hbm>> -> memref<16x1024xf32, #tpu.memory_space<hbm>>
    tpu.wait_dma2 semaphore(%arg16 : memref<!tpu.dma_semaphore, #tpu.memory_space<semaphore_mem>>) src(%dma_wait3A_45 : memref<16x1024xf32, #tpu.memory_space<hbm>>) dst(%arg10 : memref<16x1024xf32, #tpu.memory_space<vmem>>)
    %scan3A = arith.constant 0 : i32
    %scan3A_46 = arith.constant 0 : i32
    %scan3A_47 = arith.constant 16 : i32
    %scan3A_48 = arith.addi %scan3A_46, %scan3A_47 : i32
    %scan3A_49 = arith.constant 1 : i32
    %scan3A_50 = scf.for %scan3A_326 = %scan3A_46 to %scan3A_48 step %scan3A_49 iter_args(%scan3A_327 = %scan3A) -> (i32)  : i32 {
      %scan3A_328 = arith.constant 0 : i32
      %scan3A_329 = arith.constant 0 : i32
      %scan3A_330 = arith.constant 16 : i32
      %scan3A_331 = arith.addi %scan3A_329, %scan3A_330 : i32
      %scan3A_332 = arith.constant 1 : i32
      %scan3A_333 = scf.for %scan3A_336 = %scan3A_329 to %scan3A_331 step %scan3A_332 iter_args(%scan3A_337 = %scan3A_328) -> (i32)  : i32 {
        %mul3A_338 = arith.constant 2 : i32
        %mul3A_339 = arith.muli %scan3A_336, %mul3A_338 : i32
        %add3A_340 = arith.constant 0 : i32
        %add3A_341 = arith.addi %mul3A_339, %add3A_340 : i32
        %mul3A_342 = arith.constant 16 : i32
        %mul3A_343 = arith.muli %add3A_341, %mul3A_342 : i32
        %mul3A_344 = arith.constant 16 : i32
        %mul3A_345 = arith.muli %add3A_341, %mul3A_344 : i32
        %add3A_346 = arith.constant 512 : i32
        %add3A_347 = arith.addi %add3A_346, %mul3A_345 : i32
        %mul3A_348 = arith.constant 2 : i32
        %mul3A_349 = arith.muli %mul3A_348, %scan3A_326 : i32
        %get3A = arith.index_cast %mul3A_349 : i32 to index
        %get3A_350 = arith.index_cast %mul3A_343 : i32 to index
        %get3A_351 = tpu.vector_load %arg8[%get3A, %get3A_350] {strides = array<i32>} : memref<32x512xi32, #tpu.memory_space<vmem>>, vector<1x16xi32>,
        %get3A_352 = vector.shape_cast %get3A_351 : vector<1x16xi32> to vector<16xi32>
        %bitcast_convert_type3A = tpu.bitcast %get3A_352 : vector<16xi32> -> vector<16xi32>
        %shift_left3A = arith.constant 16 : i32
        %shift_left3A_353 = vector.broadcast %shift_left3A : i32 to vector<16xi32>
        %shift_left3A_354 = arith.shli %bitcast_convert_type3A, %shift_left3A_353 : vector<16xi32>
        %bitcast_convert_type3A_355 = tpu.bitcast %shift_left3A_354 : vector<16xi32> -> vector<16xf32>
        %and3A = arith.constant -65536 : i32
        %and3A_356 = vector.broadcast %and3A : i32 to vector<16xi32>
        %and3A_357 = arith.andi %bitcast_convert_type3A, %and3A_356 : vector<16xi32>
        %bitcast_convert_type3A_358 = tpu.bitcast %and3A_357 : vector<16xi32> -> vector<16xf32>
        %mul3A_359 = arith.constant 2 : i32
        %mul3A_360 = arith.muli %mul3A_359, %scan3A_326 : i32
        %add3A_361 = arith.constant 1 : i32
        %add3A_362 = arith.addi %mul3A_360, %add3A_361 : i32
        %get3A_363 = arith.index_cast %add3A_362 : i32 to index
        %get3A_364 = arith.index_cast %mul3A_343 : i32 to index
        %get3A_365 = tpu.vector_load %arg8[%get3A_363, %get3A_364] {strides = array<i32>} : memref<32x512xi32, #tpu.memory_space<vmem>>, vector<1x16xi32>,
        %get3A_366 = vector.shape_cast %get3A_365 : vector<1x16xi32> to vector<16xi32>
        %bitcast_convert_type3A_367 = tpu.bitcast %get3A_366 : vector<16xi32> -> vector<16xi32>
        %shift_left3A_368 = arith.constant 16 : i32
        %shift_left3A_369 = vector.broadcast %shift_left3A_368 : i32 to vector<16xi32>
        %shift_left3A_370 = arith.shli %bitcast_convert_type3A_367, %shift_left3A_369 : vector<16xi32>
        %bitcast_convert_type3A_371 = tpu.bitcast %shift_left3A_370 : vector<16xi32> -> vector<16xf32>
        %and3A_372 = arith.constant -65536 : i32
        %and3A_373 = vector.broadcast %and3A_372 : i32 to vector<16xi32>
        %and3A_374 = arith.andi %bitcast_convert_type3A_367, %and3A_373 : vector<16xi32>
        %bitcast_convert_type3A_375 = tpu.bitcast %and3A_374 : vector<16xi32> -> vector<16xf32>
        %get3A_376 = arith.index_cast %scan3A_326 : i32 to index
        %get3A_377 = arith.index_cast %mul3A_343 : i32 to index
        %get3A_378 = tpu.vector_load %arg10[%get3A_376, %get3A_377] {strides = array<i32>} : memref<16x1024xf32, #tpu.memory_space<vmem>>, vector<1x16xf32>,
        %get3A_379 = vector.shape_cast %get3A_378 : vector<1x16xf32> to vector<16xf32>
        %add3A_380 = arith.addf %bitcast_convert_type3A_355, %bitcast_convert_type3A_371 : vector<16xf32>
        %add3A_381 = arith.addf %get3A_379, %add3A_380 : vector<16xf32>
        %swap3A = arith.index_cast %scan3A_326 : i32 to index
        %swap3A_382 = arith.index_cast %mul3A_343 : i32 to index
        %swap3A_383 = tpu.vector_load %arg10[%swap3A, %swap3A_382] {strides = array<i32>} : memref<16x1024xf32, #tpu.memory_space<vmem>>, vector<1x16xf32>,
        %swap3A_384 = vector.shape_cast %swap3A_383 : vector<1x16xf32> to vector<16xf32>
        %swap3A_385 = vector.shape_cast %add3A_381 : vector<16xf32> to vector<1x16xf32>
        tpu.vector_store %arg10[%swap3A, %swap3A_382], %swap3A_385 {strides = array<i32>} : memref<16x1024xf32, #tpu.memory_space<vmem>>, vector<1x16xf32>,
        %get3A_386 = arith.index_cast %scan3A_326 : i32 to index
        %get3A_387 = arith.index_cast %add3A_347 : i32 to index
        %get3A_388 = tpu.vector_load %arg10[%get3A_386, %get3A_387] {strides = array<i32>} : memref<16x1024xf32, #tpu.memory_space<vmem>>, vector<1x16xf32>,
        %get3A_389 = vector.shape_cast %get3A_388 : vector<1x16xf32> to vector<16xf32>
        %add3A_390 = arith.addf %bitcast_convert_type3A_358, %bitcast_convert_type3A_375 : vector<16xf32>
        %add3A_391 = arith.addf %get3A_389, %add3A_390 : vector<16xf32>
        %swap3A_392 = arith.index_cast %scan3A_326 : i32 to index
        %swap3A_393 = arith.index_cast %add3A_347 : i32 to index
        %swap3A_394 = tpu.vector_load %arg10[%swap3A_392, %swap3A_393] {strides = array<i32>} : memref<16x1024xf32, #tpu.memory_space<vmem>>, vector<1x16xf32>,
        %swap3A_395 = vector.shape_cast %swap3A_394 : vector<1x16xf32> to vector<16xf32>
        %swap3A_396 = vector.shape_cast %add3A_391 : vector<16xf32> to vector<1x16xf32>
        tpu.vector_store %arg10[%swap3A_392, %swap3A_393], %swap3A_396 {strides = array<i32>} : memref<16x1024xf32, #tpu.memory_space<vmem>>, vector<1x16xf32>,
        %mul3A_397 = arith.constant 2 : i32
        %mul3A_398 = arith.muli %scan3A_336, %mul3A_397 : i32
        %add3A_399 = arith.constant 1 : i32
        %add3A_400 = arith.addi %mul3A_398, %add3A_399 : i32
        %mul3A_401 = arith.constant 16 : i32
        %mul3A_402 = arith.muli %add3A_400, %mul3A_401 : i32
        %mul3A_403 = arith.constant 16 : i32
        %mul3A_404 = arith.muli %add3A_400, %mul3A_403 : i32
        %add3A_405 = arith.constant 512 : i32
        %add3A_406 = arith.addi %add3A_405, %mul3A_404 : i32
        %mul3A_407 = arith.constant 2 : i32
        %mul3A_408 = arith.muli %mul3A_407, %scan3A_326 : i32
        %get3A_409 = arith.index_cast %mul3A_408 : i32 to index
        %get3A_410 = arith.index_cast %mul3A_402 : i32 to index
        %get3A_411 = tpu.vector_load %arg8[%get3A_409, %get3A_410] {strides = array<i32>} : memref<32x512xi32, #tpu.memory_space<vmem>>, vector<1x16xi32>,
        %get3A_412 = vector.shape_cast %get3A_411 : vector<1x16xi32> to vector<16xi32>
        %bitcast_convert_type3A_413 = tpu.bitcast %get3A_412 : vector<16xi32> -> vector<16xi32>
        %shift_left3A_414 = arith.constant 16 : i32
        %shift_left3A_415 = vector.broadcast %shift_left3A_414 : i32 to vector<16xi32>
        %shift_left3A_416 = arith.shli %bitcast_convert_type3A_413, %shift_left3A_415 : vector<16xi32>
        %bitcast_convert_type3A_417 = tpu.bitcast %shift_left3A_416 : vector<16xi32> -> vector<16xf32>
        %and3A_418 = arith.constant -65536 : i32
        %and3A_419 = vector.broadcast %and3A_418 : i32 to vector<16xi32>
        %and3A_420 = arith.andi %bitcast_convert_type3A_413, %and3A_419 : vector<16xi32>
        %bitcast_convert_type3A_421 = tpu.bitcast %and3A_420 : vector<16xi32> -> vector<16xf32>
        %mul3A_422 = arith.constant 2 : i32
        %mul3A_423 = arith.muli %mul3A_422, %scan3A_326 : i32
        %add3A_424 = arith.constant 1 : i32
        %add3A_425 = arith.addi %mul3A_423, %add3A_424 : i32
        %get3A_426 = arith.index_cast %add3A_425 : i32 to index
        %get3A_427 = arith.index_cast %mul3A_402 : i32 to index
        %get3A_428 = tpu.vector_load %arg8[%get3A_426, %get3A_427] {strides = array<i32>} : memref<32x512xi32, #tpu.memory_space<vmem>>, vector<1x16xi32>,
        %get3A_429 = vector.shape_cast %get3A_428 : vector<1x16xi32> to vector<16xi32>
        %bitcast_convert_type3A_430 = tpu.bitcast %get3A_429 : vector<16xi32> -> vector<16xi32>
        %shift_left3A_431 = arith.constant 16 : i32
        %shift_left3A_432 = vector.broadcast %shift_left3A_431 : i32 to vector<16xi32>
        %shift_left3A_433 = arith.shli %bitcast_convert_type3A_430, %shift_left3A_432 : vector<16xi32>
        %bitcast_convert_type3A_434 = tpu.bitcast %shift_left3A_433 : vector<16xi32> -> vector<16xf32>
        %and3A_435 = arith.constant -65536 : i32
        %and3A_436 = vector.broadcast %and3A_435 : i32 to vector<16xi32>
        %and3A_437 = arith.andi %bitcast_convert_type3A_430, %and3A_436 : vector<16xi32>
        %bitcast_convert_type3A_438 = tpu.bitcast %and3A_437 : vector<16xi32> -> vector<16xf32>
        %get3A_439 = arith.index_cast %scan3A_326 : i32 to index
        %get3A_440 = arith.index_cast %mul3A_402 : i32 to index
        %get3A_441 = tpu.vector_load %arg10[%get3A_439, %get3A_440] {strides = array<i32>} : memref<16x1024xf32, #tpu.memory_space<vmem>>, vector<1x16xf32>,
        %get3A_442 = vector.shape_cast %get3A_441 : vector<1x16xf32> to vector<16xf32>
        %add3A_443 = arith.addf %bitcast_convert_type3A_417, %bitcast_convert_type3A_434 : vector<16xf32>
        %add3A_444 = arith.addf %get3A_442, %add3A_443 : vector<16xf32>
        %swap3A_445 = arith.index_cast %scan3A_326 : i32 to index
        %swap3A_446 = arith.index_cast %mul3A_402 : i32 to index
        %swap3A_447 = tpu.vector_load %arg10[%swap3A_445, %swap3A_446] {strides = array<i32>} : memref<16x1024xf32, #tpu.memory_space<vmem>>, vector<1x16xf32>,
        %swap3A_448 = vector.shape_cast %swap3A_447 : vector<1x16xf32> to vector<16xf32>
        %swap3A_449 = vector.shape_cast %add3A_444 : vector<16xf32> to vector<1x16xf32>
        tpu.vector_store %arg10[%swap3A_445, %swap3A_446], %swap3A_449 {strides = array<i32>} : memref<16x1024xf32, #tpu.memory_space<vmem>>, vector<1x16xf32>,
        %get3A_450 = arith.index_cast %scan3A_326 : i32 to index
        %get3A_451 = arith.index_cast %add3A_406 : i32 to index
        %get3A_452 = tpu.vector_load %arg10[%get3A_450, %get3A_451] {strides = array<i32>} : memref<16x1024xf32, #tpu.memory_space<vmem>>, vector<1x16xf32>,
        %get3A_453 = vector.shape_cast %get3A_452 : vector<1x16xf32> to vector<16xf32>
        %add3A_454 = arith.addf %bitcast_convert_type3A_421, %bitcast_convert_type3A_438 : vector<16xf32>
        %add3A_455 = arith.addf %get3A_453, %add3A_454 : vector<16xf32>
        %swap3A_456 = arith.index_cast %scan3A_326 : i32 to index
        %swap3A_457 = arith.index_cast %add3A_406 : i32 to index
        %swap3A_458 = tpu.vector_load %arg10[%swap3A_456, %swap3A_457] {strides = array<i32>} : memref<16x1024xf32, #tpu.memory_space<vmem>>, vector<1x16xf32>,
        %swap3A_459 = vector.shape_cast %swap3A_458 : vector<1x16xf32> to vector<16xf32>
        %swap3A_460 = vector.shape_cast %add3A_455 : vector<16xf32> to vector<1x16xf32>
        tpu.vector_store %arg10[%swap3A_456, %swap3A_457], %swap3A_460 {strides = array<i32>} : memref<16x1024xf32, #tpu.memory_space<vmem>>, vector<1x16xf32>,
        %scan3A_461 = arith.constant 0 : i32
        scf.yield %scan3A_461 : i32
      }
      %scan3A_334 = arith.constant 16 : i32
      %scan3A_335 = arith.constant 0 : i32
      scf.yield %scan3A_335 : i32
    }
    %scan3A_51 = arith.constant 16 : i32
    %add3A_52 = arith.constant 0 : i32
    %add3A_53 = arith.addi %mul3A_2, %add3A_52 : i32
    %dma_start3A_54 = arith.constant 0 : i32
    %dma_start3A_55 = tpu.memref_slice %arg5[%add3A_53, %dma_start3A_54] : memref<4096x1024xf32, #tpu.memory_space<hbm>> -> memref<16x1024xf32, #tpu.memory_space<hbm>>
    %dma_start3A_56 = arith.constant 0 : i32
    %dma_start3A_57 = tpu.memref_slice %arg5[%add3A_53, %dma_start3A_56] : memref<4096x1024xf32, #tpu.memory_space<hbm>> -> memref<16x1024xf32, #tpu.memory_space<hbm>>
    tpu.enqueue_dma source(%arg10 : memref<16x1024xf32, #tpu.memory_space<vmem>>) target(%dma_start3A_57 : memref<16x1024xf32, #tpu.memory_space<hbm>>) target_semaphore(%arg18 : memref<!tpu.dma_semaphore, #tpu.memory_space<semaphore_mem>>)
    %dma_wait3A_58 = tpu.memref_slice %arg4[%mul3A_39] : memref<8192xi32, #tpu.memory_space<hbm>> -> memref<32xi32, #tpu.memory_space<hbm>>
    %dma_wait3A_59 = tpu.memref_slice %arg4[%mul3A_39] : memref<8192xi32, #tpu.memory_space<hbm>> -> memref<32xi32, #tpu.memory_space<hbm>>
    tpu.wait_dma2 semaphore(%arg12 : memref<!tpu.dma_semaphore, #tpu.memory_space<semaphore_mem>>) src(%dma_wait3A_59 : memref<32xi32, #tpu.memory_space<hbm>>) dst(%arg6 : memref<32xi32, #tpu.memory_space<vmem>>)
    %dma_wait3A_60 = arith.constant 0 : i32
    %dma_wait3A_61 = tpu.memref_slice %arg5[%add3A_53, %dma_wait3A_60] : memref<4096x1024xf32, #tpu.memory_space<hbm>> -> memref<16x1024xf32, #tpu.memory_space<hbm>>
    %dma_wait3A_62 = arith.constant 0 : i32
    %dma_wait3A_63 = tpu.memref_slice %arg5[%add3A_53, %dma_wait3A_62] : memref<4096x1024xf32, #tpu.memory_space<hbm>> -> memref<16x1024xf32, #tpu.memory_space<hbm>>
    tpu.wait_dma2 semaphore(%arg18 : memref<!tpu.dma_semaphore, #tpu.memory_space<semaphore_mem>>) src(%arg10 : memref<16x1024xf32, #tpu.memory_space<vmem>>) dst(%dma_wait3A_63 : memref<16x1024xf32, #tpu.memory_space<hbm>>)
    %dma_start3A_64 = arith.constant 0 : i32
    %dma_start3A_65 = arith.constant 0 : i32
    %dma_start3A_66 = tpu.memref_slice %arg3[%dma_start3A_64, %dma_start3A_65] : memref<10240x512xi32, #tpu.memory_space<hbm>> -> memref<10240x512xi32, #tpu.memory_space<hbm>>
    tpu.enqueue_indirect_dma source(%dma_start3A_66 : memref<10240x512xi32, #tpu.memory_space<hbm>>) target(%arg8 : memref<32x512xi32, #tpu.memory_space<vmem>>) offsets(%arg6 : memref<32xi32, #tpu.memory_space<vmem>>) semaphore(%arg14 : memref<!tpu.dma_semaphore, #tpu.memory_space<semaphore_mem>>)
    %add3A_67 = arith.constant 32 : i32
    %add3A_68 = arith.addi %mul3A_2, %add3A_67 : i32
    %dma_start3A_69 = arith.constant 0 : i32
    %dma_start3A_70 = tpu.memref_slice %arg2[%add3A_68, %dma_start3A_69] : memref<4096x1024xf32, #tpu.memory_space<hbm>> -> memref<16x1024xf32, #tpu.memory_space<hbm>>
    %dma_start3A_71 = arith.constant 0 : i32
    %dma_start3A_72 = tpu.memref_slice %arg2[%add3A_68, %dma_start3A_71] : memref<4096x1024xf32, #tpu.memory_space<hbm>> -> memref<16x1024xf32, #tpu.memory_space<hbm>>
    tpu.enqueue_dma source(%dma_start3A_72 : memref<16x1024xf32, #tpu.memory_space<hbm>>) target(%arg10 : memref<16x1024xf32, #tpu.memory_space<vmem>>) target_semaphore(%arg16 : memref<!tpu.dma_semaphore, #tpu.memory_space<semaphore_mem>>)
    %dma_wait3A_73 = arith.constant 0 : i32
    %dma_wait3A_74 = arith.constant 0 : i32
    %dma_wait3A_75 = tpu.memref_slice %arg3[%dma_wait3A_73, %dma_wait3A_74] : memref<10240x512xi32, #tpu.memory_space<hbm>> -> memref<10240x512xi32, #tpu.memory_space<hbm>>
    tpu.wait_indirect_dma semaphore(%arg15 : memref<!tpu.dma_semaphore, #tpu.memory_space<semaphore_mem>>) src(%dma_wait3A_75 : memref<10240x512xi32, #tpu.memory_space<hbm>>) dst(%arg9 : memref<32x512xi32, #tpu.memory_space<vmem>>)
    %add3A_76 = arith.constant 48 : i32
    %add3A_77 = arith.addi %mul3A_2, %add3A_76 : i32
    %mul3A_78 = arith.constant 2 : i32
    %mul3A_79 = arith.muli %mul3A_78, %add3A_77 : i32
    %dma_start3A_80 = tpu.memref_slice %arg4[%mul3A_79] : memref<8192xi32, #tpu.memory_space<hbm>> -> memref<32xi32, #tpu.memory_space<hbm>>
    %dma_start3A_81 = tpu.memref_slice %arg4[%mul3A_79] : memref<8192xi32, #tpu.memory_space<hbm>> -> memref<32xi32, #tpu.memory_space<hbm>>
    tpu.enqueue_dma source(%dma_start3A_81 : memref<32xi32, #tpu.memory_space<hbm>>) target(%arg7 : memref<32xi32, #tpu.memory_space<vmem>>) target_semaphore(%arg13 : memref<!tpu.dma_semaphore, #tpu.memory_space<semaphore_mem>>)
    %dma_wait3A_82 = arith.constant 0 : i32
    %dma_wait3A_83 = tpu.memref_slice %arg2[%add3A_28, %dma_wait3A_82] : memref<4096x1024xf32, #tpu.memory_space<hbm>> -> memref<16x1024xf32, #tpu.memory_space<hbm>>
    %dma_wait3A_84 = arith.constant 0 : i32
    %dma_wait3A_85 = tpu.memref_slice %arg2[%add3A_28, %dma_wait3A_84] : memref<4096x1024xf32, #tpu.memory_space<hbm>> -> memref<16x1024xf32, #tpu.memory_space<hbm>>
    tpu.wait_dma2 semaphore(%arg17 : memref<!tpu.dma_semaphore, #tpu.memory_space<semaphore_mem>>) src(%dma_wait3A_85 : memref<16x1024xf32, #tpu.memory_space<hbm>>) dst(%arg11 : memref<16x1024xf32, #tpu.memory_space<vmem>>)
    %scan3A_86 = arith.constant 0 : i32
    %scan3A_87 = arith.constant 0 : i32
    %scan3A_88 = arith.constant 16 : i32
    %scan3A_89 = arith.addi %scan3A_87, %scan3A_88 : i32
    %scan3A_90 = arith.constant 1 : i32
    %scan3A_91 = scf.for %scan3A_326 = %scan3A_87 to %scan3A_89 step %scan3A_90 iter_args(%scan3A_327 = %scan3A_86) -> (i32)  : i32 {
      %scan3A_328 = arith.constant 0 : i32
      %scan3A_329 = arith.constant 0 : i32
      %scan3A_330 = arith.constant 16 : i32
      %scan3A_331 = arith.addi %scan3A_329, %scan3A_330 : i32
      %scan3A_332 = arith.constant 1 : i32
      %scan3A_333 = scf.for %scan3A_336 = %scan3A_329 to %scan3A_331 step %scan3A_332 iter_args(%scan3A_337 = %scan3A_328) -> (i32)  : i32 {
        %mul3A_338 = arith.constant 2 : i32
        %mul3A_339 = arith.muli %scan3A_336, %mul3A_338 : i32
        %add3A_340 = arith.constant 0 : i32
        %add3A_341 = arith.addi %mul3A_339, %add3A_340 : i32
        %mul3A_342 = arith.constant 16 : i32
        %mul3A_343 = arith.muli %add3A_341, %mul3A_342 : i32
        %mul3A_344 = arith.constant 16 : i32
        %mul3A_345 = arith.muli %add3A_341, %mul3A_344 : i32
        %add3A_346 = arith.constant 512 : i32
        %add3A_347 = arith.addi %add3A_346, %mul3A_345 : i32
        %mul3A_348 = arith.constant 2 : i32
        %mul3A_349 = arith.muli %mul3A_348, %scan3A_326 : i32
        %get3A = arith.index_cast %mul3A_349 : i32 to index
        %get3A_350 = arith.index_cast %mul3A_343 : i32 to index
        %get3A_351 = tpu.vector_load %arg9[%get3A, %get3A_350] {strides = array<i32>} : memref<32x512xi32, #tpu.memory_space<vmem>>, vector<1x16xi32>,
        %get3A_352 = vector.shape_cast %get3A_351 : vector<1x16xi32> to vector<16xi32>
        %bitcast_convert_type3A = tpu.bitcast %get3A_352 : vector<16xi32> -> vector<16xi32>
        %shift_left3A = arith.constant 16 : i32
        %shift_left3A_353 = vector.broadcast %shift_left3A : i32 to vector<16xi32>
        %shift_left3A_354 = arith.shli %bitcast_convert_type3A, %shift_left3A_353 : vector<16xi32>
        %bitcast_convert_type3A_355 = tpu.bitcast %shift_left3A_354 : vector<16xi32> -> vector<16xf32>
        %and3A = arith.constant -65536 : i32
        %and3A_356 = vector.broadcast %and3A : i32 to vector<16xi32>
        %and3A_357 = arith.andi %bitcast_convert_type3A, %and3A_356 : vector<16xi32>
        %bitcast_convert_type3A_358 = tpu.bitcast %and3A_357 : vector<16xi32> -> vector<16xf32>
        %mul3A_359 = arith.constant 2 : i32
        %mul3A_360 = arith.muli %mul3A_359, %scan3A_326 : i32
        %add3A_361 = arith.constant 1 : i32
        %add3A_362 = arith.addi %mul3A_360, %add3A_361 : i32
        %get3A_363 = arith.index_cast %add3A_362 : i32 to index
        %get3A_364 = arith.index_cast %mul3A_343 : i32 to index
        %get3A_365 = tpu.vector_load %arg9[%get3A_363, %get3A_364] {strides = array<i32>} : memref<32x512xi32, #tpu.memory_space<vmem>>, vector<1x16xi32>,
        %get3A_366 = vector.shape_cast %get3A_365 : vector<1x16xi32> to vector<16xi32>
        %bitcast_convert_type3A_367 = tpu.bitcast %get3A_366 : vector<16xi32> -> vector<16xi32>
        %shift_left3A_368 = arith.constant 16 : i32
        %shift_left3A_369 = vector.broadcast %shift_left3A_368 : i32 to vector<16xi32>
        %shift_left3A_370 = arith.shli %bitcast_convert_type3A_367, %shift_left3A_369 : vector<16xi32>
        %bitcast_convert_type3A_371 = tpu.bitcast %shift_left3A_370 : vector<16xi32> -> vector<16xf32>
        %and3A_372 = arith.constant -65536 : i32
        %and3A_373 = vector.broadcast %and3A_372 : i32 to vector<16xi32>
        %and3A_374 = arith.andi %bitcast_convert_type3A_367, %and3A_373 : vector<16xi32>
        %bitcast_convert_type3A_375 = tpu.bitcast %and3A_374 : vector<16xi32> -> vector<16xf32>
        %get3A_376 = arith.index_cast %scan3A_326 : i32 to index
        %get3A_377 = arith.index_cast %mul3A_343 : i32 to index
        %get3A_378 = tpu.vector_load %arg11[%get3A_376, %get3A_377] {strides = array<i32>} : memref<16x1024xf32, #tpu.memory_space<vmem>>, vector<1x16xf32>,
        %get3A_379 = vector.shape_cast %get3A_378 : vector<1x16xf32> to vector<16xf32>
        %add3A_380 = arith.addf %bitcast_convert_type3A_355, %bitcast_convert_type3A_371 : vector<16xf32>
        %add3A_381 = arith.addf %get3A_379, %add3A_380 : vector<16xf32>
        %swap3A = arith.index_cast %scan3A_326 : i32 to index
        %swap3A_382 = arith.index_cast %mul3A_343 : i32 to index
        %swap3A_383 = tpu.vector_load %arg11[%swap3A, %swap3A_382] {strides = array<i32>} : memref<16x1024xf32, #tpu.memory_space<vmem>>, vector<1x16xf32>,
        %swap3A_384 = vector.shape_cast %swap3A_383 : vector<1x16xf32> to vector<16xf32>
        %swap3A_385 = vector.shape_cast %add3A_381 : vector<16xf32> to vector<1x16xf32>
        tpu.vector_store %arg11[%swap3A, %swap3A_382], %swap3A_385 {strides = array<i32>} : memref<16x1024xf32, #tpu.memory_space<vmem>>, vector<1x16xf32>,
        %get3A_386 = arith.index_cast %scan3A_326 : i32 to index
        %get3A_387 = arith.index_cast %add3A_347 : i32 to index
        %get3A_388 = tpu.vector_load %arg11[%get3A_386, %get3A_387] {strides = array<i32>} : memref<16x1024xf32, #tpu.memory_space<vmem>>, vector<1x16xf32>,
        %get3A_389 = vector.shape_cast %get3A_388 : vector<1x16xf32> to vector<16xf32>
        %add3A_390 = arith.addf %bitcast_convert_type3A_358, %bitcast_convert_type3A_375 : vector<16xf32>
        %add3A_391 = arith.addf %get3A_389, %add3A_390 : vector<16xf32>
        %swap3A_392 = arith.index_cast %scan3A_326 : i32 to index
        %swap3A_393 = arith.index_cast %add3A_347 : i32 to index
        %swap3A_394 = tpu.vector_load %arg11[%swap3A_392, %swap3A_393] {strides = array<i32>} : memref<16x1024xf32, #tpu.memory_space<vmem>>, vector<1x16xf32>,
        %swap3A_395 = vector.shape_cast %swap3A_394 : vector<1x16xf32> to vector<16xf32>
        %swap3A_396 = vector.shape_cast %add3A_391 : vector<16xf32> to vector<1x16xf32>
        tpu.vector_store %arg11[%swap3A_392, %swap3A_393], %swap3A_396 {strides = array<i32>} : memref<16x1024xf32, #tpu.memory_space<vmem>>, vector<1x16xf32>,
        %mul3A_397 = arith.constant 2 : i32
        %mul3A_398 = arith.muli %scan3A_336, %mul3A_397 : i32
        %add3A_399 = arith.constant 1 : i32
        %add3A_400 = arith.addi %mul3A_398, %add3A_399 : i32
        %mul3A_401 = arith.constant 16 : i32
        %mul3A_402 = arith.muli %add3A_400, %mul3A_401 : i32
        %mul3A_403 = arith.constant 16 : i32
        %mul3A_404 = arith.muli %add3A_400, %mul3A_403 : i32
        %add3A_405 = arith.constant 512 : i32
        %add3A_406 = arith.addi %add3A_405, %mul3A_404 : i32
        %mul3A_407 = arith.constant 2 : i32
        %mul3A_408 = arith.muli %mul3A_407, %scan3A_326 : i32
        %get3A_409 = arith.index_cast %mul3A_408 : i32 to index
        %get3A_410 = arith.index_cast %mul3A_402 : i32 to index
        %get3A_411 = tpu.vector_load %arg9[%get3A_409, %get3A_410] {strides = array<i32>} : memref<32x512xi32, #tpu.memory_space<vmem>>, vector<1x16xi32>,
        %get3A_412 = vector.shape_cast %get3A_411 : vector<1x16xi32> to vector<16xi32>
        %bitcast_convert_type3A_413 = tpu.bitcast %get3A_412 : vector<16xi32> -> vector<16xi32>
        %shift_left3A_414 = arith.constant 16 : i32
        %shift_left3A_415 = vector.broadcast %shift_left3A_414 : i32 to vector<16xi32>
        %shift_left3A_416 = arith.shli %bitcast_convert_type3A_413, %shift_left3A_415 : vector<16xi32>
        %bitcast_convert_type3A_417 = tpu.bitcast %shift_left3A_416 : vector<16xi32> -> vector<16xf32>
        %and3A_418 = arith.constant -65536 : i32
        %and3A_419 = vector.broadcast %and3A_418 : i32 to vector<16xi32>
        %and3A_420 = arith.andi %bitcast_convert_type3A_413, %and3A_419 : vector<16xi32>
        %bitcast_convert_type3A_421 = tpu.bitcast %and3A_420 : vector<16xi32> -> vector<16xf32>
        %mul3A_422 = arith.constant 2 : i32
        %mul3A_423 = arith.muli %mul3A_422, %scan3A_326 : i32
        %add3A_424 = arith.constant 1 : i32
        %add3A_425 = arith.addi %mul3A_423, %add3A_424 : i32
        %get3A_426 = arith.index_cast %add3A_425 : i32 to index
        %get3A_427 = arith.index_cast %mul3A_402 : i32 to index
        %get3A_428 = tpu.vector_load %arg9[%get3A_426, %get3A_427] {strides = array<i32>} : memref<32x512xi32, #tpu.memory_space<vmem>>, vector<1x16xi32>,
        %get3A_429 = vector.shape_cast %get3A_428 : vector<1x16xi32> to vector<16xi32>
        %bitcast_convert_type3A_430 = tpu.bitcast %get3A_429 : vector<16xi32> -> vector<16xi32>
        %shift_left3A_431 = arith.constant 16 : i32
        %shift_left3A_432 = vector.broadcast %shift_left3A_431 : i32 to vector<16xi32>
        %shift_left3A_433 = arith.shli %bitcast_convert_type3A_430, %shift_left3A_432 : vector<16xi32>
        %bitcast_convert_type3A_434 = tpu.bitcast %shift_left3A_433 : vector<16xi32> -> vector<16xf32>
        %and3A_435 = arith.constant -65536 : i32
        %and3A_436 = vector.broadcast %and3A_435 : i32 to vector<16xi32>
        %and3A_437 = arith.andi %bitcast_convert_type3A_430, %and3A_436 : vector<16xi32>
        %bitcast_convert_type3A_438 = tpu.bitcast %and3A_437 : vector<16xi32> -> vector<16xf32>
        %get3A_439 = arith.index_cast %scan3A_326 : i32 to index
        %get3A_440 = arith.index_cast %mul3A_402 : i32 to index
        %get3A_441 = tpu.vector_load %arg11[%get3A_439, %get3A_440] {strides = array<i32>} : memref<16x1024xf32, #tpu.memory_space<vmem>>, vector<1x16xf32>,
        %get3A_442 = vector.shape_cast %get3A_441 : vector<1x16xf32> to vector<16xf32>
        %add3A_443 = arith.addf %bitcast_convert_type3A_417, %bitcast_convert_type3A_434 : vector<16xf32>
        %add3A_444 = arith.addf %get3A_442, %add3A_443 : vector<16xf32>
        %swap3A_445 = arith.index_cast %scan3A_326 : i32 to index
        %swap3A_446 = arith.index_cast %mul3A_402 : i32 to index
        %swap3A_447 = tpu.vector_load %arg11[%swap3A_445, %swap3A_446] {strides = array<i32>} : memref<16x1024xf32, #tpu.memory_space<vmem>>, vector<1x16xf32>,
        %swap3A_448 = vector.shape_cast %swap3A_447 : vector<1x16xf32> to vector<16xf32>
        %swap3A_449 = vector.shape_cast %add3A_444 : vector<16xf32> to vector<1x16xf32>
        tpu.vector_store %arg11[%swap3A_445, %swap3A_446], %swap3A_449 {strides = array<i32>} : memref<16x1024xf32, #tpu.memory_space<vmem>>, vector<1x16xf32>,
        %get3A_450 = arith.index_cast %scan3A_326 : i32 to index
        %get3A_451 = arith.index_cast %add3A_406 : i32 to index
        %get3A_452 = tpu.vector_load %arg11[%get3A_450, %get3A_451] {strides = array<i32>} : memref<16x1024xf32, #tpu.memory_space<vmem>>, vector<1x16xf32>,
        %get3A_453 = vector.shape_cast %get3A_452 : vector<1x16xf32> to vector<16xf32>
        %add3A_454 = arith.addf %bitcast_convert_type3A_421, %bitcast_convert_type3A_438 : vector<16xf32>
        %add3A_455 = arith.addf %get3A_453, %add3A_454 : vector<16xf32>
        %swap3A_456 = arith.index_cast %scan3A_326 : i32 to index
        %swap3A_457 = arith.index_cast %add3A_406 : i32 to index
        %swap3A_458 = tpu.vector_load %arg11[%swap3A_456, %swap3A_457] {strides = array<i32>} : memref<16x1024xf32, #tpu.memory_space<vmem>>, vector<1x16xf32>,
        %swap3A_459 = vector.shape_cast %swap3A_458 : vector<1x16xf32> to vector<16xf32>
        %swap3A_460 = vector.shape_cast %add3A_455 : vector<16xf32> to vector<1x16xf32>
        tpu.vector_store %arg11[%swap3A_456, %swap3A_457], %swap3A_460 {strides = array<i32>} : memref<16x1024xf32, #tpu.memory_space<vmem>>, vector<1x16xf32>,
        %scan3A_461 = arith.constant 0 : i32
        scf.yield %scan3A_461 : i32
      }
      %scan3A_334 = arith.constant 16 : i32
      %scan3A_335 = arith.constant 0 : i32
      scf.yield %scan3A_335 : i32
    }
    %scan3A_92 = arith.constant 16 : i32
    %add3A_93 = arith.constant 16 : i32
    %add3A_94 = arith.addi %mul3A_2, %add3A_93 : i32
    %dma_start3A_95 = arith.constant 0 : i32
    %dma_start3A_96 = tpu.memref_slice %arg5[%add3A_94, %dma_start3A_95] : memref<4096x1024xf32, #tpu.memory_space<hbm>> -> memref<16x1024xf32, #tpu.memory_space<hbm>>
    %dma_start3A_97 = arith.constant 0 : i32
    %dma_start3A_98 = tpu.memref_slice %arg5[%add3A_94, %dma_start3A_97] : memref<4096x1024xf32, #tpu.memory_space<hbm>> -> memref<16x1024xf32, #tpu.memory_space<hbm>>
    tpu.enqueue_dma source(%arg11 : memref<16x1024xf32, #tpu.memory_space<vmem>>) target(%dma_start3A_98 : memref<16x1024xf32, #tpu.memory_space<hbm>>) target_semaphore(%arg19 : memref<!tpu.dma_semaphore, #tpu.memory_space<semaphore_mem>>)
    %dma_wait3A_99 = tpu.memref_slice %arg4[%mul3A_79] : memref<8192xi32, #tpu.memory_space<hbm>> -> memref<32xi32, #tpu.memory_space<hbm>>
    %dma_wait3A_100 = tpu.memref_slice %arg4[%mul3A_79] : memref<8192xi32, #tpu.memory_space<hbm>> -> memref<32xi32, #tpu.memory_space<hbm>>
    tpu.wait_dma2 semaphore(%arg13 : memref<!tpu.dma_semaphore, #tpu.memory_space<semaphore_mem>>) src(%dma_wait3A_100 : memref<32xi32, #tpu.memory_space<hbm>>) dst(%arg7 : memref<32xi32, #tpu.memory_space<vmem>>)
    %dma_wait3A_101 = arith.constant 0 : i32
    %dma_wait3A_102 = tpu.memref_slice %arg5[%add3A_94, %dma_wait3A_101] : memref<4096x1024xf32, #tpu.memory_space<hbm>> -> memref<16x1024xf32, #tpu.memory_space<hbm>>
    %dma_wait3A_103 = arith.constant 0 : i32
    %dma_wait3A_104 = tpu.memref_slice %arg5[%add3A_94, %dma_wait3A_103] : memref<4096x1024xf32, #tpu.memory_space<hbm>> -> memref<16x1024xf32, #tpu.memory_space<hbm>>
    tpu.wait_dma2 semaphore(%arg19 : memref<!tpu.dma_semaphore, #tpu.memory_space<semaphore_mem>>) src(%arg11 : memref<16x1024xf32, #tpu.memory_space<vmem>>) dst(%dma_wait3A_104 : memref<16x1024xf32, #tpu.memory_space<hbm>>)
    %dma_start3A_105 = arith.constant 0 : i32
    %dma_start3A_106 = arith.constant 0 : i32
    %dma_start3A_107 = tpu.memref_slice %arg3[%dma_start3A_105, %dma_start3A_106] : memref<10240x512xi32, #tpu.memory_space<hbm>> -> memref<10240x512xi32, #tpu.memory_space<hbm>>
    tpu.enqueue_indirect_dma source(%dma_start3A_107 : memref<10240x512xi32, #tpu.memory_space<hbm>>) target(%arg9 : memref<32x512xi32, #tpu.memory_space<vmem>>) offsets(%arg7 : memref<32xi32, #tpu.memory_space<vmem>>) semaphore(%arg15 : memref<!tpu.dma_semaphore, #tpu.memory_space<semaphore_mem>>)
    %add3A_108 = arith.constant 48 : i32
    %add3A_109 = arith.addi %mul3A_2, %add3A_108 : i32
    %dma_start3A_110 = arith.constant 0 : i32
    %dma_start3A_111 = tpu.memref_slice %arg2[%add3A_109, %dma_start3A_110] : memref<4096x1024xf32, #tpu.memory_space<hbm>> -> memref<16x1024xf32, #tpu.memory_space<hbm>>
    %dma_start3A_112 = arith.constant 0 : i32
    %dma_start3A_113 = tpu.memref_slice %arg2[%add3A_109, %dma_start3A_112] : memref<4096x1024xf32, #tpu.memory_space<hbm>> -> memref<16x1024xf32, #tpu.memory_space<hbm>>
    tpu.enqueue_dma source(%dma_start3A_113 : memref<16x1024xf32, #tpu.memory_space<hbm>>) target(%arg11 : memref<16x1024xf32, #tpu.memory_space<vmem>>) target_semaphore(%arg17 : memref<!tpu.dma_semaphore, #tpu.memory_space<semaphore_mem>>)
    %dma_wait3A_114 = arith.constant 0 : i32
    %dma_wait3A_115 = arith.constant 0 : i32
    %dma_wait3A_116 = tpu.memref_slice %arg3[%dma_wait3A_114, %dma_wait3A_115] : memref<10240x512xi32, #tpu.memory_space<hbm>> -> memref<10240x512xi32, #tpu.memory_space<hbm>>
    tpu.wait_indirect_dma semaphore(%arg14 : memref<!tpu.dma_semaphore, #tpu.memory_space<semaphore_mem>>) src(%dma_wait3A_116 : memref<10240x512xi32, #tpu.memory_space<hbm>>) dst(%arg8 : memref<32x512xi32, #tpu.memory_space<vmem>>)
    %add3A_117 = arith.constant 64 : i32
    %add3A_118 = arith.addi %mul3A_2, %add3A_117 : i32
    %mul3A_119 = arith.constant 2 : i32
    %mul3A_120 = arith.muli %mul3A_119, %add3A_118 : i32
    %dma_start3A_121 = tpu.memref_slice %arg4[%mul3A_120] : memref<8192xi32, #tpu.memory_space<hbm>> -> memref<32xi32, #tpu.memory_space<hbm>>
    %dma_start3A_122 = tpu.memref_slice %arg4[%mul3A_120] : memref<8192xi32, #tpu.memory_space<hbm>> -> memref<32xi32, #tpu.memory_space<hbm>>
    tpu.enqueue_dma source(%dma_start3A_122 : memref<32xi32, #tpu.memory_space<hbm>>) target(%arg6 : memref<32xi32, #tpu.memory_space<vmem>>) target_semaphore(%arg12 : memref<!tpu.dma_semaphore, #tpu.memory_space<semaphore_mem>>)
    %dma_wait3A_123 = arith.constant 0 : i32
    %dma_wait3A_124 = tpu.memref_slice %arg2[%add3A_68, %dma_wait3A_123] : memref<4096x1024xf32, #tpu.memory_space<hbm>> -> memref<16x1024xf32, #tpu.memory_space<hbm>>
    %dma_wait3A_125 = arith.constant 0 : i32
    %dma_wait3A_126 = tpu.memref_slice %arg2[%add3A_68, %dma_wait3A_125] : memref<4096x1024xf32, #tpu.memory_space<hbm>> -> memref<16x1024xf32, #tpu.memory_space<hbm>>
    tpu.wait_dma2 semaphore(%arg16 : memref<!tpu.dma_semaphore, #tpu.memory_space<semaphore_mem>>) src(%dma_wait3A_126 : memref<16x1024xf32, #tpu.memory_space<hbm>>) dst(%arg10 : memref<16x1024xf32, #tpu.memory_space<vmem>>)
    %scan3A_127 = arith.constant 0 : i32
    %scan3A_128 = arith.constant 0 : i32
    %scan3A_129 = arith.constant 16 : i32
    %scan3A_130 = arith.addi %scan3A_128, %scan3A_129 : i32
    %scan3A_131 = arith.constant 1 : i32
    %scan3A_132 = scf.for %scan3A_326 = %scan3A_128 to %scan3A_130 step %scan3A_131 iter_args(%scan3A_327 = %scan3A_127) -> (i32)  : i32 {
      %scan3A_328 = arith.constant 0 : i32
      %scan3A_329 = arith.constant 0 : i32
      %scan3A_330 = arith.constant 16 : i32
      %scan3A_331 = arith.addi %scan3A_329, %scan3A_330 : i32
      %scan3A_332 = arith.constant 1 : i32
      %scan3A_333 = scf.for %scan3A_336 = %scan3A_329 to %scan3A_331 step %scan3A_332 iter_args(%scan3A_337 = %scan3A_328) -> (i32)  : i32 {
        %mul3A_338 = arith.constant 2 : i32
        %mul3A_339 = arith.muli %scan3A_336, %mul3A_338 : i32
        %add3A_340 = arith.constant 0 : i32
        %add3A_341 = arith.addi %mul3A_339, %add3A_340 : i32
        %mul3A_342 = arith.constant 16 : i32
        %mul3A_343 = arith.muli %add3A_341, %mul3A_342 : i32
        %mul3A_344 = arith.constant 16 : i32
        %mul3A_345 = arith.muli %add3A_341, %mul3A_344 : i32
        %add3A_346 = arith.constant 512 : i32
        %add3A_347 = arith.addi %add3A_346, %mul3A_345 : i32
        %mul3A_348 = arith.constant 2 : i32
        %mul3A_349 = arith.muli %mul3A_348, %scan3A_326 : i32
        %get3A = arith.index_cast %mul3A_349 : i32 to index
        %get3A_350 = arith.index_cast %mul3A_343 : i32 to index
        %get3A_351 = tpu.vector_load %arg8[%get3A, %get3A_350] {strides = array<i32>} : memref<32x512xi32, #tpu.memory_space<vmem>>, vector<1x16xi32>,
        %get3A_352 = vector.shape_cast %get3A_351 : vector<1x16xi32> to vector<16xi32>
        %bitcast_convert_type3A = tpu.bitcast %get3A_352 : vector<16xi32> -> vector<16xi32>
        %shift_left3A = arith.constant 16 : i32
        %shift_left3A_353 = vector.broadcast %shift_left3A : i32 to vector<16xi32>
        %shift_left3A_354 = arith.shli %bitcast_convert_type3A, %shift_left3A_353 : vector<16xi32>
        %bitcast_convert_type3A_355 = tpu.bitcast %shift_left3A_354 : vector<16xi32> -> vector<16xf32>
        %and3A = arith.constant -65536 : i32
        %and3A_356 = vector.broadcast %and3A : i32 to vector<16xi32>
        %and3A_357 = arith.andi %bitcast_convert_type3A, %and3A_356 : vector<16xi32>
        %bitcast_convert_type3A_358 = tpu.bitcast %and3A_357 : vector<16xi32> -> vector<16xf32>
        %mul3A_359 = arith.constant 2 : i32
        %mul3A_360 = arith.muli %mul3A_359, %scan3A_326 : i32
        %add3A_361 = arith.constant 1 : i32
        %add3A_362 = arith.addi %mul3A_360, %add3A_361 : i32
        %get3A_363 = arith.index_cast %add3A_362 : i32 to index
        %get3A_364 = arith.index_cast %mul3A_343 : i32 to index
        %get3A_365 = tpu.vector_load %arg8[%get3A_363, %get3A_364] {strides = array<i32>} : memref<32x512xi32, #tpu.memory_space<vmem>>, vector<1x16xi32>,
        %get3A_366 = vector.shape_cast %get3A_365 : vector<1x16xi32> to vector<16xi32>
        %bitcast_convert_type3A_367 = tpu.bitcast %get3A_366 : vector<16xi32> -> vector<16xi32>
        %shift_left3A_368 = arith.constant 16 : i32
        %shift_left3A_369 = vector.broadcast %shift_left3A_368 : i32 to vector<16xi32>
        %shift_left3A_370 = arith.shli %bitcast_convert_type3A_367, %shift_left3A_369 : vector<16xi32>
        %bitcast_convert_type3A_371 = tpu.bitcast %shift_left3A_370 : vector<16xi32> -> vector<16xf32>
        %and3A_372 = arith.constant -65536 : i32
        %and3A_373 = vector.broadcast %and3A_372 : i32 to vector<16xi32>
        %and3A_374 = arith.andi %bitcast_convert_type3A_367, %and3A_373 : vector<16xi32>
        %bitcast_convert_type3A_375 = tpu.bitcast %and3A_374 : vector<16xi32> -> vector<16xf32>
        %get3A_376 = arith.index_cast %scan3A_326 : i32 to index
        %get3A_377 = arith.index_cast %mul3A_343 : i32 to index
        %get3A_378 = tpu.vector_load %arg10[%get3A_376, %get3A_377] {strides = array<i32>} : memref<16x1024xf32, #tpu.memory_space<vmem>>, vector<1x16xf32>,
        %get3A_379 = vector.shape_cast %get3A_378 : vector<1x16xf32> to vector<16xf32>
        %add3A_380 = arith.addf %bitcast_convert_type3A_355, %bitcast_convert_type3A_371 : vector<16xf32>
        %add3A_381 = arith.addf %get3A_379, %add3A_380 : vector<16xf32>
        %swap3A = arith.index_cast %scan3A_326 : i32 to index
        %swap3A_382 = arith.index_cast %mul3A_343 : i32 to index
        %swap3A_383 = tpu.vector_load %arg10[%swap3A, %swap3A_382] {strides = array<i32>} : memref<16x1024xf32, #tpu.memory_space<vmem>>, vector<1x16xf32>,
        %swap3A_384 = vector.shape_cast %swap3A_383 : vector<1x16xf32> to vector<16xf32>
        %swap3A_385 = vector.shape_cast %add3A_381 : vector<16xf32> to vector<1x16xf32>
        tpu.vector_store %arg10[%swap3A, %swap3A_382], %swap3A_385 {strides = array<i32>} : memref<16x1024xf32, #tpu.memory_space<vmem>>, vector<1x16xf32>,
        %get3A_386 = arith.index_cast %scan3A_326 : i32 to index
        %get3A_387 = arith.index_cast %add3A_347 : i32 to index
        %get3A_388 = tpu.vector_load %arg10[%get3A_386, %get3A_387] {strides = array<i32>} : memref<16x1024xf32, #tpu.memory_space<vmem>>, vector<1x16xf32>,
        %get3A_389 = vector.shape_cast %get3A_388 : vector<1x16xf32> to vector<16xf32>
        %add3A_390 = arith.addf %bitcast_convert_type3A_358, %bitcast_convert_type3A_375 : vector<16xf32>
        %add3A_391 = arith.addf %get3A_389, %add3A_390 : vector<16xf32>
        %swap3A_392 = arith.index_cast %scan3A_326 : i32 to index
        %swap3A_393 = arith.index_cast %add3A_347 : i32 to index
        %swap3A_394 = tpu.vector_load %arg10[%swap3A_392, %swap3A_393] {strides = array<i32>} : memref<16x1024xf32, #tpu.memory_space<vmem>>, vector<1x16xf32>,
        %swap3A_395 = vector.shape_cast %swap3A_394 : vector<1x16xf32> to vector<16xf32>
        %swap3A_396 = vector.shape_cast %add3A_391 : vector<16xf32> to vector<1x16xf32>
        tpu.vector_store %arg10[%swap3A_392, %swap3A_393], %swap3A_396 {strides = array<i32>} : memref<16x1024xf32, #tpu.memory_space<vmem>>, vector<1x16xf32>,
        %mul3A_397 = arith.constant 2 : i32
        %mul3A_398 = arith.muli %scan3A_336, %mul3A_397 : i32
        %add3A_399 = arith.constant 1 : i32
        %add3A_400 = arith.addi %mul3A_398, %add3A_399 : i32
        %mul3A_401 = arith.constant 16 : i32
        %mul3A_402 = arith.muli %add3A_400, %mul3A_401 : i32
        %mul3A_403 = arith.constant 16 : i32
        %mul3A_404 = arith.muli %add3A_400, %mul3A_403 : i32
        %add3A_405 = arith.constant 512 : i32
        %add3A_406 = arith.addi %add3A_405, %mul3A_404 : i32
        %mul3A_407 = arith.constant 2 : i32
        %mul3A_408 = arith.muli %mul3A_407, %scan3A_326 : i32
        %get3A_409 = arith.index_cast %mul3A_408 : i32 to index
        %get3A_410 = arith.index_cast %mul3A_402 : i32 to index
        %get3A_411 = tpu.vector_load %arg8[%get3A_409, %get3A_410] {strides = array<i32>} : memref<32x512xi32, #tpu.memory_space<vmem>>, vector<1x16xi32>,
        %get3A_412 = vector.shape_cast %get3A_411 : vector<1x16xi32> to vector<16xi32>
        %bitcast_convert_type3A_413 = tpu.bitcast %get3A_412 : vector<16xi32> -> vector<16xi32>
        %shift_left3A_414 = arith.constant 16 : i32
        %shift_left3A_415 = vector.broadcast %shift_left3A_414 : i32 to vector<16xi32>
        %shift_left3A_416 = arith.shli %bitcast_convert_type3A_413, %shift_left3A_415 : vector<16xi32>
        %bitcast_convert_type3A_417 = tpu.bitcast %shift_left3A_416 : vector<16xi32> -> vector<16xf32>
        %and3A_418 = arith.constant -65536 : i32
        %and3A_419 = vector.broadcast %and3A_418 : i32 to vector<16xi32>
        %and3A_420 = arith.andi %bitcast_convert_type3A_413, %and3A_419 : vector<16xi32>
        %bitcast_convert_type3A_421 = tpu.bitcast %and3A_420 : vector<16xi32> -> vector<16xf32>
        %mul3A_422 = arith.constant 2 : i32
        %mul3A_423 = arith.muli %mul3A_422, %scan3A_326 : i32
        %add3A_424 = arith.constant 1 : i32
        %add3A_425 = arith.addi %mul3A_423, %add3A_424 : i32
        %get3A_426 = arith.index_cast %add3A_425 : i32 to index
        %get3A_427 = arith.index_cast %mul3A_402 : i32 to index
        %get3A_428 = tpu.vector_load %arg8[%get3A_426, %get3A_427] {strides = array<i32>} : memref<32x512xi32, #tpu.memory_space<vmem>>, vector<1x16xi32>,
        %get3A_429 = vector.shape_cast %get3A_428 : vector<1x16xi32> to vector<16xi32>
        %bitcast_convert_type3A_430 = tpu.bitcast %get3A_429 : vector<16xi32> -> vector<16xi32>
        %shift_left3A_431 = arith.constant 16 : i32
        %shift_left3A_432 = vector.broadcast %shift_left3A_431 : i32 to vector<16xi32>
        %shift_left3A_433 = arith.shli %bitcast_convert_type3A_430, %shift_left3A_432 : vector<16xi32>
        %bitcast_convert_type3A_434 = tpu.bitcast %shift_left3A_433 : vector<16xi32> -> vector<16xf32>
        %and3A_435 = arith.constant -65536 : i32
        %and3A_436 = vector.broadcast %and3A_435 : i32 to vector<16xi32>
        %and3A_437 = arith.andi %bitcast_convert_type3A_430, %and3A_436 : vector<16xi32>
        %bitcast_convert_type3A_438 = tpu.bitcast %and3A_437 : vector<16xi32> -> vector<16xf32>
        %get3A_439 = arith.index_cast %scan3A_326 : i32 to index
        %get3A_440 = arith.index_cast %mul3A_402 : i32 to index
        %get3A_441 = tpu.vector_load %arg10[%get3A_439, %get3A_440] {strides = array<i32>} : memref<16x1024xf32, #tpu.memory_space<vmem>>, vector<1x16xf32>,
        %get3A_442 = vector.shape_cast %get3A_441 : vector<1x16xf32> to vector<16xf32>
        %add3A_443 = arith.addf %bitcast_convert_type3A_417, %bitcast_convert_type3A_434 : vector<16xf32>
        %add3A_444 = arith.addf %get3A_442, %add3A_443 : vector<16xf32>
        %swap3A_445 = arith.index_cast %scan3A_326 : i32 to index
        %swap3A_446 = arith.index_cast %mul3A_402 : i32 to index
        %swap3A_447 = tpu.vector_load %arg10[%swap3A_445, %swap3A_446] {strides = array<i32>} : memref<16x1024xf32, #tpu.memory_space<vmem>>, vector<1x16xf32>,
        %swap3A_448 = vector.shape_cast %swap3A_447 : vector<1x16xf32> to vector<16xf32>
        %swap3A_449 = vector.shape_cast %add3A_444 : vector<16xf32> to vector<1x16xf32>
        tpu.vector_store %arg10[%swap3A_445, %swap3A_446], %swap3A_449 {strides = array<i32>} : memref<16x1024xf32, #tpu.memory_space<vmem>>, vector<1x16xf32>,
        %get3A_450 = arith.index_cast %scan3A_326 : i32 to index
        %get3A_451 = arith.index_cast %add3A_406 : i32 to index
        %get3A_452 = tpu.vector_load %arg10[%get3A_450, %get3A_451] {strides = array<i32>} : memref<16x1024xf32, #tpu.memory_space<vmem>>, vector<1x16xf32>,
        %get3A_453 = vector.shape_cast %get3A_452 : vector<1x16xf32> to vector<16xf32>
        %add3A_454 = arith.addf %bitcast_convert_type3A_421, %bitcast_convert_type3A_438 : vector<16xf32>
        %add3A_455 = arith.addf %get3A_453, %add3A_454 : vector<16xf32>
        %swap3A_456 = arith.index_cast %scan3A_326 : i32 to index
        %swap3A_457 = arith.index_cast %add3A_406 : i32 to index
        %swap3A_458 = tpu.vector_load %arg10[%swap3A_456, %swap3A_457] {strides = array<i32>} : memref<16x1024xf32, #tpu.memory_space<vmem>>, vector<1x16xf32>,
        %swap3A_459 = vector.shape_cast %swap3A_458 : vector<1x16xf32> to vector<16xf32>
        %swap3A_460 = vector.shape_cast %add3A_455 : vector<16xf32> to vector<1x16xf32>
        tpu.vector_store %arg10[%swap3A_456, %swap3A_457], %swap3A_460 {strides = array<i32>} : memref<16x1024xf32, #tpu.memory_space<vmem>>, vector<1x16xf32>,
        %scan3A_461 = arith.constant 0 : i32
        scf.yield %scan3A_461 : i32
      }
      %scan3A_334 = arith.constant 16 : i32
      %scan3A_335 = arith.constant 0 : i32
      scf.yield %scan3A_335 : i32
    }
    %scan3A_133 = arith.constant 16 : i32
    %add3A_134 = arith.constant 32 : i32
    %add3A_135 = arith.addi %mul3A_2, %add3A_134 : i32
    %dma_start3A_136 = arith.constant 0 : i32
    %dma_start3A_137 = tpu.memref_slice %arg5[%add3A_135, %dma_start3A_136] : memref<4096x1024xf32, #tpu.memory_space<hbm>> -> memref<16x1024xf32, #tpu.memory_space<hbm>>
    %dma_start3A_138 = arith.constant 0 : i32
    %dma_start3A_139 = tpu.memref_slice %arg5[%add3A_135, %dma_start3A_138] : memref<4096x1024xf32, #tpu.memory_space<hbm>> -> memref<16x1024xf32, #tpu.memory_space<hbm>>
    tpu.enqueue_dma source(%arg10 : memref<16x1024xf32, #tpu.memory_space<vmem>>) target(%dma_start3A_139 : memref<16x1024xf32, #tpu.memory_space<hbm>>) target_semaphore(%arg18 : memref<!tpu.dma_semaphore, #tpu.memory_space<semaphore_mem>>)
    %dma_wait3A_140 = tpu.memref_slice %arg4[%mul3A_120] : memref<8192xi32, #tpu.memory_space<hbm>> -> memref<32xi32, #tpu.memory_space<hbm>>
    %dma_wait3A_141 = tpu.memref_slice %arg4[%mul3A_120] : memref<8192xi32, #tpu.memory_space<hbm>> -> memref<32xi32, #tpu.memory_space<hbm>>
    tpu.wait_dma2 semaphore(%arg12 : memref<!tpu.dma_semaphore, #tpu.memory_space<semaphore_mem>>) src(%dma_wait3A_141 : memref<32xi32, #tpu.memory_space<hbm>>) dst(%arg6 : memref<32xi32, #tpu.memory_space<vmem>>)
    %dma_wait3A_142 = arith.constant 0 : i32
    %dma_wait3A_143 = tpu.memref_slice %arg5[%add3A_135, %dma_wait3A_142] : memref<4096x1024xf32, #tpu.memory_space<hbm>> -> memref<16x1024xf32, #tpu.memory_space<hbm>>
    %dma_wait3A_144 = arith.constant 0 : i32
    %dma_wait3A_145 = tpu.memref_slice %arg5[%add3A_135, %dma_wait3A_144] : memref<4096x1024xf32, #tpu.memory_space<hbm>> -> memref<16x1024xf32, #tpu.memory_space<hbm>>
    tpu.wait_dma2 semaphore(%arg18 : memref<!tpu.dma_semaphore, #tpu.memory_space<semaphore_mem>>) src(%arg10 : memref<16x1024xf32, #tpu.memory_space<vmem>>) dst(%dma_wait3A_145 : memref<16x1024xf32, #tpu.memory_space<hbm>>)
    %dma_start3A_146 = arith.constant 0 : i32
    %dma_start3A_147 = arith.constant 0 : i32
    %dma_start3A_148 = tpu.memref_slice %arg3[%dma_start3A_146, %dma_start3A_147] : memref<10240x512xi32, #tpu.memory_space<hbm>> -> memref<10240x512xi32, #tpu.memory_space<hbm>>
    tpu.enqueue_indirect_dma source(%dma_start3A_148 : memref<10240x512xi32, #tpu.memory_space<hbm>>) target(%arg8 : memref<32x512xi32, #tpu.memory_space<vmem>>) offsets(%arg6 : memref<32xi32, #tpu.memory_space<vmem>>) semaphore(%arg14 : memref<!tpu.dma_semaphore, #tpu.memory_space<semaphore_mem>>)
    %add3A_149 = arith.constant 64 : i32
    %add3A_150 = arith.addi %mul3A_2, %add3A_149 : i32
    %dma_start3A_151 = arith.constant 0 : i32
    %dma_start3A_152 = tpu.memref_slice %arg2[%add3A_150, %dma_start3A_151] : memref<4096x1024xf32, #tpu.memory_space<hbm>> -> memref<16x1024xf32, #tpu.memory_space<hbm>>
    %dma_start3A_153 = arith.constant 0 : i32
    %dma_start3A_154 = tpu.memref_slice %arg2[%add3A_150, %dma_start3A_153] : memref<4096x1024xf32, #tpu.memory_space<hbm>> -> memref<16x1024xf32, #tpu.memory_space<hbm>>
    tpu.enqueue_dma source(%dma_start3A_154 : memref<16x1024xf32, #tpu.memory_space<hbm>>) target(%arg10 : memref<16x1024xf32, #tpu.memory_space<vmem>>) target_semaphore(%arg16 : memref<!tpu.dma_semaphore, #tpu.memory_space<semaphore_mem>>)
    %dma_wait3A_155 = arith.constant 0 : i32
    %dma_wait3A_156 = arith.constant 0 : i32
    %dma_wait3A_157 = tpu.memref_slice %arg3[%dma_wait3A_155, %dma_wait3A_156] : memref<10240x512xi32, #tpu.memory_space<hbm>> -> memref<10240x512xi32, #tpu.memory_space<hbm>>
    tpu.wait_indirect_dma semaphore(%arg15 : memref<!tpu.dma_semaphore, #tpu.memory_space<semaphore_mem>>) src(%dma_wait3A_157 : memref<10240x512xi32, #tpu.memory_space<hbm>>) dst(%arg9 : memref<32x512xi32, #tpu.memory_space<vmem>>)
    %add3A_158 = arith.constant 80 : i32
    %add3A_159 = arith.addi %mul3A_2, %add3A_158 : i32
    %mul3A_160 = arith.constant 2 : i32
    %mul3A_161 = arith.muli %mul3A_160, %add3A_159 : i32
    %dma_start3A_162 = tpu.memref_slice %arg4[%mul3A_161] : memref<8192xi32, #tpu.memory_space<hbm>> -> memref<32xi32, #tpu.memory_space<hbm>>
    %dma_start3A_163 = tpu.memref_slice %arg4[%mul3A_161] : memref<8192xi32, #tpu.memory_space<hbm>> -> memref<32xi32, #tpu.memory_space<hbm>>
    tpu.enqueue_dma source(%dma_start3A_163 : memref<32xi32, #tpu.memory_space<hbm>>) target(%arg7 : memref<32xi32, #tpu.memory_space<vmem>>) target_semaphore(%arg13 : memref<!tpu.dma_semaphore, #tpu.memory_space<semaphore_mem>>)
    %dma_wait3A_164 = arith.constant 0 : i32
    %dma_wait3A_165 = tpu.memref_slice %arg2[%add3A_109, %dma_wait3A_164] : memref<4096x1024xf32, #tpu.memory_space<hbm>> -> memref<16x1024xf32, #tpu.memory_space<hbm>>
    %dma_wait3A_166 = arith.constant 0 : i32
    %dma_wait3A_167 = tpu.memref_slice %arg2[%add3A_109, %dma_wait3A_166] : memref<4096x1024xf32, #tpu.memory_space<hbm>> -> memref<16x1024xf32, #tpu.memory_space<hbm>>
    tpu.wait_dma2 semaphore(%arg17 : memref<!tpu.dma_semaphore, #tpu.memory_space<semaphore_mem>>) src(%dma_wait3A_167 : memref<16x1024xf32, #tpu.memory_space<hbm>>) dst(%arg11 : memref<16x1024xf32, #tpu.memory_space<vmem>>)
    %scan3A_168 = arith.constant 0 : i32
    %scan3A_169 = arith.constant 0 : i32
    %scan3A_170 = arith.constant 16 : i32
    %scan3A_171 = arith.addi %scan3A_169, %scan3A_170 : i32
    %scan3A_172 = arith.constant 1 : i32
    %scan3A_173 = scf.for %scan3A_326 = %scan3A_169 to %scan3A_171 step %scan3A_172 iter_args(%scan3A_327 = %scan3A_168) -> (i32)  : i32 {
      %scan3A_328 = arith.constant 0 : i32
      %scan3A_329 = arith.constant 0 : i32
      %scan3A_330 = arith.constant 16 : i32
      %scan3A_331 = arith.addi %scan3A_329, %scan3A_330 : i32
      %scan3A_332 = arith.constant 1 : i32
      %scan3A_333 = scf.for %scan3A_336 = %scan3A_329 to %scan3A_331 step %scan3A_332 iter_args(%scan3A_337 = %scan3A_328) -> (i32)  : i32 {
        %mul3A_338 = arith.constant 2 : i32
        %mul3A_339 = arith.muli %scan3A_336, %mul3A_338 : i32
        %add3A_340 = arith.constant 0 : i32
        %add3A_341 = arith.addi %mul3A_339, %add3A_340 : i32
        %mul3A_342 = arith.constant 16 : i32
        %mul3A_343 = arith.muli %add3A_341, %mul3A_342 : i32
        %mul3A_344 = arith.constant 16 : i32
        %mul3A_345 = arith.muli %add3A_341, %mul3A_344 : i32
        %add3A_346 = arith.constant 512 : i32
        %add3A_347 = arith.addi %add3A_346, %mul3A_345 : i32
        %mul3A_348 = arith.constant 2 : i32
        %mul3A_349 = arith.muli %mul3A_348, %scan3A_326 : i32
        %get3A = arith.index_cast %mul3A_349 : i32 to index
        %get3A_350 = arith.index_cast %mul3A_343 : i32 to index
        %get3A_351 = tpu.vector_load %arg9[%get3A, %get3A_350] {strides = array<i32>} : memref<32x512xi32, #tpu.memory_space<vmem>>, vector<1x16xi32>,
        %get3A_352 = vector.shape_cast %get3A_351 : vector<1x16xi32> to vector<16xi32>
        %bitcast_convert_type3A = tpu.bitcast %get3A_352 : vector<16xi32> -> vector<16xi32>
        %shift_left3A = arith.constant 16 : i32
        %shift_left3A_353 = vector.broadcast %shift_left3A : i32 to vector<16xi32>
        %shift_left3A_354 = arith.shli %bitcast_convert_type3A, %shift_left3A_353 : vector<16xi32>
        %bitcast_convert_type3A_355 = tpu.bitcast %shift_left3A_354 : vector<16xi32> -> vector<16xf32>
        %and3A = arith.constant -65536 : i32
        %and3A_356 = vector.broadcast %and3A : i32 to vector<16xi32>
        %and3A_357 = arith.andi %bitcast_convert_type3A, %and3A_356 : vector<16xi32>
        %bitcast_convert_type3A_358 = tpu.bitcast %and3A_357 : vector<16xi32> -> vector<16xf32>
        %mul3A_359 = arith.constant 2 : i32
        %mul3A_360 = arith.muli %mul3A_359, %scan3A_326 : i32
        %add3A_361 = arith.constant 1 : i32
        %add3A_362 = arith.addi %mul3A_360, %add3A_361 : i32
        %get3A_363 = arith.index_cast %add3A_362 : i32 to index
        %get3A_364 = arith.index_cast %mul3A_343 : i32 to index
        %get3A_365 = tpu.vector_load %arg9[%get3A_363, %get3A_364] {strides = array<i32>} : memref<32x512xi32, #tpu.memory_space<vmem>>, vector<1x16xi32>,
        %get3A_366 = vector.shape_cast %get3A_365 : vector<1x16xi32> to vector<16xi32>
        %bitcast_convert_type3A_367 = tpu.bitcast %get3A_366 : vector<16xi32> -> vector<16xi32>
        %shift_left3A_368 = arith.constant 16 : i32
        %shift_left3A_369 = vector.broadcast %shift_left3A_368 : i32 to vector<16xi32>
        %shift_left3A_370 = arith.shli %bitcast_convert_type3A_367, %shift_left3A_369 : vector<16xi32>
        %bitcast_convert_type3A_371 = tpu.bitcast %shift_left3A_370 : vector<16xi32> -> vector<16xf32>
        %and3A_372 = arith.constant -65536 : i32
        %and3A_373 = vector.broadcast %and3A_372 : i32 to vector<16xi32>
        %and3A_374 = arith.andi %bitcast_convert_type3A_367, %and3A_373 : vector<16xi32>
        %bitcast_convert_type3A_375 = tpu.bitcast %and3A_374 : vector<16xi32> -> vector<16xf32>
        %get3A_376 = arith.index_cast %scan3A_326 : i32 to index
        %get3A_377 = arith.index_cast %mul3A_343 : i32 to index
        %get3A_378 = tpu.vector_load %arg11[%get3A_376, %get3A_377] {strides = array<i32>} : memref<16x1024xf32, #tpu.memory_space<vmem>>, vector<1x16xf32>,
        %get3A_379 = vector.shape_cast %get3A_378 : vector<1x16xf32> to vector<16xf32>
        %add3A_380 = arith.addf %bitcast_convert_type3A_355, %bitcast_convert_type3A_371 : vector<16xf32>
        %add3A_381 = arith.addf %get3A_379, %add3A_380 : vector<16xf32>
        %swap3A = arith.index_cast %scan3A_326 : i32 to index
        %swap3A_382 = arith.index_cast %mul3A_343 : i32 to index
        %swap3A_383 = tpu.vector_load %arg11[%swap3A, %swap3A_382] {strides = array<i32>} : memref<16x1024xf32, #tpu.memory_space<vmem>>, vector<1x16xf32>,
        %swap3A_384 = vector.shape_cast %swap3A_383 : vector<1x16xf32> to vector<16xf32>
        %swap3A_385 = vector.shape_cast %add3A_381 : vector<16xf32> to vector<1x16xf32>
        tpu.vector_store %arg11[%swap3A, %swap3A_382], %swap3A_385 {strides = array<i32>} : memref<16x1024xf32, #tpu.memory_space<vmem>>, vector<1x16xf32>,
        %get3A_386 = arith.index_cast %scan3A_326 : i32 to index
        %get3A_387 = arith.index_cast %add3A_347 : i32 to index
        %get3A_388 = tpu.vector_load %arg11[%get3A_386, %get3A_387] {strides = array<i32>} : memref<16x1024xf32, #tpu.memory_space<vmem>>, vector<1x16xf32>,
        %get3A_389 = vector.shape_cast %get3A_388 : vector<1x16xf32> to vector<16xf32>
        %add3A_390 = arith.addf %bitcast_convert_type3A_358, %bitcast_convert_type3A_375 : vector<16xf32>
        %add3A_391 = arith.addf %get3A_389, %add3A_390 : vector<16xf32>
        %swap3A_392 = arith.index_cast %scan3A_326 : i32 to index
        %swap3A_393 = arith.index_cast %add3A_347 : i32 to index
        %swap3A_394 = tpu.vector_load %arg11[%swap3A_392, %swap3A_393] {strides = array<i32>} : memref<16x1024xf32, #tpu.memory_space<vmem>>, vector<1x16xf32>,
        %swap3A_395 = vector.shape_cast %swap3A_394 : vector<1x16xf32> to vector<16xf32>
        %swap3A_396 = vector.shape_cast %add3A_391 : vector<16xf32> to vector<1x16xf32>
        tpu.vector_store %arg11[%swap3A_392, %swap3A_393], %swap3A_396 {strides = array<i32>} : memref<16x1024xf32, #tpu.memory_space<vmem>>, vector<1x16xf32>,
        %mul3A_397 = arith.constant 2 : i32
        %mul3A_398 = arith.muli %scan3A_336, %mul3A_397 : i32
        %add3A_399 = arith.constant 1 : i32
        %add3A_400 = arith.addi %mul3A_398, %add3A_399 : i32
        %mul3A_401 = arith.constant 16 : i32
        %mul3A_402 = arith.muli %add3A_400, %mul3A_401 : i32
        %mul3A_403 = arith.constant 16 : i32
        %mul3A_404 = arith.muli %add3A_400, %mul3A_403 : i32
        %add3A_405 = arith.constant 512 : i32
        %add3A_406 = arith.addi %add3A_405, %mul3A_404 : i32
        %mul3A_407 = arith.constant 2 : i32
        %mul3A_408 = arith.muli %mul3A_407, %scan3A_326 : i32
        %get3A_409 = arith.index_cast %mul3A_408 : i32 to index
        %get3A_410 = arith.index_cast %mul3A_402 : i32 to index
        %get3A_411 = tpu.vector_load %arg9[%get3A_409, %get3A_410] {strides = array<i32>} : memref<32x512xi32, #tpu.memory_space<vmem>>, vector<1x16xi32>,
        %get3A_412 = vector.shape_cast %get3A_411 : vector<1x16xi32> to vector<16xi32>
        %bitcast_convert_type3A_413 = tpu.bitcast %get3A_412 : vector<16xi32> -> vector<16xi32>
        %shift_left3A_414 = arith.constant 16 : i32
        %shift_left3A_415 = vector.broadcast %shift_left3A_414 : i32 to vector<16xi32>
        %shift_left3A_416 = arith.shli %bitcast_convert_type3A_413, %shift_left3A_415 : vector<16xi32>
        %bitcast_convert_type3A_417 = tpu.bitcast %shift_left3A_416 : vector<16xi32> -> vector<16xf32>
        %and3A_418 = arith.constant -65536 : i32
        %and3A_419 = vector.broadcast %and3A_418 : i32 to vector<16xi32>
        %and3A_420 = arith.andi %bitcast_convert_type3A_413, %and3A_419 : vector<16xi32>
        %bitcast_convert_type3A_421 = tpu.bitcast %and3A_420 : vector<16xi32> -> vector<16xf32>
        %mul3A_422 = arith.constant 2 : i32
        %mul3A_423 = arith.muli %mul3A_422, %scan3A_326 : i32
        %add3A_424 = arith.constant 1 : i32
        %add3A_425 = arith.addi %mul3A_423, %add3A_424 : i32
        %get3A_426 = arith.index_cast %add3A_425 : i32 to index
        %get3A_427 = arith.index_cast %mul3A_402 : i32 to index
        %get3A_428 = tpu.vector_load %arg9[%get3A_426, %get3A_427] {strides = array<i32>} : memref<32x512xi32, #tpu.memory_space<vmem>>, vector<1x16xi32>,
        %get3A_429 = vector.shape_cast %get3A_428 : vector<1x16xi32> to vector<16xi32>
        %bitcast_convert_type3A_430 = tpu.bitcast %get3A_429 : vector<16xi32> -> vector<16xi32>
        %shift_left3A_431 = arith.constant 16 : i32
        %shift_left3A_432 = vector.broadcast %shift_left3A_431 : i32 to vector<16xi32>
        %shift_left3A_433 = arith.shli %bitcast_convert_type3A_430, %shift_left3A_432 : vector<16xi32>
        %bitcast_convert_type3A_434 = tpu.bitcast %shift_left3A_433 : vector<16xi32> -> vector<16xf32>
        %and3A_435 = arith.constant -65536 : i32
        %and3A_436 = vector.broadcast %and3A_435 : i32 to vector<16xi32>
        %and3A_437 = arith.andi %bitcast_convert_type3A_430, %and3A_436 : vector<16xi32>
        %bitcast_convert_type3A_438 = tpu.bitcast %and3A_437 : vector<16xi32> -> vector<16xf32>
        %get3A_439 = arith.index_cast %scan3A_326 : i32 to index
        %get3A_440 = arith.index_cast %mul3A_402 : i32 to index
        %get3A_441 = tpu.vector_load %arg11[%get3A_439, %get3A_440] {strides = array<i32>} : memref<16x1024xf32, #tpu.memory_space<vmem>>, vector<1x16xf32>,
        %get3A_442 = vector.shape_cast %get3A_441 : vector<1x16xf32> to vector<16xf32>
        %add3A_443 = arith.addf %bitcast_convert_type3A_417, %bitcast_convert_type3A_434 : vector<16xf32>
        %add3A_444 = arith.addf %get3A_442, %add3A_443 : vector<16xf32>
        %swap3A_445 = arith.index_cast %scan3A_326 : i32 to index
        %swap3A_446 = arith.index_cast %mul3A_402 : i32 to index
        %swap3A_447 = tpu.vector_load %arg11[%swap3A_445, %swap3A_446] {strides = array<i32>} : memref<16x1024xf32, #tpu.memory_space<vmem>>, vector<1x16xf32>,
        %swap3A_448 = vector.shape_cast %swap3A_447 : vector<1x16xf32> to vector<16xf32>
        %swap3A_449 = vector.shape_cast %add3A_444 : vector<16xf32> to vector<1x16xf32>
        tpu.vector_store %arg11[%swap3A_445, %swap3A_446], %swap3A_449 {strides = array<i32>} : memref<16x1024xf32, #tpu.memory_space<vmem>>, vector<1x16xf32>,
        %get3A_450 = arith.index_cast %scan3A_326 : i32 to index
        %get3A_451 = arith.index_cast %add3A_406 : i32 to index
        %get3A_452 = tpu.vector_load %arg11[%get3A_450, %get3A_451] {strides = array<i32>} : memref<16x1024xf32, #tpu.memory_space<vmem>>, vector<1x16xf32>,
        %get3A_453 = vector.shape_cast %get3A_452 : vector<1x16xf32> to vector<16xf32>
        %add3A_454 = arith.addf %bitcast_convert_type3A_421, %bitcast_convert_type3A_438 : vector<16xf32>
        %add3A_455 = arith.addf %get3A_453, %add3A_454 : vector<16xf32>
        %swap3A_456 = arith.index_cast %scan3A_326 : i32 to index
        %swap3A_457 = arith.index_cast %add3A_406 : i32 to index
        %swap3A_458 = tpu.vector_load %arg11[%swap3A_456, %swap3A_457] {strides = array<i32>} : memref<16x1024xf32, #tpu.memory_space<vmem>>, vector<1x16xf32>,
        %swap3A_459 = vector.shape_cast %swap3A_458 : vector<1x16xf32> to vector<16xf32>
        %swap3A_460 = vector.shape_cast %add3A_455 : vector<16xf32> to vector<1x16xf32>
        tpu.vector_store %arg11[%swap3A_456, %swap3A_457], %swap3A_460 {strides = array<i32>} : memref<16x1024xf32, #tpu.memory_space<vmem>>, vector<1x16xf32>,
        %scan3A_461 = arith.constant 0 : i32
        scf.yield %scan3A_461 : i32
      }
      %scan3A_334 = arith.constant 16 : i32
      %scan3A_335 = arith.constant 0 : i32
      scf.yield %scan3A_335 : i32
    }
    %scan3A_174 = arith.constant 16 : i32
    %add3A_175 = arith.constant 48 : i32
    %add3A_176 = arith.addi %mul3A_2, %add3A_175 : i32
    %dma_start3A_177 = arith.constant 0 : i32
    %dma_start3A_178 = tpu.memref_slice %arg5[%add3A_176, %dma_start3A_177] : memref<4096x1024xf32, #tpu.memory_space<hbm>> -> memref<16x1024xf32, #tpu.memory_space<hbm>>
    %dma_start3A_179 = arith.constant 0 : i32
    %dma_start3A_180 = tpu.memref_slice %arg5[%add3A_176, %dma_start3A_179] : memref<4096x1024xf32, #tpu.memory_space<hbm>> -> memref<16x1024xf32, #tpu.memory_space<hbm>>
    tpu.enqueue_dma source(%arg11 : memref<16x1024xf32, #tpu.memory_space<vmem>>) target(%dma_start3A_180 : memref<16x1024xf32, #tpu.memory_space<hbm>>) target_semaphore(%arg19 : memref<!tpu.dma_semaphore, #tpu.memory_space<semaphore_mem>>)
    %dma_wait3A_181 = tpu.memref_slice %arg4[%mul3A_161] : memref<8192xi32, #tpu.memory_space<hbm>> -> memref<32xi32, #tpu.memory_space<hbm>>
    %dma_wait3A_182 = tpu.memref_slice %arg4[%mul3A_161] : memref<8192xi32, #tpu.memory_space<hbm>> -> memref<32xi32, #tpu.memory_space<hbm>>
    tpu.wait_dma2 semaphore(%arg13 : memref<!tpu.dma_semaphore, #tpu.memory_space<semaphore_mem>>) src(%dma_wait3A_182 : memref<32xi32, #tpu.memory_space<hbm>>) dst(%arg7 : memref<32xi32, #tpu.memory_space<vmem>>)
    %dma_wait3A_183 = arith.constant 0 : i32
    %dma_wait3A_184 = tpu.memref_slice %arg5[%add3A_176, %dma_wait3A_183] : memref<4096x1024xf32, #tpu.memory_space<hbm>> -> memref<16x1024xf32, #tpu.memory_space<hbm>>
    %dma_wait3A_185 = arith.constant 0 : i32
    %dma_wait3A_186 = tpu.memref_slice %arg5[%add3A_176, %dma_wait3A_185] : memref<4096x1024xf32, #tpu.memory_space<hbm>> -> memref<16x1024xf32, #tpu.memory_space<hbm>>
    tpu.wait_dma2 semaphore(%arg19 : memref<!tpu.dma_semaphore, #tpu.memory_space<semaphore_mem>>) src(%arg11 : memref<16x1024xf32, #tpu.memory_space<vmem>>) dst(%dma_wait3A_186 : memref<16x1024xf32, #tpu.memory_space<hbm>>)
    %dma_start3A_187 = arith.constant 0 : i32
    %dma_start3A_188 = arith.constant 0 : i32
    %dma_start3A_189 = tpu.memref_slice %arg3[%dma_start3A_187, %dma_start3A_188] : memref<10240x512xi32, #tpu.memory_space<hbm>> -> memref<10240x512xi32, #tpu.memory_space<hbm>>
    tpu.enqueue_indirect_dma source(%dma_start3A_189 : memref<10240x512xi32, #tpu.memory_space<hbm>>) target(%arg9 : memref<32x512xi32, #tpu.memory_space<vmem>>) offsets(%arg7 : memref<32xi32, #tpu.memory_space<vmem>>) semaphore(%arg15 : memref<!tpu.dma_semaphore, #tpu.memory_space<semaphore_mem>>)
    %add3A_190 = arith.constant 80 : i32
    %add3A_191 = arith.addi %mul3A_2, %add3A_190 : i32
    %dma_start3A_192 = arith.constant 0 : i32
    %dma_start3A_193 = tpu.memref_slice %arg2[%add3A_191, %dma_start3A_192] : memref<4096x1024xf32, #tpu.memory_space<hbm>> -> memref<16x1024xf32, #tpu.memory_space<hbm>>
    %dma_start3A_194 = arith.constant 0 : i32
    %dma_start3A_195 = tpu.memref_slice %arg2[%add3A_191, %dma_start3A_194] : memref<4096x1024xf32, #tpu.memory_space<hbm>> -> memref<16x1024xf32, #tpu.memory_space<hbm>>
    tpu.enqueue_dma source(%dma_start3A_195 : memref<16x1024xf32, #tpu.memory_space<hbm>>) target(%arg11 : memref<16x1024xf32, #tpu.memory_space<vmem>>) target_semaphore(%arg17 : memref<!tpu.dma_semaphore, #tpu.memory_space<semaphore_mem>>)
    %dma_wait3A_196 = arith.constant 0 : i32
    %dma_wait3A_197 = arith.constant 0 : i32
    %dma_wait3A_198 = tpu.memref_slice %arg3[%dma_wait3A_196, %dma_wait3A_197] : memref<10240x512xi32, #tpu.memory_space<hbm>> -> memref<10240x512xi32, #tpu.memory_space<hbm>>
    tpu.wait_indirect_dma semaphore(%arg14 : memref<!tpu.dma_semaphore, #tpu.memory_space<semaphore_mem>>) src(%dma_wait3A_198 : memref<10240x512xi32, #tpu.memory_space<hbm>>) dst(%arg8 : memref<32x512xi32, #tpu.memory_space<vmem>>)
    %add3A_199 = arith.constant 96 : i32
    %add3A_200 = arith.addi %mul3A_2, %add3A_199 : i32
    %mul3A_201 = arith.constant 2 : i32
    %mul3A_202 = arith.muli %mul3A_201, %add3A_200 : i32
    %dma_start3A_203 = tpu.memref_slice %arg4[%mul3A_202] : memref<8192xi32, #tpu.memory_space<hbm>> -> memref<32xi32, #tpu.memory_space<hbm>>
    %dma_start3A_204 = tpu.memref_slice %arg4[%mul3A_202] : memref<8192xi32, #tpu.memory_space<hbm>> -> memref<32xi32, #tpu.memory_space<hbm>>
    tpu.enqueue_dma source(%dma_start3A_204 : memref<32xi32, #tpu.memory_space<hbm>>) target(%arg6 : memref<32xi32, #tpu.memory_space<vmem>>) target_semaphore(%arg12 : memref<!tpu.dma_semaphore, #tpu.memory_space<semaphore_mem>>)
    %dma_wait3A_205 = arith.constant 0 : i32
    %dma_wait3A_206 = tpu.memref_slice %arg2[%add3A_150, %dma_wait3A_205] : memref<4096x1024xf32, #tpu.memory_space<hbm>> -> memref<16x1024xf32, #tpu.memory_space<hbm>>
    %dma_wait3A_207 = arith.constant 0 : i32
    %dma_wait3A_208 = tpu.memref_slice %arg2[%add3A_150, %dma_wait3A_207] : memref<4096x1024xf32, #tpu.memory_space<hbm>> -> memref<16x1024xf32, #tpu.memory_space<hbm>>
    tpu.wait_dma2 semaphore(%arg16 : memref<!tpu.dma_semaphore, #tpu.memory_space<semaphore_mem>>) src(%dma_wait3A_208 : memref<16x1024xf32, #tpu.memory_space<hbm>>) dst(%arg10 : memref<16x1024xf32, #tpu.memory_space<vmem>>)
    %scan3A_209 = arith.constant 0 : i32
    %scan3A_210 = arith.constant 0 : i32
    %scan3A_211 = arith.constant 16 : i32
    %scan3A_212 = arith.addi %scan3A_210, %scan3A_211 : i32
    %scan3A_213 = arith.constant 1 : i32
    %scan3A_214 = scf.for %scan3A_326 = %scan3A_210 to %scan3A_212 step %scan3A_213 iter_args(%scan3A_327 = %scan3A_209) -> (i32)  : i32 {
      %scan3A_328 = arith.constant 0 : i32
      %scan3A_329 = arith.constant 0 : i32
      %scan3A_330 = arith.constant 16 : i32
      %scan3A_331 = arith.addi %scan3A_329, %scan3A_330 : i32
      %scan3A_332 = arith.constant 1 : i32
      %scan3A_333 = scf.for %scan3A_336 = %scan3A_329 to %scan3A_331 step %scan3A_332 iter_args(%scan3A_337 = %scan3A_328) -> (i32)  : i32 {
        %mul3A_338 = arith.constant 2 : i32
        %mul3A_339 = arith.muli %scan3A_336, %mul3A_338 : i32
        %add3A_340 = arith.constant 0 : i32
        %add3A_341 = arith.addi %mul3A_339, %add3A_340 : i32
        %mul3A_342 = arith.constant 16 : i32
        %mul3A_343 = arith.muli %add3A_341, %mul3A_342 : i32
        %mul3A_344 = arith.constant 16 : i32
        %mul3A_345 = arith.muli %add3A_341, %mul3A_344 : i32
        %add3A_346 = arith.constant 512 : i32
        %add3A_347 = arith.addi %add3A_346, %mul3A_345 : i32
        %mul3A_348 = arith.constant 2 : i32
        %mul3A_349 = arith.muli %mul3A_348, %scan3A_326 : i32
        %get3A = arith.index_cast %mul3A_349 : i32 to index
        %get3A_350 = arith.index_cast %mul3A_343 : i32 to index
        %get3A_351 = tpu.vector_load %arg8[%get3A, %get3A_350] {strides = array<i32>} : memref<32x512xi32, #tpu.memory_space<vmem>>, vector<1x16xi32>,
        %get3A_352 = vector.shape_cast %get3A_351 : vector<1x16xi32> to vector<16xi32>
        %bitcast_convert_type3A = tpu.bitcast %get3A_352 : vector<16xi32> -> vector<16xi32>
        %shift_left3A = arith.constant 16 : i32
        %shift_left3A_353 = vector.broadcast %shift_left3A : i32 to vector<16xi32>
        %shift_left3A_354 = arith.shli %bitcast_convert_type3A, %shift_left3A_353 : vector<16xi32>
        %bitcast_convert_type3A_355 = tpu.bitcast %shift_left3A_354 : vector<16xi32> -> vector<16xf32>
        %and3A = arith.constant -65536 : i32
        %and3A_356 = vector.broadcast %and3A : i32 to vector<16xi32>
        %and3A_357 = arith.andi %bitcast_convert_type3A, %and3A_356 : vector<16xi32>
        %bitcast_convert_type3A_358 = tpu.bitcast %and3A_357 : vector<16xi32> -> vector<16xf32>
        %mul3A_359 = arith.constant 2 : i32
        %mul3A_360 = arith.muli %mul3A_359, %scan3A_326 : i32
        %add3A_361 = arith.constant 1 : i32
        %add3A_362 = arith.addi %mul3A_360, %add3A_361 : i32
        %get3A_363 = arith.index_cast %add3A_362 : i32 to index
        %get3A_364 = arith.index_cast %mul3A_343 : i32 to index
        %get3A_365 = tpu.vector_load %arg8[%get3A_363, %get3A_364] {strides = array<i32>} : memref<32x512xi32, #tpu.memory_space<vmem>>, vector<1x16xi32>,
        %get3A_366 = vector.shape_cast %get3A_365 : vector<1x16xi32> to vector<16xi32>
        %bitcast_convert_type3A_367 = tpu.bitcast %get3A_366 : vector<16xi32> -> vector<16xi32>
        %shift_left3A_368 = arith.constant 16 : i32
        %shift_left3A_369 = vector.broadcast %shift_left3A_368 : i32 to vector<16xi32>
        %shift_left3A_370 = arith.shli %bitcast_convert_type3A_367, %shift_left3A_369 : vector<16xi32>
        %bitcast_convert_type3A_371 = tpu.bitcast %shift_left3A_370 : vector<16xi32> -> vector<16xf32>
        %and3A_372 = arith.constant -65536 : i32
        %and3A_373 = vector.broadcast %and3A_372 : i32 to vector<16xi32>
        %and3A_374 = arith.andi %bitcast_convert_type3A_367, %and3A_373 : vector<16xi32>
        %bitcast_convert_type3A_375 = tpu.bitcast %and3A_374 : vector<16xi32> -> vector<16xf32>
        %get3A_376 = arith.index_cast %scan3A_326 : i32 to index
        %get3A_377 = arith.index_cast %mul3A_343 : i32 to index
        %get3A_378 = tpu.vector_load %arg10[%get3A_376, %get3A_377] {strides = array<i32>} : memref<16x1024xf32, #tpu.memory_space<vmem>>, vector<1x16xf32>,
        %get3A_379 = vector.shape_cast %get3A_378 : vector<1x16xf32> to vector<16xf32>
        %add3A_380 = arith.addf %bitcast_convert_type3A_355, %bitcast_convert_type3A_371 : vector<16xf32>
        %add3A_381 = arith.addf %get3A_379, %add3A_380 : vector<16xf32>
        %swap3A = arith.index_cast %scan3A_326 : i32 to index
        %swap3A_382 = arith.index_cast %mul3A_343 : i32 to index
        %swap3A_383 = tpu.vector_load %arg10[%swap3A, %swap3A_382] {strides = array<i32>} : memref<16x1024xf32, #tpu.memory_space<vmem>>, vector<1x16xf32>,
        %swap3A_384 = vector.shape_cast %swap3A_383 : vector<1x16xf32> to vector<16xf32>
        %swap3A_385 = vector.shape_cast %add3A_381 : vector<16xf32> to vector<1x16xf32>
        tpu.vector_store %arg10[%swap3A, %swap3A_382], %swap3A_385 {strides = array<i32>} : memref<16x1024xf32, #tpu.memory_space<vmem>>, vector<1x16xf32>,
        %get3A_386 = arith.index_cast %scan3A_326 : i32 to index
        %get3A_387 = arith.index_cast %add3A_347 : i32 to index
        %get3A_388 = tpu.vector_load %arg10[%get3A_386, %get3A_387] {strides = array<i32>} : memref<16x1024xf32, #tpu.memory_space<vmem>>, vector<1x16xf32>,
        %get3A_389 = vector.shape_cast %get3A_388 : vector<1x16xf32> to vector<16xf32>
        %add3A_390 = arith.addf %bitcast_convert_type3A_358, %bitcast_convert_type3A_375 : vector<16xf32>
        %add3A_391 = arith.addf %get3A_389, %add3A_390 : vector<16xf32>
        %swap3A_392 = arith.index_cast %scan3A_326 : i32 to index
        %swap3A_393 = arith.index_cast %add3A_347 : i32 to index
        %swap3A_394 = tpu.vector_load %arg10[%swap3A_392, %swap3A_393] {strides = array<i32>} : memref<16x1024xf32, #tpu.memory_space<vmem>>, vector<1x16xf32>,
        %swap3A_395 = vector.shape_cast %swap3A_394 : vector<1x16xf32> to vector<16xf32>
        %swap3A_396 = vector.shape_cast %add3A_391 : vector<16xf32> to vector<1x16xf32>
        tpu.vector_store %arg10[%swap3A_392, %swap3A_393], %swap3A_396 {strides = array<i32>} : memref<16x1024xf32, #tpu.memory_space<vmem>>, vector<1x16xf32>,
        %mul3A_397 = arith.constant 2 : i32
        %mul3A_398 = arith.muli %scan3A_336, %mul3A_397 : i32
        %add3A_399 = arith.constant 1 : i32
        %add3A_400 = arith.addi %mul3A_398, %add3A_399 : i32
        %mul3A_401 = arith.constant 16 : i32
        %mul3A_402 = arith.muli %add3A_400, %mul3A_401 : i32
        %mul3A_403 = arith.constant 16 : i32
        %mul3A_404 = arith.muli %add3A_400, %mul3A_403 : i32
        %add3A_405 = arith.constant 512 : i32
        %add3A_406 = arith.addi %add3A_405, %mul3A_404 : i32
        %mul3A_407 = arith.constant 2 : i32
        %mul3A_408 = arith.muli %mul3A_407, %scan3A_326 : i32
        %get3A_409 = arith.index_cast %mul3A_408 : i32 to index
        %get3A_410 = arith.index_cast %mul3A_402 : i32 to index
        %get3A_411 = tpu.vector_load %arg8[%get3A_409, %get3A_410] {strides = array<i32>} : memref<32x512xi32, #tpu.memory_space<vmem>>, vector<1x16xi32>,
        %get3A_412 = vector.shape_cast %get3A_411 : vector<1x16xi32> to vector<16xi32>
        %bitcast_convert_type3A_413 = tpu.bitcast %get3A_412 : vector<16xi32> -> vector<16xi32>
        %shift_left3A_414 = arith.constant 16 : i32
        %shift_left3A_415 = vector.broadcast %shift_left3A_414 : i32 to vector<16xi32>
        %shift_left3A_416 = arith.shli %bitcast_convert_type3A_413, %shift_left3A_415 : vector<16xi32>
        %bitcast_convert_type3A_417 = tpu.bitcast %shift_left3A_416 : vector<16xi32> -> vector<16xf32>
        %and3A_418 = arith.constant -65536 : i32
        %and3A_419 = vector.broadcast %and3A_418 : i32 to vector<16xi32>
        %and3A_420 = arith.andi %bitcast_convert_type3A_413, %and3A_419 : vector<16xi32>
        %bitcast_convert_type3A_421 = tpu.bitcast %and3A_420 : vector<16xi32> -> vector<16xf32>
        %mul3A_422 = arith.constant 2 : i32
        %mul3A_423 = arith.muli %mul3A_422, %scan3A_326 : i32
        %add3A_424 = arith.constant 1 : i32
        %add3A_425 = arith.addi %mul3A_423, %add3A_424 : i32
        %get3A_426 = arith.index_cast %add3A_425 : i32 to index
        %get3A_427 = arith.index_cast %mul3A_402 : i32 to index
        %get3A_428 = tpu.vector_load %arg8[%get3A_426, %get3A_427] {strides = array<i32>} : memref<32x512xi32, #tpu.memory_space<vmem>>, vector<1x16xi32>,
        %get3A_429 = vector.shape_cast %get3A_428 : vector<1x16xi32> to vector<16xi32>
        %bitcast_convert_type3A_430 = tpu.bitcast %get3A_429 : vector<16xi32> -> vector<16xi32>
        %shift_left3A_431 = arith.constant 16 : i32
        %shift_left3A_432 = vector.broadcast %shift_left3A_431 : i32 to vector<16xi32>
        %shift_left3A_433 = arith.shli %bitcast_convert_type3A_430, %shift_left3A_432 : vector<16xi32>
        %bitcast_convert_type3A_434 = tpu.bitcast %shift_left3A_433 : vector<16xi32> -> vector<16xf32>
        %and3A_435 = arith.constant -65536 : i32
        %and3A_436 = vector.broadcast %and3A_435 : i32 to vector<16xi32>
        %and3A_437 = arith.andi %bitcast_convert_type3A_430, %and3A_436 : vector<16xi32>
        %bitcast_convert_type3A_438 = tpu.bitcast %and3A_437 : vector<16xi32> -> vector<16xf32>
        %get3A_439 = arith.index_cast %scan3A_326 : i32 to index
        %get3A_440 = arith.index_cast %mul3A_402 : i32 to index
        %get3A_441 = tpu.vector_load %arg10[%get3A_439, %get3A_440] {strides = array<i32>} : memref<16x1024xf32, #tpu.memory_space<vmem>>, vector<1x16xf32>,
        %get3A_442 = vector.shape_cast %get3A_441 : vector<1x16xf32> to vector<16xf32>
        %add3A_443 = arith.addf %bitcast_convert_type3A_417, %bitcast_convert_type3A_434 : vector<16xf32>
        %add3A_444 = arith.addf %get3A_442, %add3A_443 : vector<16xf32>
        %swap3A_445 = arith.index_cast %scan3A_326 : i32 to index
        %swap3A_446 = arith.index_cast %mul3A_402 : i32 to index
        %swap3A_447 = tpu.vector_load %arg10[%swap3A_445, %swap3A_446] {strides = array<i32>} : memref<16x1024xf32, #tpu.memory_space<vmem>>, vector<1x16xf32>,
        %swap3A_448 = vector.shape_cast %swap3A_447 : vector<1x16xf32> to vector<16xf32>
        %swap3A_449 = vector.shape_cast %add3A_444 : vector<16xf32> to vector<1x16xf32>
        tpu.vector_store %arg10[%swap3A_445, %swap3A_446], %swap3A_449 {strides = array<i32>} : memref<16x1024xf32, #tpu.memory_space<vmem>>, vector<1x16xf32>,
        %get3A_450 = arith.index_cast %scan3A_326 : i32 to index
        %get3A_451 = arith.index_cast %add3A_406 : i32 to index
        %get3A_452 = tpu.vector_load %arg10[%get3A_450, %get3A_451] {strides = array<i32>} : memref<16x1024xf32, #tpu.memory_space<vmem>>, vector<1x16xf32>,
        %get3A_453 = vector.shape_cast %get3A_452 : vector<1x16xf32> to vector<16xf32>
        %add3A_454 = arith.addf %bitcast_convert_type3A_421, %bitcast_convert_type3A_438 : vector<16xf32>
        %add3A_455 = arith.addf %get3A_453, %add3A_454 : vector<16xf32>
        %swap3A_456 = arith.index_cast %scan3A_326 : i32 to index
        %swap3A_457 = arith.index_cast %add3A_406 : i32 to index
        %swap3A_458 = tpu.vector_load %arg10[%swap3A_456, %swap3A_457] {strides = array<i32>} : memref<16x1024xf32, #tpu.memory_space<vmem>>, vector<1x16xf32>,
        %swap3A_459 = vector.shape_cast %swap3A_458 : vector<1x16xf32> to vector<16xf32>
        %swap3A_460 = vector.shape_cast %add3A_455 : vector<16xf32> to vector<1x16xf32>
        tpu.vector_store %arg10[%swap3A_456, %swap3A_457], %swap3A_460 {strides = array<i32>} : memref<16x1024xf32, #tpu.memory_space<vmem>>, vector<1x16xf32>,
        %scan3A_461 = arith.constant 0 : i32
        scf.yield %scan3A_461 : i32
      }
      %scan3A_334 = arith.constant 16 : i32
      %scan3A_335 = arith.constant 0 : i32
      scf.yield %scan3A_335 : i32
    }
    %scan3A_215 = arith.constant 16 : i32
    %add3A_216 = arith.constant 64 : i32
    %add3A_217 = arith.addi %mul3A_2, %add3A_216 : i32
    %dma_start3A_218 = arith.constant 0 : i32
    %dma_start3A_219 = tpu.memref_slice %arg5[%add3A_217, %dma_start3A_218] : memref<4096x1024xf32, #tpu.memory_space<hbm>> -> memref<16x1024xf32, #tpu.memory_space<hbm>>
    %dma_start3A_220 = arith.constant 0 : i32
    %dma_start3A_221 = tpu.memref_slice %arg5[%add3A_217, %dma_start3A_220] : memref<4096x1024xf32, #tpu.memory_space<hbm>> -> memref<16x1024xf32, #tpu.memory_space<hbm>>
    tpu.enqueue_dma source(%arg10 : memref<16x1024xf32, #tpu.memory_space<vmem>>) target(%dma_start3A_221 : memref<16x1024xf32, #tpu.memory_space<hbm>>) target_semaphore(%arg18 : memref<!tpu.dma_semaphore, #tpu.memory_space<semaphore_mem>>)
    %dma_wait3A_222 = tpu.memref_slice %arg4[%mul3A_202] : memref<8192xi32, #tpu.memory_space<hbm>> -> memref<32xi32, #tpu.memory_space<hbm>>
    %dma_wait3A_223 = tpu.memref_slice %arg4[%mul3A_202] : memref<8192xi32, #tpu.memory_space<hbm>> -> memref<32xi32, #tpu.memory_space<hbm>>
    tpu.wait_dma2 semaphore(%arg12 : memref<!tpu.dma_semaphore, #tpu.memory_space<semaphore_mem>>) src(%dma_wait3A_223 : memref<32xi32, #tpu.memory_space<hbm>>) dst(%arg6 : memref<32xi32, #tpu.memory_space<vmem>>)
    %dma_wait3A_224 = arith.constant 0 : i32
    %dma_wait3A_225 = tpu.memref_slice %arg5[%add3A_217, %dma_wait3A_224] : memref<4096x1024xf32, #tpu.memory_space<hbm>> -> memref<16x1024xf32, #tpu.memory_space<hbm>>
    %dma_wait3A_226 = arith.constant 0 : i32
    %dma_wait3A_227 = tpu.memref_slice %arg5[%add3A_217, %dma_wait3A_226] : memref<4096x1024xf32, #tpu.memory_space<hbm>> -> memref<16x1024xf32, #tpu.memory_space<hbm>>
    tpu.wait_dma2 semaphore(%arg18 : memref<!tpu.dma_semaphore, #tpu.memory_space<semaphore_mem>>) src(%arg10 : memref<16x1024xf32, #tpu.memory_space<vmem>>) dst(%dma_wait3A_227 : memref<16x1024xf32, #tpu.memory_space<hbm>>)
    %dma_start3A_228 = arith.constant 0 : i32
    %dma_start3A_229 = arith.constant 0 : i32
    %dma_start3A_230 = tpu.memref_slice %arg3[%dma_start3A_228, %dma_start3A_229] : memref<10240x512xi32, #tpu.memory_space<hbm>> -> memref<10240x512xi32, #tpu.memory_space<hbm>>
    tpu.enqueue_indirect_dma source(%dma_start3A_230 : memref<10240x512xi32, #tpu.memory_space<hbm>>) target(%arg8 : memref<32x512xi32, #tpu.memory_space<vmem>>) offsets(%arg6 : memref<32xi32, #tpu.memory_space<vmem>>) semaphore(%arg14 : memref<!tpu.dma_semaphore, #tpu.memory_space<semaphore_mem>>)
    %add3A_231 = arith.constant 96 : i32
    %add3A_232 = arith.addi %mul3A_2, %add3A_231 : i32
    %dma_start3A_233 = arith.constant 0 : i32
    %dma_start3A_234 = tpu.memref_slice %arg2[%add3A_232, %dma_start3A_233] : memref<4096x1024xf32, #tpu.memory_space<hbm>> -> memref<16x1024xf32, #tpu.memory_space<hbm>>
    %dma_start3A_235 = arith.constant 0 : i32
    %dma_start3A_236 = tpu.memref_slice %arg2[%add3A_232, %dma_start3A_235] : memref<4096x1024xf32, #tpu.memory_space<hbm>> -> memref<16x1024xf32, #tpu.memory_space<hbm>>
    tpu.enqueue_dma source(%dma_start3A_236 : memref<16x1024xf32, #tpu.memory_space<hbm>>) target(%arg10 : memref<16x1024xf32, #tpu.memory_space<vmem>>) target_semaphore(%arg16 : memref<!tpu.dma_semaphore, #tpu.memory_space<semaphore_mem>>)
    %dma_wait3A_237 = arith.constant 0 : i32
    %dma_wait3A_238 = arith.constant 0 : i32
    %dma_wait3A_239 = tpu.memref_slice %arg3[%dma_wait3A_237, %dma_wait3A_238] : memref<10240x512xi32, #tpu.memory_space<hbm>> -> memref<10240x512xi32, #tpu.memory_space<hbm>>
    tpu.wait_indirect_dma semaphore(%arg15 : memref<!tpu.dma_semaphore, #tpu.memory_space<semaphore_mem>>) src(%dma_wait3A_239 : memref<10240x512xi32, #tpu.memory_space<hbm>>) dst(%arg9 : memref<32x512xi32, #tpu.memory_space<vmem>>)
    %add3A_240 = arith.constant 112 : i32
    %add3A_241 = arith.addi %mul3A_2, %add3A_240 : i32
    %mul3A_242 = arith.constant 2 : i32
    %mul3A_243 = arith.muli %mul3A_242, %add3A_241 : i32
    %dma_start3A_244 = tpu.memref_slice %arg4[%mul3A_243] : memref<8192xi32, #tpu.memory_space<hbm>> -> memref<32xi32, #tpu.memory_space<hbm>>
    %dma_start3A_245 = tpu.memref_slice %arg4[%mul3A_243] : memref<8192xi32, #tpu.memory_space<hbm>> -> memref<32xi32, #tpu.memory_space<hbm>>
    tpu.enqueue_dma source(%dma_start3A_245 : memref<32xi32, #tpu.memory_space<hbm>>) target(%arg7 : memref<32xi32, #tpu.memory_space<vmem>>) target_semaphore(%arg13 : memref<!tpu.dma_semaphore, #tpu.memory_space<semaphore_mem>>)
    %dma_wait3A_246 = arith.constant 0 : i32
    %dma_wait3A_247 = tpu.memref_slice %arg2[%add3A_191, %dma_wait3A_246] : memref<4096x1024xf32, #tpu.memory_space<hbm>> -> memref<16x1024xf32, #tpu.memory_space<hbm>>
    %dma_wait3A_248 = arith.constant 0 : i32
    %dma_wait3A_249 = tpu.memref_slice %arg2[%add3A_191, %dma_wait3A_248] : memref<4096x1024xf32, #tpu.memory_space<hbm>> -> memref<16x1024xf32, #tpu.memory_space<hbm>>
    tpu.wait_dma2 semaphore(%arg17 : memref<!tpu.dma_semaphore, #tpu.memory_space<semaphore_mem>>) src(%dma_wait3A_249 : memref<16x1024xf32, #tpu.memory_space<hbm>>) dst(%arg11 : memref<16x1024xf32, #tpu.memory_space<vmem>>)
    %scan3A_250 = arith.constant 0 : i32
    %scan3A_251 = arith.constant 0 : i32
    %scan3A_252 = arith.constant 16 : i32
    %scan3A_253 = arith.addi %scan3A_251, %scan3A_252 : i32
    %scan3A_254 = arith.constant 1 : i32
    %scan3A_255 = scf.for %scan3A_326 = %scan3A_251 to %scan3A_253 step %scan3A_254 iter_args(%scan3A_327 = %scan3A_250) -> (i32)  : i32 {
      %scan3A_328 = arith.constant 0 : i32
      %scan3A_329 = arith.constant 0 : i32
      %scan3A_330 = arith.constant 16 : i32
      %scan3A_331 = arith.addi %scan3A_329, %scan3A_330 : i32
      %scan3A_332 = arith.constant 1 : i32
      %scan3A_333 = scf.for %scan3A_336 = %scan3A_329 to %scan3A_331 step %scan3A_332 iter_args(%scan3A_337 = %scan3A_328) -> (i32)  : i32 {
        %mul3A_338 = arith.constant 2 : i32
        %mul3A_339 = arith.muli %scan3A_336, %mul3A_338 : i32
        %add3A_340 = arith.constant 0 : i32
        %add3A_341 = arith.addi %mul3A_339, %add3A_340 : i32
        %mul3A_342 = arith.constant 16 : i32
        %mul3A_343 = arith.muli %add3A_341, %mul3A_342 : i32
        %mul3A_344 = arith.constant 16 : i32
        %mul3A_345 = arith.muli %add3A_341, %mul3A_344 : i32
        %add3A_346 = arith.constant 512 : i32
        %add3A_347 = arith.addi %add3A_346, %mul3A_345 : i32
        %mul3A_348 = arith.constant 2 : i32
        %mul3A_349 = arith.muli %mul3A_348, %scan3A_326 : i32
        %get3A = arith.index_cast %mul3A_349 : i32 to index
        %get3A_350 = arith.index_cast %mul3A_343 : i32 to index
        %get3A_351 = tpu.vector_load %arg9[%get3A, %get3A_350] {strides = array<i32>} : memref<32x512xi32, #tpu.memory_space<vmem>>, vector<1x16xi32>,
        %get3A_352 = vector.shape_cast %get3A_351 : vector<1x16xi32> to vector<16xi32>
        %bitcast_convert_type3A = tpu.bitcast %get3A_352 : vector<16xi32> -> vector<16xi32>
        %shift_left3A = arith.constant 16 : i32
        %shift_left3A_353 = vector.broadcast %shift_left3A : i32 to vector<16xi32>
        %shift_left3A_354 = arith.shli %bitcast_convert_type3A, %shift_left3A_353 : vector<16xi32>
        %bitcast_convert_type3A_355 = tpu.bitcast %shift_left3A_354 : vector<16xi32> -> vector<16xf32>
        %and3A = arith.constant -65536 : i32
        %and3A_356 = vector.broadcast %and3A : i32 to vector<16xi32>
        %and3A_357 = arith.andi %bitcast_convert_type3A, %and3A_356 : vector<16xi32>
        %bitcast_convert_type3A_358 = tpu.bitcast %and3A_357 : vector<16xi32> -> vector<16xf32>
        %mul3A_359 = arith.constant 2 : i32
        %mul3A_360 = arith.muli %mul3A_359, %scan3A_326 : i32
        %add3A_361 = arith.constant 1 : i32
        %add3A_362 = arith.addi %mul3A_360, %add3A_361 : i32
        %get3A_363 = arith.index_cast %add3A_362 : i32 to index
        %get3A_364 = arith.index_cast %mul3A_343 : i32 to index
        %get3A_365 = tpu.vector_load %arg9[%get3A_363, %get3A_364] {strides = array<i32>} : memref<32x512xi32, #tpu.memory_space<vmem>>, vector<1x16xi32>,
        %get3A_366 = vector.shape_cast %get3A_365 : vector<1x16xi32> to vector<16xi32>
        %bitcast_convert_type3A_367 = tpu.bitcast %get3A_366 : vector<16xi32> -> vector<16xi32>
        %shift_left3A_368 = arith.constant 16 : i32
        %shift_left3A_369 = vector.broadcast %shift_left3A_368 : i32 to vector<16xi32>
        %shift_left3A_370 = arith.shli %bitcast_convert_type3A_367, %shift_left3A_369 : vector<16xi32>
        %bitcast_convert_type3A_371 = tpu.bitcast %shift_left3A_370 : vector<16xi32> -> vector<16xf32>
        %and3A_372 = arith.constant -65536 : i32
        %and3A_373 = vector.broadcast %and3A_372 : i32 to vector<16xi32>
        %and3A_374 = arith.andi %bitcast_convert_type3A_367, %and3A_373 : vector<16xi32>
        %bitcast_convert_type3A_375 = tpu.bitcast %and3A_374 : vector<16xi32> -> vector<16xf32>
        %get3A_376 = arith.index_cast %scan3A_326 : i32 to index
        %get3A_377 = arith.index_cast %mul3A_343 : i32 to index
        %get3A_378 = tpu.vector_load %arg11[%get3A_376, %get3A_377] {strides = array<i32>} : memref<16x1024xf32, #tpu.memory_space<vmem>>, vector<1x16xf32>,
        %get3A_379 = vector.shape_cast %get3A_378 : vector<1x16xf32> to vector<16xf32>
        %add3A_380 = arith.addf %bitcast_convert_type3A_355, %bitcast_convert_type3A_371 : vector<16xf32>
        %add3A_381 = arith.addf %get3A_379, %add3A_380 : vector<16xf32>
        %swap3A = arith.index_cast %scan3A_326 : i32 to index
        %swap3A_382 = arith.index_cast %mul3A_343 : i32 to index
        %swap3A_383 = tpu.vector_load %arg11[%swap3A, %swap3A_382] {strides = array<i32>} : memref<16x1024xf32, #tpu.memory_space<vmem>>, vector<1x16xf32>,
        %swap3A_384 = vector.shape_cast %swap3A_383 : vector<1x16xf32> to vector<16xf32>
        %swap3A_385 = vector.shape_cast %add3A_381 : vector<16xf32> to vector<1x16xf32>
        tpu.vector_store %arg11[%swap3A, %swap3A_382], %swap3A_385 {strides = array<i32>} : memref<16x1024xf32, #tpu.memory_space<vmem>>, vector<1x16xf32>,
        %get3A_386 = arith.index_cast %scan3A_326 : i32 to index
        %get3A_387 = arith.index_cast %add3A_347 : i32 to index
        %get3A_388 = tpu.vector_load %arg11[%get3A_386, %get3A_387] {strides = array<i32>} : memref<16x1024xf32, #tpu.memory_space<vmem>>, vector<1x16xf32>,
        %get3A_389 = vector.shape_cast %get3A_388 : vector<1x16xf32> to vector<16xf32>
        %add3A_390 = arith.addf %bitcast_convert_type3A_358, %bitcast_convert_type3A_375 : vector<16xf32>
        %add3A_391 = arith.addf %get3A_389, %add3A_390 : vector<16xf32>
        %swap3A_392 = arith.index_cast %scan3A_326 : i32 to index
        %swap3A_393 = arith.index_cast %add3A_347 : i32 to index
        %swap3A_394 = tpu.vector_load %arg11[%swap3A_392, %swap3A_393] {strides = array<i32>} : memref<16x1024xf32, #tpu.memory_space<vmem>>, vector<1x16xf32>,
        %swap3A_395 = vector.shape_cast %swap3A_394 : vector<1x16xf32> to vector<16xf32>
        %swap3A_396 = vector.shape_cast %add3A_391 : vector<16xf32> to vector<1x16xf32>
        tpu.vector_store %arg11[%swap3A_392, %swap3A_393], %swap3A_396 {strides = array<i32>} : memref<16x1024xf32, #tpu.memory_space<vmem>>, vector<1x16xf32>,
        %mul3A_397 = arith.constant 2 : i32
        %mul3A_398 = arith.muli %scan3A_336, %mul3A_397 : i32
        %add3A_399 = arith.constant 1 : i32
        %add3A_400 = arith.addi %mul3A_398, %add3A_399 : i32
        %mul3A_401 = arith.constant 16 : i32
        %mul3A_402 = arith.muli %add3A_400, %mul3A_401 : i32
        %mul3A_403 = arith.constant 16 : i32
        %mul3A_404 = arith.muli %add3A_400, %mul3A_403 : i32
        %add3A_405 = arith.constant 512 : i32
        %add3A_406 = arith.addi %add3A_405, %mul3A_404 : i32
        %mul3A_407 = arith.constant 2 : i32
        %mul3A_408 = arith.muli %mul3A_407, %scan3A_326 : i32
        %get3A_409 = arith.index_cast %mul3A_408 : i32 to index
        %get3A_410 = arith.index_cast %mul3A_402 : i32 to index
        %get3A_411 = tpu.vector_load %arg9[%get3A_409, %get3A_410] {strides = array<i32>} : memref<32x512xi32, #tpu.memory_space<vmem>>, vector<1x16xi32>,
        %get3A_412 = vector.shape_cast %get3A_411 : vector<1x16xi32> to vector<16xi32>
        %bitcast_convert_type3A_413 = tpu.bitcast %get3A_412 : vector<16xi32> -> vector<16xi32>
        %shift_left3A_414 = arith.constant 16 : i32
        %shift_left3A_415 = vector.broadcast %shift_left3A_414 : i32 to vector<16xi32>
        %shift_left3A_416 = arith.shli %bitcast_convert_type3A_413, %shift_left3A_415 : vector<16xi32>
        %bitcast_convert_type3A_417 = tpu.bitcast %shift_left3A_416 : vector<16xi32> -> vector<16xf32>
        %and3A_418 = arith.constant -65536 : i32
        %and3A_419 = vector.broadcast %and3A_418 : i32 to vector<16xi32>
        %and3A_420 = arith.andi %bitcast_convert_type3A_413, %and3A_419 : vector<16xi32>
        %bitcast_convert_type3A_421 = tpu.bitcast %and3A_420 : vector<16xi32> -> vector<16xf32>
        %mul3A_422 = arith.constant 2 : i32
        %mul3A_423 = arith.muli %mul3A_422, %scan3A_326 : i32
        %add3A_424 = arith.constant 1 : i32
        %add3A_425 = arith.addi %mul3A_423, %add3A_424 : i32
        %get3A_426 = arith.index_cast %add3A_425 : i32 to index
        %get3A_427 = arith.index_cast %mul3A_402 : i32 to index
        %get3A_428 = tpu.vector_load %arg9[%get3A_426, %get3A_427] {strides = array<i32>} : memref<32x512xi32, #tpu.memory_space<vmem>>, vector<1x16xi32>,
        %get3A_429 = vector.shape_cast %get3A_428 : vector<1x16xi32> to vector<16xi32>
        %bitcast_convert_type3A_430 = tpu.bitcast %get3A_429 : vector<16xi32> -> vector<16xi32>
        %shift_left3A_431 = arith.constant 16 : i32
        %shift_left3A_432 = vector.broadcast %shift_left3A_431 : i32 to vector<16xi32>
        %shift_left3A_433 = arith.shli %bitcast_convert_type3A_430, %shift_left3A_432 : vector<16xi32>
        %bitcast_convert_type3A_434 = tpu.bitcast %shift_left3A_433 : vector<16xi32> -> vector<16xf32>
        %and3A_435 = arith.constant -65536 : i32
        %and3A_436 = vector.broadcast %and3A_435 : i32 to vector<16xi32>
        %and3A_437 = arith.andi %bitcast_convert_type3A_430, %and3A_436 : vector<16xi32>
        %bitcast_convert_type3A_438 = tpu.bitcast %and3A_437 : vector<16xi32> -> vector<16xf32>
        %get3A_439 = arith.index_cast %scan3A_326 : i32 to index
        %get3A_440 = arith.index_cast %mul3A_402 : i32 to index
        %get3A_441 = tpu.vector_load %arg11[%get3A_439, %get3A_440] {strides = array<i32>} : memref<16x1024xf32, #tpu.memory_space<vmem>>, vector<1x16xf32>,
        %get3A_442 = vector.shape_cast %get3A_441 : vector<1x16xf32> to vector<16xf32>
        %add3A_443 = arith.addf %bitcast_convert_type3A_417, %bitcast_convert_type3A_434 : vector<16xf32>
        %add3A_444 = arith.addf %get3A_442, %add3A_443 : vector<16xf32>
        %swap3A_445 = arith.index_cast %scan3A_326 : i32 to index
        %swap3A_446 = arith.index_cast %mul3A_402 : i32 to index
        %swap3A_447 = tpu.vector_load %arg11[%swap3A_445, %swap3A_446] {strides = array<i32>} : memref<16x1024xf32, #tpu.memory_space<vmem>>, vector<1x16xf32>,
        %swap3A_448 = vector.shape_cast %swap3A_447 : vector<1x16xf32> to vector<16xf32>
        %swap3A_449 = vector.shape_cast %add3A_444 : vector<16xf32> to vector<1x16xf32>
        tpu.vector_store %arg11[%swap3A_445, %swap3A_446], %swap3A_449 {strides = array<i32>} : memref<16x1024xf32, #tpu.memory_space<vmem>>, vector<1x16xf32>,
        %get3A_450 = arith.index_cast %scan3A_326 : i32 to index
        %get3A_451 = arith.index_cast %add3A_406 : i32 to index
        %get3A_452 = tpu.vector_load %arg11[%get3A_450, %get3A_451] {strides = array<i32>} : memref<16x1024xf32, #tpu.memory_space<vmem>>, vector<1x16xf32>,
        %get3A_453 = vector.shape_cast %get3A_452 : vector<1x16xf32> to vector<16xf32>
        %add3A_454 = arith.addf %bitcast_convert_type3A_421, %bitcast_convert_type3A_438 : vector<16xf32>
        %add3A_455 = arith.addf %get3A_453, %add3A_454 : vector<16xf32>
        %swap3A_456 = arith.index_cast %scan3A_326 : i32 to index
        %swap3A_457 = arith.index_cast %add3A_406 : i32 to index
        %swap3A_458 = tpu.vector_load %arg11[%swap3A_456, %swap3A_457] {strides = array<i32>} : memref<16x1024xf32, #tpu.memory_space<vmem>>, vector<1x16xf32>,
        %swap3A_459 = vector.shape_cast %swap3A_458 : vector<1x16xf32> to vector<16xf32>
        %swap3A_460 = vector.shape_cast %add3A_455 : vector<16xf32> to vector<1x16xf32>
        tpu.vector_store %arg11[%swap3A_456, %swap3A_457], %swap3A_460 {strides = array<i32>} : memref<16x1024xf32, #tpu.memory_space<vmem>>, vector<1x16xf32>,
        %scan3A_461 = arith.constant 0 : i32
        scf.yield %scan3A_461 : i32
      }
      %scan3A_334 = arith.constant 16 : i32
      %scan3A_335 = arith.constant 0 : i32
      scf.yield %scan3A_335 : i32
    }
    %scan3A_256 = arith.constant 16 : i32
    %add3A_257 = arith.constant 80 : i32
    %add3A_258 = arith.addi %mul3A_2, %add3A_257 : i32
    %dma_start3A_259 = arith.constant 0 : i32
    %dma_start3A_260 = tpu.memref_slice %arg5[%add3A_258, %dma_start3A_259] : memref<4096x1024xf32, #tpu.memory_space<hbm>> -> memref<16x1024xf32, #tpu.memory_space<hbm>>
    %dma_start3A_261 = arith.constant 0 : i32
    %dma_start3A_262 = tpu.memref_slice %arg5[%add3A_258, %dma_start3A_261] : memref<4096x1024xf32, #tpu.memory_space<hbm>> -> memref<16x1024xf32, #tpu.memory_space<hbm>>
    tpu.enqueue_dma source(%arg11 : memref<16x1024xf32, #tpu.memory_space<vmem>>) target(%dma_start3A_262 : memref<16x1024xf32, #tpu.memory_space<hbm>>) target_semaphore(%arg19 : memref<!tpu.dma_semaphore, #tpu.memory_space<semaphore_mem>>)
    %dma_wait3A_263 = tpu.memref_slice %arg4[%mul3A_243] : memref<8192xi32, #tpu.memory_space<hbm>> -> memref<32xi32, #tpu.memory_space<hbm>>
    %dma_wait3A_264 = tpu.memref_slice %arg4[%mul3A_243] : memref<8192xi32, #tpu.memory_space<hbm>> -> memref<32xi32, #tpu.memory_space<hbm>>
    tpu.wait_dma2 semaphore(%arg13 : memref<!tpu.dma_semaphore, #tpu.memory_space<semaphore_mem>>) src(%dma_wait3A_264 : memref<32xi32, #tpu.memory_space<hbm>>) dst(%arg7 : memref<32xi32, #tpu.memory_space<vmem>>)
    %dma_wait3A_265 = arith.constant 0 : i32
    %dma_wait3A_266 = tpu.memref_slice %arg5[%add3A_258, %dma_wait3A_265] : memref<4096x1024xf32, #tpu.memory_space<hbm>> -> memref<16x1024xf32, #tpu.memory_space<hbm>>
    %dma_wait3A_267 = arith.constant 0 : i32
    %dma_wait3A_268 = tpu.memref_slice %arg5[%add3A_258, %dma_wait3A_267] : memref<4096x1024xf32, #tpu.memory_space<hbm>> -> memref<16x1024xf32, #tpu.memory_space<hbm>>
    tpu.wait_dma2 semaphore(%arg19 : memref<!tpu.dma_semaphore, #tpu.memory_space<semaphore_mem>>) src(%arg11 : memref<16x1024xf32, #tpu.memory_space<vmem>>) dst(%dma_wait3A_268 : memref<16x1024xf32, #tpu.memory_space<hbm>>)
    %dma_start3A_269 = arith.constant 0 : i32
    %dma_start3A_270 = arith.constant 0 : i32
    %dma_start3A_271 = tpu.memref_slice %arg3[%dma_start3A_269, %dma_start3A_270] : memref<10240x512xi32, #tpu.memory_space<hbm>> -> memref<10240x512xi32, #tpu.memory_space<hbm>>
    tpu.enqueue_indirect_dma source(%dma_start3A_271 : memref<10240x512xi32, #tpu.memory_space<hbm>>) target(%arg9 : memref<32x512xi32, #tpu.memory_space<vmem>>) offsets(%arg7 : memref<32xi32, #tpu.memory_space<vmem>>) semaphore(%arg15 : memref<!tpu.dma_semaphore, #tpu.memory_space<semaphore_mem>>)
    %add3A_272 = arith.constant 112 : i32
    %add3A_273 = arith.addi %mul3A_2, %add3A_272 : i32
    %dma_start3A_274 = arith.constant 0 : i32
    %dma_start3A_275 = tpu.memref_slice %arg2[%add3A_273, %dma_start3A_274] : memref<4096x1024xf32, #tpu.memory_space<hbm>> -> memref<16x1024xf32, #tpu.memory_space<hbm>>
    %dma_start3A_276 = arith.constant 0 : i32
    %dma_start3A_277 = tpu.memref_slice %arg2[%add3A_273, %dma_start3A_276] : memref<4096x1024xf32, #tpu.memory_space<hbm>> -> memref<16x1024xf32, #tpu.memory_space<hbm>>
    tpu.enqueue_dma source(%dma_start3A_277 : memref<16x1024xf32, #tpu.memory_space<hbm>>) target(%arg11 : memref<16x1024xf32, #tpu.memory_space<vmem>>) target_semaphore(%arg17 : memref<!tpu.dma_semaphore, #tpu.memory_space<semaphore_mem>>)
    %dma_wait3A_278 = arith.constant 0 : i32
    %dma_wait3A_279 = arith.constant 0 : i32
    %dma_wait3A_280 = tpu.memref_slice %arg3[%dma_wait3A_278, %dma_wait3A_279] : memref<10240x512xi32, #tpu.memory_space<hbm>> -> memref<10240x512xi32, #tpu.memory_space<hbm>>
    tpu.wait_indirect_dma semaphore(%arg14 : memref<!tpu.dma_semaphore, #tpu.memory_space<semaphore_mem>>) src(%dma_wait3A_280 : memref<10240x512xi32, #tpu.memory_space<hbm>>) dst(%arg8 : memref<32x512xi32, #tpu.memory_space<vmem>>)
    %dma_wait3A_281 = arith.constant 0 : i32
    %dma_wait3A_282 = tpu.memref_slice %arg2[%add3A_232, %dma_wait3A_281] : memref<4096x1024xf32, #tpu.memory_space<hbm>> -> memref<16x1024xf32, #tpu.memory_space<hbm>>
    %dma_wait3A_283 = arith.constant 0 : i32
    %dma_wait3A_284 = tpu.memref_slice %arg2[%add3A_232, %dma_wait3A_283] : memref<4096x1024xf32, #tpu.memory_space<hbm>> -> memref<16x1024xf32, #tpu.memory_space<hbm>>
    tpu.wait_dma2 semaphore(%arg16 : memref<!tpu.dma_semaphore, #tpu.memory_space<semaphore_mem>>) src(%dma_wait3A_284 : memref<16x1024xf32, #tpu.memory_space<hbm>>) dst(%arg10 : memref<16x1024xf32, #tpu.memory_space<vmem>>)
    %scan3A_285 = arith.constant 0 : i32
    %scan3A_286 = arith.constant 0 : i32
    %scan3A_287 = arith.constant 16 : i32
    %scan3A_288 = arith.addi %scan3A_286, %scan3A_287 : i32
    %scan3A_289 = arith.constant 1 : i32
    %scan3A_290 = scf.for %scan3A_326 = %scan3A_286 to %scan3A_288 step %scan3A_289 iter_args(%scan3A_327 = %scan3A_285) -> (i32)  : i32 {
      %scan3A_328 = arith.constant 0 : i32
      %scan3A_329 = arith.constant 0 : i32
      %scan3A_330 = arith.constant 16 : i32
      %scan3A_331 = arith.addi %scan3A_329, %scan3A_330 : i32
      %scan3A_332 = arith.constant 1 : i32
      %scan3A_333 = scf.for %scan3A_336 = %scan3A_329 to %scan3A_331 step %scan3A_332 iter_args(%scan3A_337 = %scan3A_328) -> (i32)  : i32 {
        %mul3A_338 = arith.constant 2 : i32
        %mul3A_339 = arith.muli %scan3A_336, %mul3A_338 : i32
        %add3A_340 = arith.constant 0 : i32
        %add3A_341 = arith.addi %mul3A_339, %add3A_340 : i32
        %mul3A_342 = arith.constant 16 : i32
        %mul3A_343 = arith.muli %add3A_341, %mul3A_342 : i32
        %mul3A_344 = arith.constant 16 : i32
        %mul3A_345 = arith.muli %add3A_341, %mul3A_344 : i32
        %add3A_346 = arith.constant 512 : i32
        %add3A_347 = arith.addi %add3A_346, %mul3A_345 : i32
        %mul3A_348 = arith.constant 2 : i32
        %mul3A_349 = arith.muli %mul3A_348, %scan3A_326 : i32
        %get3A = arith.index_cast %mul3A_349 : i32 to index
        %get3A_350 = arith.index_cast %mul3A_343 : i32 to index
        %get3A_351 = tpu.vector_load %arg8[%get3A, %get3A_350] {strides = array<i32>} : memref<32x512xi32, #tpu.memory_space<vmem>>, vector<1x16xi32>,
        %get3A_352 = vector.shape_cast %get3A_351 : vector<1x16xi32> to vector<16xi32>
        %bitcast_convert_type3A = tpu.bitcast %get3A_352 : vector<16xi32> -> vector<16xi32>
        %shift_left3A = arith.constant 16 : i32
        %shift_left3A_353 = vector.broadcast %shift_left3A : i32 to vector<16xi32>
        %shift_left3A_354 = arith.shli %bitcast_convert_type3A, %shift_left3A_353 : vector<16xi32>
        %bitcast_convert_type3A_355 = tpu.bitcast %shift_left3A_354 : vector<16xi32> -> vector<16xf32>
        %and3A = arith.constant -65536 : i32
        %and3A_356 = vector.broadcast %and3A : i32 to vector<16xi32>
        %and3A_357 = arith.andi %bitcast_convert_type3A, %and3A_356 : vector<16xi32>
        %bitcast_convert_type3A_358 = tpu.bitcast %and3A_357 : vector<16xi32> -> vector<16xf32>
        %mul3A_359 = arith.constant 2 : i32
        %mul3A_360 = arith.muli %mul3A_359, %scan3A_326 : i32
        %add3A_361 = arith.constant 1 : i32
        %add3A_362 = arith.addi %mul3A_360, %add3A_361 : i32
        %get3A_363 = arith.index_cast %add3A_362 : i32 to index
        %get3A_364 = arith.index_cast %mul3A_343 : i32 to index
        %get3A_365 = tpu.vector_load %arg8[%get3A_363, %get3A_364] {strides = array<i32>} : memref<32x512xi32, #tpu.memory_space<vmem>>, vector<1x16xi32>,
        %get3A_366 = vector.shape_cast %get3A_365 : vector<1x16xi32> to vector<16xi32>
        %bitcast_convert_type3A_367 = tpu.bitcast %get3A_366 : vector<16xi32> -> vector<16xi32>
        %shift_left3A_368 = arith.constant 16 : i32
        %shift_left3A_369 = vector.broadcast %shift_left3A_368 : i32 to vector<16xi32>
        %shift_left3A_370 = arith.shli %bitcast_convert_type3A_367, %shift_left3A_369 : vector<16xi32>
        %bitcast_convert_type3A_371 = tpu.bitcast %shift_left3A_370 : vector<16xi32> -> vector<16xf32>
        %and3A_372 = arith.constant -65536 : i32
        %and3A_373 = vector.broadcast %and3A_372 : i32 to vector<16xi32>
        %and3A_374 = arith.andi %bitcast_convert_type3A_367, %and3A_373 : vector<16xi32>
        %bitcast_convert_type3A_375 = tpu.bitcast %and3A_374 : vector<16xi32> -> vector<16xf32>
        %get3A_376 = arith.index_cast %scan3A_326 : i32 to index
        %get3A_377 = arith.index_cast %mul3A_343 : i32 to index
        %get3A_378 = tpu.vector_load %arg10[%get3A_376, %get3A_377] {strides = array<i32>} : memref<16x1024xf32, #tpu.memory_space<vmem>>, vector<1x16xf32>,
        %get3A_379 = vector.shape_cast %get3A_378 : vector<1x16xf32> to vector<16xf32>
        %add3A_380 = arith.addf %bitcast_convert_type3A_355, %bitcast_convert_type3A_371 : vector<16xf32>
        %add3A_381 = arith.addf %get3A_379, %add3A_380 : vector<16xf32>
        %swap3A = arith.index_cast %scan3A_326 : i32 to index
        %swap3A_382 = arith.index_cast %mul3A_343 : i32 to index
        %swap3A_383 = tpu.vector_load %arg10[%swap3A, %swap3A_382] {strides = array<i32>} : memref<16x1024xf32, #tpu.memory_space<vmem>>, vector<1x16xf32>,
        %swap3A_384 = vector.shape_cast %swap3A_383 : vector<1x16xf32> to vector<16xf32>
        %swap3A_385 = vector.shape_cast %add3A_381 : vector<16xf32> to vector<1x16xf32>
        tpu.vector_store %arg10[%swap3A, %swap3A_382], %swap3A_385 {strides = array<i32>} : memref<16x1024xf32, #tpu.memory_space<vmem>>, vector<1x16xf32>,
        %get3A_386 = arith.index_cast %scan3A_326 : i32 to index
        %get3A_387 = arith.index_cast %add3A_347 : i32 to index
        %get3A_388 = tpu.vector_load %arg10[%get3A_386, %get3A_387] {strides = array<i32>} : memref<16x1024xf32, #tpu.memory_space<vmem>>, vector<1x16xf32>,
        %get3A_389 = vector.shape_cast %get3A_388 : vector<1x16xf32> to vector<16xf32>
        %add3A_390 = arith.addf %bitcast_convert_type3A_358, %bitcast_convert_type3A_375 : vector<16xf32>
        %add3A_391 = arith.addf %get3A_389, %add3A_390 : vector<16xf32>
        %swap3A_392 = arith.index_cast %scan3A_326 : i32 to index
        %swap3A_393 = arith.index_cast %add3A_347 : i32 to index
        %swap3A_394 = tpu.vector_load %arg10[%swap3A_392, %swap3A_393] {strides = array<i32>} : memref<16x1024xf32, #tpu.memory_space<vmem>>, vector<1x16xf32>,
        %swap3A_395 = vector.shape_cast %swap3A_394 : vector<1x16xf32> to vector<16xf32>
        %swap3A_396 = vector.shape_cast %add3A_391 : vector<16xf32> to vector<1x16xf32>
        tpu.vector_store %arg10[%swap3A_392, %swap3A_393], %swap3A_396 {strides = array<i32>} : memref<16x1024xf32, #tpu.memory_space<vmem>>, vector<1x16xf32>,
        %mul3A_397 = arith.constant 2 : i32
        %mul3A_398 = arith.muli %scan3A_336, %mul3A_397 : i32
        %add3A_399 = arith.constant 1 : i32
        %add3A_400 = arith.addi %mul3A_398, %add3A_399 : i32
        %mul3A_401 = arith.constant 16 : i32
        %mul3A_402 = arith.muli %add3A_400, %mul3A_401 : i32
        %mul3A_403 = arith.constant 16 : i32
        %mul3A_404 = arith.muli %add3A_400, %mul3A_403 : i32
        %add3A_405 = arith.constant 512 : i32
        %add3A_406 = arith.addi %add3A_405, %mul3A_404 : i32
        %mul3A_407 = arith.constant 2 : i32
        %mul3A_408 = arith.muli %mul3A_407, %scan3A_326 : i32
        %get3A_409 = arith.index_cast %mul3A_408 : i32 to index
        %get3A_410 = arith.index_cast %mul3A_402 : i32 to index
        %get3A_411 = tpu.vector_load %arg8[%get3A_409, %get3A_410] {strides = array<i32>} : memref<32x512xi32, #tpu.memory_space<vmem>>, vector<1x16xi32>,
        %get3A_412 = vector.shape_cast %get3A_411 : vector<1x16xi32> to vector<16xi32>
        %bitcast_convert_type3A_413 = tpu.bitcast %get3A_412 : vector<16xi32> -> vector<16xi32>
        %shift_left3A_414 = arith.constant 16 : i32
        %shift_left3A_415 = vector.broadcast %shift_left3A_414 : i32 to vector<16xi32>
        %shift_left3A_416 = arith.shli %bitcast_convert_type3A_413, %shift_left3A_415 : vector<16xi32>
        %bitcast_convert_type3A_417 = tpu.bitcast %shift_left3A_416 : vector<16xi32> -> vector<16xf32>
        %and3A_418 = arith.constant -65536 : i32
        %and3A_419 = vector.broadcast %and3A_418 : i32 to vector<16xi32>
        %and3A_420 = arith.andi %bitcast_convert_type3A_413, %and3A_419 : vector<16xi32>
        %bitcast_convert_type3A_421 = tpu.bitcast %and3A_420 : vector<16xi32> -> vector<16xf32>
        %mul3A_422 = arith.constant 2 : i32
        %mul3A_423 = arith.muli %mul3A_422, %scan3A_326 : i32
        %add3A_424 = arith.constant 1 : i32
        %add3A_425 = arith.addi %mul3A_423, %add3A_424 : i32
        %get3A_426 = arith.index_cast %add3A_425 : i32 to index
        %get3A_427 = arith.index_cast %mul3A_402 : i32 to index
        %get3A_428 = tpu.vector_load %arg8[%get3A_426, %get3A_427] {strides = array<i32>} : memref<32x512xi32, #tpu.memory_space<vmem>>, vector<1x16xi32>,
        %get3A_429 = vector.shape_cast %get3A_428 : vector<1x16xi32> to vector<16xi32>
        %bitcast_convert_type3A_430 = tpu.bitcast %get3A_429 : vector<16xi32> -> vector<16xi32>
        %shift_left3A_431 = arith.constant 16 : i32
        %shift_left3A_432 = vector.broadcast %shift_left3A_431 : i32 to vector<16xi32>
        %shift_left3A_433 = arith.shli %bitcast_convert_type3A_430, %shift_left3A_432 : vector<16xi32>
        %bitcast_convert_type3A_434 = tpu.bitcast %shift_left3A_433 : vector<16xi32> -> vector<16xf32>
        %and3A_435 = arith.constant -65536 : i32
        %and3A_436 = vector.broadcast %and3A_435 : i32 to vector<16xi32>
        %and3A_437 = arith.andi %bitcast_convert_type3A_430, %and3A_436 : vector<16xi32>
        %bitcast_convert_type3A_438 = tpu.bitcast %and3A_437 : vector<16xi32> -> vector<16xf32>
        %get3A_439 = arith.index_cast %scan3A_326 : i32 to index
        %get3A_440 = arith.index_cast %mul3A_402 : i32 to index
        %get3A_441 = tpu.vector_load %arg10[%get3A_439, %get3A_440] {strides = array<i32>} : memref<16x1024xf32, #tpu.memory_space<vmem>>, vector<1x16xf32>,
        %get3A_442 = vector.shape_cast %get3A_441 : vector<1x16xf32> to vector<16xf32>
        %add3A_443 = arith.addf %bitcast_convert_type3A_417, %bitcast_convert_type3A_434 : vector<16xf32>
        %add3A_444 = arith.addf %get3A_442, %add3A_443 : vector<16xf32>
        %swap3A_445 = arith.index_cast %scan3A_326 : i32 to index
        %swap3A_446 = arith.index_cast %mul3A_402 : i32 to index
        %swap3A_447 = tpu.vector_load %arg10[%swap3A_445, %swap3A_446] {strides = array<i32>} : memref<16x1024xf32, #tpu.memory_space<vmem>>, vector<1x16xf32>,
        %swap3A_448 = vector.shape_cast %swap3A_447 : vector<1x16xf32> to vector<16xf32>
        %swap3A_449 = vector.shape_cast %add3A_444 : vector<16xf32> to vector<1x16xf32>
        tpu.vector_store %arg10[%swap3A_445, %swap3A_446], %swap3A_449 {strides = array<i32>} : memref<16x1024xf32, #tpu.memory_space<vmem>>, vector<1x16xf32>,
        %get3A_450 = arith.index_cast %scan3A_326 : i32 to index
        %get3A_451 = arith.index_cast %add3A_406 : i32 to index
        %get3A_452 = tpu.vector_load %arg10[%get3A_450, %get3A_451] {strides = array<i32>} : memref<16x1024xf32, #tpu.memory_space<vmem>>, vector<1x16xf32>,
        %get3A_453 = vector.shape_cast %get3A_452 : vector<1x16xf32> to vector<16xf32>
        %add3A_454 = arith.addf %bitcast_convert_type3A_421, %bitcast_convert_type3A_438 : vector<16xf32>
        %add3A_455 = arith.addf %get3A_453, %add3A_454 : vector<16xf32>
        %swap3A_456 = arith.index_cast %scan3A_326 : i32 to index
        %swap3A_457 = arith.index_cast %add3A_406 : i32 to index
        %swap3A_458 = tpu.vector_load %arg10[%swap3A_456, %swap3A_457] {strides = array<i32>} : memref<16x1024xf32, #tpu.memory_space<vmem>>, vector<1x16xf32>,
        %swap3A_459 = vector.shape_cast %swap3A_458 : vector<1x16xf32> to vector<16xf32>
        %swap3A_460 = vector.shape_cast %add3A_455 : vector<16xf32> to vector<1x16xf32>
        tpu.vector_store %arg10[%swap3A_456, %swap3A_457], %swap3A_460 {strides = array<i32>} : memref<16x1024xf32, #tpu.memory_space<vmem>>, vector<1x16xf32>,
        %scan3A_461 = arith.constant 0 : i32
        scf.yield %scan3A_461 : i32
      }
      %scan3A_334 = arith.constant 16 : i32
      %scan3A_335 = arith.constant 0 : i32
      scf.yield %scan3A_335 : i32
    }
    %scan3A_291 = arith.constant 16 : i32
    %add3A_292 = arith.constant 96 : i32
    %add3A_293 = arith.addi %mul3A_2, %add3A_292 : i32
    %dma_start3A_294 = arith.constant 0 : i32
    %dma_start3A_295 = tpu.memref_slice %arg5[%add3A_293, %dma_start3A_294] : memref<4096x1024xf32, #tpu.memory_space<hbm>> -> memref<16x1024xf32, #tpu.memory_space<hbm>>
    %dma_start3A_296 = arith.constant 0 : i32
    %dma_start3A_297 = tpu.memref_slice %arg5[%add3A_293, %dma_start3A_296] : memref<4096x1024xf32, #tpu.memory_space<hbm>> -> memref<16x1024xf32, #tpu.memory_space<hbm>>
    tpu.enqueue_dma source(%arg10 : memref<16x1024xf32, #tpu.memory_space<vmem>>) target(%dma_start3A_297 : memref<16x1024xf32, #tpu.memory_space<hbm>>) target_semaphore(%arg18 : memref<!tpu.dma_semaphore, #tpu.memory_space<semaphore_mem>>)
    %dma_wait3A_298 = arith.constant 0 : i32
    %dma_wait3A_299 = arith.constant 0 : i32
    %dma_wait3A_300 = tpu.memref_slice %arg3[%dma_wait3A_298, %dma_wait3A_299] : memref<10240x512xi32, #tpu.memory_space<hbm>> -> memref<10240x512xi32, #tpu.memory_space<hbm>>
    tpu.wait_indirect_dma semaphore(%arg15 : memref<!tpu.dma_semaphore, #tpu.memory_space<semaphore_mem>>) src(%dma_wait3A_300 : memref<10240x512xi32, #tpu.memory_space<hbm>>) dst(%arg9 : memref<32x512xi32, #tpu.memory_space<vmem>>)
    %dma_wait3A_301 = arith.constant 0 : i32
    %dma_wait3A_302 = tpu.memref_slice %arg2[%add3A_273, %dma_wait3A_301] : memref<4096x1024xf32, #tpu.memory_space<hbm>> -> memref<16x1024xf32, #tpu.memory_space<hbm>>
    %dma_wait3A_303 = arith.constant 0 : i32
    %dma_wait3A_304 = tpu.memref_slice %arg2[%add3A_273, %dma_wait3A_303] : memref<4096x1024xf32, #tpu.memory_space<hbm>> -> memref<16x1024xf32, #tpu.memory_space<hbm>>
    tpu.wait_dma2 semaphore(%arg17 : memref<!tpu.dma_semaphore, #tpu.memory_space<semaphore_mem>>) src(%dma_wait3A_304 : memref<16x1024xf32, #tpu.memory_space<hbm>>) dst(%arg11 : memref<16x1024xf32, #tpu.memory_space<vmem>>)
    %scan3A_305 = arith.constant 0 : i32
    %scan3A_306 = arith.constant 0 : i32
    %scan3A_307 = arith.constant 16 : i32
    %scan3A_308 = arith.addi %scan3A_306, %scan3A_307 : i32
    %scan3A_309 = arith.constant 1 : i32
    %scan3A_310 = scf.for %scan3A_326 = %scan3A_306 to %scan3A_308 step %scan3A_309 iter_args(%scan3A_327 = %scan3A_305) -> (i32)  : i32 {
      %scan3A_328 = arith.constant 0 : i32
      %scan3A_329 = arith.constant 0 : i32
      %scan3A_330 = arith.constant 16 : i32
      %scan3A_331 = arith.addi %scan3A_329, %scan3A_330 : i32
      %scan3A_332 = arith.constant 1 : i32
      %scan3A_333 = scf.for %scan3A_336 = %scan3A_329 to %scan3A_331 step %scan3A_332 iter_args(%scan3A_337 = %scan3A_328) -> (i32)  : i32 {
        %mul3A_338 = arith.constant 2 : i32
        %mul3A_339 = arith.muli %scan3A_336, %mul3A_338 : i32
        %add3A_340 = arith.constant 0 : i32
        %add3A_341 = arith.addi %mul3A_339, %add3A_340 : i32
        %mul3A_342 = arith.constant 16 : i32
        %mul3A_343 = arith.muli %add3A_341, %mul3A_342 : i32
        %mul3A_344 = arith.constant 16 : i32
        %mul3A_345 = arith.muli %add3A_341, %mul3A_344 : i32
        %add3A_346 = arith.constant 512 : i32
        %add3A_347 = arith.addi %add3A_346, %mul3A_345 : i32
        %mul3A_348 = arith.constant 2 : i32
        %mul3A_349 = arith.muli %mul3A_348, %scan3A_326 : i32
        %get3A = arith.index_cast %mul3A_349 : i32 to index
        %get3A_350 = arith.index_cast %mul3A_343 : i32 to index
        %get3A_351 = tpu.vector_load %arg9[%get3A, %get3A_350] {strides = array<i32>} : memref<32x512xi32, #tpu.memory_space<vmem>>, vector<1x16xi32>,
        %get3A_352 = vector.shape_cast %get3A_351 : vector<1x16xi32> to vector<16xi32>
        %bitcast_convert_type3A = tpu.bitcast %get3A_352 : vector<16xi32> -> vector<16xi32>
        %shift_left3A = arith.constant 16 : i32
        %shift_left3A_353 = vector.broadcast %shift_left3A : i32 to vector<16xi32>
        %shift_left3A_354 = arith.shli %bitcast_convert_type3A, %shift_left3A_353 : vector<16xi32>
        %bitcast_convert_type3A_355 = tpu.bitcast %shift_left3A_354 : vector<16xi32> -> vector<16xf32>
        %and3A = arith.constant -65536 : i32
        %and3A_356 = vector.broadcast %and3A : i32 to vector<16xi32>
        %and3A_357 = arith.andi %bitcast_convert_type3A, %and3A_356 : vector<16xi32>
        %bitcast_convert_type3A_358 = tpu.bitcast %and3A_357 : vector<16xi32> -> vector<16xf32>
        %mul3A_359 = arith.constant 2 : i32
        %mul3A_360 = arith.muli %mul3A_359, %scan3A_326 : i32
        %add3A_361 = arith.constant 1 : i32
        %add3A_362 = arith.addi %mul3A_360, %add3A_361 : i32
        %get3A_363 = arith.index_cast %add3A_362 : i32 to index
        %get3A_364 = arith.index_cast %mul3A_343 : i32 to index
        %get3A_365 = tpu.vector_load %arg9[%get3A_363, %get3A_364] {strides = array<i32>} : memref<32x512xi32, #tpu.memory_space<vmem>>, vector<1x16xi32>,
        %get3A_366 = vector.shape_cast %get3A_365 : vector<1x16xi32> to vector<16xi32>
        %bitcast_convert_type3A_367 = tpu.bitcast %get3A_366 : vector<16xi32> -> vector<16xi32>
        %shift_left3A_368 = arith.constant 16 : i32
        %shift_left3A_369 = vector.broadcast %shift_left3A_368 : i32 to vector<16xi32>
        %shift_left3A_370 = arith.shli %bitcast_convert_type3A_367, %shift_left3A_369 : vector<16xi32>
        %bitcast_convert_type3A_371 = tpu.bitcast %shift_left3A_370 : vector<16xi32> -> vector<16xf32>
        %and3A_372 = arith.constant -65536 : i32
        %and3A_373 = vector.broadcast %and3A_372 : i32 to vector<16xi32>
        %and3A_374 = arith.andi %bitcast_convert_type3A_367, %and3A_373 : vector<16xi32>
        %bitcast_convert_type3A_375 = tpu.bitcast %and3A_374 : vector<16xi32> -> vector<16xf32>
        %get3A_376 = arith.index_cast %scan3A_326 : i32 to index
        %get3A_377 = arith.index_cast %mul3A_343 : i32 to index
        %get3A_378 = tpu.vector_load %arg11[%get3A_376, %get3A_377] {strides = array<i32>} : memref<16x1024xf32, #tpu.memory_space<vmem>>, vector<1x16xf32>,
        %get3A_379 = vector.shape_cast %get3A_378 : vector<1x16xf32> to vector<16xf32>
        %add3A_380 = arith.addf %bitcast_convert_type3A_355, %bitcast_convert_type3A_371 : vector<16xf32>
        %add3A_381 = arith.addf %get3A_379, %add3A_380 : vector<16xf32>
        %swap3A = arith.index_cast %scan3A_326 : i32 to index
        %swap3A_382 = arith.index_cast %mul3A_343 : i32 to index
        %swap3A_383 = tpu.vector_load %arg11[%swap3A, %swap3A_382] {strides = array<i32>} : memref<16x1024xf32, #tpu.memory_space<vmem>>, vector<1x16xf32>,
        %swap3A_384 = vector.shape_cast %swap3A_383 : vector<1x16xf32> to vector<16xf32>
        %swap3A_385 = vector.shape_cast %add3A_381 : vector<16xf32> to vector<1x16xf32>
        tpu.vector_store %arg11[%swap3A, %swap3A_382], %swap3A_385 {strides = array<i32>} : memref<16x1024xf32, #tpu.memory_space<vmem>>, vector<1x16xf32>,
        %get3A_386 = arith.index_cast %scan3A_326 : i32 to index
        %get3A_387 = arith.index_cast %add3A_347 : i32 to index
        %get3A_388 = tpu.vector_load %arg11[%get3A_386, %get3A_387] {strides = array<i32>} : memref<16x1024xf32, #tpu.memory_space<vmem>>, vector<1x16xf32>,
        %get3A_389 = vector.shape_cast %get3A_388 : vector<1x16xf32> to vector<16xf32>
        %add3A_390 = arith.addf %bitcast_convert_type3A_358, %bitcast_convert_type3A_375 : vector<16xf32>
        %add3A_391 = arith.addf %get3A_389, %add3A_390 : vector<16xf32>
        %swap3A_392 = arith.index_cast %scan3A_326 : i32 to index
        %swap3A_393 = arith.index_cast %add3A_347 : i32 to index
        %swap3A_394 = tpu.vector_load %arg11[%swap3A_392, %swap3A_393] {strides = array<i32>} : memref<16x1024xf32, #tpu.memory_space<vmem>>, vector<1x16xf32>,
        %swap3A_395 = vector.shape_cast %swap3A_394 : vector<1x16xf32> to vector<16xf32>
        %swap3A_396 = vector.shape_cast %add3A_391 : vector<16xf32> to vector<1x16xf32>
        tpu.vector_store %arg11[%swap3A_392, %swap3A_393], %swap3A_396 {strides = array<i32>} : memref<16x1024xf32, #tpu.memory_space<vmem>>, vector<1x16xf32>,
        %mul3A_397 = arith.constant 2 : i32
        %mul3A_398 = arith.muli %scan3A_336, %mul3A_397 : i32
        %add3A_399 = arith.constant 1 : i32
        %add3A_400 = arith.addi %mul3A_398, %add3A_399 : i32
        %mul3A_401 = arith.constant 16 : i32
        %mul3A_402 = arith.muli %add3A_400, %mul3A_401 : i32
        %mul3A_403 = arith.constant 16 : i32
        %mul3A_404 = arith.muli %add3A_400, %mul3A_403 : i32
        %add3A_405 = arith.constant 512 : i32
        %add3A_406 = arith.addi %add3A_405, %mul3A_404 : i32
        %mul3A_407 = arith.constant 2 : i32
        %mul3A_408 = arith.muli %mul3A_407, %scan3A_326 : i32
        %get3A_409 = arith.index_cast %mul3A_408 : i32 to index
        %get3A_410 = arith.index_cast %mul3A_402 : i32 to index
        %get3A_411 = tpu.vector_load %arg9[%get3A_409, %get3A_410] {strides = array<i32>} : memref<32x512xi32, #tpu.memory_space<vmem>>, vector<1x16xi32>,
        %get3A_412 = vector.shape_cast %get3A_411 : vector<1x16xi32> to vector<16xi32>
        %bitcast_convert_type3A_413 = tpu.bitcast %get3A_412 : vector<16xi32> -> vector<16xi32>
        %shift_left3A_414 = arith.constant 16 : i32
        %shift_left3A_415 = vector.broadcast %shift_left3A_414 : i32 to vector<16xi32>
        %shift_left3A_416 = arith.shli %bitcast_convert_type3A_413, %shift_left3A_415 : vector<16xi32>
        %bitcast_convert_type3A_417 = tpu.bitcast %shift_left3A_416 : vector<16xi32> -> vector<16xf32>
        %and3A_418 = arith.constant -65536 : i32
        %and3A_419 = vector.broadcast %and3A_418 : i32 to vector<16xi32>
        %and3A_420 = arith.andi %bitcast_convert_type3A_413, %and3A_419 : vector<16xi32>
        %bitcast_convert_type3A_421 = tpu.bitcast %and3A_420 : vector<16xi32> -> vector<16xf32>
        %mul3A_422 = arith.constant 2 : i32
        %mul3A_423 = arith.muli %mul3A_422, %scan3A_326 : i32
        %add3A_424 = arith.constant 1 : i32
        %add3A_425 = arith.addi %mul3A_423, %add3A_424 : i32
        %get3A_426 = arith.index_cast %add3A_425 : i32 to index
        %get3A_427 = arith.index_cast %mul3A_402 : i32 to index
        %get3A_428 = tpu.vector_load %arg9[%get3A_426, %get3A_427] {strides = array<i32>} : memref<32x512xi32, #tpu.memory_space<vmem>>, vector<1x16xi32>,
        %get3A_429 = vector.shape_cast %get3A_428 : vector<1x16xi32> to vector<16xi32>
        %bitcast_convert_type3A_430 = tpu.bitcast %get3A_429 : vector<16xi32> -> vector<16xi32>
        %shift_left3A_431 = arith.constant 16 : i32
        %shift_left3A_432 = vector.broadcast %shift_left3A_431 : i32 to vector<16xi32>
        %shift_left3A_433 = arith.shli %bitcast_convert_type3A_430, %shift_left3A_432 : vector<16xi32>
        %bitcast_convert_type3A_434 = tpu.bitcast %shift_left3A_433 : vector<16xi32> -> vector<16xf32>
        %and3A_435 = arith.constant -65536 : i32
        %and3A_436 = vector.broadcast %and3A_435 : i32 to vector<16xi32>
        %and3A_437 = arith.andi %bitcast_convert_type3A_430, %and3A_436 : vector<16xi32>
        %bitcast_convert_type3A_438 = tpu.bitcast %and3A_437 : vector<16xi32> -> vector<16xf32>
        %get3A_439 = arith.index_cast %scan3A_326 : i32 to index
        %get3A_440 = arith.index_cast %mul3A_402 : i32 to index
        %get3A_441 = tpu.vector_load %arg11[%get3A_439, %get3A_440] {strides = array<i32>} : memref<16x1024xf32, #tpu.memory_space<vmem>>, vector<1x16xf32>,
        %get3A_442 = vector.shape_cast %get3A_441 : vector<1x16xf32> to vector<16xf32>
        %add3A_443 = arith.addf %bitcast_convert_type3A_417, %bitcast_convert_type3A_434 : vector<16xf32>
        %add3A_444 = arith.addf %get3A_442, %add3A_443 : vector<16xf32>
        %swap3A_445 = arith.index_cast %scan3A_326 : i32 to index
        %swap3A_446 = arith.index_cast %mul3A_402 : i32 to index
        %swap3A_447 = tpu.vector_load %arg11[%swap3A_445, %swap3A_446] {strides = array<i32>} : memref<16x1024xf32, #tpu.memory_space<vmem>>, vector<1x16xf32>,
        %swap3A_448 = vector.shape_cast %swap3A_447 : vector<1x16xf32> to vector<16xf32>
        %swap3A_449 = vector.shape_cast %add3A_444 : vector<16xf32> to vector<1x16xf32>
        tpu.vector_store %arg11[%swap3A_445, %swap3A_446], %swap3A_449 {strides = array<i32>} : memref<16x1024xf32, #tpu.memory_space<vmem>>, vector<1x16xf32>,
        %get3A_450 = arith.index_cast %scan3A_326 : i32 to index
        %get3A_451 = arith.index_cast %add3A_406 : i32 to index
        %get3A_452 = tpu.vector_load %arg11[%get3A_450, %get3A_451] {strides = array<i32>} : memref<16x1024xf32, #tpu.memory_space<vmem>>, vector<1x16xf32>,
        %get3A_453 = vector.shape_cast %get3A_452 : vector<1x16xf32> to vector<16xf32>
        %add3A_454 = arith.addf %bitcast_convert_type3A_421, %bitcast_convert_type3A_438 : vector<16xf32>
        %add3A_455 = arith.addf %get3A_453, %add3A_454 : vector<16xf32>
        %swap3A_456 = arith.index_cast %scan3A_326 : i32 to index
        %swap3A_457 = arith.index_cast %add3A_406 : i32 to index
        %swap3A_458 = tpu.vector_load %arg11[%swap3A_456, %swap3A_457] {strides = array<i32>} : memref<16x1024xf32, #tpu.memory_space<vmem>>, vector<1x16xf32>,
        %swap3A_459 = vector.shape_cast %swap3A_458 : vector<1x16xf32> to vector<16xf32>
        %swap3A_460 = vector.shape_cast %add3A_455 : vector<16xf32> to vector<1x16xf32>
        tpu.vector_store %arg11[%swap3A_456, %swap3A_457], %swap3A_460 {strides = array<i32>} : memref<16x1024xf32, #tpu.memory_space<vmem>>, vector<1x16xf32>,
        %scan3A_461 = arith.constant 0 : i32
        scf.yield %scan3A_461 : i32
      }
      %scan3A_334 = arith.constant 16 : i32
      %scan3A_335 = arith.constant 0 : i32
      scf.yield %scan3A_335 : i32
    }
    %scan3A_311 = arith.constant 16 : i32
    %add3A_312 = arith.constant 112 : i32
    %add3A_313 = arith.addi %mul3A_2, %add3A_312 : i32
    %dma_start3A_314 = arith.constant 0 : i32
    %dma_start3A_315 = tpu.memref_slice %arg5[%add3A_313, %dma_start3A_314] : memref<4096x1024xf32, #tpu.memory_space<hbm>> -> memref<16x1024xf32, #tpu.memory_space<hbm>>
    %dma_start3A_316 = arith.constant 0 : i32
    %dma_start3A_317 = tpu.memref_slice %arg5[%add3A_313, %dma_start3A_316] : memref<4096x1024xf32, #tpu.memory_space<hbm>> -> memref<16x1024xf32, #tpu.memory_space<hbm>>
    tpu.enqueue_dma source(%arg11 : memref<16x1024xf32, #tpu.memory_space<vmem>>) target(%dma_start3A_317 : memref<16x1024xf32, #tpu.memory_space<hbm>>) target_semaphore(%arg19 : memref<!tpu.dma_semaphore, #tpu.memory_space<semaphore_mem>>)
    %dma_wait3A_318 = arith.constant 0 : i32
    %dma_wait3A_319 = tpu.memref_slice %arg5[%add3A_293, %dma_wait3A_318] : memref<4096x1024xf32, #tpu.memory_space<hbm>> -> memref<16x1024xf32, #tpu.memory_space<hbm>>
    %dma_wait3A_320 = arith.constant 0 : i32
    %dma_wait3A_321 = tpu.memref_slice %arg5[%add3A_293, %dma_wait3A_320] : memref<4096x1024xf32, #tpu.memory_space<hbm>> -> memref<16x1024xf32, #tpu.memory_space<hbm>>
    tpu.wait_dma2 semaphore(%arg18 : memref<!tpu.dma_semaphore, #tpu.memory_space<semaphore_mem>>) src(%arg10 : memref<16x1024xf32, #tpu.memory_space<vmem>>) dst(%dma_wait3A_321 : memref<16x1024xf32, #tpu.memory_space<hbm>>)
    %dma_wait3A_322 = arith.constant 0 : i32
    %dma_wait3A_323 = tpu.memref_slice %arg5[%add3A_313, %dma_wait3A_322] : memref<4096x1024xf32, #tpu.memory_space<hbm>> -> memref<16x1024xf32, #tpu.memory_space<hbm>>
    %dma_wait3A_324 = arith.constant 0 : i32
    %dma_wait3A_325 = tpu.memref_slice %arg5[%add3A_313, %dma_wait3A_324] : memref<4096x1024xf32, #tpu.memory_space<hbm>> -> memref<16x1024xf32, #tpu.memory_space<hbm>>
    tpu.wait_dma2 semaphore(%arg19 : memref<!tpu.dma_semaphore, #tpu.memory_space<semaphore_mem>>) src(%arg11 : memref<16x1024xf32, #tpu.memory_space<vmem>>) dst(%dma_wait3A_325 : memref<16x1024xf32, #tpu.memory_space<hbm>>)
    return
  }
}

module attributes {stable_mosaic.version = 14 : i64} {
  func.func @_router_body(%arg0: i32, %arg1: memref<1024x1024xf32, #tpu.memory_space<vmem>>, %arg2: memref<1024x128xf32, #tpu.memory_space<vmem>>, %arg3: memref<1x128xf32, #tpu.memory_space<vmem>>, %arg4: memref<1024x2xi32, #tpu.memory_space<vmem>>, %arg5: memref<1024x2xf32, #tpu.memory_space<vmem>>, %arg6: memref<1024x512xi32, #tpu.memory_space<vmem>>) attributes {dimension_semantics = [#tpu.dimension_semantics<arbitrary>], iteration_bounds = array<i64: 4>, scalar_prefetch = 0 : i64, scratch_operands = 0 : i64, tpu.core_type = #tpu.core_type<tc>, window_params = [{transform_indices = @transform_0, window_bounds = array<i64: 1024, 1024>}, {pipeline_mode = #tpu.pipeline_mode<synchronous>, transform_indices = @transform_1, window_bounds = array<i64: 1024, 128>}, {pipeline_mode = #tpu.pipeline_mode<synchronous>, transform_indices = @transform_2, window_bounds = array<i64: 1, 128>}, {transform_indices = @transform_3, window_bounds = array<i64: 1024, 2>}, {transform_indices = @transform_4, window_bounds = array<i64: 1024, 2>}, {transform_indices = @transform_5, window_bounds = array<i64: 1024, 512>}]} {
    %get3A = arith.constant 0 : index
    %get3A_0 = arith.constant 0 : index
    %get3A_1 = vector.load %arg1[%get3A, %get3A_0] : memref<1024x1024xf32, #tpu.memory_space<vmem>>, vector<1024x1024xf32>
    %slice3A = vector.extract_strided_slice %get3A_1 {offsets = [0, 0], sizes = [1024, 512], strides = [1, 1]} : vector<1024x1024xf32> to vector<1024x512xf32>
    %slice3A_2 = vector.extract_strided_slice %get3A_1 {offsets = [0, 512], sizes = [1024, 512], strides = [1, 1]} : vector<1024x1024xf32> to vector<1024x512xf32>
    %bitcast_convert_type3A = tpu.bitcast %slice3A : vector<1024x512xf32> -> vector<1024x512xi32>
    %shift_right_logical3A = arith.constant 16 : i32
    %shift_right_logical3A_3 = vector.broadcast %shift_right_logical3A : i32 to vector<1024x512xi32>
    %shift_right_logical3A_4 = arith.shrui %bitcast_convert_type3A, %shift_right_logical3A_3 : vector<1024x512xi32>
    %bitcast_convert_type3A_5 = tpu.bitcast %slice3A_2 : vector<1024x512xf32> -> vector<1024x512xi32>
    %and3A = arith.constant -65536 : i32
    %and3A_6 = vector.broadcast %and3A : i32 to vector<1024x512xi32>
    %and3A_7 = arith.andi %bitcast_convert_type3A_5, %and3A_6 : vector<1024x512xi32>
    %or3A = arith.ori %shift_right_logical3A_4, %and3A_7 : vector<1024x512xi32>
    %bitcast_convert_type3A_8 = tpu.bitcast %or3A : vector<1024x512xi32> -> vector<1024x512xi32>
    %swap3A = arith.constant 0 : index
    %swap3A_9 = arith.constant 0 : index
    %swap3A_10 = vector.load %arg6[%swap3A, %swap3A_9] : memref<1024x512xi32, #tpu.memory_space<vmem>>, vector<1024x512xi32>
    tpu.vector_store %arg6[%swap3A, %swap3A_9], %bitcast_convert_type3A_8 {strides = array<i32>} : memref<1024x512xi32, #tpu.memory_space<vmem>>, vector<1024x512xi32>,
    %get3A_11 = arith.constant 0 : index
    %get3A_12 = arith.constant 0 : index
    %get3A_13 = vector.load %arg2[%get3A_11, %get3A_12] : memref<1024x128xf32, #tpu.memory_space<vmem>>, vector<1024x128xf32>
    %dot_general3A = arith.constant dense<0.000000e+00> : vector<1024x128xf32>
    %dot_general3A_14 = tpu.matmul %get3A_1, %get3A_13, %dot_general3A {dimension_numbers = #tpu.dot_dimension_numbers<[1], [0], [0], [1], [0, 0, 1, 1], [], []>, transpose_lhs_hint = false} : vector<1024x1024xf32>, vector<1024x128xf32>, vector<1024x128xf32> -> vector<1024x128xf32>
    %get3A_15 = arith.constant 0 : index
    %get3A_16 = arith.constant 0 : index
    %get3A_17 = vector.load %arg3[%get3A_15, %get3A_16] : memref<1x128xf32, #tpu.memory_space<vmem>>, vector<1x128xf32>
    %add3A = vector.broadcast %get3A_17 : vector<1x128xf32> to vector<1024x128xf32>
    %add3A_18 = arith.addf %dot_general3A_14, %add3A : vector<1024x128xf32>
    %max3A = arith.constant 0.000000e+00 : f32
    %max3A_19 = vector.broadcast %max3A : f32 to vector<1024x128xf32>
    %max3A_20 = arith.maximumf %add3A_18, %max3A_19 : vector<1024x128xf32>
    %abs3A = math.absf %add3A_18 : vector<1024x128xf32>
    %neg3A = arith.constant 0.000000e+00 : f32
    %neg3A_21 = vector.broadcast %neg3A : f32 to vector<1024x128xf32>
    %neg3A_22 = arith.subf %neg3A_21, %abs3A : vector<1024x128xf32>
    %exp3A = math.exp %neg3A_22 : vector<1024x128xf32>
    %add3A_23 = arith.constant 1.000000e+00 : f32
    %add3A_24 = vector.broadcast %add3A_23 : f32 to vector<1024x128xf32>
    %add3A_25 = arith.addf %add3A_24, %exp3A : vector<1024x128xf32>
    %log3A = math.log %add3A_25 : vector<1024x128xf32>
    %add3A_26 = arith.addf %max3A_20, %log3A : vector<1024x128xf32>
    %sqrt3A = math.sqrt %add3A_26 : vector<1024x128xf32>
    %iota3A = tpu.iota {dimensions = array<i32: 1>} : vector<1024x128xi32>
    %lt3A = arith.constant 8 : i32
    %lt3A_27 = vector.broadcast %lt3A : i32 to vector<1024x128xi32>
    %lt3A_28 = arith.cmpi slt, %iota3A, %lt3A_27 : vector<1024x128xi32>
    %jit3A = arith.constant -1.000000e+00 : f32
    %broadcast_in_dim3A = vector.broadcast %jit3A : f32 to vector<1024x128xf32>
    %select_n3A = arith.select %lt3A_28, %sqrt3A, %broadcast_in_dim3A : vector<1024x128xi1>, vector<1024x128xf32>
    %reduce_max3A = arith.constant dense<0xFF800000> : vector<1024xf32>
    %reduce_max3A_29 = vector.multi_reduction <maximumf>, %select_n3A, %reduce_max3A [1] : vector<1024x128xf32> to vector<1024xf32>
    %broadcast_in_dim3A_30 = vector.shape_cast %reduce_max3A_29 : vector<1024xf32> to vector<1024x1xf32>
    %eq3A = vector.broadcast %broadcast_in_dim3A_30 : vector<1024x1xf32> to vector<1024x128xf32>
    %eq3A_31 = arith.cmpf oeq, %select_n3A, %eq3A : vector<1024x128xf32>
    %jit3A_32 = arith.constant 128 : i32
    %broadcast_in_dim3A_33 = vector.broadcast %jit3A_32 : i32 to vector<1024x128xi32>
    %select_n3A_34 = arith.select %eq3A_31, %iota3A, %broadcast_in_dim3A_33 : vector<1024x128xi1>, vector<1024x128xi32>
    %reduce_min3A = arith.constant dense<2147483647> : vector<1024xi32>
    %reduce_min3A_35 = vector.multi_reduction <minsi>, %select_n3A_34, %reduce_min3A [1] : vector<1024x128xi32> to vector<1024xi32>
    %broadcast_in_dim3A_36 = vector.shape_cast %reduce_min3A_35 : vector<1024xi32> to vector<1024x1xi32>
    %eq3A_37 = vector.broadcast %broadcast_in_dim3A_36 : vector<1024x1xi32> to vector<1024x128xi32>
    %eq3A_38 = arith.cmpi eq, %iota3A, %eq3A_37 : vector<1024x128xi32>
    %jit3A_39 = arith.constant -1.000000e+00 : f32
    %broadcast_in_dim3A_40 = vector.broadcast %jit3A_39 : f32 to vector<1024x128xf32>
    %select_n3A_41 = arith.select %eq3A_38, %broadcast_in_dim3A_40, %select_n3A : vector<1024x128xi1>, vector<1024x128xf32>
    %reduce_max3A_42 = arith.constant dense<0xFF800000> : vector<1024xf32>
    %reduce_max3A_43 = vector.multi_reduction <maximumf>, %select_n3A_41, %reduce_max3A_42 [1] : vector<1024x128xf32> to vector<1024xf32>
    %broadcast_in_dim3A_44 = vector.shape_cast %reduce_max3A_43 : vector<1024xf32> to vector<1024x1xf32>
    %eq3A_45 = vector.broadcast %broadcast_in_dim3A_44 : vector<1024x1xf32> to vector<1024x128xf32>
    %eq3A_46 = arith.cmpf oeq, %select_n3A_41, %eq3A_45 : vector<1024x128xf32>
    %jit3A_47 = arith.constant 128 : i32
    %broadcast_in_dim3A_48 = vector.broadcast %jit3A_47 : i32 to vector<1024x128xi32>
    %select_n3A_49 = arith.select %eq3A_46, %iota3A, %broadcast_in_dim3A_48 : vector<1024x128xi1>, vector<1024x128xi32>
    %reduce_min3A_50 = arith.constant dense<2147483647> : vector<1024xi32>
    %reduce_min3A_51 = vector.multi_reduction <minsi>, %select_n3A_49, %reduce_min3A_50 [1] : vector<1024x128xi32> to vector<1024xi32>
    %broadcast_in_dim3A_52 = vector.shape_cast %reduce_min3A_51 : vector<1024xi32> to vector<1024x1xi32>
    %concatenate3A = tpu.concatenate %broadcast_in_dim3A_36, %broadcast_in_dim3A_52 in 1 : vector<1024x1xi32>, vector<1024x1xi32> -> vector<1024x2xi32>
    %swap3A_53 = arith.constant 0 : index
    %swap3A_54 = arith.constant 0 : index
    %swap3A_55 = vector.load %arg4[%swap3A_53, %swap3A_54] : memref<1024x2xi32, #tpu.memory_space<vmem>>, vector<1024x2xi32>
    tpu.vector_store %arg4[%swap3A_53, %swap3A_54], %concatenate3A {strides = array<i32>} : memref<1024x2xi32, #tpu.memory_space<vmem>>, vector<1024x2xi32>,
    %concatenate3A_56 = tpu.concatenate %broadcast_in_dim3A_30, %broadcast_in_dim3A_44 in 1 : vector<1024x1xf32>, vector<1024x1xf32> -> vector<1024x2xf32>
    %swap3A_57 = arith.constant 0 : index
    %swap3A_58 = arith.constant 0 : index
    %swap3A_59 = vector.load %arg5[%swap3A_57, %swap3A_58] : memref<1024x2xf32, #tpu.memory_space<vmem>>, vector<1024x2xf32>
    tpu.vector_store %arg5[%swap3A_57, %swap3A_58], %concatenate3A_56 {strides = array<i32>} : memref<1024x2xf32, #tpu.memory_space<vmem>>, vector<1024x2xf32>,
    return
  }
  func.func @transform_0(%arg0: i32) -> (i32, i32) {
    %c0_i32 = arith.constant 0 : i32
    %c0_i32_0 = arith.constant 0 : i32
    return %arg0, %c0_i32 : i32, i32
  }
  func.func @transform_1(%arg0: i32) -> (i32, i32) {
    %c0_i32 = arith.constant 0 : i32
    %c0_i32_0 = arith.constant 0 : i32
    %c0_i32_1 = arith.constant 0 : i32
    return %c0_i32, %c0_i32_0 : i32, i32
  }
  func.func @transform_2(%arg0: i32) -> (i32, i32) {
    %c0_i32 = arith.constant 0 : i32
    %c0_i32_0 = arith.constant 0 : i32
    %c0_i32_1 = arith.constant 0 : i32
    return %c0_i32, %c0_i32_0 : i32, i32
  }
  func.func @transform_3(%arg0: i32) -> (i32, i32) {
    %c0_i32 = arith.constant 0 : i32
    %c0_i32_0 = arith.constant 0 : i32
    return %arg0, %c0_i32 : i32, i32
  }
  func.func @transform_4(%arg0: i32) -> (i32, i32) {
    %c0_i32 = arith.constant 0 : i32
    %c0_i32_0 = arith.constant 0 : i32
    return %arg0, %c0_i32 : i32, i32
  }
  func.func @transform_5(%arg0: i32) -> (i32, i32) {
    %c0_i32 = arith.constant 0 : i32
    %c0_i32_0 = arith.constant 0 : i32
    return %arg0, %c0_i32 : i32, i32
  }
}

module attributes {stable_mosaic.version = 14 : i64} {
  func.func @_shared_body(%arg0: i32, %arg1: memref<512x1024xf32, #tpu.memory_space<vmem>>, %arg2: memref<1024x512xf32, #tpu.memory_space<vmem>>, %arg3: memref<1x512xf32, #tpu.memory_space<vmem>>, %arg4: memref<512x1024xf32, #tpu.memory_space<vmem>>, %arg5: memref<1x1024xf32, #tpu.memory_space<vmem>>, %arg6: memref<512x1024xf32, #tpu.memory_space<vmem>>) attributes {dimension_semantics = [#tpu.dimension_semantics<arbitrary>], iteration_bounds = array<i64: 8>, scalar_prefetch = 0 : i64, scratch_operands = 0 : i64, tpu.core_type = #tpu.core_type<tc>, window_params = [{transform_indices = @transform_0, window_bounds = array<i64: 512, 1024>}, {pipeline_mode = #tpu.pipeline_mode<synchronous>, transform_indices = @transform_1, window_bounds = array<i64: 1024, 512>}, {pipeline_mode = #tpu.pipeline_mode<synchronous>, transform_indices = @transform_2, window_bounds = array<i64: 1, 512>}, {pipeline_mode = #tpu.pipeline_mode<synchronous>, transform_indices = @transform_3, window_bounds = array<i64: 512, 1024>}, {pipeline_mode = #tpu.pipeline_mode<synchronous>, transform_indices = @transform_4, window_bounds = array<i64: 1, 1024>}, {transform_indices = @transform_5, window_bounds = array<i64: 512, 1024>}]} {
    %get3A = arith.constant 0 : index
    %get3A_0 = arith.constant 0 : index
    %get3A_1 = vector.load %arg1[%get3A, %get3A_0] : memref<512x1024xf32, #tpu.memory_space<vmem>>, vector<512x1024xf32>
    %get3A_2 = arith.constant 0 : index
    %get3A_3 = arith.constant 0 : index
    %get3A_4 = vector.load %arg2[%get3A_2, %get3A_3] : memref<1024x512xf32, #tpu.memory_space<vmem>>, vector<1024x512xf32>
    %dot_general3A = arith.constant dense<0.000000e+00> : vector<512x512xf32>
    %dot_general3A_5 = tpu.matmul %get3A_1, %get3A_4, %dot_general3A {dimension_numbers = #tpu.dot_dimension_numbers<[1], [0], [0], [1], [0, 0, 1, 1], [], []>, transpose_lhs_hint = false} : vector<512x1024xf32>, vector<1024x512xf32>, vector<512x512xf32> -> vector<512x512xf32>
    %get3A_6 = arith.constant 0 : index
    %get3A_7 = arith.constant 0 : index
    %get3A_8 = vector.load %arg3[%get3A_6, %get3A_7] : memref<1x512xf32, #tpu.memory_space<vmem>>, vector<1x512xf32>
    %add3A = vector.broadcast %get3A_8 : vector<1x512xf32> to vector<512x512xf32>
    %add3A_9 = arith.addf %dot_general3A_5, %add3A : vector<512x512xf32>
    %neg3A = arith.constant 0.000000e+00 : f32
    %neg3A_10 = vector.broadcast %neg3A : f32 to vector<512x512xf32>
    %neg3A_11 = arith.subf %neg3A_10, %add3A_9 : vector<512x512xf32>
    %exp3A = math.exp %neg3A_11 : vector<512x512xf32>
    %add3A_12 = arith.constant 1.000000e+00 : f32
    %add3A_13 = vector.broadcast %add3A_12 : f32 to vector<512x512xf32>
    %add3A_14 = arith.addf %add3A_13, %exp3A : vector<512x512xf32>
    %div3A = arith.divf %add3A_9, %add3A_14 : vector<512x512xf32>
    %get3A_15 = arith.constant 0 : index
    %get3A_16 = arith.constant 0 : index
    %get3A_17 = vector.load %arg4[%get3A_15, %get3A_16] : memref<512x1024xf32, #tpu.memory_space<vmem>>, vector<512x1024xf32>
    %dot_general3A_18 = arith.constant dense<0.000000e+00> : vector<512x1024xf32>
    %dot_general3A_19 = tpu.matmul %div3A, %get3A_17, %dot_general3A_18 {dimension_numbers = #tpu.dot_dimension_numbers<[1], [0], [0], [1], [0, 0, 1, 1], [], []>, transpose_lhs_hint = false} : vector<512x512xf32>, vector<512x1024xf32>, vector<512x1024xf32> -> vector<512x1024xf32>
    %get3A_20 = arith.constant 0 : index
    %get3A_21 = arith.constant 0 : index
    %get3A_22 = vector.load %arg5[%get3A_20, %get3A_21] : memref<1x1024xf32, #tpu.memory_space<vmem>>, vector<1x1024xf32>
    %add3A_23 = vector.broadcast %get3A_22 : vector<1x1024xf32> to vector<512x1024xf32>
    %add3A_24 = arith.addf %dot_general3A_19, %add3A_23 : vector<512x1024xf32>
    %swap3A = arith.constant 0 : index
    %swap3A_25 = arith.constant 0 : index
    %swap3A_26 = vector.load %arg6[%swap3A, %swap3A_25] : memref<512x1024xf32, #tpu.memory_space<vmem>>, vector<512x1024xf32>
    tpu.vector_store %arg6[%swap3A, %swap3A_25], %add3A_24 {strides = array<i32>} : memref<512x1024xf32, #tpu.memory_space<vmem>>, vector<512x1024xf32>,
    return
  }
  func.func @transform_0(%arg0: i32) -> (i32, i32) {
    %c0_i32 = arith.constant 0 : i32
    %c0_i32_0 = arith.constant 0 : i32
    return %arg0, %c0_i32 : i32, i32
  }
  func.func @transform_1(%arg0: i32) -> (i32, i32) {
    %c0_i32 = arith.constant 0 : i32
    %c0_i32_0 = arith.constant 0 : i32
    %c0_i32_1 = arith.constant 0 : i32
    return %c0_i32, %c0_i32_0 : i32, i32
  }
  func.func @transform_2(%arg0: i32) -> (i32, i32) {
    %c0_i32 = arith.constant 0 : i32
    %c0_i32_0 = arith.constant 0 : i32
    %c0_i32_1 = arith.constant 0 : i32
    return %c0_i32, %c0_i32_0 : i32, i32
  }
  func.func @transform_3(%arg0: i32) -> (i32, i32) {
    %c0_i32 = arith.constant 0 : i32
    %c0_i32_0 = arith.constant 0 : i32
    %c0_i32_1 = arith.constant 0 : i32
    return %c0_i32, %c0_i32_0 : i32, i32
  }
  func.func @transform_4(%arg0: i32) -> (i32, i32) {
    %c0_i32 = arith.constant 0 : i32
    %c0_i32_0 = arith.constant 0 : i32
    %c0_i32_1 = arith.constant 0 : i32
    return %c0_i32, %c0_i32_0 : i32, i32
  }
  func.func @transform_5(%arg0: i32) -> (i32, i32) {
    %c0_i32 = arith.constant 0 : i32
    %c0_i32_0 = arith.constant 0 : i32
    return %arg0, %c0_i32 : i32, i32
  }
}

module attributes {stable_mosaic.version = 14 : i64} {
  func.func @_group_body(%arg0: i32, %arg1: memref<40xi32, #tpu.memory_space<smem>>, %arg2: memref<256x512xi32, #tpu.memory_space<vmem>>, %arg3: memref<1x1024x512xf32, #tpu.memory_space<vmem>>, %arg4: memref<1x1x512xf32, #tpu.memory_space<vmem>>, %arg5: memref<1x512x1024xf32, #tpu.memory_space<vmem>>, %arg6: memref<1x1x1024xf32, #tpu.memory_space<vmem>>, %arg7: memref<256x1xf32, #tpu.memory_space<vmem>>, %arg8: memref<256x512xi32, #tpu.memory_space<vmem>>) attributes {dimension_semantics = [#tpu.dimension_semantics<arbitrary>], iteration_bounds = array<i64: 40>, scalar_prefetch = 1 : i64, scratch_operands = 0 : i64, tpu.core_type = #tpu.core_type<tc>, window_params = [{transform_indices = @transform_0, window_bounds = array<i64: 256, 512>}, {transform_indices = @transform_1, window_bounds = array<i64: 1, 1024, 512>}, {transform_indices = @transform_2, window_bounds = array<i64: 1, 1, 512>}, {transform_indices = @transform_3, window_bounds = array<i64: 1, 512, 1024>}, {transform_indices = @transform_4, window_bounds = array<i64: 1, 1, 1024>}, {transform_indices = @transform_5, window_bounds = array<i64: 256, 1>}, {transform_indices = @transform_6, window_bounds = array<i64: 256, 512>}]} {
    %get3A = arith.constant 0 : index
    %get3A_0 = arith.constant 0 : index
    %get3A_1 = vector.load %arg2[%get3A, %get3A_0] : memref<256x512xi32, #tpu.memory_space<vmem>>, vector<256x512xi32>
    %bitcast_convert_type3A = tpu.bitcast %get3A_1 : vector<256x512xi32> -> vector<256x512xi32>
    %shift_left3A = arith.constant 16 : i32
    %shift_left3A_2 = vector.broadcast %shift_left3A : i32 to vector<256x512xi32>
    %shift_left3A_3 = arith.shli %bitcast_convert_type3A, %shift_left3A_2 : vector<256x512xi32>
    %bitcast_convert_type3A_4 = tpu.bitcast %shift_left3A_3 : vector<256x512xi32> -> vector<256x512xf32>
    %and3A = arith.constant -65536 : i32
    %and3A_5 = vector.broadcast %and3A : i32 to vector<256x512xi32>
    %and3A_6 = arith.andi %bitcast_convert_type3A, %and3A_5 : vector<256x512xi32>
    %bitcast_convert_type3A_7 = tpu.bitcast %and3A_6 : vector<256x512xi32> -> vector<256x512xf32>
    %get3A_8 = arith.constant 0 : index
    %get3A_9 = arith.constant 0 : index
    %get3A_10 = arith.constant 0 : index
    %get3A_11 = vector.load %arg3[%get3A_8, %get3A_9, %get3A_10] : memref<1x1024x512xf32, #tpu.memory_space<vmem>>, vector<1x1024x512xf32>
    %get3A_12 = vector.shape_cast %get3A_11 : vector<1x1024x512xf32> to vector<1024x512xf32>
    %convert_element_type3A = arith.truncf %bitcast_convert_type3A_4 : vector<256x512xf32> to vector<256x512xbf16>
    %slice3A = vector.extract_strided_slice %get3A_12 {offsets = [0, 0], sizes = [512, 512], strides = [1, 1]} : vector<1024x512xf32> to vector<512x512xf32>
    %convert_element_type3A_13 = arith.truncf %slice3A : vector<512x512xf32> to vector<512x512xbf16>
    %dot_general3A = arith.constant dense<0.000000e+00> : vector<256x512xf32>
    %dot_general3A_14 = tpu.matmul %convert_element_type3A, %convert_element_type3A_13, %dot_general3A {dimension_numbers = #tpu.dot_dimension_numbers<[1], [0], [0], [1], [0, 0, 1, 1], [], []>, transpose_lhs_hint = false} : vector<256x512xbf16>, vector<512x512xbf16>, vector<256x512xf32> -> vector<256x512xf32>
    %convert_element_type3A_15 = arith.truncf %bitcast_convert_type3A_7 : vector<256x512xf32> to vector<256x512xbf16>
    %slice3A_16 = vector.extract_strided_slice %get3A_12 {offsets = [512, 0], sizes = [512, 512], strides = [1, 1]} : vector<1024x512xf32> to vector<512x512xf32>
    %convert_element_type3A_17 = arith.truncf %slice3A_16 : vector<512x512xf32> to vector<512x512xbf16>
    %dot_general3A_18 = arith.constant dense<0.000000e+00> : vector<256x512xf32>
    %dot_general3A_19 = tpu.matmul %convert_element_type3A_15, %convert_element_type3A_17, %dot_general3A_18 {dimension_numbers = #tpu.dot_dimension_numbers<[1], [0], [0], [1], [0, 0, 1, 1], [], []>, transpose_lhs_hint = false} : vector<256x512xbf16>, vector<512x512xbf16>, vector<256x512xf32> -> vector<256x512xf32>
    %add3A = arith.addf %dot_general3A_14, %dot_general3A_19 : vector<256x512xf32>
    %get3A_20 = arith.constant 0 : index
    %get3A_21 = arith.constant 0 : index
    %get3A_22 = arith.constant 0 : index
    %get3A_23 = vector.load %arg4[%get3A_20, %get3A_21, %get3A_22] : memref<1x1x512xf32, #tpu.memory_space<vmem>>, vector<1x1x512xf32>
    %get3A_24 = vector.shape_cast %get3A_23 : vector<1x1x512xf32> to vector<1x512xf32>
    %add3A_25 = vector.broadcast %get3A_24 : vector<1x512xf32> to vector<256x512xf32>
    %add3A_26 = arith.addf %add3A, %add3A_25 : vector<256x512xf32>
    %neg3A = arith.constant 0.000000e+00 : f32
    %neg3A_27 = vector.broadcast %neg3A : f32 to vector<256x512xf32>
    %neg3A_28 = arith.subf %neg3A_27, %add3A_26 : vector<256x512xf32>
    %exp3A = math.exp %neg3A_28 : vector<256x512xf32>
    %add3A_29 = arith.constant 1.000000e+00 : f32
    %add3A_30 = vector.broadcast %add3A_29 : f32 to vector<256x512xf32>
    %add3A_31 = arith.addf %add3A_30, %exp3A : vector<256x512xf32>
    %div3A = arith.divf %add3A_26, %add3A_31 : vector<256x512xf32>
    %get3A_32 = arith.constant 0 : index
    %get3A_33 = arith.constant 0 : index
    %get3A_34 = arith.constant 0 : index
    %get3A_35 = vector.load %arg5[%get3A_32, %get3A_33, %get3A_34] : memref<1x512x1024xf32, #tpu.memory_space<vmem>>, vector<1x512x1024xf32>
    %get3A_36 = vector.shape_cast %get3A_35 : vector<1x512x1024xf32> to vector<512x1024xf32>
    %convert_element_type3A_37 = arith.truncf %get3A_36 : vector<512x1024xf32> to vector<512x1024xbf16>
    %convert_element_type3A_38 = arith.truncf %div3A : vector<256x512xf32> to vector<256x512xbf16>
    %dot_general3A_39 = arith.constant dense<0.000000e+00> : vector<256x1024xf32>
    %dot_general3A_40 = tpu.matmul %convert_element_type3A_38, %convert_element_type3A_37, %dot_general3A_39 {dimension_numbers = #tpu.dot_dimension_numbers<[1], [0], [0], [1], [0, 0, 1, 1], [], []>, transpose_lhs_hint = false} : vector<256x512xbf16>, vector<512x1024xbf16>, vector<256x1024xf32> -> vector<256x1024xf32>
    %get3A_41 = arith.constant 0 : index
    %get3A_42 = arith.constant 0 : index
    %get3A_43 = arith.constant 0 : index
    %get3A_44 = vector.load %arg6[%get3A_41, %get3A_42, %get3A_43] : memref<1x1x1024xf32, #tpu.memory_space<vmem>>, vector<1x1x1024xf32>
    %get3A_45 = vector.shape_cast %get3A_44 : vector<1x1x1024xf32> to vector<1x1024xf32>
    %add3A_46 = vector.broadcast %get3A_45 : vector<1x1024xf32> to vector<256x1024xf32>
    %add3A_47 = arith.addf %dot_general3A_40, %add3A_46 : vector<256x1024xf32>
    %get3A_48 = arith.constant 0 : index
    %get3A_49 = arith.constant 0 : index
    %get3A_50 = vector.load %arg7[%get3A_48, %get3A_49] : memref<256x1xf32, #tpu.memory_space<vmem>>, vector<256x1xf32>
    %mul3A = vector.broadcast %get3A_50 : vector<256x1xf32> to vector<256x1024xf32>
    %mul3A_51 = arith.mulf %add3A_47, %mul3A : vector<256x1024xf32>
    %slice3A_52 = vector.extract_strided_slice %mul3A_51 {offsets = [0, 0], sizes = [256, 512], strides = [1, 1]} : vector<256x1024xf32> to vector<256x512xf32>
    %slice3A_53 = vector.extract_strided_slice %mul3A_51 {offsets = [0, 512], sizes = [256, 512], strides = [1, 1]} : vector<256x1024xf32> to vector<256x512xf32>
    %bitcast_convert_type3A_54 = tpu.bitcast %slice3A_52 : vector<256x512xf32> -> vector<256x512xi32>
    %shift_right_logical3A = arith.constant 16 : i32
    %shift_right_logical3A_55 = vector.broadcast %shift_right_logical3A : i32 to vector<256x512xi32>
    %shift_right_logical3A_56 = arith.shrui %bitcast_convert_type3A_54, %shift_right_logical3A_55 : vector<256x512xi32>
    %bitcast_convert_type3A_57 = tpu.bitcast %slice3A_53 : vector<256x512xf32> -> vector<256x512xi32>
    %and3A_58 = arith.constant -65536 : i32
    %and3A_59 = vector.broadcast %and3A_58 : i32 to vector<256x512xi32>
    %and3A_60 = arith.andi %bitcast_convert_type3A_57, %and3A_59 : vector<256x512xi32>
    %or3A = arith.ori %shift_right_logical3A_56, %and3A_60 : vector<256x512xi32>
    %bitcast_convert_type3A_61 = tpu.bitcast %or3A : vector<256x512xi32> -> vector<256x512xi32>
    %swap3A = arith.constant 0 : index
    %swap3A_62 = arith.constant 0 : index
    %swap3A_63 = vector.load %arg8[%swap3A, %swap3A_62] : memref<256x512xi32, #tpu.memory_space<vmem>>, vector<256x512xi32>
    tpu.vector_store %arg8[%swap3A, %swap3A_62], %bitcast_convert_type3A_61 {strides = array<i32>} : memref<256x512xi32, #tpu.memory_space<vmem>>, vector<256x512xi32>,
    return
  }
  func.func @transform_0(%arg0: i32, %arg1: memref<40xi32, #tpu.memory_space<smem>>) -> (i32, i32) {
    %c0_i32 = arith.constant 0 : i32
    %c0_i32_0 = arith.constant 0 : i32
    return %arg0, %c0_i32 : i32, i32
  }
  func.func @transform_1(%arg0: i32, %arg1: memref<40xi32, #tpu.memory_space<smem>>) -> (i32, i32, i32) {
    %get3A = arith.index_cast %arg0 : i32 to index
    %get3A_0 = memref.load %arg1[%get3A] : memref<40xi32, #tpu.memory_space<smem>>
    %c0_i32 = arith.constant 0 : i32
    %c0_i32_1 = arith.constant 0 : i32
    %c0_i32_2 = arith.constant 0 : i32
    return %get3A_0, %c0_i32, %c0_i32_1 : i32, i32, i32
  }
  func.func @transform_2(%arg0: i32, %arg1: memref<40xi32, #tpu.memory_space<smem>>) -> (i32, i32, i32) {
    %get3A = arith.index_cast %arg0 : i32 to index
    %get3A_0 = memref.load %arg1[%get3A] : memref<40xi32, #tpu.memory_space<smem>>
    %c0_i32 = arith.constant 0 : i32
    %c0_i32_1 = arith.constant 0 : i32
    %c0_i32_2 = arith.constant 0 : i32
    return %get3A_0, %c0_i32, %c0_i32_1 : i32, i32, i32
  }
  func.func @transform_3(%arg0: i32, %arg1: memref<40xi32, #tpu.memory_space<smem>>) -> (i32, i32, i32) {
    %get3A = arith.index_cast %arg0 : i32 to index
    %get3A_0 = memref.load %arg1[%get3A] : memref<40xi32, #tpu.memory_space<smem>>
    %c0_i32 = arith.constant 0 : i32
    %c0_i32_1 = arith.constant 0 : i32
    %c0_i32_2 = arith.constant 0 : i32
    return %get3A_0, %c0_i32, %c0_i32_1 : i32, i32, i32
  }
  func.func @transform_4(%arg0: i32, %arg1: memref<40xi32, #tpu.memory_space<smem>>) -> (i32, i32, i32) {
    %get3A = arith.index_cast %arg0 : i32 to index
    %get3A_0 = memref.load %arg1[%get3A] : memref<40xi32, #tpu.memory_space<smem>>
    %c0_i32 = arith.constant 0 : i32
    %c0_i32_1 = arith.constant 0 : i32
    %c0_i32_2 = arith.constant 0 : i32
    return %get3A_0, %c0_i32, %c0_i32_1 : i32, i32, i32
  }
  func.func @transform_5(%arg0: i32, %arg1: memref<40xi32, #tpu.memory_space<smem>>) -> (i32, i32) {
    %c0_i32 = arith.constant 0 : i32
    %c0_i32_0 = arith.constant 0 : i32
    return %arg0, %c0_i32 : i32, i32
  }
  func.func @transform_6(%arg0: i32, %arg1: memref<40xi32, #tpu.memory_space<smem>>) -> (i32, i32) {
    %c0_i32 = arith.constant 0 : i32
    %c0_i32_0 = arith.constant 0 : i32
    return %arg0, %c0_i32 : i32, i32
  }
}

</mosaic_0001>

<sc_bundles>
// kernel: gather_offload_async_start
scs
__scs_entry_jumppad:
0x0: {  	(pc) =	sbr.rel $0x88, $3  }
0x1: {  	(tag) =	ssettag $0x0;
	lr =	simm.s32 $0x1  }
0x2: {  	[smem:$0x3F96] =	sst lr;
	_ =	strace $0xD0000000  }
0x3: {  	_ = 	snop  }
0x4: {  	_ = 	snop  }
0x5: {  	_ = 	snop  }
0x6: {  	_ = 	snop  }
0x7: {  	_ = 	snop  }
__scs_overlays_trampoline_lowered:
0x8: {  	[smem:$0x3FA5] =	sst s0  }
0x9: {  	[smem:$0x3FA6] =	sst s1  }
0xa: {  	[smem:$0x3FA7] =	sst s2  }
0xb: {  	[smem:$0x3FA8] =	sst s3  }
0xc: {  	[smem:$0x3FA9] =	sst s4  }
0xd: {  	[smem:$0x3FAA] =	sst s5  }
0xe: {  	[smem:$0x3FAB] =	sst s6  }
0xf: {  	[smem:$0x3FAC] =	sst s7  }
0x10: {  	[smem:$0x3FAD] =	sst s8  }
0x11: {  	[smem:$0x3FAE] =	sst s9;
	s0 =	simm.s32 @!p0 $0x0  }
0x12: {  	s1 =	sld [smem:$0x3F94];
	s0 =	simm.s32 @p0 $0x1  }
0x13: {  	[smem:$0x3FAF] =	sst s0;
	s0 =	simm.s32 @!p1 $0x0  }
0x14: {  	s2 =	sld [smem:$0x3F93];
	s0 =	simm.s32 @p1 $0x1  }
0x15: {  	[smem:$0x3FB0] =	sst s0;
	s0 =	simm.s32 @!p2 $0x0  }
0x16: {  	s3 =	sld [smem:$0x3FDB];
	s0 =	simm.s32 @p2 $0x1  }
0x17: {  	s4 =	simm.s32 $0x1BF5;
	[smem:$0x3FB2] =	sst s0  }
0x18: {  	s0 =	sld [smem:$0x3F95];
	_ =	swait.ge [sflag:s4], $0x0  }
0x19: {  	s7 =	sld [smem:$0x3F96]  }
0x1a: {  	s8 =	sadd.s32 $0xFFFFE003, lr  }
0x1b: {  	s9 =	sadd.s32 $0xFFFFFEF7, lr;
	s5 =	simm.s32 $0xFFFFFFFF;
	p2 =	slt.u32 s8, $0xFFFFF086  }
0x1c: {  	p1 =	slt.u32 s9, $0xF7A;
	s5 =	simm.s32 @!p2 $0x0  }
0x1d: {  	s5 =	simm.s32 @p1 $0x1;
	p0 =	seq.s32 s7, s2  }
0x1e: {  	s7 =	smul.u32 @!p0 $0xF7A, s2;
	p2 =	seq.s32 @!p0 s5, $0x0  }
0x1f: {  	s9 =	smul.u32 $0xF7A, s1;
	s8 =	simm.s32 @!p0 $0x1BF5;
	p2 =	por !p2, p0  }
0x20: {  	[sflag:s8] =	ssyncset.s32 @!p0 $0xFFFFF086;
	s6 =	sadd.s32 @!p0 s3, s7;
	s7 =	simm.s32 @!p0 $0x108  }
0x21: {  	s3 =	sadd.s32 s3, s9;
	s6 =	sadd.s32 @!p0 $0x88, s6;
	s7 =	simm.s32 @p2 $0x1082  }
0x22: {  	[simem:s7], [sflag:s8] =	dma.local @!p0 [hbm:s6], $0xF7A  }
0x23: {  	s9 =	sor.u32 $0xD0000000, s2;
	s6 =	simm.s32 $0x108;
	_ =	swait.ge @!p0 [sflag:s8], $0x0  }
0x24: {  	s3 =	sadd.s32 $0x88, s3;
	s6 =	simm.s32 @!p1 $0x1082;
	[sflag:s4] =	ssyncset.s32 $0xFFFFF086  }
0x25: {  	[simem:s6], [sflag:s4] =	dma.local [hbm:s3], $0xF7A  }
0x26: {  	[smem:$0x3F96] =	sst s1;
	(tag) =	ssettag s2;
	_ =	strace s9  }
0x27: {  	s1 =	sld [smem:$0x3FA6]  }
0x28: {  	s2 =	sld [smem:$0x3FA7]  }
0x29: {  	s4 =	sld [smem:$0x3FA9]  }
0x2a: {  	p0 =	seq.s32 s5, $0x0;
	s5 =	sld [smem:$0x3FAA]  }
0x2b: {  	s6 =	sld [smem:$0x3FAB]  }
0x2c: {  	s7 =	sld [smem:$0x3FAC]  }
0x2d: {  	s3 =	simm.s32 $0x108;
	s8 =	sld [smem:$0x3FAD]  }
0x2e: {  	s3 =	simm.s32 @!p0 $0x1082;
	s9 =	sld [smem:$0x3FAE]  }
0x2f: {  	lr =	sadd.s32 s0, s3;
	s0 =	sld [smem:$0x3FA5]  }
0x30: {  	s3 =	sld [smem:$0x3FA8]  }
0x31: {  	[smem:$0x3FB1] =	sst s10  }
0x32: {  	s10 =	sld [smem:$0x3FAF];
	_ =	sdelay $0x3  }
0x33: {  	p0 =	seq.s32 s10, $0x1;
	s10 =	sld [smem:$0x3FB1];
	_ =	sdelay $0x3  }
0x34: {  	[smem:$0x3FB1] =	sst s10  }
0x35: {  	s10 =	sld [smem:$0x3FB0];
	_ =	sdelay $0x3  }
0x36: {  	p1 =	seq.s32 s10, $0x1;
	s10 =	sld [smem:$0x3FB1];
	_ =	sdelay $0x3  }
0x37: {  	[smem:$0x3FB1] =	sst s10  }
0x38: {  	s10 =	sld [smem:$0x3FB2]  }
0x39: {  	_ = 	snop;
	(pc) =	sbr.ind lr, $3  }
0x3a: {  	_ = 	snop  }
0x3b: {  	_ = 	snop  }
0x3c: {  	p2 =	seq.s32 s10, $0x1;
	s10 =	sld [smem:$0x3FB1]  }
0x3d: {  	_ =	shalt  }
0x3e: {  	_ =	shalt  }
0x3f: {  	_ =	shalt  }
0x40: {  	_ =	shalt  }
0x41: {  	_ =	shalt  }
0x42: {  	_ =	shalt  }
0x43: {  	_ =	shalt  }
0x44: {  	_ =	shalt  }
0x45: {  	_ =	shalt  }
0x46: {  	_ =	shalt  }
0x47: {  	_ =	shalt  }
0x48: {  	_ =	shalt  }
0x49: {  	_ =	shalt  }
0x4a: {  	_ =	shalt  }
0x4b: {  	_ =	shalt  }
0x4c: {  	_ =	shalt  }
0x4d: {  	_ =	shalt  }
0x4e: {  	_ =	shalt  }
0x4f: {  	_ =	shalt  }
0x50: {  	_ =	shalt  }
0x51: {  	_ =	shalt  }
0x52: {  	_ =	shalt  }
0x53: {  	_ =	shalt  }
0x54: {  	_ =	shalt  }
0x55: {  	_ =	shalt  }
0x56: {  	_ =	shalt  }
0x57: {  	_ =	shalt  }
0x58: {  	_ =	shalt  }
0x59: {  	_ =	shalt  }
0x5a: {  	_ =	shalt  }
0x5b: {  	_ =	shalt  }
0x5c: {  	_ =	shalt  }
0x5d: {  	_ =	shalt  }
0x5e: {  	_ =	shalt  }
0x5f: {  	_ =	shalt  }
0x60: {  	_ =	shalt  }
0x61: {  	_ =	shalt  }
0x62: {  	_ =	shalt  }
0x63: {  	_ =	shalt  }
0x64: {  	_ =	shalt  }
0x65: {  	_ =	shalt  }
0x66: {  	_ =	shalt  }
0x67: {  	_ =	shalt  }
0x68: {  	_ =	shalt  }
0x69: {  	_ =	shalt  }
0x6a: {  	_ =	shalt  }
0x6b: {  	_ =	shalt  }
0x6c: {  	_ =	shalt  }
0x6d: {  	_ =	shalt  }
0x6e: {  	_ =	shalt  }
0x6f: {  	_ =	shalt  }
0x70: {  	_ =	shalt  }
0x71: {  	_ =	shalt  }
0x72: {  	_ =	shalt  }
0x73: {  	_ =	shalt  }
0x74: {  	_ =	shalt  }
0x75: {  	_ =	shalt  }
0x76: {  	_ =	shalt  }
0x77: {  	_ =	shalt  }
0x78: {  	_ =	shalt  }
0x79: {  	_ =	shalt  }
0x7a: {  	_ =	shalt  }
0x7b: {  	_ =	shalt  }
0x7c: {  	_ =	shalt  }
0x7d: {  	_ =	shalt  }
0x7e: {  	_ =	shalt  }
0x7f: {  	_ =	shalt  }
0x80: {  	_ =	shalt  }
0x81: {  	_ =	shalt  }
0x82: {  	_ =	shalt  }
0x83: {  	_ =	shalt  }
0x84: {  	_ =	shalt  }
0x85: {  	_ =	shalt  }
0x86: {  	_ =	shalt  }
0x87: {  	_ =	shalt  }
.Lfunc_end0:
.L_simem_size_0:
called_computation_lowered:
.L_overlay_start_0:
0x88: {  	s2 =	sld [smem:$0x3FD9]  }
0x89: {  	s3 =	sld [smem:$0x3FFE];
	_ =	sdelay $0x1  }
0x8a: {  	s1 =	srdreg.scid  }
0x8b: {  	s0 =	sand.u32 $0x1, s1  }
0x8c: {  	s16 =	sshll.u32 s0, $0xA;
	s2 =	sadd.s32 s3, s2  }
0x8d: {  	s2 =	sadd.s32 s2, s16  }
0x8e: {  	[smem:$0x3FBD] =	sst s2  }
0x8f: {  	_ = 	snop  }
0x90: {  	(tm) =	ssettm $0x1  }
0x91: {  	s17 =	sld [smem:$0x3FFB];
	_ =	sdelay $0x3  }
0x92: {  	_ =	strace s17  }
0x93: {  	s2 =	sld [smem:$0x3FFC];
	_ =	sdelay $0x3  }
0x94: {  	_ =	strace s2  }
0x95: {  	s2 =	sld [smem:$0x3FFD];
	_ =	sdelay $0x3  }
0x96: {  	_ =	strace s2  }
0x97: {  	_ =	strace $0x8FFFFFFF  }
0x98: {  	s18 =	sld [smem:$0x3FDB];
	_ =	sdelay $0x1  }
0x99: {  	s19 =	simm.s32 $_scs_section_size  }
0x9a: {  	s4 =	simm.s32 $_size__tile_overlayer_lowered;
	s5 =	simm.s32 $_tile_overlayer_lowered  }
0x9b: {  	s22 =	simm.s32 $0x1BFF;
	s21 =	sshll.u32 s5, $0x1;
	s2 =	sadd.s32 s19, s18  }
0x9c: {  	s6 =	simm.s32 $0x0;
	s20 =	sshll.u32 s4, $0x1;
	s4 =	sadd.s32 s21, s2  }
0x9d: {  	[timem:s6], [sflag:s22] =	dma.local [hbm:s4], s20  }
0x9e: {  	_ =	swait.ge [sflag:s22], s20  }
0x9f: {  	s3 =	ssub.s32 $0x0, s20;
	[sflag:s22] =	ssyncset.done $0x0  }
0xa0: {  	[sflag:s22] =	ssyncadd.s32 s3;
	_ =	sdelay $0x1  }
0xa1: {  	s23 =	simm.s32 $0x1B8B  }
0xa2: {  	_ =	swait.ge [sflag:s23], $0x1  }
0xa3: {  	[sflag:s23] =	ssyncset.done $0x0  }
0xa4: {  	s25 =	simm.s32 $0x1B8E;
	s24 =	sld [smem:$0x3FFE];
	[sflag:s23] =	ssyncadd.s32 $0xFFFFFFFF  }
0xa5: {  	s26 =	simm.s32 $execute0_lowered;
	[smem:$0x3FD2] =	sst s25  }
0xa6: {  	s4 =	sshll.u32 s26, $0x1;
	_ =	strace $0x80000046;
	[dreg:$0x1] =	wrdreg $0xFFFFFFFF  }
0xa7: {  	s28 =	simm.s32 $_size_execute0_lowered;
	s2 =	sadd.s32 s2, s4;
	[dreg:$0x0] =	wrdreg $0x0  }
0xa8: {  	s4 =	sshll.u32 s28, $0x1;
	[dreg:$0x2] =	wrdreg s2  }
0xa9: {  	[dreg:$0x3] =	wrdreg s4  }
0xaa: {  	[dreg:$0x4] =	wrdreg $0xC0  }
0xab: {  	_ =	task [dreg:s6], $0x5FFFF  }
0xac: {  	[dreg:$0x1] =	wrdreg $0xFFFFFFFF  }
0xad: {  	[dreg:$0x0] =	wrdreg $0x60  }
0xae: {  	[dreg:$0x2] =	wrdreg s24  }
0xaf: {  	[dreg:$0x3] =	wrdreg $0x9  }
0xb0: {  	_ =	task.clear_ibuf [dreg:s6], $0x4FFFF;
	_ =	strace $0x90000046  }
0xb1: {  	s29 =	simm.s32 $0x9;
	_ =	strace $0x80000048  }
0xb2: {  	_ =	swait.ge [sflag:s29], $0x1  }
0xb3: {  	[sflag:s29] =	ssyncadd.s32 $0xFFFFFFFF  }
0xb4: {  	_ =	strace $0x90000048  }
0xb5: {  	_ =	sfence  }
0xb6: {  	s30 =	sld [smem:$0x0];
	_ =	sdelay $0x2  }
0xb7: {  	s31 =	sshll.u32 s1, $0xD;
	s1 =	sshrl.u32 s1, $0x2  }
0xb8: {  	s3 =	sand.u32 $0x4000, s31;
	s1 =	sadd.s32 s1, s30  }
0xb9: {  	s0 =	sor.u32 s3, s0;
	s1 =	sshll.u32 s1, $0x11  }
0xba: {  	s0 =	sor.u32 s1, s0  }
0xbb: {  	s0 =	sadd.s32 $0x8F2B, s0  }
0xbc: {  	[sflag:s0] =	ssyncadd.remote.s32 $0x1  }
0xbd: {  	_ =	sfence.sel $0xFFFF  }
0xbe: {  	[dreg:$0x0] =	wrdreg $0xFFFFFFFF;
	(pc) =	sbr.abs _section_cstart, $3  }
0xbf: {  	[dreg:$0x1] =	wrdreg $0xFFFFFFFF  }
0xc0: {  	_ =	task.clear_ibuf [dreg:s6], $0x2FFFF;
	_ =	strace $0x9FFFFFFF  }
0xc1: {  	(tm) =	ssettm $0x7FFFFFFF  }
tec
execute0_lowered:
.L_overlay_start_1:
0x0: {  	(tag) =	ssettag $0x1  }
0x1: {  	s1 =	srdreg.scid  }
0x2: {  	s0 =	stileid.u32;
	s2 =	rddreg [dreg:$0x0];
	s6 =	simm.s32 $0x1  }
0x3: {  	s9 =	simm.s32 $0x1;
	s10 =	simm.s32 $0x3;
	s1 =	sshll.u32 s1, $0x7  }
0x4: {  	s13 =	simm.s32 $0x0;
	s3 =	sshll.u32 s0, $0x8;
	s4 =	sand.u32 $0x80, s1  }
0x5: {  	s12 =	simm.s32 $0x0;
	s5 =	sadd.s32 $0x20000, s2;
	s3 =	sor.u32 s3, s4  }
0x6: {  	s1 =	rddreg [dreg:$0x1];
	_ =	strace $0x80000047;
	s8 =	ssub.s32 $0x2000, s3  }
.Ltmp0:
0x7: {  	s4 =	sadd.s32 $0x20E00, s2;
	s7 =	sand.u32 $0xF80, s8;
	(pc) =	sbr.rel .LBB2_1-.Ltmp0, $4  }
0x8: {  	[sflag:s6] =	ssyncpa.u1 $0x0;
	s11 =	smov.u32 s3;
	p0 =	sne.s32 s7, $0x0  }
0x9: {  	s8 =	sshrl.u32 s8, $0xC;
	s7 =	simm.s32 $0x2;
	s9 =	simm.s32 @!p0 $0x0  }
0xa: {  	[sflag:s7] =	ssyncpa.u1 $0x0;
	p0 =	por $0x0, $0x0;
	s8 =	sadd.s32 s9, s8  }
0xb: {  	vm0 =	vmmov $0xffff;
	[sflag:s10] =	ssyncpa.u1 $0x0;
	s10 =	simm.s32 $0x0;
	s9 =	sadd.s32 $0x1, s8  }
.LBB2_4:
0xc: {  	v5 =	vshrl.u32 v1, $0xD;
	v6 =	vshll.u32 v1, $0x7  }
0xd: {  	vm1 =	veq.s32 v1, $0x80000000;
	v58 =	vand.u32 $0x7, v5;
	v59 =	vand.u32 $0xFFF80, v6  }
0xe: {  	v1 =	vsel vm1, $0xFFFFFFFF, v58;
	v5 =	vsel vm1, $0xFFFFFF80, v59  }
0xf: {  	v3 =	vor.u32 v4, v3;
	v60 =	vand.u32 $0xFFFFFC00, v5;
	v61 =	vand.u32 $0xFFFFFC00, v1  }
0x10: {  	v2 =	vor.u32 v2, v3;
	v63 =	vand.u32 $0x380, v5;
	v62 =	vadd.s32 v61, v60  }
0x11: {  	v1 =	vand.u32 $0x7F, v1;
	v3 =	vor.u32 v63, v62  }
0x12: {  	v1 =	vor.u32 v1, v3  }
0x13: {  	[tilespmem:s15], [sflag:$0x1] =	stream.indirect_vreg.gather [hbm4b:s2+s10], $0x1, v0, vm0, $0x4038;
	[tilespmem:$0x200] =	vst v63  }
0x14: {  	(ifvalue) =	ssetifvalue $0x7FFFFFFF  }
0x15: {  	[tilespmem:s16], [sflag:$0x1] =	stream.indirect_vreg.gather [hbm4b:s2+s10], $0x1, v2, vm0, $0x4038;
	[tilespmem:$0x200] =	vst v63  }
0x16: {  	s29 =	sadd.s32 $0x10, s16;
	(ifvalue) =	ssetifvalue $0x7FFFFFFF  }
0x17: {  	[tilespmem:s29], [sflag:$0x1] =	stream.indirect_vreg.gather [hbm4b:s2+s10], $0x1, v1, vm0, $0x4038;
	[tilespmem:$0x200] =	vst v63  }
0x18: {  	_ =	swait.ge [sflag:s6], $0x80  }
0x19: {  	s30 =	sshrl.u32 s13, $0x3;
	[sflag:s6] =	ssyncset.done $0x0  }
0x1a: {  	s31 =	sand.u32 $0x7, s13;
	s15 =	sadd.s32 s5, s30;
	[sflag:s6] =	ssyncadd.s32 $0xFFFFFF80  }
0x1b: {  	[hbm4b:s15+s31] =	stream.linear.scatter [tilespmem:s14], [sflag:$0x3], $0x80, $0x38;
	[tilespmem:$0x200] =	vst v63  }
.LBB2_5:
0x1c: {  	s15 =	sadd.s32 $0x1000, s11  }
0x1d: {  	p2 =	sgt.s32 s15, $0x1FFF  }
0x1e: {  	s15 =	smov.u32 @p2 s3;
	p2 =	sne.s32 s12, s9  }
.Ltmp1:
0x1f: {  	p1 =	slt.u32 s12, $0x2;
	(pc) =	sbr.rel @!p2 .LBB2_6-.Ltmp1, $4  }
0x20: {  	s14 =	simm.s32 @!p1 $0x3  }
0x21: {  	s16 =	sadd.s32 $0x1, s12;
	_ =	swait.ge @!p1 [sflag:s14], $0x80  }
0x22: {  	s13 =	smov.u32 s11;
	p0 =	por !p0, !p0;
	[sflag:s14] =	ssyncset.done @!p1 $0x0  }
0x23: {  	s12 =	smov.u32 s16;
	s11 =	smov.u32 s15;
	[sflag:s14] =	ssyncadd.s32 @!p1 $0xFFFFFF80  }
.LBB2_1:
0x24: {  	p1 =	sge.u32 s12, s8  }
0x25: {  	s14 =	sxor.u32 @!p1 $0xFFFFFFFF, s12  }
0x26: {  	s31 =	sadd.s32 $0xFFFFFFFF, s12;
	s15 =	sshrl.u32 @!p1 s11, $0x3;
	s14 =	sshll.u32 @!p1 s14, $0x7  }
0x27: {  	s16 =	sand.u32 @!p1 $0x7, s11;
	s15 =	sadd.s32 @!p1 s4, s15;
	s14 =	sand.u32 @!p1 $0x80, s14  }
0x28: {  	[tilespmem:s14], [sflag:$0x2] =	stream.linear.gather @!p1 [hbm4b:s15+s16], $0x80, $0x38;
	[tilespmem:$0x200] =	vst v63  }
0x29: {  	p1 =	sge.u32 s31, s8  }
.Ltmp2:
0x2a: {  	_ = 	snop;
	(pc) =	sbr.rel @p1 .LBB2_5-.Ltmp2, $1  }
0x2b: {  	_ =	sdelay $0x3  }
0x2c: {  	s14 =	simm.s32 $0x1  }
0x2d: {  	_ =	swait.ge [sflag:s7], $0x80;
	s14 =	simm.s32 @!p0 $0x0  }
0x2e: {  	[sflag:s7] =	ssyncset.done $0x0;
	s14 =	sshll.u32 s14, $0x7  }
0x2f: {  	[sflag:s7] =	ssyncadd.s32 $0xFFFFFF80;
	(ifvalue) =	ssetifvalue $0x7FFFFFFF;
	v0 =	vld.msk [tilespmem:s14+$0x0 ss:$0x1], $0xffff;
	_ =	sdelay $0x4  }
0x30: {  	s15 =	sadd.s32 $0x10, s14;
	v2 =	vshrl.u32 v0, $0xD;
	v3 =	vshll.u32 v0, $0x7  }
0x31: {  	v1 =	vld.msk [tilespmem:s15+$0x0 ss:$0x1], $0xffff;
	vm1 =	veq.s32 v0, $0x80000000;
	v0 =	vand.u32 $0x7, v2;
	v2 =	vand.u32 $0xFFF80, v3  }
0x32: {  	v0 =	vsel vm1, $0xFFFFFFFF, v0;
	v2 =	vsel vm1, $0xFFFFFF80, v2  }
0x33: {  	v3 =	vand.u32 $0xFFFFFC00, v2;
	v4 =	vand.u32 $0xFFFFFC00, v0  }
0x34: {  	v2 =	vand.u32 $0x380, v2;
	v3 =	vadd.s32 v4, v3  }
0x35: {  	v0 =	vand.u32 $0x7F, v0;
	v2 =	vor.u32 v2, v3  }
0x36: {  	v5 =	vshll.u32 v1, $0x7;
	v4 =	vshrl.u32 v1, $0xD;
	v0 =	vor.u32 v0, v2  }
0x37: {  	s16 =	sshll.u32 s12, $0x7;
	vm1 =	veq.s32 v1, $0x80000000;
	v1 =	vand.u32 $0x7, v4;
	v4 =	vand.u32 $0xFFF80, v5  }
0x38: {  	s16 =	sand.u32 $0x80, s16;
	s18 =	sadd.s32 $0x10, s15;
	v3 =	vsel vm1, $0xFFFFFFFF, v1;
	v4 =	vsel vm1, $0xFFFFFF80, v4  }
0x39: {  	s17 =	simm.s32 $0x20;
	s15 =	sor.u32 $0x100, s14;
	s14 =	sor.u32 $0x100, s16;
	v1 =	vld.msk [tilespmem:s18+$0x0 ss:$0x1], $0xffff;
	v5 =	vand.u32 $0xFFFFFC00, v4;
	v6 =	vand.u32 $0xFFFFFC00, v3  }
0x3a: {  	s16 =	sadd.s32 $0x10, s15;
	s18 =	sadd.s32 $0x10, s18;
	(ifvalue) =	ssetifvalue $0x7FFFFFFF;
	v2 =	vand.u32 $0x7F, v3;
	v4 =	vand.u32 $0x380, v4;
	v3 =	vadd.s32 v6, v5  }
.LBB2_3:
0x3b: {  	[tilespmem:s15], [sflag:$0x1] =	stream.indirect_vreg.gather [hbm4b:s2+s10], $0x1, v0, vm0, $0x4038;
	[tilespmem:$0x200] =	vst v63  }
0x3c: {  	s17 =	sadd.s32 $0x10, s17  }
0x3d: {  	v3 =	vor.u32 v4, v3;
	p1 =	slt.u32 s17, $0x70  }
.Ltmp3:
0x3e: {  	v4 =	vshrl.u32 v1, $0xD;
	v5 =	vshll.u32 v1, $0x7;
	s15 =	smov.u32 s16;
	v0 =	vor.u32 v2, v3;
	v2 =	vmovc v1;
	v1 =	vld.msk [tilespmem:s18+$0x0 ss:$0x1], $0xffff;
	(pc) =	sbr.rel @p1 .LBB2_3-.Ltmp3, $4  }
0x3f: {  	v3 =	vand.u32 $0xFFF80, v5;
	vm1 =	veq.s32 v2, $0x80000000;
	v2 =	vand.u32 $0x7, v4  }
0x40: {  	v4 =	vsel vm1, $0xFFFFFFFF, v2;
	v5 =	vsel vm1, $0xFFFFFF80, v3  }
0x41: {  	v2 =	vand.u32 $0x7F, v4;
	v3 =	vand.u32 $0xFFFFFC00, v5;
	v4 =	vand.u32 $0xFFFFFC00, v4  }
0x42: {  	s16 =	sadd.s32 $0x10, s16;
	s18 =	sadd.s32 $0x10, s18;
	v3 =	vadd.s32 v4, v3;
	v4 =	vand.u32 $0x380, v5;
	(ifvalue) =	ssetifvalue $0x7FFFFFFF  }
.Ltmp4:
0x43: {  	_ = 	snop;
	(pc) =	sbr.rel .LBB2_4-.Ltmp4, $1  }
0x44: {  	_ =	sdelay $0x3  }
.LBB2_6:
0x45: {  	_ =	sfence.sel $0x180000  }
0x46: {  	s2 =	simm.s32 $0x2;
	[bflag:$0x0] =	sbarrier.arrive $0xFFFF  }
0x47: {  	s30 =	simm.s32 $0x3;
	[sflag:s2] =	ssyncpa.u1 $0x1  }
0x48: {  	s31 =	simm.s32 $0x1;
	[sflag:s30] =	ssyncpa.u1 $0x1  }
0x49: {  	[sflag:s31] =	ssyncpa.u1 $0x1  }
0x4a: {  	p0 =	sne.s32 s0, $0x0;
	_ =	strace $0x90000047  }
0x4b: {  	s0 =	sadd.s32 @!p0 $0x100000, s1;
	[bflag:$0x2] =	sbarrier.arrive $0xFFFF  }
0x4c: {  	[sflag:s0] =	ssyncadd.tile.s32 @!p0 $0x1;
	_ =	shalt  }
.Lfunc_end2:
_tile_overlayer_lowered:
.L_overlay_start_2:
0x4d: {  	(tag) =	ssettag $0x2  }
0x4e: {  	s0 =	rddreg [dreg:$0x0];
	s2 =	stileid.u32  }
0x4f: {  	s1 =	rddreg [dreg:$0x1];
	p0 =	sne.s32 s2, $0x0  }
0x50: {  	s3 =	rddreg [dreg:$0x2];
	[bflag:$0x3] =	sbarrier.arrive $0xFFFF;
	s2 =	simm.s32 @!p0 $0x1C01  }
0x51: {  	[timem:s3], [sflag:s2] =	dma.local @!p0 [hbm:s0], s1  }
0x52: {  	s0 =	simm.s32 @!p0 $0x1  }
0x53: {  	_ =	swait.ge @!p0 [sflag:s0], s1  }
0x54: {  	s1 =	ssub.s32 @!p0 $0x0, s1;
	[sflag:s0] =	ssyncset.done @!p0 $0x0  }
0x55: {  	[sflag:s0] =	ssyncadd.s32 @!p0 s1  }
0x56: {  	[bflag:$0x3] =	sbarrier.arrive $0xFFFF  }
0x57: {  	_ =	shalt  }

// kernel: kernel.10.cloned.1.call-start
scs
__scs_entry_jumppad:
0x0: {  	(pc) =	sbr.rel $0x88, $3  }
0x1: {  	(tag) =	ssettag $0x0;
	lr =	simm.s32 $0x1  }
0x2: {  	[smem:$0x3F96] =	sst lr;
	_ =	strace $0xD0000000  }
0x3: {  	_ = 	snop  }
0x4: {  	_ = 	snop  }
0x5: {  	_ = 	snop  }
0x6: {  	_ = 	snop  }
0x7: {  	_ = 	snop  }
__scs_overlays_trampoline_lowered:
0x8: {  	[smem:$0x3FA5] =	sst s0  }
0x9: {  	[smem:$0x3FA6] =	sst s1  }
0xa: {  	[smem:$0x3FA7] =	sst s2  }
0xb: {  	[smem:$0x3FA8] =	sst s3  }
0xc: {  	[smem:$0x3FA9] =	sst s4  }
0xd: {  	[smem:$0x3FAA] =	sst s5  }
0xe: {  	[smem:$0x3FAB] =	sst s6  }
0xf: {  	[smem:$0x3FAC] =	sst s7  }
0x10: {  	[smem:$0x3FAD] =	sst s8  }
0x11: {  	[smem:$0x3FAE] =	sst s9;
	s0 =	simm.s32 @!p0 $0x0  }
0x12: {  	s1 =	sld [smem:$0x3F94];
	s0 =	simm.s32 @p0 $0x1  }
0x13: {  	[smem:$0x3FAF] =	sst s0;
	s0 =	simm.s32 @!p1 $0x0  }
0x14: {  	s2 =	sld [smem:$0x3F93];
	s0 =	simm.s32 @p1 $0x1  }
0x15: {  	[smem:$0x3FB0] =	sst s0;
	s0 =	simm.s32 @!p2 $0x0  }
0x16: {  	s3 =	sld [smem:$0x3FDB];
	s0 =	simm.s32 @p2 $0x1  }
0x17: {  	s4 =	simm.s32 $0x1BF5;
	[smem:$0x3FB2] =	sst s0  }
0x18: {  	s0 =	sld [smem:$0x3F95];
	_ =	swait.ge [sflag:s4], $0x0  }
0x19: {  	s7 =	sld [smem:$0x3F96]  }
0x1a: {  	s8 =	sadd.s32 $0xFFFFE003, lr  }
0x1b: {  	s9 =	sadd.s32 $0xFFFFFEF7, lr;
	s5 =	simm.s32 $0xFFFFFFFF;
	p2 =	slt.u32 s8, $0xFFFFF086  }
0x1c: {  	p1 =	slt.u32 s9, $0xF7A;
	s5 =	simm.s32 @!p2 $0x0  }
0x1d: {  	s5 =	simm.s32 @p1 $0x1;
	p0 =	seq.s32 s7, s2  }
0x1e: {  	s7 =	smul.u32 @!p0 $0xF7A, s2;
	p2 =	seq.s32 @!p0 s5, $0x0  }
0x1f: {  	s9 =	smul.u32 $0xF7A, s1;
	s8 =	simm.s32 @!p0 $0x1BF5;
	p2 =	por !p2, p0  }
0x20: {  	[sflag:s8] =	ssyncset.s32 @!p0 $0xFFFFF086;
	s6 =	sadd.s32 @!p0 s3, s7;
	s7 =	simm.s32 @!p0 $0x108  }
0x21: {  	s3 =	sadd.s32 s3, s9;
	s6 =	sadd.s32 @!p0 $0x88, s6;
	s7 =	simm.s32 @p2 $0x1082  }
0x22: {  	[simem:s7], [sflag:s8] =	dma.local @!p0 [hbm:s6], $0xF7A  }
0x23: {  	s9 =	sor.u32 $0xD0000000, s2;
	s6 =	simm.s32 $0x108;
	_ =	swait.ge @!p0 [sflag:s8], $0x0  }
0x24: {  	s3 =	sadd.s32 $0x88, s3;
	s6 =	simm.s32 @!p1 $0x1082;
	[sflag:s4] =	ssyncset.s32 $0xFFFFF086  }
0x25: {  	[simem:s6], [sflag:s4] =	dma.local [hbm:s3], $0xF7A  }
0x26: {  	[smem:$0x3F96] =	sst s1;
	(tag) =	ssettag s2;
	_ =	strace s9  }
0x27: {  	s1 =	sld [smem:$0x3FA6]  }
0x28: {  	s2 =	sld [smem:$0x3FA7]  }
0x29: {  	s4 =	sld [smem:$0x3FA9]  }
0x2a: {  	p0 =	seq.s32 s5, $0x0;
	s5 =	sld [smem:$0x3FAA]  }
0x2b: {  	s6 =	sld [smem:$0x3FAB]  }
0x2c: {  	s7 =	sld [smem:$0x3FAC]  }
0x2d: {  	s3 =	simm.s32 $0x108;
	s8 =	sld [smem:$0x3FAD]  }
0x2e: {  	s3 =	simm.s32 @!p0 $0x1082;
	s9 =	sld [smem:$0x3FAE]  }
0x2f: {  	lr =	sadd.s32 s0, s3;
	s0 =	sld [smem:$0x3FA5]  }
0x30: {  	s3 =	sld [smem:$0x3FA8]  }
0x31: {  	[smem:$0x3FB1] =	sst s10  }
0x32: {  	s10 =	sld [smem:$0x3FAF];
	_ =	sdelay $0x3  }
0x33: {  	p0 =	seq.s32 s10, $0x1;
	s10 =	sld [smem:$0x3FB1];
	_ =	sdelay $0x3  }
0x34: {  	[smem:$0x3FB1] =	sst s10  }
0x35: {  	s10 =	sld [smem:$0x3FB0];
	_ =	sdelay $0x3  }
0x36: {  	p1 =	seq.s32 s10, $0x1;
	s10 =	sld [smem:$0x3FB1];
	_ =	sdelay $0x3  }
0x37: {  	[smem:$0x3FB1] =	sst s10  }
0x38: {  	s10 =	sld [smem:$0x3FB2]  }
0x39: {  	_ = 	snop;
	(pc) =	sbr.ind lr, $3  }
0x3a: {  	_ = 	snop  }
0x3b: {  	_ = 	snop  }
0x3c: {  	p2 =	seq.s32 s10, $0x1;
	s10 =	sld [smem:$0x3FB1]  }
0x3d: {  	_ =	shalt  }
0x3e: {  	_ =	shalt  }
0x3f: {  	_ =	shalt  }
0x40: {  	_ =	shalt  }
0x41: {  	_ =	shalt  }
0x42: {  	_ =	shalt  }
0x43: {  	_ =	shalt  }
0x44: {  	_ =	shalt  }
0x45: {  	_ =	shalt  }
0x46: {  	_ =	shalt  }
0x47: {  	_ =	shalt  }
0x48: {  	_ =	shalt  }
0x49: {  	_ =	shalt  }
0x4a: {  	_ =	shalt  }
0x4b: {  	_ =	shalt  }
0x4c: {  	_ =	shalt  }
0x4d: {  	_ =	shalt  }
0x4e: {  	_ =	shalt  }
0x4f: {  	_ =	shalt  }
0x50: {  	_ =	shalt  }
0x51: {  	_ =	shalt  }
0x52: {  	_ =	shalt  }
0x53: {  	_ =	shalt  }
0x54: {  	_ =	shalt  }
0x55: {  	_ =	shalt  }
0x56: {  	_ =	shalt  }
0x57: {  	_ =	shalt  }
0x58: {  	_ =	shalt  }
0x59: {  	_ =	shalt  }
0x5a: {  	_ =	shalt  }
0x5b: {  	_ =	shalt  }
0x5c: {  	_ =	shalt  }
0x5d: {  	_ =	shalt  }
0x5e: {  	_ =	shalt  }
0x5f: {  	_ =	shalt  }
0x60: {  	_ =	shalt  }
0x61: {  	_ =	shalt  }
0x62: {  	_ =	shalt  }
0x63: {  	_ =	shalt  }
0x64: {  	_ =	shalt  }
0x65: {  	_ =	shalt  }
0x66: {  	_ =	shalt  }
0x67: {  	_ =	shalt  }
0x68: {  	_ =	shalt  }
0x69: {  	_ =	shalt  }
0x6a: {  	_ =	shalt  }
0x6b: {  	_ =	shalt  }
0x6c: {  	_ =	shalt  }
0x6d: {  	_ =	shalt  }
0x6e: {  	_ =	shalt  }
0x6f: {  	_ =	shalt  }
0x70: {  	_ =	shalt  }
0x71: {  	_ =	shalt  }
0x72: {  	_ =	shalt  }
0x73: {  	_ =	shalt  }
0x74: {  	_ =	shalt  }
0x75: {  	_ =	shalt  }
0x76: {  	_ =	shalt  }
0x77: {  	_ =	shalt  }
0x78: {  	_ =	shalt  }
0x79: {  	_ =	shalt  }
0x7a: {  	_ =	shalt  }
0x7b: {  	_ =	shalt  }
0x7c: {  	_ =	shalt  }
0x7d: {  	_ =	shalt  }
0x7e: {  	_ =	shalt  }
0x7f: {  	_ =	shalt  }
0x80: {  	_ =	shalt  }
0x81: {  	_ =	shalt  }
0x82: {  	_ =	shalt  }
0x83: {  	_ =	shalt  }
0x84: {  	_ =	shalt  }
0x85: {  	_ =	shalt  }
0x86: {  	_ =	shalt  }
0x87: {  	_ =	shalt  }
.Lfunc_end0:
.L_simem_size_0:
called_computation.2_lowered:
.L_overlay_start_0:
0x88: {  	s2 =	sld [smem:$0x3FD9]  }
0x89: {  	s3 =	sld [smem:$0x3FFE];
	_ =	sdelay $0x1  }
0x8a: {  	s1 =	srdreg.scid  }
0x8b: {  	s0 =	sand.u32 $0x1, s1  }
0x8c: {  	s17 =	sshll.u32 s0, $0xA;
	s2 =	sadd.s32 s3, s2  }
0x8d: {  	s2 =	sadd.s32 s2, s17  }
0x8e: {  	[smem:$0x3FBD] =	sst s2  }
0x8f: {  	_ = 	snop  }
0x90: {  	s2 =	sld [smem:$0x3FD0];
	(tm) =	ssettm $0x1  }
0x91: {  	s18 =	sld [smem:$0x3FFB];
	_ =	sdelay $0x3  }
0x92: {  	_ =	strace s18  }
0x93: {  	s3 =	sld [smem:$0x3FFC];
	_ =	sdelay $0x3  }
0x94: {  	_ =	strace s3  }
0x95: {  	s3 =	sld [smem:$0x3FFD];
	_ =	sdelay $0x3  }
0x96: {  	_ =	strace s3  }
0x97: {  	_ =	strace $0x8FFFFFFF  }
0x98: {  	s19 =	sld [smem:$0x3FDB];
	_ =	sdelay $0x1  }
0x99: {  	s4 =	simm.s32 $_scs_section_size  }
0x9a: {  	s5 =	simm.s32 $_size__tile_overlayer_lowered;
	s6 =	simm.s32 $_tile_overlayer_lowered  }
0x9b: {  	s22 =	simm.s32 $0x1BFF;
	s21 =	sshll.u32 s6, $0x1;
	s3 =	sadd.s32 s4, s19  }
0x9c: {  	s7 =	simm.s32 $0x0;
	s20 =	sshll.u32 s5, $0x1;
	s5 =	sadd.s32 s21, s3  }
0x9d: {  	[timem:s7], [sflag:s22] =	dma.local [hbm:s5], s20  }
0x9e: {  	_ =	swait.ge [sflag:s22], s20  }
0x9f: {  	s4 =	ssub.s32 $0x0, s20;
	[sflag:s22] =	ssyncset.done $0x0  }
0xa0: {  	[sflag:s22] =	ssyncadd.s32 s4;
	_ =	sdelay $0x1  }
0xa1: {  	s23 =	simm.s32 $0x1B8B  }
0xa2: {  	_ =	swait.ge [sflag:s23], $0x1  }
0xa3: {  	[sflag:s23] =	ssyncset.done $0x0  }
0xa4: {  	s25 =	simm.s32 $0x1B8E;
	s24 =	sld [smem:$0x3FFE];
	[sflag:s23] =	ssyncadd.s32 $0xFFFFFFFF  }
0xa5: {  	s26 =	simm.s32 $execute0_lowered;
	[smem:$0x3FD2] =	sst s25  }
0xa6: {  	s5 =	sshll.u32 s26, $0x1;
	_ =	strace $0x8000004C;
	[dreg:$0x1] =	wrdreg $0xFFFFFFFF  }
0xa7: {  	s28 =	simm.s32 $_size_execute0_lowered;
	s3 =	sadd.s32 s3, s5;
	[dreg:$0x0] =	wrdreg $0x0  }
0xa8: {  	s5 =	sshll.u32 s28, $0x1;
	[dreg:$0x2] =	wrdreg s3  }
0xa9: {  	[dreg:$0x3] =	wrdreg s5  }
0xaa: {  	[dreg:$0x4] =	wrdreg $0xC0  }
0xab: {  	_ =	task [dreg:s7], $0x5FFFF  }
0xac: {  	[dreg:$0x1] =	wrdreg $0xFFFFFFFF  }
0xad: {  	[dreg:$0x0] =	wrdreg $0x60  }
0xae: {  	[dreg:$0x2] =	wrdreg s24  }
0xaf: {  	[dreg:$0x3] =	wrdreg s2  }
0xb0: {  	[dreg:$0x4] =	wrdreg $0x9  }
0xb1: {  	_ =	task.clear_ibuf [dreg:s7], $0x5FFFF;
	_ =	strace $0x9000004C  }
0xb2: {  	s29 =	simm.s32 $0x9;
	_ =	strace $0x8000004E  }
0xb3: {  	_ =	swait.ge [sflag:s29], $0x1  }
0xb4: {  	[sflag:s29] =	ssyncadd.s32 $0xFFFFFFFF  }
0xb5: {  	_ =	strace $0x9000004E  }
0xb6: {  	_ =	sfence  }
0xb7: {  	s30 =	sld [smem:$0x0];
	_ =	sdelay $0x2  }
0xb8: {  	s31 =	sshll.u32 s1, $0xD;
	s1 =	sshrl.u32 s1, $0x2  }
0xb9: {  	s3 =	sand.u32 $0x4000, s31;
	s1 =	sadd.s32 s1, s30  }
0xba: {  	s0 =	sor.u32 s3, s0;
	s1 =	sshll.u32 s1, $0x11  }
0xbb: {  	s0 =	sor.u32 s1, s0  }
0xbc: {  	s0 =	sadd.s32 $0x8F2B, s0  }
0xbd: {  	[sflag:s0] =	ssyncadd.remote.s32 $0x1  }
0xbe: {  	_ =	sfence.sel $0xFFFF  }
0xbf: {  	[dreg:$0x0] =	wrdreg $0xFFFFFFFF;
	(pc) =	sbr.abs _section_cstart, $3  }
0xc0: {  	[dreg:$0x1] =	wrdreg $0xFFFFFFFF  }
0xc1: {  	_ =	task.clear_ibuf [dreg:s7], $0x2FFFF;
	_ =	strace $0x9FFFFFFF  }
0xc2: {  	(tm) =	ssettm $0x7FFFFFFF  }
0xc3: {  	_ =	shalt  }
tec
execute0_lowered:
.L_overlay_start_1:
0x0: {  	(tag) =	ssettag $0x1  }
0x1: {  	s1 =	srdreg.scid;
	s0 =	rddreg [dreg:$0x0]  }
0x2: {  	s3 =	stileid.u32;
	s4 =	rddreg [dreg:$0x1]  }
0x3: {  	s30 =	simm.s32 $0x0;
	s2 =	sand.u32 $0x1, s1;
	s3 =	sshll.u32 s3, $0x1  }
0x4: {  	s1 =	simm.s32 $0x0;
	s5 =	sadd.s32 $0xC0800, s0;
	s7 =	sadd.s32 $0x20400, s0  }
0x5: {  	s28 =	sadd.s32 $0x140800, s0;
	s29 =	sadd.s32 $0x140900, s0;
	s3 =	sor.u32 s2, s3  }
0x6: {  	[smem:$0x7FF] =	sst s1;
	s2 =	ssub.s32 $0x2, s2;
	s6 =	sshll.u32 s3, $0x7  }
0x7: {  	s9 =	sshrl.u32 s2, $0x1;
	s10 =	sshll.u32 s3, $0x5;
	s3 =	sshll.u32 s3, $0xE  }
0x8: {  	s8 =	sor.u32 $0x10, s6;
	s2 =	ssub.s32 s2, s9;
	s15 =	sadd.s32 s7, s10  }
0x9: {  	s17 =	sor.u32 $0x20, s6;
	s18 =	sadd.s32 s5, s3;
	s3 =	sadd.s32 s4, s3  }
0xa: {  	s21 =	sor.u32 $0x30, s6;
	s23 =	sor.u32 $0x40, s6;
	s26 =	sor.u32 $0x50, s6  }
0xb: {  	s31 =	sor.u32 $0x60, s6;
	s6 =	sor.u32 $0x70, s6;
	[dreg:$0x3] =	wrdreg s15  }
0xc: {  	s11 =	sshrl.u32 s8, $0x2;
	s8 =	sshll.u32 s8, $0x7;
	[dreg:$0x5] =	wrdreg s18  }
0xd: {  	s20 =	sshrl.u32 s17, $0x2;
	[dreg:$0x8] =	wrdreg s3;
	s16 =	sadd.s32 s7, s11  }
0xe: {  	s9 =	sshll.u32 s17, $0x7;
	s19 =	sadd.s32 s5, s8;
	[dreg:$0x4] =	wrdreg s16  }
0xf: {  	s22 =	sshrl.u32 s21, $0x2;
	s10 =	sadd.s32 s7, s20;
	[dreg:$0x6] =	wrdreg s19  }
0x10: {  	s24 =	sshrl.u32 s23, $0x2;
	s12 =	sadd.s32 s5, s9;
	[dreg:$0x7] =	wrdreg s10  }
0x11: {  	s3 =	sshll.u32 s21, $0x7;
	s8 =	sadd.s32 s4, s8;
	[dreg:$0x9] =	wrdreg s12  }
0x12: {  	s15 =	sshrl.u32 s26, $0x2;
	s25 =	sadd.s32 s7, s24;
	[dreg:$0xb] =	wrdreg s8  }
0x13: {  	s13 =	sshrl.u32 s31, $0x2;
	s17 =	sadd.s32 s5, s3;
	[dreg:$0xc] =	wrdreg s25  }
0x14: {  	s14 =	sshrl.u32 s6, $0x2;
	s18 =	sadd.s32 s4, s9;
	[dreg:$0x10] =	wrdreg s17  }
0x15: {  	s3 =	sadd.s32 s4, s3;
	s20 =	sshll.u32 s26, $0x7;
	[dreg:$0x11] =	wrdreg s18  }
0x16: {  	s24 =	sshll.u32 s6, $0x7;
	s10 =	sadd.s32 s7, s22;
	[dreg:$0x12] =	wrdreg s3  }
0x17: {  	s9 =	simm.s32 $0x8100;
	s12 =	sadd.s32 s7, s15;
	[dreg:$0xa] =	wrdreg s10  }
0x18: {  	s16 =	sadd.s32 s7, s13;
	s7 =	sadd.s32 s7, s14;
	[dreg:$0xd] =	wrdreg s12  }
0x19: {  	s19 =	sshll.u32 s23, $0x7;
	s22 =	sshll.u32 s31, $0x7;
	[dreg:$0xe] =	wrdreg s16  }
0x1a: {  	s23 =	sadd.s32 s5, s20;
	s3 =	sadd.s32 s4, s20;
	[dreg:$0xf] =	wrdreg s7  }
0x1b: {  	s31 =	smax.u32 s2, $0x1;
	s20 =	simm.s32 $0x1;
	[dreg:$0x15] =	wrdreg s23  }
0x1c: {  	s18 =	simm.s32 $0x7900;
	s21 =	sadd.s32 s5, s19;
	[dreg:$0x16] =	wrdreg s3  }
0x1d: {  	s7 =	sadd.s32 s4, s19;
	s25 =	sadd.s32 s5, s22;
	[dreg:$0x13] =	wrdreg s21  }
0x1e: {  	s5 =	sadd.s32 s5, s24;
	s26 =	sadd.s32 s4, s22;
	[dreg:$0x14] =	wrdreg s7  }
0x1f: {  	s3 =	sadd.s32 s4, s24;
	s10 =	simm.s32 $0x2;
	[dreg:$0x17] =	wrdreg s25  }
0x20: {  	s19 =	simm.s32 $0xC100;
	s22 =	simm.s32 $0x5;
	[dreg:$0x18] =	wrdreg s5  }
0x21: {  	v2 =	vlaneseq.u32;
	s23 =	simm.s32 $0x7;
	s24 =	simm.s32 $0x4;
	[dreg:$0x19] =	wrdreg s26  }
0x22: {  	vm0 =	vmmov $0xffff;
	v1 =	vshrl.u32 v2, $0x3;
	[dreg:$0x1a] =	wrdreg s3;
	s21 =	simm.s32 $0x3;
	s25 =	simm.s32 $0x6  }
0x23: {  	v0 =	vand.u32 $0x7, v2;
	v2 =	vor.u32 $0x8, v2;
	v1 =	vmul.u32 $0x8, v1;
	s26 =	simm.s32 $0x8;
	_ =	strace $0x8000004D;
	[dreg:$0x1b] =	wrdreg s31  }
.LBB2_1:
0x24: {  	s0 =	rddreg [dreg:$0x3]  }
0x25: {  	[tilespmem:s1], [sflag:$0x1] =	stream.linear.gather [hbm4b:s0+s1], $0x20, $0x38;
	[tilespmem:$0x10100] =	vst v63  }
0x26: {  	s13 =	rddreg [dreg:$0x4];
	s2 =	simm.s32 $0x80  }
0x27: {  	[tilespmem:s2], [sflag:$0x2] =	stream.linear.gather [hbm4b:s13+s1], $0x20, $0x38;
	[tilespmem:$0x10100] =	vst v63  }
0x28: {  	_ =	swait.ge [sflag:s20], $0x20  }
0x29: {  	[sflag:s20] =	ssyncset.done $0x0  }
0x2a: {  	[sflag:s20] =	ssyncadd.s32 $0xFFFFFFE0  }
0x2b: {  	v3 =	vld [tilespmem:$0x0];
	_ =	sdelay $0x4  }
0x2c: {  	v4 =	vshll.u32 v3, $0x2  }
0x2d: {  	v3 =	vand.u32 $0x7, v3;
	v4 =	vand.u32 $0xFFFFFFE0, v4  }
0x2e: {  	v3 =	vor.u32 v3, v4  }
0x2f: {  	v4 =	vperm.xlane v3, v0;
	_ =	sdelay $0x1  }
0x30: {  	v4 =	vadd.s32 v1, v4;
	_ =	sdelay $0x1  }
0x31: {  	v3 =	vperm.xlane v3, v2;
	_ =	sdelay $0x1  }
0x32: {  	s14 =	simm.s32 $0x100;
	v3 =	vadd.s32 v1, v3  }
0x33: {  	[tilespmem:s14], [sflag:$0x3] =	stream.indirect_vreg.gather [hbm4b:s28+s1], $0x80, v4, vm0, $0xb8;
	[tilespmem:$0x10100] =	vst v63  }
0x34: {  	s15 =	simm.s32 $0x900  }
0x35: {  	[tilespmem:s15], [sflag:$0x3] =	stream.indirect_vreg.gather [hbm4b:s29+s1], $0x80, v4, vm0, $0xb8;
	[tilespmem:$0x10100] =	vst v63  }
0x36: {  	s16 =	simm.s32 $0x1100  }
0x37: {  	[tilespmem:s16], [sflag:$0x3] =	stream.indirect_vreg.gather [hbm4b:s28+s1], $0x80, v3, vm0, $0xb8;
	[tilespmem:$0x10100] =	vst v63  }
0x38: {  	s17 =	simm.s32 $0x1900  }
0x39: {  	[tilespmem:s17], [sflag:$0x3] =	stream.indirect_vreg.gather [hbm4b:s29+s1], $0x80, v3, vm0, $0xb8;
	[tilespmem:$0x10100] =	vst v63  }
0x3a: {  	v3 =	vld [tilespmem:$0x10];
	_ =	sdelay $0x4  }
0x3b: {  	v61 =	vshll.u32 v3, $0x2  }
0x3c: {  	v3 =	vand.u32 $0x7, v3;
	v4 =	vand.u32 $0xFFFFFFE0, v61  }
0x3d: {  	v3 =	vor.u32 v3, v4  }
0x3e: {  	v4 =	vperm.xlane v3, v0;
	_ =	sdelay $0x1  }
0x3f: {  	v4 =	vadd.s32 v1, v4;
	_ =	sdelay $0x1  }
0x40: {  	v3 =	vperm.xlane v3, v2;
	_ =	sdelay $0x1  }
0x41: {  	s2 =	simm.s32 $0x2100;
	v3 =	vadd.s32 v1, v3  }
0x42: {  	[tilespmem:s2], [sflag:$0x3] =	stream.indirect_vreg.gather [hbm4b:s28+s1], $0x80, v4, vm0, $0xb8;
	[tilespmem:$0x10100] =	vst v63  }
0x43: {  	s3 =	simm.s32 $0x2900  }
0x44: {  	[tilespmem:s3], [sflag:$0x3] =	stream.indirect_vreg.gather [hbm4b:s29+s1], $0x80, v4, vm0, $0xb8;
	[tilespmem:$0x10100] =	vst v63  }
0x45: {  	s4 =	simm.s32 $0x3100  }
0x46: {  	[tilespmem:s4], [sflag:$0x3] =	stream.indirect_vreg.gather [hbm4b:s28+s1], $0x80, v3, vm0, $0xb8;
	[tilespmem:$0x10100] =	vst v63  }
0x47: {  	s5 =	simm.s32 $0x3900  }
0x48: {  	[tilespmem:s5], [sflag:$0x3] =	stream.indirect_vreg.gather [hbm4b:s29+s1], $0x80, v3, vm0, $0xb8;
	[tilespmem:$0x10100] =	vst v63  }
0x49: {  	s6 =	rddreg [dreg:$0x5]  }
0x4a: {  	[tilespmem:s9], [sflag:$0x5] =	stream.linear.gather [hbm4b:s6+s1], $0x4000, $0x38;
	[tilespmem:$0x10100] =	vst v63  }
0x4b: {  	_ =	swait.ge [sflag:s10], $0x20  }
0x4c: {  	[sflag:s10] =	ssyncset.done $0x0  }
0x4d: {  	[sflag:s10] =	ssyncadd.s32 $0xFFFFFFE0  }
0x4e: {  	v3 =	vld [tilespmem:$0x80];
	_ =	sdelay $0x4  }
0x4f: {  	v62 =	vshll.u32 v3, $0x2  }
0x50: {  	v3 =	vand.u32 $0x7, v3;
	v4 =	vand.u32 $0xFFFFFFE0, v62  }
0x51: {  	v3 =	vor.u32 v3, v4  }
0x52: {  	v4 =	vperm.xlane v3, v0;
	_ =	sdelay $0x1  }
0x53: {  	v4 =	vadd.s32 v1, v4;
	_ =	sdelay $0x1  }
0x54: {  	v3 =	vperm.xlane v3, v2;
	_ =	sdelay $0x1  }
0x55: {  	s7 =	simm.s32 $0x4100;
	v3 =	vadd.s32 v1, v3  }
0x56: {  	[tilespmem:s7], [sflag:$0x4] =	stream.indirect_vreg.gather [hbm4b:s28+s1], $0x80, v4, vm0, $0xb8;
	[tilespmem:$0x10100] =	vst v63  }
0x57: {  	s8 =	simm.s32 $0x4900  }
0x58: {  	[tilespmem:s8], [sflag:$0x4] =	stream.indirect_vreg.gather [hbm4b:s29+s1], $0x80, v4, vm0, $0xb8;
	[tilespmem:$0x10100] =	vst v63  }
0x59: {  	s11 =	simm.s32 $0x5100  }
0x5a: {  	[tilespmem:s11], [sflag:$0x4] =	stream.indirect_vreg.gather [hbm4b:s28+s1], $0x80, v3, vm0, $0xb8;
	[tilespmem:$0x10100] =	vst v63  }
0x5b: {  	s12 =	simm.s32 $0x5900  }
0x5c: {  	[tilespmem:s12], [sflag:$0x4] =	stream.indirect_vreg.gather [hbm4b:s29+s1], $0x80, v3, vm0, $0xb8;
	[tilespmem:$0x10100] =	vst v63  }
0x5d: {  	v3 =	vld [tilespmem:$0x90];
	_ =	sdelay $0x4  }
0x5e: {  	v63 =	vshll.u32 v3, $0x2  }
0x5f: {  	v3 =	vand.u32 $0x7, v3;
	v4 =	vand.u32 $0xFFFFFFE0, v63  }
0x60: {  	v3 =	vor.u32 v3, v4  }
0x61: {  	v4 =	vperm.xlane v3, v0;
	_ =	sdelay $0x1  }
0x62: {  	v4 =	vadd.s32 v1, v4;
	_ =	sdelay $0x1  }
0x63: {  	v3 =	vperm.xlane v3, v2;
	_ =	sdelay $0x1  }
0x64: {  	s13 =	simm.s32 $0x6100;
	v3 =	vadd.s32 v1, v3  }
0x65: {  	[tilespmem:s13], [sflag:$0x4] =	stream.indirect_vreg.gather [hbm4b:s28+s1], $0x80, v4, vm0, $0xb8;
	[tilespmem:$0x10100] =	vst v63  }
0x66: {  	s14 =	simm.s32 $0x6900  }
0x67: {  	[tilespmem:s14], [sflag:$0x4] =	stream.indirect_vreg.gather [hbm4b:s29+s1], $0x80, v4, vm0, $0xb8;
	[tilespmem:$0x10100] =	vst v63  }
0x68: {  	s15 =	simm.s32 $0x7100  }
0x69: {  	[tilespmem:s15], [sflag:$0x4] =	stream.indirect_vreg.gather [hbm4b:s28+s1], $0x80, v3, vm0, $0xb8;
	[tilespmem:$0x10100] =	vst v63  }
0x6a: {  	_ = 	snop  }
0x6b: {  	[tilespmem:s18], [sflag:$0x4] =	stream.indirect_vreg.gather [hbm4b:s29+s1], $0x80, v3, vm0, $0xb8;
	[tilespmem:$0x10100] =	vst v63  }
0x6c: {  	s16 =	rddreg [dreg:$0x6]  }
0x6d: {  	[tilespmem:s19], [sflag:$0x6] =	stream.linear.gather [hbm4b:s16+s1], $0x4000, $0x38;
	[tilespmem:$0x10100] =	vst v63  }
0x6e: {  	_ =	swait.ge [sflag:s21], $0x4000  }
0x6f: {  	[sflag:s21] =	ssyncset.done $0x0  }
0x70: {  	s17 =	rddreg [dreg:$0x7];
	[sflag:s21] =	ssyncadd.s32 $0xFFFFC000  }
0x71: {  	[tilespmem:s1], [sflag:$0x1] =	stream.linear.gather [hbm4b:s17+s1], $0x20, $0x38;
	[tilespmem:$0x10100] =	vst v63  }
0x72: {  	_ =	swait.ge [sflag:s22], $0x4000  }
0x73: {  	[sflag:s22] =	ssyncset.done $0x0  }
0x74: {  	s31 =	simm.s32 $0x0;
	[sflag:s22] =	ssyncadd.s32 $0xFFFFC000  }
.LBB2_2:
0x75: {  	s0 =	sshll.u32 s31, $0x8;
	s2 =	sshll.u32 s31, $0xA  }
0x76: {  	s3 =	sand.u32 $0x3000, s2;
	s0 =	sand.u32 $0x300, s0  }
0x77: {  	s4 =	simm.s32 $0x0;
	s0 =	sor.u32 s0, s3  }
0x78: {  	s5 =	sand.u32 $0x2000, s2;
	s6 =	sand.u32 $0xC00, s4;
	s3 =	sadd.s32 $0x100, s0  }
0x79: {  	s2 =	sshll.u32 s31, $0x7;
	s4 =	sand.u32 $0x60, s4;
	s7 =	sadd.s32 s6, s3  }
0x7a: {  	s2 =	sand.u32 $0x380, s2;
	s8 =	sadd.s32 s4, s7;
	s11 =	sadd.s32 $0x80, s7  }
0x7b: {  	s0 =	sor.u32 $0x8100, s5;
	v3 =	vmov s2;
	v4 =	vld [tilespmem:s8+$0x0];
	s8 =	sadd.s32 s4, s11  }
0x7c: {  	s6 =	sadd.s32 s6, s0;
	v5 =	vld [tilespmem:s8+$0x0]  }
0x7d: {  	s12 =	sadd.s32 s2, s6  }
0x7e: {  	s13 =	sadd.s32 s4, s12  }
0x7f: {  	s6 =	sadd.s32 s4, s6;
	v6 =	vld [tilespmem:s13+$0x0]  }
0x80: {  	v7 =	vld.idx.msk [tilespmem:v3+s6+$0x1000 ss:$0x1], $0xffff  }
0x81: {  	v8 =	vshll.u32 v4, $0x10;
	v9 =	vshll.u32 v5, $0x10  }
0x82: {  	v4 =	vand.u32 $0xFFFF0000, v4;
	v5 =	vand.u32 $0xFFFF0000, v5;
	v8 =	vadd.f32 v9, v8  }
0x83: {  	v4 =	vadd.f32 v5, v4  }
0x84: {  	v5 =	vadd.f32 v8, v6  }
0x85: {  	v4 =	vadd.f32 v4, v7  }
0x86: {  	s4 =	sor.u32 $0x10, s4;
	[tilespmem:s13+$0x0] =	vst v5  }
0x87: {  	s14 =	sadd.s32 s4, s7;
	[tilespmem:v3+s6+$0x1000 ss:$0x1] =	vst.idx.msk $0xffff, v4  }
0x88: {  	s15 =	sadd.s32 s4, s11;
	v4 =	vld [tilespmem:s14+$0x0]  }
0x89: {  	v5 =	vld [tilespmem:s15+$0x0];
	_ =	sdelay $0x1  }
0x8a: {  	s4 =	sadd.s32 s4, s12  }
0x8b: {  	v6 =	vld [tilespmem:s4+$0x0];
	_ =	sdelay $0x1  }
0x8c: {  	v7 =	vshll.u32 v4, $0x10;
	v63 =	vshll.u32 v5, $0x10  }
0x8d: {  	v7 =	vadd.f32 v63, v7  }
0x8e: {  	s16 =	simm.s32 $0x1080  }
0x8f: {  	s17 =	simm.s32 $0x210;
	s5 =	sand.u32 $0x1C00, s16;
	v6 =	vadd.f32 v7, v6  }
0x90: {  	s5 =	sadd.s32 s5, s0;
	s6 =	sand.u32 $0x70, s17  }
0x91: {  	s8 =	sadd.s32 s6, s5;
	[tilespmem:s4+$0x0] =	vst v6  }
0x92: {  	v6 =	vand.u32 $0xFFFF0000, v4;
	v4 =	vld.idx.msk [tilespmem:v3+s8+$0x0 ss:$0x1], $0xffff;
	_ =	sdelay $0x1  }
0x93: {  	v5 =	vand.u32 $0xFFFF0000, v5  }
0x94: {  	s6 =	simm.s32 $0x40;
	s5 =	simm.s32 $0x100;
	s4 =	simm.s32 $0x20;
	v5 =	vadd.f32 v5, v6  }
.LBB2_3:
0x95: {  	p0 =	sne.s32 s6, $0x1E0  }
0x96: {  	s11 =	sand.u32 $0xC00, s5;
	v4 =	vadd.f32 v5, v4;
	s7 =	smov.u32 s6;
	s6 =	sadd.s32 $0x20, s6  }
0x97: {  	s12 =	sand.u32 $0x60, s4;
	s13 =	sadd.s32 s11, s3;
	s11 =	sadd.s32 s11, s0  }
0x98: {  	s14 =	sadd.s32 s12, s13;
	s15 =	sadd.s32 $0x80, s13;
	s16 =	sadd.s32 s2, s11;
	[tilespmem:v3+s8+$0x0 ss:$0x1] =	vst.idx.msk $0xffff, v4  }
0x99: {  	v4 =	vld [tilespmem:s14+$0x0];
	s8 =	sadd.s32 s12, s15  }
0x9a: {  	v5 =	vld [tilespmem:s8+$0x0]  }
0x9b: {  	s8 =	sadd.s32 s12, s11  }
0x9c: {  	s11 =	sadd.s32 s12, s16;
	v6 =	vld.idx.msk [tilespmem:v3+s8+$0x1000 ss:$0x1], $0xffff  }
0x9d: {  	v7 =	vld [tilespmem:s11+$0x0]  }
0x9e: {  	v8 =	vand.u32 $0xFFFF0000, v4  }
0x9f: {  	v4 =	vshll.u32 v4, $0x10;
	v9 =	vshll.u32 v5, $0x10;
	v5 =	vand.u32 $0xFFFF0000, v5  }
0xa0: {  	v4 =	vadd.f32 v9, v4;
	v5 =	vadd.f32 v5, v8;
	_ =	sdelay $0x1  }
0xa1: {  	v4 =	vadd.f32 v4, v7;
	v5 =	vadd.f32 v5, v6;
	_ =	sdelay $0x1  }
0xa2: {  	[tilespmem:s11+$0x0] =	vst v4;
	s11 =	sor.u32 $0x10, s12  }
0xa3: {  	[tilespmem:v3+s8+$0x1000 ss:$0x1] =	vst.idx.msk $0xffff, v5;
	s8 =	sadd.s32 s11, s13;
	s12 =	sadd.s32 s11, s15  }
0xa4: {  	v5 =	vld [tilespmem:s8+$0x0]  }
0xa5: {  	s11 =	sadd.s32 s11, s16;
	v4 =	vld [tilespmem:s12+$0x0]  }
0xa6: {  	v6 =	vld [tilespmem:s11+$0x0];
	_ =	sdelay $0x2  }
0xa7: {  	v7 =	vshll.u32 v5, $0x10  }
0xa8: {  	s8 =	sadd.s32 $0x1080, s5;
	v8 =	vshll.u32 v4, $0x10;
	v9 =	vand.u32 $0xFFFF0000, v4  }
0xa9: {  	s12 =	sadd.s32 $0x210, s4;
	s8 =	sand.u32 $0x1C00, s8;
	s4 =	smov.u32 s7;
	v4 =	vadd.f32 v8, v7  }
0xaa: {  	s7 =	sand.u32 $0x70, s12;
	s8 =	sadd.s32 s8, s0  }
0xab: {  	s8 =	sadd.s32 s7, s8;
	v4 =	vadd.f32 v4, v6;
	_ =	sdelay $0x1  }
0xac: {  	[tilespmem:s11+$0x0] =	vst v4  }
0xad: {  	v4 =	vld.idx.msk [tilespmem:v3+s8+$0x0 ss:$0x1], $0xffff  }
.Ltmp0:
0xae: {  	v5 =	vand.u32 $0xFFFF0000, v5;
	(pc) =	sbr.rel @p0 .LBB2_3-.Ltmp0, $2  }
0xaf: {  	v5 =	vadd.f32 v9, v5;
	_ =	sdelay $0x2  }
0xb0: {  	s5 =	sadd.s32 $0x100, s5  }
0xb1: {  	_ =	sdelay $0x1  }
0xb2: {  	s6 =	sand.u32 $0xC00, s5;
	v4 =	vadd.f32 v5, v4  }
0xb3: {  	s7 =	sand.u32 $0x60, s4;
	s3 =	sadd.s32 s6, s3  }
0xb4: {  	s11 =	sadd.s32 s7, s3;
	s12 =	sadd.s32 $0x80, s3;
	[tilespmem:v3+s8+$0x0 ss:$0x1] =	vst.idx.msk $0xffff, v4  }
0xb5: {  	v4 =	vld [tilespmem:s11+$0x0];
	s11 =	sadd.s32 s7, s12  }
0xb6: {  	s6 =	sadd.s32 s6, s0;
	v59 =	vld [tilespmem:s11+$0x0]  }
0xb7: {  	s2 =	sadd.s32 s2, s6  }
0xb8: {  	s13 =	sadd.s32 s7, s2  }
0xb9: {  	s6 =	sadd.s32 s7, s6;
	v6 =	vld [tilespmem:s13+$0x0]  }
0xba: {  	v7 =	vld.idx.msk [tilespmem:v3+s6+$0x1000 ss:$0x1], $0xffff  }
0xbb: {  	v8 =	vshll.u32 v4, $0x10;
	v9 =	vshll.u32 v59, $0x10  }
0xbc: {  	v4 =	vand.u32 $0xFFFF0000, v4;
	v5 =	vand.u32 $0xFFFF0000, v59;
	v8 =	vadd.f32 v9, v8  }
0xbd: {  	v4 =	vadd.f32 v5, v4  }
0xbe: {  	v60 =	vadd.f32 v8, v6  }
0xbf: {  	v4 =	vadd.f32 v4, v7  }
0xc0: {  	s7 =	sor.u32 $0x10, s7;
	[tilespmem:s13+$0x0] =	vst v60  }
0xc1: {  	s3 =	sadd.s32 s7, s3;
	[tilespmem:v3+s6+$0x1000 ss:$0x1] =	vst.idx.msk $0xffff, v4  }
0xc2: {  	s14 =	sadd.s32 s7, s12;
	v4 =	vld [tilespmem:s3+$0x0]  }
0xc3: {  	v5 =	vld [tilespmem:s14+$0x0];
	_ =	sdelay $0x1  }
0xc4: {  	s2 =	sadd.s32 s7, s2  }
0xc5: {  	v61 =	vld [tilespmem:s2+$0x0];
	_ =	sdelay $0x1  }
0xc6: {  	v62 =	vshll.u32 v4, $0x10;
	v63 =	vshll.u32 v5, $0x10  }
0xc7: {  	v7 =	vadd.f32 v63, v62  }
0xc8: {  	s15 =	sadd.s32 $0x1080, s5  }
0xc9: {  	s16 =	sadd.s32 $0x210, s4;
	s3 =	sand.u32 $0x1C00, s15;
	v6 =	vadd.f32 v7, v61  }
0xca: {  	s4 =	sand.u32 $0x70, s16;
	s17 =	sadd.s32 s3, s0  }
0xcb: {  	s0 =	sadd.s32 s4, s17;
	[tilespmem:s2+$0x0] =	vst v6  }
0xcc: {  	v6 =	vld.idx.msk [tilespmem:v3+s0+$0x0 ss:$0x1], $0xffff  }
0xcd: {  	s31 =	sadd.s32 $0x1, s31  }
0xce: {  	p0 =	sne.s32 s31, $0x10;
	v5 =	vand.u32 $0xFFFF0000, v5;
	v4 =	vand.u32 $0xFFFF0000, v4  }
.Ltmp1:
0xcf: {  	v4 =	vadd.f32 v5, v4;
	(pc) =	sbr.rel @p0 .LBB2_2-.Ltmp1, $3  }
0xd0: {  	_ = 	snop  }
0xd1: {  	v4 =	vadd.f32 v4, v6;
	_ =	sdelay $0x1  }
0xd2: {  	[tilespmem:v3+s0+$0x0 ss:$0x1] =	vst.idx.msk $0xffff, v4  }
0xd3: {  	s31 =	simm.s32 $0x0;
	s0 =	rddreg [dreg:$0x8]  }
0xd4: {  	[hbm4b:s0+s31] =	stream.linear.scatter [tilespmem:s9], [sflag:$0x7], $0x4000, $0x38;
	[tilespmem:$0x10100] =	vst v63  }
0xd5: {  	_ =	swait.ge [sflag:s20], $0x20  }
0xd6: {  	[sflag:s20] =	ssyncset.done $0x0  }
0xd7: {  	[sflag:s20] =	ssyncadd.s32 $0xFFFFFFE0  }
0xd8: {  	_ =	swait.ge [sflag:s23], $0x4000  }
0xd9: {  	[sflag:s23] =	ssyncset.done $0x0  }
0xda: {  	[sflag:s23] =	ssyncadd.s32 $0xFFFFC000  }
0xdb: {  	v3 =	vld [tilespmem:$0x0];
	_ =	sdelay $0x4  }
0xdc: {  	v4 =	vshll.u32 v3, $0x2  }
0xdd: {  	v3 =	vand.u32 $0x7, v3;
	v4 =	vand.u32 $0xFFFFFFE0, v4  }
0xde: {  	v3 =	vor.u32 v3, v4  }
0xdf: {  	v4 =	vperm.xlane v3, v0;
	_ =	sdelay $0x1  }
0xe0: {  	v4 =	vadd.s32 v1, v4;
	_ =	sdelay $0x1  }
0xe1: {  	v3 =	vperm.xlane v3, v2;
	_ =	sdelay $0x1  }
0xe2: {  	s6 =	simm.s32 $0x100;
	v3 =	vadd.s32 v1, v3  }
0xe3: {  	[tilespmem:s6], [sflag:$0x3] =	stream.indirect_vreg.gather [hbm4b:s28+s31], $0x80, v4, vm0, $0xb8;
	[tilespmem:$0x10100] =	vst v63  }
0xe4: {  	s7 =	simm.s32 $0x900  }
0xe5: {  	[tilespmem:s7], [sflag:$0x3] =	stream.indirect_vreg.gather [hbm4b:s29+s31], $0x80, v4, vm0, $0xb8;
	[tilespmem:$0x10100] =	vst v63  }
0xe6: {  	s8 =	simm.s32 $0x1100  }
0xe7: {  	[tilespmem:s8], [sflag:$0x3] =	stream.indirect_vreg.gather [hbm4b:s28+s31], $0x80, v3, vm0, $0xb8;
	[tilespmem:$0x10100] =	vst v63  }
0xe8: {  	s11 =	simm.s32 $0x1900  }
0xe9: {  	[tilespmem:s11], [sflag:$0x3] =	stream.indirect_vreg.gather [hbm4b:s29+s31], $0x80, v3, vm0, $0xb8;
	[tilespmem:$0x10100] =	vst v63  }
0xea: {  	v3 =	vld [tilespmem:$0x10];
	_ =	sdelay $0x4  }
0xeb: {  	v63 =	vshll.u32 v3, $0x2  }
0xec: {  	v3 =	vand.u32 $0x7, v3;
	v4 =	vand.u32 $0xFFFFFFE0, v63  }
0xed: {  	v3 =	vor.u32 v3, v4  }
0xee: {  	v4 =	vperm.xlane v3, v0;
	_ =	sdelay $0x1  }
0xef: {  	v4 =	vadd.s32 v1, v4;
	_ =	sdelay $0x1  }
0xf0: {  	v3 =	vperm.xlane v3, v2;
	_ =	sdelay $0x1  }
0xf1: {  	s12 =	simm.s32 $0x2100;
	v3 =	vadd.s32 v1, v3  }
0xf2: {  	[tilespmem:s12], [sflag:$0x3] =	stream.indirect_vreg.gather [hbm4b:s28+s31], $0x80, v4, vm0, $0xb8;
	[tilespmem:$0x10100] =	vst v63  }
0xf3: {  	s13 =	simm.s32 $0x2900  }
0xf4: {  	[tilespmem:s13], [sflag:$0x3] =	stream.indirect_vreg.gather [hbm4b:s29+s31], $0x80, v4, vm0, $0xb8;
	[tilespmem:$0x10100] =	vst v63  }
0xf5: {  	s14 =	simm.s32 $0x3100  }
0xf6: {  	[tilespmem:s14], [sflag:$0x3] =	stream.indirect_vreg.gather [hbm4b:s28+s31], $0x80, v3, vm0, $0xb8;
	[tilespmem:$0x10100] =	vst v63  }
0xf7: {  	s15 =	simm.s32 $0x3900  }
0xf8: {  	[tilespmem:s15], [sflag:$0x3] =	stream.indirect_vreg.gather [hbm4b:s29+s31], $0x80, v3, vm0, $0xb8;
	[tilespmem:$0x10100] =	vst v63  }
0xf9: {  	s16 =	rddreg [dreg:$0x9]  }
0xfa: {  	[tilespmem:s9], [sflag:$0x5] =	stream.linear.gather [hbm4b:s16+s31], $0x4000, $0x38;
	[tilespmem:$0x10100] =	vst v63  }
0xfb: {  	_ =	swait.ge [sflag:s24], $0x4000  }
0xfc: {  	[sflag:s24] =	ssyncset.done $0x0  }
0xfd: {  	s2 =	simm.s32 $0x80;
	s17 =	rddreg [dreg:$0xa];
	[sflag:s24] =	ssyncadd.s32 $0xFFFFC000  }
0xfe: {  	[tilespmem:s2], [sflag:$0x2] =	stream.linear.gather [hbm4b:s17+s31], $0x20, $0x38;
	[tilespmem:$0x10100] =	vst v63  }
0xff: {  	_ =	swait.ge [sflag:s25], $0x4000  }
0x100: {  	[sflag:s25] =	ssyncset.done $0x0  }
0x101: {  	s0 =	simm.s32 $0x0;
	[sflag:s25] =	ssyncadd.s32 $0xFFFFC000  }
.LBB2_6:
0x102: {  	s2 =	sshll.u32 s0, $0x8;
	s3 =	sshll.u32 s0, $0xA  }
0x103: {  	s4 =	sand.u32 $0x3000, s3;
	s2 =	sand.u32 $0x300, s2  }
0x104: {  	s2 =	sor.u32 s2, s4  }
0x105: {  	s6 =	sand.u32 $0xC00, s31;
	s15 =	sshll.u32 s0, $0x7;
	s4 =	sadd.s32 $0x4100, s2  }
0x106: {  	s7 =	sand.u32 $0x60, s31;
	s5 =	sand.u32 $0x2000, s3;
	s8 =	sadd.s32 s6, s4  }
0x107: {  	s3 =	sand.u32 $0x380, s15;
	s11 =	sadd.s32 s7, s8;
	s12 =	sadd.s32 $0x80, s8  }
0x108: {  	v3 =	vmov s3;
	s2 =	sor.u32 $0xC100, s5;
	v4 =	vld [tilespmem:s11+$0x0];
	s16 =	sadd.s32 s7, s12  }
0x109: {  	s6 =	sadd.s32 s6, s2;
	v5 =	vld [tilespmem:s16+$0x0]  }
0x10a: {  	s17 =	sadd.s32 s3, s6  }
0x10b: {  	s13 =	sadd.s32 s7, s17  }
0x10c: {  	s6 =	sadd.s32 s7, s6;
	v6 =	vld [tilespmem:s13+$0x0]  }
0x10d: {  	v7 =	vld.idx.msk [tilespmem:v3+s6+$0x1000 ss:$0x1], $0xffff  }
0x10e: {  	v8 =	vshll.u32 v4, $0x10;
	v9 =	vshll.u32 v5, $0x10  }
0x10f: {  	v4 =	vand.u32 $0xFFFF0000, v4;
	v5 =	vand.u32 $0xFFFF0000, v5;
	v8 =	vadd.f32 v9, v8  }
0x110: {  	v4 =	vadd.f32 v5, v4  }
0x111: {  	v5 =	vadd.f32 v8, v6  }
0x112: {  	v4 =	vadd.f32 v4, v7  }
0x113: {  	s7 =	sor.u32 $0x10, s7;
	[tilespmem:s13+$0x0] =	vst v5  }
0x114: {  	s14 =	sadd.s32 s7, s8;
	[tilespmem:v3+s6+$0x1000 ss:$0x1] =	vst.idx.msk $0xffff, v4  }
0x115: {  	s15 =	sadd.s32 s7, s12;
	v4 =	vld [tilespmem:s14+$0x0]  }
0x116: {  	v5 =	vld [tilespmem:s15+$0x0];
	_ =	sdelay $0x1  }
0x117: {  	s5 =	sadd.s32 s7, s17  }
0x118: {  	v6 =	vld [tilespmem:s5+$0x0];
	_ =	sdelay $0x1  }
0x119: {  	v7 =	vshll.u32 v4, $0x10;
	v63 =	vshll.u32 v5, $0x10  }
0x11a: {  	v7 =	vadd.f32 v63, v7  }
0x11b: {  	s16 =	simm.s32 $0x1080  }
0x11c: {  	s17 =	simm.s32 $0x210;
	s6 =	sand.u32 $0x1C00, s16;
	v6 =	vadd.f32 v7, v6  }
0x11d: {  	s7 =	sand.u32 $0x70, s17;
	s6 =	sadd.s32 s6, s2  }
0x11e: {  	s11 =	sadd.s32 s7, s6;
	[tilespmem:s5+$0x0] =	vst v6  }
0x11f: {  	v6 =	vand.u32 $0xFFFF0000, v4;
	v4 =	vld.idx.msk [tilespmem:v3+s11+$0x0 ss:$0x1], $0xffff;
	_ =	sdelay $0x1  }
0x120: {  	v5 =	vand.u32 $0xFFFF0000, v5  }
0x121: {  	s7 =	simm.s32 $0x40;
	s6 =	simm.s32 $0x100;
	s5 =	simm.s32 $0x20;
	v5 =	vadd.f32 v5, v6  }
.LBB2_7:
0x122: {  	p0 =	sne.s32 s7, $0x1E0  }
0x123: {  	s12 =	sand.u32 $0xC00, s6;
	v4 =	vadd.f32 v5, v4;
	s8 =	smov.u32 s7;
	s7 =	sadd.s32 $0x20, s7  }
0x124: {  	s13 =	sand.u32 $0x60, s5;
	s14 =	sadd.s32 s12, s4;
	s12 =	sadd.s32 s12, s2  }
0x125: {  	s15 =	sadd.s32 s13, s14;
	s16 =	sadd.s32 $0x80, s14;
	s17 =	sadd.s32 s3, s12;
	[tilespmem:v3+s11+$0x0 ss:$0x1] =	vst.idx.msk $0xffff, v4  }
0x126: {  	v4 =	vld [tilespmem:s15+$0x0];
	s11 =	sadd.s32 s13, s16  }
0x127: {  	v5 =	vld [tilespmem:s11+$0x0]  }
0x128: {  	s11 =	sadd.s32 s13, s12  }
0x129: {  	s12 =	sadd.s32 s13, s17;
	v6 =	vld.idx.msk [tilespmem:v3+s11+$0x1000 ss:$0x1], $0xffff  }
0x12a: {  	v7 =	vld [tilespmem:s12+$0x0]  }
0x12b: {  	v8 =	vand.u32 $0xFFFF0000, v4  }
0x12c: {  	v4 =	vshll.u32 v4, $0x10;
	v9 =	vshll.u32 v5, $0x10;
	v5 =	vand.u32 $0xFFFF0000, v5  }
0x12d: {  	v4 =	vadd.f32 v9, v4;
	v5 =	vadd.f32 v5, v8;
	_ =	sdelay $0x1  }
0x12e: {  	v4 =	vadd.f32 v4, v7;
	v5 =	vadd.f32 v5, v6;
	_ =	sdelay $0x1  }
0x12f: {  	[tilespmem:s12+$0x0] =	vst v4;
	s12 =	sor.u32 $0x10, s13  }
0x130: {  	[tilespmem:v3+s11+$0x1000 ss:$0x1] =	vst.idx.msk $0xffff, v5;
	s11 =	sadd.s32 s12, s14;
	s13 =	sadd.s32 s12, s16  }
0x131: {  	v5 =	vld [tilespmem:s11+$0x0]  }
0x132: {  	s12 =	sadd.s32 s12, s17;
	v4 =	vld [tilespmem:s13+$0x0]  }
0x133: {  	v6 =	vld [tilespmem:s12+$0x0];
	_ =	sdelay $0x2  }
0x134: {  	v7 =	vshll.u32 v5, $0x10  }
0x135: {  	s11 =	sadd.s32 $0x1080, s6;
	v8 =	vshll.u32 v4, $0x10;
	v9 =	vand.u32 $0xFFFF0000, v4  }
0x136: {  	s13 =	sadd.s32 $0x210, s5;
	s11 =	sand.u32 $0x1C00, s11;
	s5 =	smov.u32 s8;
	v4 =	vadd.f32 v8, v7  }
0x137: {  	s8 =	sand.u32 $0x70, s13;
	s11 =	sadd.s32 s11, s2  }
0x138: {  	s11 =	sadd.s32 s8, s11;
	v4 =	vadd.f32 v4, v6;
	_ =	sdelay $0x1  }
0x139: {  	[tilespmem:s12+$0x0] =	vst v4  }
0x13a: {  	v4 =	vld.idx.msk [tilespmem:v3+s11+$0x0 ss:$0x1], $0xffff  }
.Ltmp2:
0x13b: {  	v5 =	vand.u32 $0xFFFF0000, v5;
	(pc) =	sbr.rel @p0 .LBB2_7-.Ltmp2, $2  }
0x13c: {  	v5 =	vadd.f32 v9, v5;
	_ =	sdelay $0x2  }
0x13d: {  	s6 =	sadd.s32 $0x100, s6  }
0x13e: {  	_ =	sdelay $0x1  }
0x13f: {  	s7 =	sand.u32 $0xC00, s6;
	v4 =	vadd.f32 v5, v4  }
0x140: {  	s8 =	sand.u32 $0x60, s5;
	s4 =	sadd.s32 s7, s4  }
0x141: {  	s12 =	sadd.s32 s8, s4;
	s13 =	sadd.s32 $0x80, s4;
	[tilespmem:v3+s11+$0x0 ss:$0x1] =	vst.idx.msk $0xffff, v4  }
0x142: {  	v4 =	vld [tilespmem:s12+$0x0];
	s17 =	sadd.s32 s8, s13  }
0x143: {  	s7 =	sadd.s32 s7, s2;
	v59 =	vld [tilespmem:s17+$0x0]  }
0x144: {  	s3 =	sadd.s32 s3, s7  }
0x145: {  	s12 =	sadd.s32 s8, s3  }
0x146: {  	s7 =	sadd.s32 s8, s7;
	v6 =	vld [tilespmem:s12+$0x0]  }
0x147: {  	v7 =	vld.idx.msk [tilespmem:v3+s7+$0x1000 ss:$0x1], $0xffff  }
0x148: {  	v8 =	vshll.u32 v4, $0x10;
	v9 =	vshll.u32 v59, $0x10  }
0x149: {  	v4 =	vand.u32 $0xFFFF0000, v4;
	v5 =	vand.u32 $0xFFFF0000, v59;
	v8 =	vadd.f32 v9, v8  }
0x14a: {  	v4 =	vadd.f32 v5, v4  }
0x14b: {  	v60 =	vadd.f32 v8, v6  }
0x14c: {  	v4 =	vadd.f32 v4, v7  }
0x14d: {  	s8 =	sor.u32 $0x10, s8;
	[tilespmem:s12+$0x0] =	vst v60  }
0x14e: {  	s4 =	sadd.s32 s8, s4;
	[tilespmem:v3+s7+$0x1000 ss:$0x1] =	vst.idx.msk $0xffff, v4  }
0x14f: {  	s14 =	sadd.s32 s8, s13;
	v4 =	vld [tilespmem:s4+$0x0]  }
0x150: {  	v5 =	vld [tilespmem:s14+$0x0];
	_ =	sdelay $0x1  }
0x151: {  	s3 =	sadd.s32 s8, s3  }
0x152: {  	v61 =	vld [tilespmem:s3+$0x0];
	_ =	sdelay $0x1  }
0x153: {  	v62 =	vshll.u32 v4, $0x10;
	v63 =	vshll.u32 v5, $0x10  }
0x154: {  	v7 =	vadd.f32 v63, v62  }
0x155: {  	s15 =	sadd.s32 $0x1080, s6  }
0x156: {  	s16 =	sadd.s32 $0x210, s5;
	s4 =	sand.u32 $0x1C00, s15;
	v6 =	vadd.f32 v7, v61  }
0x157: {  	s5 =	sand.u32 $0x70, s16;
	s17 =	sadd.s32 s4, s2  }
0x158: {  	s2 =	sadd.s32 s5, s17;
	[tilespmem:s3+$0x0] =	vst v6  }
0x159: {  	v6 =	vld.idx.msk [tilespmem:v3+s2+$0x0 ss:$0x1], $0xffff  }
0x15a: {  	s0 =	sadd.s32 $0x1, s0  }
0x15b: {  	p0 =	sne.s32 s0, $0x10;
	v5 =	vand.u32 $0xFFFF0000, v5;
	v4 =	vand.u32 $0xFFFF0000, v4  }
.Ltmp3:
0x15c: {  	v4 =	vadd.f32 v5, v4;
	(pc) =	sbr.rel @p0 .LBB2_6-.Ltmp3, $3  }
0x15d: {  	_ = 	snop  }
0x15e: {  	v4 =	vadd.f32 v4, v6;
	_ =	sdelay $0x1  }
0x15f: {  	[tilespmem:v3+s2+$0x0 ss:$0x1] =	vst.idx.msk $0xffff, v4  }
0x160: {  	s31 =	simm.s32 $0x0;
	s0 =	rddreg [dreg:$0xb]  }
0x161: {  	[hbm4b:s0+s31] =	stream.linear.scatter [tilespmem:s19], [sflag:$0x8], $0x4000, $0x38;
	[tilespmem:$0x10100] =	vst v63  }
0x162: {  	_ =	swait.ge [sflag:s10], $0x20  }
0x163: {  	[sflag:s10] =	ssyncset.done $0x0  }
0x164: {  	[sflag:s10] =	ssyncadd.s32 $0xFFFFFFE0  }
0x165: {  	_ =	swait.ge [sflag:s26], $0x4000  }
0x166: {  	[sflag:s26] =	ssyncset.done $0x0  }
0x167: {  	[sflag:s26] =	ssyncadd.s32 $0xFFFFC000  }
0x168: {  	v3 =	vld [tilespmem:$0x80];
	_ =	sdelay $0x4  }
0x169: {  	v4 =	vshll.u32 v3, $0x2  }
0x16a: {  	v3 =	vand.u32 $0x7, v3;
	v4 =	vand.u32 $0xFFFFFFE0, v4  }
0x16b: {  	v3 =	vor.u32 v3, v4  }
0x16c: {  	v4 =	vperm.xlane v3, v0;
	_ =	sdelay $0x1  }
0x16d: {  	v4 =	vadd.s32 v1, v4;
	_ =	sdelay $0x1  }
0x16e: {  	v3 =	vperm.xlane v3, v2;
	_ =	sdelay $0x1  }
0x16f: {  	s7 =	simm.s32 $0x4100;
	v3 =	vadd.s32 v1, v3  }
0x170: {  	[tilespmem:s7], [sflag:$0x4] =	stream.indirect_vreg.gather [hbm4b:s28+s31], $0x80, v4, vm0, $0xb8;
	[tilespmem:$0x10100] =	vst v63  }
0x171: {  	s8 =	simm.s32 $0x4900  }
0x172: {  	[tilespmem:s8], [sflag:$0x4] =	stream.indirect_vreg.gather [hbm4b:s29+s31], $0x80, v4, vm0, $0xb8;
	[tilespmem:$0x10100] =	vst v63  }
0x173: {  	s11 =	simm.s32 $0x5100  }
0x174: {  	[tilespmem:s11], [sflag:$0x4] =	stream.indirect_vreg.gather [hbm4b:s28+s31], $0x80, v3, vm0, $0xb8;
	[tilespmem:$0x10100] =	vst v63  }
0x175: {  	s12 =	simm.s32 $0x5900  }
0x176: {  	[tilespmem:s12], [sflag:$0x4] =	stream.indirect_vreg.gather [hbm4b:s29+s31], $0x80, v3, vm0, $0xb8;
	[tilespmem:$0x10100] =	vst v63  }
0x177: {  	v3 =	vld [tilespmem:$0x90];
	_ =	sdelay $0x4  }
0x178: {  	v63 =	vshll.u32 v3, $0x2  }
0x179: {  	v3 =	vand.u32 $0x7, v3;
	v4 =	vand.u32 $0xFFFFFFE0, v63  }
0x17a: {  	v3 =	vor.u32 v3, v4  }
0x17b: {  	v4 =	vperm.xlane v3, v0;
	_ =	sdelay $0x1  }
0x17c: {  	v4 =	vadd.s32 v1, v4;
	_ =	sdelay $0x1  }
0x17d: {  	v3 =	vperm.xlane v3, v2;
	_ =	sdelay $0x1  }
0x17e: {  	s13 =	simm.s32 $0x6100;
	v3 =	vadd.s32 v1, v3  }
0x17f: {  	[tilespmem:s13], [sflag:$0x4] =	stream.indirect_vreg.gather [hbm4b:s28+s31], $0x80, v4, vm0, $0xb8;
	[tilespmem:$0x10100] =	vst v63  }
0x180: {  	s14 =	simm.s32 $0x6900  }
0x181: {  	[tilespmem:s14], [sflag:$0x4] =	stream.indirect_vreg.gather [hbm4b:s29+s31], $0x80, v4, vm0, $0xb8;
	[tilespmem:$0x10100] =	vst v63  }
0x182: {  	s15 =	simm.s32 $0x7100  }
0x183: {  	[tilespmem:s15], [sflag:$0x4] =	stream.indirect_vreg.gather [hbm4b:s28+s31], $0x80, v3, vm0, $0xb8;
	[tilespmem:$0x10100] =	vst v63  }
0x184: {  	_ = 	snop  }
0x185: {  	[tilespmem:s18], [sflag:$0x4] =	stream.indirect_vreg.gather [hbm4b:s29+s31], $0x80, v3, vm0, $0xb8;
	[tilespmem:$0x10100] =	vst v63  }
0x186: {  	s16 =	rddreg [dreg:$0x10]  }
0x187: {  	[tilespmem:s19], [sflag:$0x6] =	stream.linear.gather [hbm4b:s16+s31], $0x4000, $0x38;
	[tilespmem:$0x10100] =	vst v63  }
0x188: {  	_ =	swait.ge [sflag:s21], $0x4000  }
0x189: {  	[sflag:s21] =	ssyncset.done $0x0  }
0x18a: {  	s17 =	rddreg [dreg:$0xc];
	[sflag:s21] =	ssyncadd.s32 $0xFFFFC000  }
0x18b: {  	[tilespmem:s31], [sflag:$0x1] =	stream.linear.gather [hbm4b:s17+s31], $0x20, $0x38;
	[tilespmem:$0x10100] =	vst v63  }
0x18c: {  	_ =	swait.ge [sflag:s22], $0x4000  }
0x18d: {  	[sflag:s22] =	ssyncset.done $0x0  }
0x18e: {  	s0 =	simm.s32 $0x0;
	[sflag:s22] =	ssyncadd.s32 $0xFFFFC000  }
.LBB2_10:
0x18f: {  	s2 =	sshll.u32 s0, $0x8;
	s3 =	sshll.u32 s0, $0xA  }
0x190: {  	s4 =	sand.u32 $0x3000, s3;
	s2 =	sand.u32 $0x300, s2  }
0x191: {  	s2 =	sor.u32 s2, s4  }
0x192: {  	s6 =	sand.u32 $0xC00, s31;
	s15 =	sshll.u32 s0, $0x7;
	s4 =	sadd.s32 $0x100, s2  }
0x193: {  	s7 =	sand.u32 $0x60, s31;
	s5 =	sand.u32 $0x2000, s3;
	s8 =	sadd.s32 s6, s4  }
0x194: {  	s3 =	sand.u32 $0x380, s15;
	s11 =	sadd.s32 s7, s8;
	s12 =	sadd.s32 $0x80, s8  }
0x195: {  	v3 =	vmov s3;
	s2 =	sor.u32 $0x8100, s5;
	v4 =	vld [tilespmem:s11+$0x0];
	s16 =	sadd.s32 s7, s12  }
0x196: {  	s6 =	sadd.s32 s6, s2;
	v5 =	vld [tilespmem:s16+$0x0]  }
0x197: {  	s17 =	sadd.s32 s3, s6  }
0x198: {  	s13 =	sadd.s32 s7, s17  }
0x199: {  	s6 =	sadd.s32 s7, s6;
	v6 =	vld [tilespmem:s13+$0x0]  }
0x19a: {  	v7 =	vld.idx.msk [tilespmem:v3+s6+$0x1000 ss:$0x1], $0xffff  }
0x19b: {  	v8 =	vshll.u32 v4, $0x10;
	v9 =	vshll.u32 v5, $0x10  }
0x19c: {  	v4 =	vand.u32 $0xFFFF0000, v4;
	v5 =	vand.u32 $0xFFFF0000, v5;
	v8 =	vadd.f32 v9, v8  }
0x19d: {  	v4 =	vadd.f32 v5, v4  }
0x19e: {  	v5 =	vadd.f32 v8, v6  }
0x19f: {  	v4 =	vadd.f32 v4, v7  }
0x1a0: {  	s7 =	sor.u32 $0x10, s7;
	[tilespmem:s13+$0x0] =	vst v5  }
0x1a1: {  	s14 =	sadd.s32 s7, s8;
	[tilespmem:v3+s6+$0x1000 ss:$0x1] =	vst.idx.msk $0xffff, v4  }
0x1a2: {  	s15 =	sadd.s32 s7, s12;
	v4 =	vld [tilespmem:s14+$0x0]  }
0x1a3: {  	v5 =	vld [tilespmem:s15+$0x0];
	_ =	sdelay $0x1  }
0x1a4: {  	s5 =	sadd.s32 s7, s17  }
0x1a5: {  	v6 =	vld [tilespmem:s5+$0x0];
	_ =	sdelay $0x1  }
0x1a6: {  	v7 =	vshll.u32 v4, $0x10;
	v63 =	vshll.u32 v5, $0x10  }
0x1a7: {  	v7 =	vadd.f32 v63, v7  }
0x1a8: {  	s16 =	simm.s32 $0x1080  }
0x1a9: {  	s17 =	simm.s32 $0x210;
	s6 =	sand.u32 $0x1C00, s16;
	v6 =	vadd.f32 v7, v6  }
0x1aa: {  	s7 =	sand.u32 $0x70, s17;
	s6 =	sadd.s32 s6, s2  }
0x1ab: {  	s11 =	sadd.s32 s7, s6;
	[tilespmem:s5+$0x0] =	vst v6  }
0x1ac: {  	v6 =	vand.u32 $0xFFFF0000, v4;
	v4 =	vld.idx.msk [tilespmem:v3+s11+$0x0 ss:$0x1], $0xffff;
	_ =	sdelay $0x1  }
0x1ad: {  	v5 =	vand.u32 $0xFFFF0000, v5  }
0x1ae: {  	s7 =	simm.s32 $0x40;
	s6 =	simm.s32 $0x100;
	s5 =	simm.s32 $0x20;
	v5 =	vadd.f32 v5, v6  }
.LBB2_11:
0x1af: {  	p0 =	sne.s32 s7, $0x1E0  }
0x1b0: {  	s12 =	sand.u32 $0xC00, s6;
	v4 =	vadd.f32 v5, v4;
	s8 =	smov.u32 s7;
	s7 =	sadd.s32 $0x20, s7  }
0x1b1: {  	s13 =	sand.u32 $0x60, s5;
	s14 =	sadd.s32 s12, s4;
	s12 =	sadd.s32 s12, s2  }
0x1b2: {  	s15 =	sadd.s32 s13, s14;
	s16 =	sadd.s32 $0x80, s14;
	s17 =	sadd.s32 s3, s12;
	[tilespmem:v3+s11+$0x0 ss:$0x1] =	vst.idx.msk $0xffff, v4  }
0x1b3: {  	v4 =	vld [tilespmem:s15+$0x0];
	s11 =	sadd.s32 s13, s16  }
0x1b4: {  	v5 =	vld [tilespmem:s11+$0x0]  }
0x1b5: {  	s11 =	sadd.s32 s13, s12  }
0x1b6: {  	s12 =	sadd.s32 s13, s17;
	v6 =	vld.idx.msk [tilespmem:v3+s11+$0x1000 ss:$0x1], $0xffff  }
0x1b7: {  	v7 =	vld [tilespmem:s12+$0x0]  }
0x1b8: {  	v8 =	vand.u32 $0xFFFF0000, v4  }
0x1b9: {  	v4 =	vshll.u32 v4, $0x10;
	v9 =	vshll.u32 v5, $0x10;
	v5 =	vand.u32 $0xFFFF0000, v5  }
0x1ba: {  	v4 =	vadd.f32 v9, v4;
	v5 =	vadd.f32 v5, v8;
	_ =	sdelay $0x1  }
0x1bb: {  	v4 =	vadd.f32 v4, v7;
	v5 =	vadd.f32 v5, v6;
	_ =	sdelay $0x1  }
0x1bc: {  	[tilespmem:s12+$0x0] =	vst v4;
	s12 =	sor.u32 $0x10, s13  }
0x1bd: {  	[tilespmem:v3+s11+$0x1000 ss:$0x1] =	vst.idx.msk $0xffff, v5;
	s11 =	sadd.s32 s12, s14;
	s13 =	sadd.s32 s12, s16  }
0x1be: {  	v5 =	vld [tilespmem:s11+$0x0]  }
0x1bf: {  	s12 =	sadd.s32 s12, s17;
	v4 =	vld [tilespmem:s13+$0x0]  }
0x1c0: {  	v6 =	vld [tilespmem:s12+$0x0];
	_ =	sdelay $0x2  }
0x1c1: {  	v7 =	vshll.u32 v5, $0x10  }
0x1c2: {  	s11 =	sadd.s32 $0x1080, s6;
	v8 =	vshll.u32 v4, $0x10;
	v9 =	vand.u32 $0xFFFF0000, v4  }
0x1c3: {  	s13 =	sadd.s32 $0x210, s5;
	s11 =	sand.u32 $0x1C00, s11;
	s5 =	smov.u32 s8;
	v4 =	vadd.f32 v8, v7  }
0x1c4: {  	s8 =	sand.u32 $0x70, s13;
	s11 =	sadd.s32 s11, s2  }
0x1c5: {  	s11 =	sadd.s32 s8, s11;
	v4 =	vadd.f32 v4, v6;
	_ =	sdelay $0x1  }
0x1c6: {  	[tilespmem:s12+$0x0] =	vst v4  }
0x1c7: {  	v4 =	vld.idx.msk [tilespmem:v3+s11+$0x0 ss:$0x1], $0xffff  }
.Ltmp4:
0x1c8: {  	v5 =	vand.u32 $0xFFFF0000, v5;
	(pc) =	sbr.rel @p0 .LBB2_11-.Ltmp4, $2  }
0x1c9: {  	v5 =	vadd.f32 v9, v5;
	_ =	sdelay $0x2  }
0x1ca: {  	s6 =	sadd.s32 $0x100, s6  }
0x1cb: {  	_ =	sdelay $0x1  }
0x1cc: {  	s7 =	sand.u32 $0xC00, s6;
	v4 =	vadd.f32 v5, v4  }
0x1cd: {  	s8 =	sand.u32 $0x60, s5;
	s4 =	sadd.s32 s7, s4  }
0x1ce: {  	s12 =	sadd.s32 s8, s4;
	s13 =	sadd.s32 $0x80, s4;
	[tilespmem:v3+s11+$0x0 ss:$0x1] =	vst.idx.msk $0xffff, v4  }
0x1cf: {  	v4 =	vld [tilespmem:s12+$0x0];
	s17 =	sadd.s32 s8, s13  }
0x1d0: {  	s7 =	sadd.s32 s7, s2;
	v59 =	vld [tilespmem:s17+$0x0]  }
0x1d1: {  	s3 =	sadd.s32 s3, s7  }
0x1d2: {  	s12 =	sadd.s32 s8, s3  }
0x1d3: {  	s7 =	sadd.s32 s8, s7;
	v6 =	vld [tilespmem:s12+$0x0]  }
0x1d4: {  	v7 =	vld.idx.msk [tilespmem:v3+s7+$0x1000 ss:$0x1], $0xffff  }
0x1d5: {  	v8 =	vshll.u32 v4, $0x10;
	v9 =	vshll.u32 v59, $0x10  }
0x1d6: {  	v4 =	vand.u32 $0xFFFF0000, v4;
	v5 =	vand.u32 $0xFFFF0000, v59;
	v8 =	vadd.f32 v9, v8  }
0x1d7: {  	v4 =	vadd.f32 v5, v4  }
0x1d8: {  	v60 =	vadd.f32 v8, v6  }
0x1d9: {  	v4 =	vadd.f32 v4, v7  }
0x1da: {  	s8 =	sor.u32 $0x10, s8;
	[tilespmem:s12+$0x0] =	vst v60  }
0x1db: {  	s4 =	sadd.s32 s8, s4;
	[tilespmem:v3+s7+$0x1000 ss:$0x1] =	vst.idx.msk $0xffff, v4  }
0x1dc: {  	s14 =	sadd.s32 s8, s13;
	v4 =	vld [tilespmem:s4+$0x0]  }
0x1dd: {  	v5 =	vld [tilespmem:s14+$0x0];
	_ =	sdelay $0x1  }
0x1de: {  	s3 =	sadd.s32 s8, s3  }
0x1df: {  	v61 =	vld [tilespmem:s3+$0x0];
	_ =	sdelay $0x1  }
0x1e0: {  	v62 =	vshll.u32 v4, $0x10;
	v63 =	vshll.u32 v5, $0x10  }
0x1e1: {  	v7 =	vadd.f32 v63, v62  }
0x1e2: {  	s15 =	sadd.s32 $0x1080, s6  }
0x1e3: {  	s16 =	sadd.s32 $0x210, s5;
	s4 =	sand.u32 $0x1C00, s15;
	v6 =	vadd.f32 v7, v61  }
0x1e4: {  	s5 =	sand.u32 $0x70, s16;
	s17 =	sadd.s32 s4, s2  }
0x1e5: {  	s2 =	sadd.s32 s5, s17;
	[tilespmem:s3+$0x0] =	vst v6  }
0x1e6: {  	v6 =	vld.idx.msk [tilespmem:v3+s2+$0x0 ss:$0x1], $0xffff  }
0x1e7: {  	s0 =	sadd.s32 $0x1, s0  }
0x1e8: {  	p0 =	sne.s32 s0, $0x10;
	v5 =	vand.u32 $0xFFFF0000, v5;
	v4 =	vand.u32 $0xFFFF0000, v4  }
.Ltmp5:
0x1e9: {  	v4 =	vadd.f32 v5, v4;
	(pc) =	sbr.rel @p0 .LBB2_10-.Ltmp5, $3  }
0x1ea: {  	_ = 	snop  }
0x1eb: {  	v4 =	vadd.f32 v4, v6;
	_ =	sdelay $0x1  }
0x1ec: {  	[tilespmem:v3+s2+$0x0 ss:$0x1] =	vst.idx.msk $0xffff, v4  }
0x1ed: {  	s31 =	simm.s32 $0x0;
	s0 =	rddreg [dreg:$0x11]  }
0x1ee: {  	[hbm4b:s0+s31] =	stream.linear.scatter [tilespmem:s9], [sflag:$0x7], $0x4000, $0x38;
	[tilespmem:$0x10100] =	vst v63  }
0x1ef: {  	_ =	swait.ge [sflag:s20], $0x20  }
0x1f0: {  	[sflag:s20] =	ssyncset.done $0x0  }
0x1f1: {  	[sflag:s20] =	ssyncadd.s32 $0xFFFFFFE0  }
0x1f2: {  	_ =	swait.ge [sflag:s23], $0x4000  }
0x1f3: {  	[sflag:s23] =	ssyncset.done $0x0  }
0x1f4: {  	[sflag:s23] =	ssyncadd.s32 $0xFFFFC000  }
0x1f5: {  	v3 =	vld [tilespmem:$0x0];
	_ =	sdelay $0x4  }
0x1f6: {  	v4 =	vshll.u32 v3, $0x2  }
0x1f7: {  	v3 =	vand.u32 $0x7, v3;
	v4 =	vand.u32 $0xFFFFFFE0, v4  }
0x1f8: {  	v3 =	vor.u32 v3, v4  }
0x1f9: {  	v4 =	vperm.xlane v3, v0;
	_ =	sdelay $0x1  }
0x1fa: {  	v4 =	vadd.s32 v1, v4;
	_ =	sdelay $0x1  }
0x1fb: {  	v3 =	vperm.xlane v3, v2;
	_ =	sdelay $0x1  }
0x1fc: {  	s6 =	simm.s32 $0x100;
	v3 =	vadd.s32 v1, v3  }
0x1fd: {  	[tilespmem:s6], [sflag:$0x3] =	stream.indirect_vreg.gather [hbm4b:s28+s31], $0x80, v4, vm0, $0xb8;
	[tilespmem:$0x10100] =	vst v63  }
0x1fe: {  	s7 =	simm.s32 $0x900  }
0x1ff: {  	[tilespmem:s7], [sflag:$0x3] =	stream.indirect_vreg.gather [hbm4b:s29+s31], $0x80, v4, vm0, $0xb8;
	[tilespmem:$0x10100] =	vst v63  }
0x200: {  	s8 =	simm.s32 $0x1100  }
0x201: {  	[tilespmem:s8], [sflag:$0x3] =	stream.indirect_vreg.gather [hbm4b:s28+s31], $0x80, v3, vm0, $0xb8;
	[tilespmem:$0x10100] =	vst v63  }
0x202: {  	s11 =	simm.s32 $0x1900  }
0x203: {  	[tilespmem:s11], [sflag:$0x3] =	stream.indirect_vreg.gather [hbm4b:s29+s31], $0x80, v3, vm0, $0xb8;
	[tilespmem:$0x10100] =	vst v63  }
0x204: {  	v3 =	vld [tilespmem:$0x10];
	_ =	sdelay $0x4  }
0x205: {  	v63 =	vshll.u32 v3, $0x2  }
0x206: {  	v3 =	vand.u32 $0x7, v3;
	v4 =	vand.u32 $0xFFFFFFE0, v63  }
0x207: {  	v3 =	vor.u32 v3, v4  }
0x208: {  	v4 =	vperm.xlane v3, v0;
	_ =	sdelay $0x1  }
0x209: {  	v4 =	vadd.s32 v1, v4;
	_ =	sdelay $0x1  }
0x20a: {  	v3 =	vperm.xlane v3, v2;
	_ =	sdelay $0x1  }
0x20b: {  	s12 =	simm.s32 $0x2100;
	v3 =	vadd.s32 v1, v3  }
0x20c: {  	[tilespmem:s12], [sflag:$0x3] =	stream.indirect_vreg.gather [hbm4b:s28+s31], $0x80, v4, vm0, $0xb8;
	[tilespmem:$0x10100] =	vst v63  }
0x20d: {  	s13 =	simm.s32 $0x2900  }
0x20e: {  	[tilespmem:s13], [sflag:$0x3] =	stream.indirect_vreg.gather [hbm4b:s29+s31], $0x80, v4, vm0, $0xb8;
	[tilespmem:$0x10100] =	vst v63  }
0x20f: {  	s14 =	simm.s32 $0x3100  }
0x210: {  	[tilespmem:s14], [sflag:$0x3] =	stream.indirect_vreg.gather [hbm4b:s28+s31], $0x80, v3, vm0, $0xb8;
	[tilespmem:$0x10100] =	vst v63  }
0x211: {  	s15 =	simm.s32 $0x3900  }
0x212: {  	[tilespmem:s15], [sflag:$0x3] =	stream.indirect_vreg.gather [hbm4b:s29+s31], $0x80, v3, vm0, $0xb8;
	[tilespmem:$0x10100] =	vst v63  }
0x213: {  	s16 =	rddreg [dreg:$0x13]  }
0x214: {  	[tilespmem:s9], [sflag:$0x5] =	stream.linear.gather [hbm4b:s16+s31], $0x4000, $0x38;
	[tilespmem:$0x10100] =	vst v63  }
0x215: {  	_ =	swait.ge [sflag:s24], $0x4000  }
0x216: {  	[sflag:s24] =	ssyncset.done $0x0  }
0x217: {  	s2 =	simm.s32 $0x80;
	s17 =	rddreg [dreg:$0xd];
	[sflag:s24] =	ssyncadd.s32 $0xFFFFC000  }
0x218: {  	[tilespmem:s2], [sflag:$0x2] =	stream.linear.gather [hbm4b:s17+s31], $0x20, $0x38;
	[tilespmem:$0x10100] =	vst v63  }
0x219: {  	_ =	swait.ge [sflag:s25], $0x4000  }
0x21a: {  	[sflag:s25] =	ssyncset.done $0x0  }
0x21b: {  	s0 =	simm.s32 $0x0;
	[sflag:s25] =	ssyncadd.s32 $0xFFFFC000  }
.LBB2_14:
0x21c: {  	s2 =	sshll.u32 s0, $0x8;
	s3 =	sshll.u32 s0, $0xA  }
0x21d: {  	s4 =	sand.u32 $0x3000, s3;
	s2 =	sand.u32 $0x300, s2  }
0x21e: {  	s2 =	sor.u32 s2, s4  }
0x21f: {  	s6 =	sand.u32 $0xC00, s31;
	s15 =	sshll.u32 s0, $0x7;
	s4 =	sadd.s32 $0x4100, s2  }
0x220: {  	s7 =	sand.u32 $0x60, s31;
	s5 =	sand.u32 $0x2000, s3;
	s8 =	sadd.s32 s6, s4  }
0x221: {  	s3 =	sand.u32 $0x380, s15;
	s11 =	sadd.s32 s7, s8;
	s12 =	sadd.s32 $0x80, s8  }
0x222: {  	v3 =	vmov s3;
	s2 =	sor.u32 $0xC100, s5;
	v4 =	vld [tilespmem:s11+$0x0];
	s16 =	sadd.s32 s7, s12  }
0x223: {  	s6 =	sadd.s32 s6, s2;
	v5 =	vld [tilespmem:s16+$0x0]  }
0x224: {  	s17 =	sadd.s32 s3, s6  }
0x225: {  	s13 =	sadd.s32 s7, s17  }
0x226: {  	s6 =	sadd.s32 s7, s6;
	v6 =	vld [tilespmem:s13+$0x0]  }
0x227: {  	v7 =	vld.idx.msk [tilespmem:v3+s6+$0x1000 ss:$0x1], $0xffff  }
0x228: {  	v8 =	vshll.u32 v4, $0x10;
	v9 =	vshll.u32 v5, $0x10  }
0x229: {  	v4 =	vand.u32 $0xFFFF0000, v4;
	v5 =	vand.u32 $0xFFFF0000, v5;
	v8 =	vadd.f32 v9, v8  }
0x22a: {  	v4 =	vadd.f32 v5, v4  }
0x22b: {  	v5 =	vadd.f32 v8, v6  }
0x22c: {  	v4 =	vadd.f32 v4, v7  }
0x22d: {  	s7 =	sor.u32 $0x10, s7;
	[tilespmem:s13+$0x0] =	vst v5  }
0x22e: {  	s14 =	sadd.s32 s7, s8;
	[tilespmem:v3+s6+$0x1000 ss:$0x1] =	vst.idx.msk $0xffff, v4  }
0x22f: {  	s15 =	sadd.s32 s7, s12;
	v4 =	vld [tilespmem:s14+$0x0]  }
0x230: {  	v5 =	vld [tilespmem:s15+$0x0];
	_ =	sdelay $0x1  }
0x231: {  	s5 =	sadd.s32 s7, s17  }
0x232: {  	v6 =	vld [tilespmem:s5+$0x0];
	_ =	sdelay $0x1  }
0x233: {  	v7 =	vshll.u32 v4, $0x10;
	v63 =	vshll.u32 v5, $0x10  }
0x234: {  	v7 =	vadd.f32 v63, v7  }
0x235: {  	s16 =	simm.s32 $0x1080  }
0x236: {  	s17 =	simm.s32 $0x210;
	s6 =	sand.u32 $0x1C00, s16;
	v6 =	vadd.f32 v7, v6  }
0x237: {  	s7 =	sand.u32 $0x70, s17;
	s6 =	sadd.s32 s6, s2  }
0x238: {  	s11 =	sadd.s32 s7, s6;
	[tilespmem:s5+$0x0] =	vst v6  }
0x239: {  	v6 =	vand.u32 $0xFFFF0000, v4;
	v4 =	vld.idx.msk [tilespmem:v3+s11+$0x0 ss:$0x1], $0xffff;
	_ =	sdelay $0x1  }
0x23a: {  	v5 =	vand.u32 $0xFFFF0000, v5  }
0x23b: {  	s7 =	simm.s32 $0x40;
	s6 =	simm.s32 $0x100;
	s5 =	simm.s32 $0x20;
	v5 =	vadd.f32 v5, v6  }
.LBB2_15:
0x23c: {  	p0 =	sne.s32 s7, $0x1E0  }
0x23d: {  	s12 =	sand.u32 $0xC00, s6;
	v4 =	vadd.f32 v5, v4;
	s8 =	smov.u32 s7;
	s7 =	sadd.s32 $0x20, s7  }
0x23e: {  	s13 =	sand.u32 $0x60, s5;
	s14 =	sadd.s32 s12, s4;
	s12 =	sadd.s32 s12, s2  }
0x23f: {  	s15 =	sadd.s32 s13, s14;
	s16 =	sadd.s32 $0x80, s14;
	s17 =	sadd.s32 s3, s12;
	[tilespmem:v3+s11+$0x0 ss:$0x1] =	vst.idx.msk $0xffff, v4  }
0x240: {  	v4 =	vld [tilespmem:s15+$0x0];
	s11 =	sadd.s32 s13, s16  }
0x241: {  	v5 =	vld [tilespmem:s11+$0x0]  }
0x242: {  	s11 =	sadd.s32 s13, s12  }
0x243: {  	s12 =	sadd.s32 s13, s17;
	v6 =	vld.idx.msk [tilespmem:v3+s11+$0x1000 ss:$0x1], $0xffff  }
0x244: {  	v7 =	vld [tilespmem:s12+$0x0]  }
0x245: {  	v8 =	vand.u32 $0xFFFF0000, v4  }
0x246: {  	v4 =	vshll.u32 v4, $0x10;
	v9 =	vshll.u32 v5, $0x10;
	v5 =	vand.u32 $0xFFFF0000, v5  }
0x247: {  	v4 =	vadd.f32 v9, v4;
	v5 =	vadd.f32 v5, v8;
	_ =	sdelay $0x1  }
0x248: {  	v4 =	vadd.f32 v4, v7;
	v5 =	vadd.f32 v5, v6;
	_ =	sdelay $0x1  }
0x249: {  	[tilespmem:s12+$0x0] =	vst v4;
	s12 =	sor.u32 $0x10, s13  }
0x24a: {  	[tilespmem:v3+s11+$0x1000 ss:$0x1] =	vst.idx.msk $0xffff, v5;
	s11 =	sadd.s32 s12, s14;
	s13 =	sadd.s32 s12, s16  }
0x24b: {  	v5 =	vld [tilespmem:s11+$0x0]  }
0x24c: {  	s12 =	sadd.s32 s12, s17;
	v4 =	vld [tilespmem:s13+$0x0]  }
0x24d: {  	v6 =	vld [tilespmem:s12+$0x0];
	_ =	sdelay $0x2  }
0x24e: {  	v7 =	vshll.u32 v5, $0x10  }
0x24f: {  	s11 =	sadd.s32 $0x1080, s6;
	v8 =	vshll.u32 v4, $0x10;
	v9 =	vand.u32 $0xFFFF0000, v4  }
0x250: {  	s13 =	sadd.s32 $0x210, s5;
	s11 =	sand.u32 $0x1C00, s11;
	s5 =	smov.u32 s8;
	v4 =	vadd.f32 v8, v7  }
0x251: {  	s8 =	sand.u32 $0x70, s13;
	s11 =	sadd.s32 s11, s2  }
0x252: {  	s11 =	sadd.s32 s8, s11;
	v4 =	vadd.f32 v4, v6;
	_ =	sdelay $0x1  }
0x253: {  	[tilespmem:s12+$0x0] =	vst v4  }
0x254: {  	v4 =	vld.idx.msk [tilespmem:v3+s11+$0x0 ss:$0x1], $0xffff  }
.Ltmp6:
0x255: {  	v5 =	vand.u32 $0xFFFF0000, v5;
	(pc) =	sbr.rel @p0 .LBB2_15-.Ltmp6, $2  }
0x256: {  	v5 =	vadd.f32 v9, v5;
	_ =	sdelay $0x2  }
0x257: {  	s6 =	sadd.s32 $0x100, s6  }
0x258: {  	_ =	sdelay $0x1  }
0x259: {  	s7 =	sand.u32 $0xC00, s6;
	v4 =	vadd.f32 v5, v4  }
0x25a: {  	s8 =	sand.u32 $0x60, s5;
	s4 =	sadd.s32 s7, s4  }
0x25b: {  	s12 =	sadd.s32 s8, s4;
	s13 =	sadd.s32 $0x80, s4;
	[tilespmem:v3+s11+$0x0 ss:$0x1] =	vst.idx.msk $0xffff, v4  }
0x25c: {  	v4 =	vld [tilespmem:s12+$0x0];
	s17 =	sadd.s32 s8, s13  }
0x25d: {  	s7 =	sadd.s32 s7, s2;
	v59 =	vld [tilespmem:s17+$0x0]  }
0x25e: {  	s3 =	sadd.s32 s3, s7  }
0x25f: {  	s12 =	sadd.s32 s8, s3  }
0x260: {  	s7 =	sadd.s32 s8, s7;
	v6 =	vld [tilespmem:s12+$0x0]  }
0x261: {  	v7 =	vld.idx.msk [tilespmem:v3+s7+$0x1000 ss:$0x1], $0xffff  }
0x262: {  	v8 =	vshll.u32 v4, $0x10;
	v9 =	vshll.u32 v59, $0x10  }
0x263: {  	v4 =	vand.u32 $0xFFFF0000, v4;
	v5 =	vand.u32 $0xFFFF0000, v59;
	v8 =	vadd.f32 v9, v8  }
0x264: {  	v4 =	vadd.f32 v5, v4  }
0x265: {  	v60 =	vadd.f32 v8, v6  }
0x266: {  	v4 =	vadd.f32 v4, v7  }
0x267: {  	s8 =	sor.u32 $0x10, s8;
	[tilespmem:s12+$0x0] =	vst v60  }
0x268: {  	s4 =	sadd.s32 s8, s4;
	[tilespmem:v3+s7+$0x1000 ss:$0x1] =	vst.idx.msk $0xffff, v4  }
0x269: {  	s14 =	sadd.s32 s8, s13;
	v4 =	vld [tilespmem:s4+$0x0]  }
0x26a: {  	v5 =	vld [tilespmem:s14+$0x0];
	_ =	sdelay $0x1  }
0x26b: {  	s3 =	sadd.s32 s8, s3  }
0x26c: {  	v61 =	vld [tilespmem:s3+$0x0];
	_ =	sdelay $0x1  }
0x26d: {  	v62 =	vshll.u32 v4, $0x10;
	v63 =	vshll.u32 v5, $0x10  }
0x26e: {  	v7 =	vadd.f32 v63, v62  }
0x26f: {  	s15 =	sadd.s32 $0x1080, s6  }
0x270: {  	s16 =	sadd.s32 $0x210, s5;
	s4 =	sand.u32 $0x1C00, s15;
	v6 =	vadd.f32 v7, v61  }
0x271: {  	s5 =	sand.u32 $0x70, s16;
	s17 =	sadd.s32 s4, s2  }
0x272: {  	s2 =	sadd.s32 s5, s17;
	[tilespmem:s3+$0x0] =	vst v6  }
0x273: {  	v6 =	vld.idx.msk [tilespmem:v3+s2+$0x0 ss:$0x1], $0xffff  }
0x274: {  	s0 =	sadd.s32 $0x1, s0  }
0x275: {  	p0 =	sne.s32 s0, $0x10;
	v5 =	vand.u32 $0xFFFF0000, v5;
	v4 =	vand.u32 $0xFFFF0000, v4  }
.Ltmp7:
0x276: {  	v4 =	vadd.f32 v5, v4;
	(pc) =	sbr.rel @p0 .LBB2_14-.Ltmp7, $3  }
0x277: {  	_ = 	snop  }
0x278: {  	v4 =	vadd.f32 v4, v6;
	_ =	sdelay $0x1  }
0x279: {  	[tilespmem:v3+s2+$0x0 ss:$0x1] =	vst.idx.msk $0xffff, v4  }
0x27a: {  	s31 =	simm.s32 $0x0;
	s0 =	rddreg [dreg:$0x12]  }
0x27b: {  	[hbm4b:s0+s31] =	stream.linear.scatter [tilespmem:s19], [sflag:$0x8], $0x4000, $0x38;
	[tilespmem:$0x10100] =	vst v63  }
0x27c: {  	_ =	swait.ge [sflag:s10], $0x20  }
0x27d: {  	[sflag:s10] =	ssyncset.done $0x0  }
0x27e: {  	[sflag:s10] =	ssyncadd.s32 $0xFFFFFFE0  }
0x27f: {  	_ =	swait.ge [sflag:s26], $0x4000  }
0x280: {  	[sflag:s26] =	ssyncset.done $0x0  }
0x281: {  	[sflag:s26] =	ssyncadd.s32 $0xFFFFC000  }
0x282: {  	v3 =	vld [tilespmem:$0x80];
	_ =	sdelay $0x4  }
0x283: {  	v4 =	vshll.u32 v3, $0x2  }
0x284: {  	v3 =	vand.u32 $0x7, v3;
	v4 =	vand.u32 $0xFFFFFFE0, v4  }
0x285: {  	v3 =	vor.u32 v3, v4  }
0x286: {  	v4 =	vperm.xlane v3, v0;
	_ =	sdelay $0x1  }
0x287: {  	v4 =	vadd.s32 v1, v4;
	_ =	sdelay $0x1  }
0x288: {  	v3 =	vperm.xlane v3, v2;
	_ =	sdelay $0x1  }
0x289: {  	s7 =	simm.s32 $0x4100;
	v3 =	vadd.s32 v1, v3  }
0x28a: {  	[tilespmem:s7], [sflag:$0x4] =	stream.indirect_vreg.gather [hbm4b:s28+s31], $0x80, v4, vm0, $0xb8;
	[tilespmem:$0x10100] =	vst v63  }
0x28b: {  	s8 =	simm.s32 $0x4900  }
0x28c: {  	[tilespmem:s8], [sflag:$0x4] =	stream.indirect_vreg.gather [hbm4b:s29+s31], $0x80, v4, vm0, $0xb8;
	[tilespmem:$0x10100] =	vst v63  }
0x28d: {  	s11 =	simm.s32 $0x5100  }
0x28e: {  	[tilespmem:s11], [sflag:$0x4] =	stream.indirect_vreg.gather [hbm4b:s28+s31], $0x80, v3, vm0, $0xb8;
	[tilespmem:$0x10100] =	vst v63  }
0x28f: {  	s12 =	simm.s32 $0x5900  }
0x290: {  	[tilespmem:s12], [sflag:$0x4] =	stream.indirect_vreg.gather [hbm4b:s29+s31], $0x80, v3, vm0, $0xb8;
	[tilespmem:$0x10100] =	vst v63  }
0x291: {  	v3 =	vld [tilespmem:$0x90];
	_ =	sdelay $0x4  }
0x292: {  	v63 =	vshll.u32 v3, $0x2  }
0x293: {  	v3 =	vand.u32 $0x7, v3;
	v4 =	vand.u32 $0xFFFFFFE0, v63  }
0x294: {  	v3 =	vor.u32 v3, v4  }
0x295: {  	v4 =	vperm.xlane v3, v0;
	_ =	sdelay $0x1  }
0x296: {  	v4 =	vadd.s32 v1, v4;
	_ =	sdelay $0x1  }
0x297: {  	v3 =	vperm.xlane v3, v2;
	_ =	sdelay $0x1  }
0x298: {  	s13 =	simm.s32 $0x6100;
	v3 =	vadd.s32 v1, v3  }
0x299: {  	[tilespmem:s13], [sflag:$0x4] =	stream.indirect_vreg.gather [hbm4b:s28+s31], $0x80, v4, vm0, $0xb8;
	[tilespmem:$0x10100] =	vst v63  }
0x29a: {  	s14 =	simm.s32 $0x6900  }
0x29b: {  	[tilespmem:s14], [sflag:$0x4] =	stream.indirect_vreg.gather [hbm4b:s29+s31], $0x80, v4, vm0, $0xb8;
	[tilespmem:$0x10100] =	vst v63  }
0x29c: {  	s15 =	simm.s32 $0x7100  }
0x29d: {  	[tilespmem:s15], [sflag:$0x4] =	stream.indirect_vreg.gather [hbm4b:s28+s31], $0x80, v3, vm0, $0xb8;
	[tilespmem:$0x10100] =	vst v63  }
0x29e: {  	_ = 	snop  }
0x29f: {  	[tilespmem:s18], [sflag:$0x4] =	stream.indirect_vreg.gather [hbm4b:s29+s31], $0x80, v3, vm0, $0xb8;
	[tilespmem:$0x10100] =	vst v63  }
0x2a0: {  	s16 =	rddreg [dreg:$0x15]  }
0x2a1: {  	[tilespmem:s19], [sflag:$0x6] =	stream.linear.gather [hbm4b:s16+s31], $0x4000, $0x38;
	[tilespmem:$0x10100] =	vst v63  }
0x2a2: {  	_ =	swait.ge [sflag:s21], $0x4000  }
0x2a3: {  	[sflag:s21] =	ssyncset.done $0x0  }
0x2a4: {  	s17 =	rddreg [dreg:$0xe];
	[sflag:s21] =	ssyncadd.s32 $0xFFFFC000  }
0x2a5: {  	[tilespmem:s31], [sflag:$0x1] =	stream.linear.gather [hbm4b:s17+s31], $0x20, $0x38;
	[tilespmem:$0x10100] =	vst v63  }
0x2a6: {  	_ =	swait.ge [sflag:s22], $0x4000  }
0x2a7: {  	[sflag:s22] =	ssyncset.done $0x0  }
0x2a8: {  	s0 =	simm.s32 $0x0;
	[sflag:s22] =	ssyncadd.s32 $0xFFFFC000  }
.LBB2_18:
0x2a9: {  	s2 =	sshll.u32 s0, $0x8;
	s3 =	sshll.u32 s0, $0xA  }
0x2aa: {  	s4 =	sand.u32 $0x3000, s3;
	s2 =	sand.u32 $0x300, s2  }
0x2ab: {  	s2 =	sor.u32 s2, s4  }
0x2ac: {  	s6 =	sand.u32 $0xC00, s31;
	s15 =	sshll.u32 s0, $0x7;
	s4 =	sadd.s32 $0x100, s2  }
0x2ad: {  	s7 =	sand.u32 $0x60, s31;
	s5 =	sand.u32 $0x2000, s3;
	s8 =	sadd.s32 s6, s4  }
0x2ae: {  	s3 =	sand.u32 $0x380, s15;
	s11 =	sadd.s32 s7, s8;
	s12 =	sadd.s32 $0x80, s8  }
0x2af: {  	v3 =	vmov s3;
	s2 =	sor.u32 $0x8100, s5;
	v4 =	vld [tilespmem:s11+$0x0];
	s16 =	sadd.s32 s7, s12  }
0x2b0: {  	s6 =	sadd.s32 s6, s2;
	v5 =	vld [tilespmem:s16+$0x0]  }
0x2b1: {  	s17 =	sadd.s32 s3, s6  }
0x2b2: {  	s13 =	sadd.s32 s7, s17  }
0x2b3: {  	s6 =	sadd.s32 s7, s6;
	v6 =	vld [tilespmem:s13+$0x0]  }
0x2b4: {  	v7 =	vld.idx.msk [tilespmem:v3+s6+$0x1000 ss:$0x1], $0xffff  }
0x2b5: {  	v8 =	vshll.u32 v4, $0x10;
	v9 =	vshll.u32 v5, $0x10  }
0x2b6: {  	v4 =	vand.u32 $0xFFFF0000, v4;
	v5 =	vand.u32 $0xFFFF0000, v5;
	v8 =	vadd.f32 v9, v8  }
0x2b7: {  	v4 =	vadd.f32 v5, v4  }
0x2b8: {  	v5 =	vadd.f32 v8, v6  }
0x2b9: {  	v4 =	vadd.f32 v4, v7  }
0x2ba: {  	s7 =	sor.u32 $0x10, s7;
	[tilespmem:s13+$0x0] =	vst v5  }
0x2bb: {  	s14 =	sadd.s32 s7, s8;
	[tilespmem:v3+s6+$0x1000 ss:$0x1] =	vst.idx.msk $0xffff, v4  }
0x2bc: {  	s15 =	sadd.s32 s7, s12;
	v4 =	vld [tilespmem:s14+$0x0]  }
0x2bd: {  	v5 =	vld [tilespmem:s15+$0x0];
	_ =	sdelay $0x1  }
0x2be: {  	s5 =	sadd.s32 s7, s17  }
0x2bf: {  	v6 =	vld [tilespmem:s5+$0x0];
	_ =	sdelay $0x1  }
0x2c0: {  	v7 =	vshll.u32 v4, $0x10;
	v63 =	vshll.u32 v5, $0x10  }
0x2c1: {  	v7 =	vadd.f32 v63, v7  }
0x2c2: {  	s16 =	simm.s32 $0x1080  }
0x2c3: {  	s17 =	simm.s32 $0x210;
	s6 =	sand.u32 $0x1C00, s16;
	v6 =	vadd.f32 v7, v6  }
0x2c4: {  	s7 =	sand.u32 $0x70, s17;
	s6 =	sadd.s32 s6, s2  }
0x2c5: {  	s11 =	sadd.s32 s7, s6;
	[tilespmem:s5+$0x0] =	vst v6  }
0x2c6: {  	v6 =	vand.u32 $0xFFFF0000, v4;
	v4 =	vld.idx.msk [tilespmem:v3+s11+$0x0 ss:$0x1], $0xffff;
	_ =	sdelay $0x1  }
0x2c7: {  	v5 =	vand.u32 $0xFFFF0000, v5  }
0x2c8: {  	s7 =	simm.s32 $0x40;
	s6 =	simm.s32 $0x100;
	s5 =	simm.s32 $0x20;
	v5 =	vadd.f32 v5, v6  }
.LBB2_19:
0x2c9: {  	p0 =	sne.s32 s7, $0x1E0  }
0x2ca: {  	s12 =	sand.u32 $0xC00, s6;
	v4 =	vadd.f32 v5, v4;
	s8 =	smov.u32 s7;
	s7 =	sadd.s32 $0x20, s7  }
0x2cb: {  	s13 =	sand.u32 $0x60, s5;
	s14 =	sadd.s32 s12, s4;
	s12 =	sadd.s32 s12, s2  }
0x2cc: {  	s15 =	sadd.s32 s13, s14;
	s16 =	sadd.s32 $0x80, s14;
	s17 =	sadd.s32 s3, s12;
	[tilespmem:v3+s11+$0x0 ss:$0x1] =	vst.idx.msk $0xffff, v4  }
0x2cd: {  	v4 =	vld [tilespmem:s15+$0x0];
	s11 =	sadd.s32 s13, s16  }
0x2ce: {  	v5 =	vld [tilespmem:s11+$0x0]  }
0x2cf: {  	s11 =	sadd.s32 s13, s12  }
0x2d0: {  	s12 =	sadd.s32 s13, s17;
	v6 =	vld.idx.msk [tilespmem:v3+s11+$0x1000 ss:$0x1], $0xffff  }
0x2d1: {  	v7 =	vld [tilespmem:s12+$0x0]  }
0x2d2: {  	v8 =	vand.u32 $0xFFFF0000, v4  }
0x2d3: {  	v4 =	vshll.u32 v4, $0x10;
	v9 =	vshll.u32 v5, $0x10;
	v5 =	vand.u32 $0xFFFF0000, v5  }
0x2d4: {  	v4 =	vadd.f32 v9, v4;
	v5 =	vadd.f32 v5, v8;
	_ =	sdelay $0x1  }
0x2d5: {  	v4 =	vadd.f32 v4, v7;
	v5 =	vadd.f32 v5, v6;
	_ =	sdelay $0x1  }
0x2d6: {  	[tilespmem:s12+$0x0] =	vst v4;
	s12 =	sor.u32 $0x10, s13  }
0x2d7: {  	[tilespmem:v3+s11+$0x1000 ss:$0x1] =	vst.idx.msk $0xffff, v5;
	s11 =	sadd.s32 s12, s14;
	s13 =	sadd.s32 s12, s16  }
0x2d8: {  	v5 =	vld [tilespmem:s11+$0x0]  }
0x2d9: {  	s12 =	sadd.s32 s12, s17;
	v4 =	vld [tilespmem:s13+$0x0]  }
0x2da: {  	v6 =	vld [tilespmem:s12+$0x0];
	_ =	sdelay $0x2  }
0x2db: {  	v7 =	vshll.u32 v5, $0x10  }
0x2dc: {  	s11 =	sadd.s32 $0x1080, s6;
	v8 =	vshll.u32 v4, $0x10;
	v9 =	vand.u32 $0xFFFF0000, v4  }
0x2dd: {  	s13 =	sadd.s32 $0x210, s5;
	s11 =	sand.u32 $0x1C00, s11;
	s5 =	smov.u32 s8;
	v4 =	vadd.f32 v8, v7  }
0x2de: {  	s8 =	sand.u32 $0x70, s13;
	s11 =	sadd.s32 s11, s2  }
0x2df: {  	s11 =	sadd.s32 s8, s11;
	v4 =	vadd.f32 v4, v6;
	_ =	sdelay $0x1  }
0x2e0: {  	[tilespmem:s12+$0x0] =	vst v4  }
0x2e1: {  	v4 =	vld.idx.msk [tilespmem:v3+s11+$0x0 ss:$0x1], $0xffff  }
.Ltmp8:
0x2e2: {  	v5 =	vand.u32 $0xFFFF0000, v5;
	(pc) =	sbr.rel @p0 .LBB2_19-.Ltmp8, $2  }
0x2e3: {  	v5 =	vadd.f32 v9, v5;
	_ =	sdelay $0x2  }
0x2e4: {  	s6 =	sadd.s32 $0x100, s6  }
0x2e5: {  	_ =	sdelay $0x1  }
0x2e6: {  	s7 =	sand.u32 $0xC00, s6;
	v4 =	vadd.f32 v5, v4  }
0x2e7: {  	s8 =	sand.u32 $0x60, s5;
	s4 =	sadd.s32 s7, s4  }
0x2e8: {  	s12 =	sadd.s32 s8, s4;
	s13 =	sadd.s32 $0x80, s4;
	[tilespmem:v3+s11+$0x0 ss:$0x1] =	vst.idx.msk $0xffff, v4  }
0x2e9: {  	v4 =	vld [tilespmem:s12+$0x0];
	s17 =	sadd.s32 s8, s13  }
0x2ea: {  	s7 =	sadd.s32 s7, s2;
	v59 =	vld [tilespmem:s17+$0x0]  }
0x2eb: {  	s3 =	sadd.s32 s3, s7  }
0x2ec: {  	s12 =	sadd.s32 s8, s3  }
0x2ed: {  	s7 =	sadd.s32 s8, s7;
	v6 =	vld [tilespmem:s12+$0x0]  }
0x2ee: {  	v7 =	vld.idx.msk [tilespmem:v3+s7+$0x1000 ss:$0x1], $0xffff  }
0x2ef: {  	v8 =	vshll.u32 v4, $0x10;
	v9 =	vshll.u32 v59, $0x10  }
0x2f0: {  	v4 =	vand.u32 $0xFFFF0000, v4;
	v5 =	vand.u32 $0xFFFF0000, v59;
	v8 =	vadd.f32 v9, v8  }
0x2f1: {  	v4 =	vadd.f32 v5, v4  }
0x2f2: {  	v60 =	vadd.f32 v8, v6  }
0x2f3: {  	v4 =	vadd.f32 v4, v7  }
0x2f4: {  	s8 =	sor.u32 $0x10, s8;
	[tilespmem:s12+$0x0] =	vst v60  }
0x2f5: {  	s4 =	sadd.s32 s8, s4;
	[tilespmem:v3+s7+$0x1000 ss:$0x1] =	vst.idx.msk $0xffff, v4  }
0x2f6: {  	s14 =	sadd.s32 s8, s13;
	v4 =	vld [tilespmem:s4+$0x0]  }
0x2f7: {  	v5 =	vld [tilespmem:s14+$0x0];
	_ =	sdelay $0x1  }
0x2f8: {  	s3 =	sadd.s32 s8, s3  }
0x2f9: {  	v61 =	vld [tilespmem:s3+$0x0];
	_ =	sdelay $0x1  }
0x2fa: {  	v62 =	vshll.u32 v4, $0x10;
	v63 =	vshll.u32 v5, $0x10  }
0x2fb: {  	v7 =	vadd.f32 v63, v62  }
0x2fc: {  	s15 =	sadd.s32 $0x1080, s6  }
0x2fd: {  	s16 =	sadd.s32 $0x210, s5;
	s4 =	sand.u32 $0x1C00, s15;
	v6 =	vadd.f32 v7, v61  }
0x2fe: {  	s5 =	sand.u32 $0x70, s16;
	s17 =	sadd.s32 s4, s2  }
0x2ff: {  	s2 =	sadd.s32 s5, s17;
	[tilespmem:s3+$0x0] =	vst v6  }
0x300: {  	v6 =	vld.idx.msk [tilespmem:v3+s2+$0x0 ss:$0x1], $0xffff  }
0x301: {  	s0 =	sadd.s32 $0x1, s0  }
0x302: {  	p0 =	sne.s32 s0, $0x10;
	v5 =	vand.u32 $0xFFFF0000, v5;
	v4 =	vand.u32 $0xFFFF0000, v4  }
.Ltmp9:
0x303: {  	v4 =	vadd.f32 v5, v4;
	(pc) =	sbr.rel @p0 .LBB2_18-.Ltmp9, $3  }
0x304: {  	_ = 	snop  }
0x305: {  	v4 =	vadd.f32 v4, v6;
	_ =	sdelay $0x1  }
0x306: {  	[tilespmem:v3+s2+$0x0 ss:$0x1] =	vst.idx.msk $0xffff, v4  }
0x307: {  	s31 =	simm.s32 $0x0;
	s0 =	rddreg [dreg:$0x14]  }
0x308: {  	[hbm4b:s0+s31] =	stream.linear.scatter [tilespmem:s9], [sflag:$0x7], $0x4000, $0x38;
	[tilespmem:$0x10100] =	vst v63  }
0x309: {  	_ =	swait.ge [sflag:s20], $0x20  }
0x30a: {  	[sflag:s20] =	ssyncset.done $0x0  }
0x30b: {  	[sflag:s20] =	ssyncadd.s32 $0xFFFFFFE0  }
0x30c: {  	_ =	swait.ge [sflag:s23], $0x4000  }
0x30d: {  	[sflag:s23] =	ssyncset.done $0x0  }
0x30e: {  	[sflag:s23] =	ssyncadd.s32 $0xFFFFC000  }
0x30f: {  	v3 =	vld [tilespmem:$0x0];
	_ =	sdelay $0x4  }
0x310: {  	v4 =	vshll.u32 v3, $0x2  }
0x311: {  	v3 =	vand.u32 $0x7, v3;
	v4 =	vand.u32 $0xFFFFFFE0, v4  }
0x312: {  	v3 =	vor.u32 v3, v4  }
0x313: {  	v4 =	vperm.xlane v3, v0;
	_ =	sdelay $0x1  }
0x314: {  	v4 =	vadd.s32 v1, v4;
	_ =	sdelay $0x1  }
0x315: {  	v3 =	vperm.xlane v3, v2;
	_ =	sdelay $0x1  }
0x316: {  	s6 =	simm.s32 $0x100;
	v3 =	vadd.s32 v1, v3  }
0x317: {  	[tilespmem:s6], [sflag:$0x3] =	stream.indirect_vreg.gather [hbm4b:s28+s31], $0x80, v4, vm0, $0xb8;
	[tilespmem:$0x10100] =	vst v63  }
0x318: {  	s7 =	simm.s32 $0x900  }
0x319: {  	[tilespmem:s7], [sflag:$0x3] =	stream.indirect_vreg.gather [hbm4b:s29+s31], $0x80, v4, vm0, $0xb8;
	[tilespmem:$0x10100] =	vst v63  }
0x31a: {  	s8 =	simm.s32 $0x1100  }
0x31b: {  	[tilespmem:s8], [sflag:$0x3] =	stream.indirect_vreg.gather [hbm4b:s28+s31], $0x80, v3, vm0, $0xb8;
	[tilespmem:$0x10100] =	vst v63  }
0x31c: {  	s11 =	simm.s32 $0x1900  }
0x31d: {  	[tilespmem:s11], [sflag:$0x3] =	stream.indirect_vreg.gather [hbm4b:s29+s31], $0x80, v3, vm0, $0xb8;
	[tilespmem:$0x10100] =	vst v63  }
0x31e: {  	v3 =	vld [tilespmem:$0x10];
	_ =	sdelay $0x4  }
0x31f: {  	v63 =	vshll.u32 v3, $0x2  }
0x320: {  	v3 =	vand.u32 $0x7, v3;
	v4 =	vand.u32 $0xFFFFFFE0, v63  }
0x321: {  	v3 =	vor.u32 v3, v4  }
0x322: {  	v4 =	vperm.xlane v3, v0;
	_ =	sdelay $0x1  }
0x323: {  	v4 =	vadd.s32 v1, v4;
	_ =	sdelay $0x1  }
0x324: {  	v3 =	vperm.xlane v3, v2;
	_ =	sdelay $0x1  }
0x325: {  	s12 =	simm.s32 $0x2100;
	v3 =	vadd.s32 v1, v3  }
0x326: {  	[tilespmem:s12], [sflag:$0x3] =	stream.indirect_vreg.gather [hbm4b:s28+s31], $0x80, v4, vm0, $0xb8;
	[tilespmem:$0x10100] =	vst v63  }
0x327: {  	s13 =	simm.s32 $0x2900  }
0x328: {  	[tilespmem:s13], [sflag:$0x3] =	stream.indirect_vreg.gather [hbm4b:s29+s31], $0x80, v4, vm0, $0xb8;
	[tilespmem:$0x10100] =	vst v63  }
0x329: {  	s14 =	simm.s32 $0x3100  }
0x32a: {  	[tilespmem:s14], [sflag:$0x3] =	stream.indirect_vreg.gather [hbm4b:s28+s31], $0x80, v3, vm0, $0xb8;
	[tilespmem:$0x10100] =	vst v63  }
0x32b: {  	s15 =	simm.s32 $0x3900  }
0x32c: {  	[tilespmem:s15], [sflag:$0x3] =	stream.indirect_vreg.gather [hbm4b:s29+s31], $0x80, v3, vm0, $0xb8;
	[tilespmem:$0x10100] =	vst v63  }
0x32d: {  	s16 =	rddreg [dreg:$0x17]  }
0x32e: {  	[tilespmem:s9], [sflag:$0x5] =	stream.linear.gather [hbm4b:s16+s31], $0x4000, $0x38;
	[tilespmem:$0x10100] =	vst v63  }
0x32f: {  	_ =	swait.ge [sflag:s24], $0x4000  }
0x330: {  	[sflag:s24] =	ssyncset.done $0x0  }
0x331: {  	s2 =	simm.s32 $0x80;
	s17 =	rddreg [dreg:$0xf];
	[sflag:s24] =	ssyncadd.s32 $0xFFFFC000  }
0x332: {  	[tilespmem:s2], [sflag:$0x2] =	stream.linear.gather [hbm4b:s17+s31], $0x20, $0x38;
	[tilespmem:$0x10100] =	vst v63  }
0x333: {  	_ =	swait.ge [sflag:s25], $0x4000  }
0x334: {  	[sflag:s25] =	ssyncset.done $0x0  }
0x335: {  	s0 =	simm.s32 $0x0;
	[sflag:s25] =	ssyncadd.s32 $0xFFFFC000  }
.LBB2_22:
0x336: {  	s2 =	sshll.u32 s0, $0x8;
	s3 =	sshll.u32 s0, $0xA  }
0x337: {  	s4 =	sand.u32 $0x3000, s3;
	s2 =	sand.u32 $0x300, s2  }
0x338: {  	s2 =	sor.u32 s2, s4  }
0x339: {  	s6 =	sand.u32 $0xC00, s31;
	s15 =	sshll.u32 s0, $0x7;
	s4 =	sadd.s32 $0x4100, s2  }
0x33a: {  	s7 =	sand.u32 $0x60, s31;
	s5 =	sand.u32 $0x2000, s3;
	s8 =	sadd.s32 s6, s4  }
0x33b: {  	s3 =	sand.u32 $0x380, s15;
	s11 =	sadd.s32 s7, s8;
	s12 =	sadd.s32 $0x80, s8  }
0x33c: {  	v3 =	vmov s3;
	s2 =	sor.u32 $0xC100, s5;
	v4 =	vld [tilespmem:s11+$0x0];
	s16 =	sadd.s32 s7, s12  }
0x33d: {  	s6 =	sadd.s32 s6, s2;
	v5 =	vld [tilespmem:s16+$0x0]  }
0x33e: {  	s17 =	sadd.s32 s3, s6  }
0x33f: {  	s13 =	sadd.s32 s7, s17  }
0x340: {  	s6 =	sadd.s32 s7, s6;
	v6 =	vld [tilespmem:s13+$0x0]  }
0x341: {  	v7 =	vld.idx.msk [tilespmem:v3+s6+$0x1000 ss:$0x1], $0xffff  }
0x342: {  	v8 =	vshll.u32 v4, $0x10;
	v9 =	vshll.u32 v5, $0x10  }
0x343: {  	v4 =	vand.u32 $0xFFFF0000, v4;
	v5 =	vand.u32 $0xFFFF0000, v5;
	v8 =	vadd.f32 v9, v8  }
0x344: {  	v4 =	vadd.f32 v5, v4  }
0x345: {  	v5 =	vadd.f32 v8, v6  }
0x346: {  	v4 =	vadd.f32 v4, v7  }
0x347: {  	s7 =	sor.u32 $0x10, s7;
	[tilespmem:s13+$0x0] =	vst v5  }
0x348: {  	s14 =	sadd.s32 s7, s8;
	[tilespmem:v3+s6+$0x1000 ss:$0x1] =	vst.idx.msk $0xffff, v4  }
0x349: {  	s15 =	sadd.s32 s7, s12;
	v4 =	vld [tilespmem:s14+$0x0]  }
0x34a: {  	v5 =	vld [tilespmem:s15+$0x0];
	_ =	sdelay $0x1  }
0x34b: {  	s5 =	sadd.s32 s7, s17  }
0x34c: {  	v6 =	vld [tilespmem:s5+$0x0];
	_ =	sdelay $0x1  }
0x34d: {  	v7 =	vshll.u32 v4, $0x10;
	v63 =	vshll.u32 v5, $0x10  }
0x34e: {  	v7 =	vadd.f32 v63, v7  }
0x34f: {  	s16 =	simm.s32 $0x1080  }
0x350: {  	s17 =	simm.s32 $0x210;
	s6 =	sand.u32 $0x1C00, s16;
	v6 =	vadd.f32 v7, v6  }
0x351: {  	s7 =	sand.u32 $0x70, s17;
	s6 =	sadd.s32 s6, s2  }
0x352: {  	s11 =	sadd.s32 s7, s6;
	[tilespmem:s5+$0x0] =	vst v6  }
0x353: {  	v6 =	vand.u32 $0xFFFF0000, v4;
	v4 =	vld.idx.msk [tilespmem:v3+s11+$0x0 ss:$0x1], $0xffff;
	_ =	sdelay $0x1  }
0x354: {  	v5 =	vand.u32 $0xFFFF0000, v5  }
0x355: {  	s7 =	simm.s32 $0x40;
	s6 =	simm.s32 $0x100;
	s5 =	simm.s32 $0x20;
	v5 =	vadd.f32 v5, v6  }
.LBB2_23:
0x356: {  	p0 =	sne.s32 s7, $0x1E0  }
0x357: {  	s12 =	sand.u32 $0xC00, s6;
	v4 =	vadd.f32 v5, v4;
	s8 =	smov.u32 s7;
	s7 =	sadd.s32 $0x20, s7  }
0x358: {  	s13 =	sand.u32 $0x60, s5;
	s14 =	sadd.s32 s12, s4;
	s12 =	sadd.s32 s12, s2  }
0x359: {  	s15 =	sadd.s32 s13, s14;
	s16 =	sadd.s32 $0x80, s14;
	s17 =	sadd.s32 s3, s12;
	[tilespmem:v3+s11+$0x0 ss:$0x1] =	vst.idx.msk $0xffff, v4  }
0x35a: {  	v4 =	vld [tilespmem:s15+$0x0];
	s11 =	sadd.s32 s13, s16  }
0x35b: {  	v5 =	vld [tilespmem:s11+$0x0]  }
0x35c: {  	s11 =	sadd.s32 s13, s12  }
0x35d: {  	s12 =	sadd.s32 s13, s17;
	v6 =	vld.idx.msk [tilespmem:v3+s11+$0x1000 ss:$0x1], $0xffff  }
0x35e: {  	v7 =	vld [tilespmem:s12+$0x0]  }
0x35f: {  	v8 =	vand.u32 $0xFFFF0000, v4  }
0x360: {  	v4 =	vshll.u32 v4, $0x10;
	v9 =	vshll.u32 v5, $0x10;
	v5 =	vand.u32 $0xFFFF0000, v5  }
0x361: {  	v4 =	vadd.f32 v9, v4;
	v5 =	vadd.f32 v5, v8;
	_ =	sdelay $0x1  }
0x362: {  	v4 =	vadd.f32 v4, v7;
	v5 =	vadd.f32 v5, v6;
	_ =	sdelay $0x1  }
0x363: {  	[tilespmem:s12+$0x0] =	vst v4;
	s12 =	sor.u32 $0x10, s13  }
0x364: {  	[tilespmem:v3+s11+$0x1000 ss:$0x1] =	vst.idx.msk $0xffff, v5;
	s11 =	sadd.s32 s12, s14;
	s13 =	sadd.s32 s12, s16  }
0x365: {  	v5 =	vld [tilespmem:s11+$0x0]  }
0x366: {  	s12 =	sadd.s32 s12, s17;
	v4 =	vld [tilespmem:s13+$0x0]  }
0x367: {  	v6 =	vld [tilespmem:s12+$0x0];
	_ =	sdelay $0x2  }
0x368: {  	v7 =	vshll.u32 v5, $0x10  }
0x369: {  	s11 =	sadd.s32 $0x1080, s6;
	v8 =	vshll.u32 v4, $0x10;
	v9 =	vand.u32 $0xFFFF0000, v4  }
0x36a: {  	s13 =	sadd.s32 $0x210, s5;
	s11 =	sand.u32 $0x1C00, s11;
	s5 =	smov.u32 s8;
	v4 =	vadd.f32 v8, v7  }
0x36b: {  	s8 =	sand.u32 $0x70, s13;
	s11 =	sadd.s32 s11, s2  }
0x36c: {  	s11 =	sadd.s32 s8, s11;
	v4 =	vadd.f32 v4, v6;
	_ =	sdelay $0x1  }
0x36d: {  	[tilespmem:s12+$0x0] =	vst v4  }
0x36e: {  	v4 =	vld.idx.msk [tilespmem:v3+s11+$0x0 ss:$0x1], $0xffff  }
.Ltmp10:
0x36f: {  	v5 =	vand.u32 $0xFFFF0000, v5;
	(pc) =	sbr.rel @p0 .LBB2_23-.Ltmp10, $2  }
0x370: {  	v5 =	vadd.f32 v9, v5;
	_ =	sdelay $0x2  }
0x371: {  	s6 =	sadd.s32 $0x100, s6  }
0x372: {  	_ =	sdelay $0x1  }
0x373: {  	s7 =	sand.u32 $0xC00, s6;
	v4 =	vadd.f32 v5, v4  }
0x374: {  	s8 =	sand.u32 $0x60, s5;
	s4 =	sadd.s32 s7, s4  }
0x375: {  	s12 =	sadd.s32 s8, s4;
	s13 =	sadd.s32 $0x80, s4;
	[tilespmem:v3+s11+$0x0 ss:$0x1] =	vst.idx.msk $0xffff, v4  }
0x376: {  	v4 =	vld [tilespmem:s12+$0x0];
	s17 =	sadd.s32 s8, s13  }
0x377: {  	s7 =	sadd.s32 s7, s2;
	v59 =	vld [tilespmem:s17+$0x0]  }
0x378: {  	s3 =	sadd.s32 s3, s7  }
0x379: {  	s12 =	sadd.s32 s8, s3  }
0x37a: {  	s7 =	sadd.s32 s8, s7;
	v6 =	vld [tilespmem:s12+$0x0]  }
0x37b: {  	v7 =	vld.idx.msk [tilespmem:v3+s7+$0x1000 ss:$0x1], $0xffff  }
0x37c: {  	v8 =	vshll.u32 v4, $0x10;
	v9 =	vshll.u32 v59, $0x10  }
0x37d: {  	v4 =	vand.u32 $0xFFFF0000, v4;
	v5 =	vand.u32 $0xFFFF0000, v59;
	v8 =	vadd.f32 v9, v8  }
0x37e: {  	v4 =	vadd.f32 v5, v4  }
0x37f: {  	v60 =	vadd.f32 v8, v6  }
0x380: {  	v4 =	vadd.f32 v4, v7  }
0x381: {  	s8 =	sor.u32 $0x10, s8;
	[tilespmem:s12+$0x0] =	vst v60  }
0x382: {  	s4 =	sadd.s32 s8, s4;
	[tilespmem:v3+s7+$0x1000 ss:$0x1] =	vst.idx.msk $0xffff, v4  }
0x383: {  	s14 =	sadd.s32 s8, s13;
	v4 =	vld [tilespmem:s4+$0x0]  }
0x384: {  	v5 =	vld [tilespmem:s14+$0x0];
	_ =	sdelay $0x1  }
0x385: {  	s3 =	sadd.s32 s8, s3  }
0x386: {  	v61 =	vld [tilespmem:s3+$0x0];
	_ =	sdelay $0x1  }
0x387: {  	v62 =	vshll.u32 v4, $0x10;
	v63 =	vshll.u32 v5, $0x10  }
0x388: {  	v7 =	vadd.f32 v63, v62  }
0x389: {  	s15 =	sadd.s32 $0x1080, s6  }
0x38a: {  	s16 =	sadd.s32 $0x210, s5;
	s4 =	sand.u32 $0x1C00, s15;
	v6 =	vadd.f32 v7, v61  }
0x38b: {  	s5 =	sand.u32 $0x70, s16;
	s17 =	sadd.s32 s4, s2  }
0x38c: {  	s2 =	sadd.s32 s5, s17;
	[tilespmem:s3+$0x0] =	vst v6  }
0x38d: {  	v6 =	vld.idx.msk [tilespmem:v3+s2+$0x0 ss:$0x1], $0xffff  }
0x38e: {  	s0 =	sadd.s32 $0x1, s0  }
0x38f: {  	p0 =	sne.s32 s0, $0x10;
	v5 =	vand.u32 $0xFFFF0000, v5;
	v4 =	vand.u32 $0xFFFF0000, v4  }
.Ltmp11:
0x390: {  	v4 =	vadd.f32 v5, v4;
	(pc) =	sbr.rel @p0 .LBB2_22-.Ltmp11, $3  }
0x391: {  	_ = 	snop  }
0x392: {  	v4 =	vadd.f32 v4, v6;
	_ =	sdelay $0x1  }
0x393: {  	[tilespmem:v3+s2+$0x0 ss:$0x1] =	vst.idx.msk $0xffff, v4  }
0x394: {  	s31 =	simm.s32 $0x0;
	s0 =	rddreg [dreg:$0x16]  }
0x395: {  	[hbm4b:s0+s31] =	stream.linear.scatter [tilespmem:s19], [sflag:$0x8], $0x4000, $0x38;
	[tilespmem:$0x10100] =	vst v63  }
0x396: {  	_ =	swait.ge [sflag:s10], $0x20  }
0x397: {  	[sflag:s10] =	ssyncset.done $0x0  }
0x398: {  	[sflag:s10] =	ssyncadd.s32 $0xFFFFFFE0  }
0x399: {  	_ =	swait.ge [sflag:s26], $0x4000  }
0x39a: {  	[sflag:s26] =	ssyncset.done $0x0  }
0x39b: {  	[sflag:s26] =	ssyncadd.s32 $0xFFFFC000  }
0x39c: {  	v3 =	vld [tilespmem:$0x80];
	_ =	sdelay $0x4  }
0x39d: {  	v4 =	vshll.u32 v3, $0x2  }
0x39e: {  	v3 =	vand.u32 $0x7, v3;
	v4 =	vand.u32 $0xFFFFFFE0, v4  }
0x39f: {  	v3 =	vor.u32 v3, v4  }
0x3a0: {  	v4 =	vperm.xlane v3, v0;
	_ =	sdelay $0x1  }
0x3a1: {  	v4 =	vadd.s32 v1, v4;
	_ =	sdelay $0x1  }
0x3a2: {  	v3 =	vperm.xlane v3, v2;
	_ =	sdelay $0x1  }
0x3a3: {  	s8 =	simm.s32 $0x4100;
	v3 =	vadd.s32 v1, v3  }
0x3a4: {  	[tilespmem:s8], [sflag:$0x4] =	stream.indirect_vreg.gather [hbm4b:s28+s31], $0x80, v4, vm0, $0xb8;
	[tilespmem:$0x10100] =	vst v63  }
0x3a5: {  	s11 =	simm.s32 $0x4900  }
0x3a6: {  	[tilespmem:s11], [sflag:$0x4] =	stream.indirect_vreg.gather [hbm4b:s29+s31], $0x80, v4, vm0, $0xb8;
	[tilespmem:$0x10100] =	vst v63  }
0x3a7: {  	s12 =	simm.s32 $0x5100  }
0x3a8: {  	[tilespmem:s12], [sflag:$0x4] =	stream.indirect_vreg.gather [hbm4b:s28+s31], $0x80, v3, vm0, $0xb8;
	[tilespmem:$0x10100] =	vst v63  }
0x3a9: {  	s13 =	simm.s32 $0x5900  }
0x3aa: {  	[tilespmem:s13], [sflag:$0x4] =	stream.indirect_vreg.gather [hbm4b:s29+s31], $0x80, v3, vm0, $0xb8;
	[tilespmem:$0x10100] =	vst v63  }
0x3ab: {  	v3 =	vld [tilespmem:$0x90];
	_ =	sdelay $0x4  }
0x3ac: {  	v63 =	vshll.u32 v3, $0x2  }
0x3ad: {  	v3 =	vand.u32 $0x7, v3;
	v4 =	vand.u32 $0xFFFFFFE0, v63  }
0x3ae: {  	v3 =	vor.u32 v3, v4  }
0x3af: {  	v4 =	vperm.xlane v3, v0;
	_ =	sdelay $0x1  }
0x3b0: {  	v4 =	vadd.s32 v1, v4;
	_ =	sdelay $0x1  }
0x3b1: {  	v3 =	vperm.xlane v3, v2;
	_ =	sdelay $0x1  }
0x3b2: {  	s14 =	simm.s32 $0x6100;
	v3 =	vadd.s32 v1, v3  }
0x3b3: {  	[tilespmem:s14], [sflag:$0x4] =	stream.indirect_vreg.gather [hbm4b:s28+s31], $0x80, v4, vm0, $0xb8;
	[tilespmem:$0x10100] =	vst v63  }
0x3b4: {  	s15 =	simm.s32 $0x6900  }
0x3b5: {  	[tilespmem:s15], [sflag:$0x4] =	stream.indirect_vreg.gather [hbm4b:s29+s31], $0x80, v4, vm0, $0xb8;
	[tilespmem:$0x10100] =	vst v63  }
0x3b6: {  	s16 =	simm.s32 $0x7100  }
0x3b7: {  	[tilespmem:s16], [sflag:$0x4] =	stream.indirect_vreg.gather [hbm4b:s28+s31], $0x80, v3, vm0, $0xb8;
	[tilespmem:$0x10100] =	vst v63  }
0x3b8: {  	_ = 	snop  }
0x3b9: {  	[tilespmem:s18], [sflag:$0x4] =	stream.indirect_vreg.gather [hbm4b:s29+s31], $0x80, v3, vm0, $0xb8;
	[tilespmem:$0x10100] =	vst v63  }
0x3ba: {  	s17 =	rddreg [dreg:$0x18]  }
0x3bb: {  	[tilespmem:s19], [sflag:$0x6] =	stream.linear.gather [hbm4b:s17+s31], $0x4000, $0x38;
	[tilespmem:$0x10100] =	vst v63  }
0x3bc: {  	_ =	swait.ge [sflag:s21], $0x4000  }
0x3bd: {  	[sflag:s21] =	ssyncset.done $0x0  }
0x3be: {  	[sflag:s21] =	ssyncadd.s32 $0xFFFFC000  }
0x3bf: {  	_ =	swait.ge [sflag:s22], $0x4000  }
0x3c0: {  	[sflag:s22] =	ssyncset.done $0x0  }
0x3c1: {  	s0 =	simm.s32 $0x0;
	[sflag:s22] =	ssyncadd.s32 $0xFFFFC000  }
.LBB2_26:
0x3c2: {  	s2 =	sshll.u32 s0, $0x8;
	s3 =	sshll.u32 s0, $0xA  }
0x3c3: {  	s4 =	sand.u32 $0x3000, s3;
	s2 =	sand.u32 $0x300, s2  }
0x3c4: {  	s2 =	sor.u32 s2, s4  }
0x3c5: {  	s6 =	sand.u32 $0xC00, s31;
	s15 =	sshll.u32 s0, $0x7;
	s4 =	sadd.s32 $0x100, s2  }
0x3c6: {  	s7 =	sand.u32 $0x60, s31;
	s5 =	sand.u32 $0x2000, s3;
	s8 =	sadd.s32 s6, s4  }
0x3c7: {  	s3 =	sand.u32 $0x380, s15;
	s11 =	sadd.s32 s7, s8;
	s12 =	sadd.s32 $0x80, s8  }
0x3c8: {  	v3 =	vmov s3;
	s2 =	sor.u32 $0x8100, s5;
	v4 =	vld [tilespmem:s11+$0x0];
	s16 =	sadd.s32 s7, s12  }
0x3c9: {  	s6 =	sadd.s32 s6, s2;
	v5 =	vld [tilespmem:s16+$0x0]  }
0x3ca: {  	s17 =	sadd.s32 s3, s6  }
0x3cb: {  	s13 =	sadd.s32 s7, s17  }
0x3cc: {  	s6 =	sadd.s32 s7, s6;
	v6 =	vld [tilespmem:s13+$0x0]  }
0x3cd: {  	v7 =	vld.idx.msk [tilespmem:v3+s6+$0x1000 ss:$0x1], $0xffff  }
0x3ce: {  	v8 =	vshll.u32 v4, $0x10;
	v9 =	vshll.u32 v5, $0x10  }
0x3cf: {  	v4 =	vand.u32 $0xFFFF0000, v4;
	v5 =	vand.u32 $0xFFFF0000, v5;
	v8 =	vadd.f32 v9, v8  }
0x3d0: {  	v4 =	vadd.f32 v5, v4  }
0x3d1: {  	v5 =	vadd.f32 v8, v6  }
0x3d2: {  	v4 =	vadd.f32 v4, v7  }
0x3d3: {  	s7 =	sor.u32 $0x10, s7;
	[tilespmem:s13+$0x0] =	vst v5  }
0x3d4: {  	s14 =	sadd.s32 s7, s8;
	[tilespmem:v3+s6+$0x1000 ss:$0x1] =	vst.idx.msk $0xffff, v4  }
0x3d5: {  	s15 =	sadd.s32 s7, s12;
	v4 =	vld [tilespmem:s14+$0x0]  }
0x3d6: {  	v5 =	vld [tilespmem:s15+$0x0];
	_ =	sdelay $0x1  }
0x3d7: {  	s5 =	sadd.s32 s7, s17  }
0x3d8: {  	v6 =	vld [tilespmem:s5+$0x0];
	_ =	sdelay $0x1  }
0x3d9: {  	v7 =	vshll.u32 v4, $0x10;
	v63 =	vshll.u32 v5, $0x10  }
0x3da: {  	v7 =	vadd.f32 v63, v7  }
0x3db: {  	s16 =	simm.s32 $0x1080  }
0x3dc: {  	s17 =	simm.s32 $0x210;
	s6 =	sand.u32 $0x1C00, s16;
	v6 =	vadd.f32 v7, v6  }
0x3dd: {  	s7 =	sand.u32 $0x70, s17;
	s6 =	sadd.s32 s6, s2  }
0x3de: {  	s11 =	sadd.s32 s7, s6;
	[tilespmem:s5+$0x0] =	vst v6  }
0x3df: {  	v6 =	vand.u32 $0xFFFF0000, v4;
	v4 =	vld.idx.msk [tilespmem:v3+s11+$0x0 ss:$0x1], $0xffff;
	_ =	sdelay $0x1  }
0x3e0: {  	v5 =	vand.u32 $0xFFFF0000, v5  }
0x3e1: {  	s7 =	simm.s32 $0x40;
	s6 =	simm.s32 $0x100;
	s5 =	simm.s32 $0x20;
	v5 =	vadd.f32 v5, v6  }
.LBB2_27:
0x3e2: {  	p0 =	sne.s32 s7, $0x1E0  }
0x3e3: {  	s12 =	sand.u32 $0xC00, s6;
	v4 =	vadd.f32 v5, v4;
	s8 =	smov.u32 s7;
	s7 =	sadd.s32 $0x20, s7  }
0x3e4: {  	s13 =	sand.u32 $0x60, s5;
	s14 =	sadd.s32 s12, s4;
	s12 =	sadd.s32 s12, s2  }
0x3e5: {  	s15 =	sadd.s32 s13, s14;
	s16 =	sadd.s32 $0x80, s14;
	s17 =	sadd.s32 s3, s12;
	[tilespmem:v3+s11+$0x0 ss:$0x1] =	vst.idx.msk $0xffff, v4  }
0x3e6: {  	v4 =	vld [tilespmem:s15+$0x0];
	s11 =	sadd.s32 s13, s16  }
0x3e7: {  	v5 =	vld [tilespmem:s11+$0x0]  }
0x3e8: {  	s11 =	sadd.s32 s13, s12  }
0x3e9: {  	s12 =	sadd.s32 s13, s17;
	v6 =	vld.idx.msk [tilespmem:v3+s11+$0x1000 ss:$0x1], $0xffff  }
0x3ea: {  	v7 =	vld [tilespmem:s12+$0x0]  }
0x3eb: {  	v8 =	vand.u32 $0xFFFF0000, v4  }
0x3ec: {  	v4 =	vshll.u32 v4, $0x10;
	v9 =	vshll.u32 v5, $0x10;
	v5 =	vand.u32 $0xFFFF0000, v5  }
0x3ed: {  	v4 =	vadd.f32 v9, v4;
	v5 =	vadd.f32 v5, v8;
	_ =	sdelay $0x1  }
0x3ee: {  	v4 =	vadd.f32 v4, v7;
	v5 =	vadd.f32 v5, v6;
	_ =	sdelay $0x1  }
0x3ef: {  	[tilespmem:s12+$0x0] =	vst v4;
	s12 =	sor.u32 $0x10, s13  }
0x3f0: {  	[tilespmem:v3+s11+$0x1000 ss:$0x1] =	vst.idx.msk $0xffff, v5;
	s11 =	sadd.s32 s12, s14;
	s13 =	sadd.s32 s12, s16  }
0x3f1: {  	v5 =	vld [tilespmem:s11+$0x0]  }
0x3f2: {  	s12 =	sadd.s32 s12, s17;
	v4 =	vld [tilespmem:s13+$0x0]  }
0x3f3: {  	v6 =	vld [tilespmem:s12+$0x0];
	_ =	sdelay $0x2  }
0x3f4: {  	v7 =	vshll.u32 v5, $0x10  }
0x3f5: {  	s11 =	sadd.s32 $0x1080, s6;
	v8 =	vshll.u32 v4, $0x10;
	v9 =	vand.u32 $0xFFFF0000, v4  }
0x3f6: {  	s13 =	sadd.s32 $0x210, s5;
	s11 =	sand.u32 $0x1C00, s11;
	s5 =	smov.u32 s8;
	v4 =	vadd.f32 v8, v7  }
0x3f7: {  	s8 =	sand.u32 $0x70, s13;
	s11 =	sadd.s32 s11, s2  }
0x3f8: {  	s11 =	sadd.s32 s8, s11;
	v4 =	vadd.f32 v4, v6;
	_ =	sdelay $0x1  }
0x3f9: {  	[tilespmem:s12+$0x0] =	vst v4  }
0x3fa: {  	v4 =	vld.idx.msk [tilespmem:v3+s11+$0x0 ss:$0x1], $0xffff  }
.Ltmp12:
0x3fb: {  	v5 =	vand.u32 $0xFFFF0000, v5;
	(pc) =	sbr.rel @p0 .LBB2_27-.Ltmp12, $2  }
0x3fc: {  	v5 =	vadd.f32 v9, v5;
	_ =	sdelay $0x2  }
0x3fd: {  	s6 =	sadd.s32 $0x100, s6  }
0x3fe: {  	_ =	sdelay $0x1  }
0x3ff: {  	s7 =	sand.u32 $0xC00, s6;
	v4 =	vadd.f32 v5, v4  }
0x400: {  	s8 =	sand.u32 $0x60, s5;
	s4 =	sadd.s32 s7, s4  }
0x401: {  	s12 =	sadd.s32 s8, s4;
	s13 =	sadd.s32 $0x80, s4;
	[tilespmem:v3+s11+$0x0 ss:$0x1] =	vst.idx.msk $0xffff, v4  }
0x402: {  	v4 =	vld [tilespmem:s12+$0x0];
	s17 =	sadd.s32 s8, s13  }
0x403: {  	s7 =	sadd.s32 s7, s2;
	v59 =	vld [tilespmem:s17+$0x0]  }
0x404: {  	s3 =	sadd.s32 s3, s7  }
0x405: {  	s12 =	sadd.s32 s8, s3  }
0x406: {  	s7 =	sadd.s32 s8, s7;
	v6 =	vld [tilespmem:s12+$0x0]  }
0x407: {  	v7 =	vld.idx.msk [tilespmem:v3+s7+$0x1000 ss:$0x1], $0xffff  }
0x408: {  	v8 =	vshll.u32 v4, $0x10;
	v9 =	vshll.u32 v59, $0x10  }
0x409: {  	v4 =	vand.u32 $0xFFFF0000, v4;
	v5 =	vand.u32 $0xFFFF0000, v59;
	v8 =	vadd.f32 v9, v8  }
0x40a: {  	v4 =	vadd.f32 v5, v4  }
0x40b: {  	v60 =	vadd.f32 v8, v6  }
0x40c: {  	v4 =	vadd.f32 v4, v7  }
0x40d: {  	s8 =	sor.u32 $0x10, s8;
	[tilespmem:s12+$0x0] =	vst v60  }
0x40e: {  	s4 =	sadd.s32 s8, s4;
	[tilespmem:v3+s7+$0x1000 ss:$0x1] =	vst.idx.msk $0xffff, v4  }
0x40f: {  	s14 =	sadd.s32 s8, s13;
	v4 =	vld [tilespmem:s4+$0x0]  }
0x410: {  	v5 =	vld [tilespmem:s14+$0x0];
	_ =	sdelay $0x1  }
0x411: {  	s3 =	sadd.s32 s8, s3  }
0x412: {  	v61 =	vld [tilespmem:s3+$0x0];
	_ =	sdelay $0x1  }
0x413: {  	v62 =	vshll.u32 v4, $0x10;
	v63 =	vshll.u32 v5, $0x10  }
0x414: {  	v7 =	vadd.f32 v63, v62  }
0x415: {  	s15 =	sadd.s32 $0x1080, s6  }
0x416: {  	s16 =	sadd.s32 $0x210, s5;
	s4 =	sand.u32 $0x1C00, s15;
	v6 =	vadd.f32 v7, v61  }
0x417: {  	s5 =	sand.u32 $0x70, s16;
	s17 =	sadd.s32 s4, s2  }
0x418: {  	s2 =	sadd.s32 s5, s17;
	[tilespmem:s3+$0x0] =	vst v6  }
0x419: {  	v6 =	vld.idx.msk [tilespmem:v3+s2+$0x0 ss:$0x1], $0xffff  }
0x41a: {  	s0 =	sadd.s32 $0x1, s0  }
0x41b: {  	p0 =	sne.s32 s0, $0x10;
	v5 =	vand.u32 $0xFFFF0000, v5;
	v4 =	vand.u32 $0xFFFF0000, v4  }
.Ltmp13:
0x41c: {  	v4 =	vadd.f32 v5, v4;
	(pc) =	sbr.rel @p0 .LBB2_26-.Ltmp13, $3  }
0x41d: {  	_ = 	snop  }
0x41e: {  	v4 =	vadd.f32 v4, v6;
	_ =	sdelay $0x1  }
0x41f: {  	[tilespmem:v3+s2+$0x0 ss:$0x1] =	vst.idx.msk $0xffff, v4  }
0x420: {  	s31 =	simm.s32 $0x0;
	s0 =	rddreg [dreg:$0x19]  }
0x421: {  	[hbm4b:s0+s31] =	stream.linear.scatter [tilespmem:s9], [sflag:$0x7], $0x4000, $0x38;
	[tilespmem:$0x10100] =	vst v63  }
0x422: {  	_ =	swait.ge [sflag:s24], $0x4000  }
0x423: {  	[sflag:s24] =	ssyncset.done $0x0  }
0x424: {  	[sflag:s24] =	ssyncadd.s32 $0xFFFFC000  }
0x425: {  	_ =	swait.ge [sflag:s25], $0x4000  }
0x426: {  	[sflag:s25] =	ssyncset.done $0x0  }
0x427: {  	s0 =	simm.s32 $0x0;
	[sflag:s25] =	ssyncadd.s32 $0xFFFFC000  }
.LBB2_30:
0x428: {  	s2 =	sshll.u32 s0, $0x8;
	s3 =	sshll.u32 s0, $0xA  }
0x429: {  	s4 =	sand.u32 $0x3000, s3;
	s2 =	sand.u32 $0x300, s2  }
0x42a: {  	s2 =	sor.u32 s2, s4  }
0x42b: {  	s6 =	sand.u32 $0xC00, s31;
	s15 =	sshll.u32 s0, $0x7;
	s4 =	sadd.s32 $0x4100, s2  }
0x42c: {  	s7 =	sand.u32 $0x60, s31;
	s5 =	sand.u32 $0x2000, s3;
	s8 =	sadd.s32 s6, s4  }
0x42d: {  	s3 =	sand.u32 $0x380, s15;
	s11 =	sadd.s32 s7, s8;
	s12 =	sadd.s32 $0x80, s8  }
0x42e: {  	v3 =	vmov s3;
	s2 =	sor.u32 $0xC100, s5;
	v4 =	vld [tilespmem:s11+$0x0];
	s16 =	sadd.s32 s7, s12  }
0x42f: {  	s6 =	sadd.s32 s6, s2;
	v5 =	vld [tilespmem:s16+$0x0]  }
0x430: {  	s17 =	sadd.s32 s3, s6  }
0x431: {  	s13 =	sadd.s32 s7, s17  }
0x432: {  	s6 =	sadd.s32 s7, s6;
	v6 =	vld [tilespmem:s13+$0x0]  }
0x433: {  	v7 =	vld.idx.msk [tilespmem:v3+s6+$0x1000 ss:$0x1], $0xffff  }
0x434: {  	v8 =	vshll.u32 v4, $0x10;
	v9 =	vshll.u32 v5, $0x10  }
0x435: {  	v4 =	vand.u32 $0xFFFF0000, v4;
	v5 =	vand.u32 $0xFFFF0000, v5;
	v8 =	vadd.f32 v9, v8  }
0x436: {  	v4 =	vadd.f32 v5, v4  }
0x437: {  	v5 =	vadd.f32 v8, v6  }
0x438: {  	v4 =	vadd.f32 v4, v7  }
0x439: {  	s7 =	sor.u32 $0x10, s7;
	[tilespmem:s13+$0x0] =	vst v5  }
0x43a: {  	s14 =	sadd.s32 s7, s8;
	[tilespmem:v3+s6+$0x1000 ss:$0x1] =	vst.idx.msk $0xffff, v4  }
0x43b: {  	s15 =	sadd.s32 s7, s12;
	v4 =	vld [tilespmem:s14+$0x0]  }
0x43c: {  	v5 =	vld [tilespmem:s15+$0x0];
	_ =	sdelay $0x1  }
0x43d: {  	s5 =	sadd.s32 s7, s17  }
0x43e: {  	v6 =	vld [tilespmem:s5+$0x0];
	_ =	sdelay $0x1  }
0x43f: {  	v7 =	vshll.u32 v4, $0x10;
	v63 =	vshll.u32 v5, $0x10  }
0x440: {  	v7 =	vadd.f32 v63, v7  }
0x441: {  	s16 =	simm.s32 $0x1080  }
0x442: {  	s17 =	simm.s32 $0x210;
	s6 =	sand.u32 $0x1C00, s16;
	v6 =	vadd.f32 v7, v6  }
0x443: {  	s7 =	sand.u32 $0x70, s17;
	s6 =	sadd.s32 s6, s2  }
0x444: {  	s11 =	sadd.s32 s7, s6;
	[tilespmem:s5+$0x0] =	vst v6  }
0x445: {  	v6 =	vand.u32 $0xFFFF0000, v4;
	v4 =	vld.idx.msk [tilespmem:v3+s11+$0x0 ss:$0x1], $0xffff;
	_ =	sdelay $0x1  }
0x446: {  	v5 =	vand.u32 $0xFFFF0000, v5  }
0x447: {  	s7 =	simm.s32 $0x40;
	s6 =	simm.s32 $0x100;
	s5 =	simm.s32 $0x20;
	v5 =	vadd.f32 v5, v6  }
.LBB2_31:
0x448: {  	p0 =	sne.s32 s7, $0x1E0  }
0x449: {  	s12 =	sand.u32 $0xC00, s6;
	v4 =	vadd.f32 v5, v4;
	s8 =	smov.u32 s7;
	s7 =	sadd.s32 $0x20, s7  }
0x44a: {  	s13 =	sand.u32 $0x60, s5;
	s14 =	sadd.s32 s12, s4;
	s12 =	sadd.s32 s12, s2  }
0x44b: {  	s15 =	sadd.s32 s13, s14;
	s16 =	sadd.s32 $0x80, s14;
	s17 =	sadd.s32 s3, s12;
	[tilespmem:v3+s11+$0x0 ss:$0x1] =	vst.idx.msk $0xffff, v4  }
0x44c: {  	v4 =	vld [tilespmem:s15+$0x0];
	s11 =	sadd.s32 s13, s16  }
0x44d: {  	v5 =	vld [tilespmem:s11+$0x0]  }
0x44e: {  	s11 =	sadd.s32 s13, s12  }
0x44f: {  	s12 =	sadd.s32 s13, s17;
	v6 =	vld.idx.msk [tilespmem:v3+s11+$0x1000 ss:$0x1], $0xffff  }
0x450: {  	v7 =	vld [tilespmem:s12+$0x0]  }
0x451: {  	v8 =	vand.u32 $0xFFFF0000, v4  }
0x452: {  	v4 =	vshll.u32 v4, $0x10;
	v9 =	vshll.u32 v5, $0x10;
	v5 =	vand.u32 $0xFFFF0000, v5  }
0x453: {  	v4 =	vadd.f32 v9, v4;
	v5 =	vadd.f32 v5, v8;
	_ =	sdelay $0x1  }
0x454: {  	v4 =	vadd.f32 v4, v7;
	v5 =	vadd.f32 v5, v6;
	_ =	sdelay $0x1  }
0x455: {  	[tilespmem:s12+$0x0] =	vst v4;
	s12 =	sor.u32 $0x10, s13  }
0x456: {  	[tilespmem:v3+s11+$0x1000 ss:$0x1] =	vst.idx.msk $0xffff, v5;
	s11 =	sadd.s32 s12, s14;
	s13 =	sadd.s32 s12, s16  }
0x457: {  	v5 =	vld [tilespmem:s11+$0x0]  }
0x458: {  	s12 =	sadd.s32 s12, s17;
	v4 =	vld [tilespmem:s13+$0x0]  }
0x459: {  	v6 =	vld [tilespmem:s12+$0x0];
	_ =	sdelay $0x2  }
0x45a: {  	v7 =	vshll.u32 v5, $0x10  }
0x45b: {  	s11 =	sadd.s32 $0x1080, s6;
	v8 =	vshll.u32 v4, $0x10;
	v9 =	vand.u32 $0xFFFF0000, v4  }
0x45c: {  	s13 =	sadd.s32 $0x210, s5;
	s11 =	sand.u32 $0x1C00, s11;
	s5 =	smov.u32 s8;
	v4 =	vadd.f32 v8, v7  }
0x45d: {  	s8 =	sand.u32 $0x70, s13;
	s11 =	sadd.s32 s11, s2  }
0x45e: {  	s11 =	sadd.s32 s8, s11;
	v4 =	vadd.f32 v4, v6;
	_ =	sdelay $0x1  }
0x45f: {  	[tilespmem:s12+$0x0] =	vst v4  }
0x460: {  	v4 =	vld.idx.msk [tilespmem:v3+s11+$0x0 ss:$0x1], $0xffff  }
.Ltmp14:
0x461: {  	v5 =	vand.u32 $0xFFFF0000, v5;
	(pc) =	sbr.rel @p0 .LBB2_31-.Ltmp14, $2  }
0x462: {  	v5 =	vadd.f32 v9, v5;
	_ =	sdelay $0x2  }
0x463: {  	s6 =	sadd.s32 $0x100, s6  }
0x464: {  	_ =	sdelay $0x1  }
0x465: {  	s7 =	sand.u32 $0xC00, s6;
	v4 =	vadd.f32 v5, v4  }
0x466: {  	s8 =	sand.u32 $0x60, s5;
	s4 =	sadd.s32 s7, s4  }
0x467: {  	s12 =	sadd.s32 s8, s4;
	s13 =	sadd.s32 $0x80, s4;
	[tilespmem:v3+s11+$0x0 ss:$0x1] =	vst.idx.msk $0xffff, v4  }
0x468: {  	v4 =	vld [tilespmem:s12+$0x0];
	s17 =	sadd.s32 s8, s13  }
0x469: {  	s7 =	sadd.s32 s7, s2;
	v59 =	vld [tilespmem:s17+$0x0]  }
0x46a: {  	s3 =	sadd.s32 s3, s7  }
0x46b: {  	s12 =	sadd.s32 s8, s3  }
0x46c: {  	s7 =	sadd.s32 s8, s7;
	v6 =	vld [tilespmem:s12+$0x0]  }
0x46d: {  	v7 =	vld.idx.msk [tilespmem:v3+s7+$0x1000 ss:$0x1], $0xffff  }
0x46e: {  	v8 =	vshll.u32 v4, $0x10;
	v9 =	vshll.u32 v59, $0x10  }
0x46f: {  	v4 =	vand.u32 $0xFFFF0000, v4;
	v5 =	vand.u32 $0xFFFF0000, v59;
	v8 =	vadd.f32 v9, v8  }
0x470: {  	v4 =	vadd.f32 v5, v4  }
0x471: {  	v60 =	vadd.f32 v8, v6  }
0x472: {  	v4 =	vadd.f32 v4, v7  }
0x473: {  	s8 =	sor.u32 $0x10, s8;
	[tilespmem:s12+$0x0] =	vst v60  }
0x474: {  	s4 =	sadd.s32 s8, s4;
	[tilespmem:v3+s7+$0x1000 ss:$0x1] =	vst.idx.msk $0xffff, v4  }
0x475: {  	s14 =	sadd.s32 s8, s13;
	v4 =	vld [tilespmem:s4+$0x0]  }
0x476: {  	v5 =	vld [tilespmem:s14+$0x0];
	_ =	sdelay $0x1  }
0x477: {  	s3 =	sadd.s32 s8, s3  }
0x478: {  	v61 =	vld [tilespmem:s3+$0x0];
	_ =	sdelay $0x1  }
0x479: {  	v62 =	vshll.u32 v4, $0x10;
	v63 =	vshll.u32 v5, $0x10  }
0x47a: {  	v7 =	vadd.f32 v63, v62  }
0x47b: {  	s15 =	sadd.s32 $0x1080, s6  }
0x47c: {  	s16 =	sadd.s32 $0x210, s5;
	s4 =	sand.u32 $0x1C00, s15;
	v6 =	vadd.f32 v7, v61  }
0x47d: {  	s5 =	sand.u32 $0x70, s16;
	s17 =	sadd.s32 s4, s2  }
0x47e: {  	s2 =	sadd.s32 s5, s17;
	[tilespmem:s3+$0x0] =	vst v6  }
0x47f: {  	v6 =	vld.idx.msk [tilespmem:v3+s2+$0x0 ss:$0x1], $0xffff  }
0x480: {  	s0 =	sadd.s32 $0x1, s0  }
0x481: {  	p0 =	sne.s32 s0, $0x10;
	v5 =	vand.u32 $0xFFFF0000, v5;
	v4 =	vand.u32 $0xFFFF0000, v4  }
.Ltmp15:
0x482: {  	v4 =	vadd.f32 v5, v4;
	(pc) =	sbr.rel @p0 .LBB2_30-.Ltmp15, $3  }
0x483: {  	_ = 	snop  }
0x484: {  	v4 =	vadd.f32 v4, v6;
	_ =	sdelay $0x1  }
0x485: {  	[tilespmem:v3+s2+$0x0 ss:$0x1] =	vst.idx.msk $0xffff, v4  }
0x486: {  	s0 =	rddreg [dreg:$0x1a]  }
0x487: {  	[hbm4b:s0+s1] =	stream.linear.scatter [tilespmem:s19], [sflag:$0x8], $0x4000, $0x38;
	[tilespmem:$0x10100] =	vst v63  }
0x488: {  	_ =	swait.ge [sflag:s23], $0x4000  }
0x489: {  	[sflag:s23] =	ssyncset.done $0x0  }
0x48a: {  	[sflag:s23] =	ssyncadd.s32 $0xFFFFC000  }
0x48b: {  	_ =	swait.ge [sflag:s26], $0x4000  }
0x48c: {  	s30 =	sadd.s32 $0x1, s30;
	s31 =	rddreg [dreg:$0x1b]  }
0x48d: {  	p0 =	sne.s32 s30, s31  }
.Ltmp16:
0x48e: {  	_ = 	snop;
	(pc) =	sbr.rel @p0 .LBB2_1-.Ltmp16, $3  }
0x48f: {  	_ =	sdelay $0x1  }
0x490: {  	[sflag:s26] =	ssyncset.done $0x0  }
0x491: {  	[sflag:s26] =	ssyncadd.s32 $0xFFFFC000  }
0x492: {  	_ =	sfence.sel $0x180000  }
0x493: {  	[bflag:$0x0] =	sbarrier.arrive $0xFFFF  }
0x494: {  	_ =	strace $0x9000004D  }
0x495: {  	s0 =	stileid.u32;
	[bflag:$0x2] =	sbarrier.arrive $0xFFFF  }
0x496: {  	p0 =	sne.s32 s0, $0x0;
	s0 =	rddreg [dreg:$0x2]  }
0x497: {  	s0 =	sadd.s32 @!p0 $0x100000, s0  }
0x498: {  	[sflag:s0] =	ssyncadd.tile.s32 @!p0 $0x1;
	_ =	shalt  }
.Lfunc_end2:
_tile_overlayer_lowered:
.L_overlay_start_2:
0x499: {  	(tag) =	ssettag $0x2  }
0x49a: {  	s0 =	rddreg [dreg:$0x0];
	s2 =	stileid.u32  }
0x49b: {  	s1 =	rddreg [dreg:$0x1];
	p0 =	sne.s32 s2, $0x0  }
0x49c: {  	s3 =	rddreg [dreg:$0x2];
	[bflag:$0x3] =	sbarrier.arrive $0xFFFF;
	s2 =	simm.s32 @!p0 $0x1C09  }
0x49d: {  	[timem:s3], [sflag:s2] =	dma.local @!p0 [hbm:s0], s1  }
0x49e: {  	s0 =	simm.s32 @!p0 $0x9  }
0x49f: {  	_ =	swait.ge @!p0 [sflag:s0], s1  }
0x4a0: {  	s1 =	ssub.s32 @!p0 $0x0, s1;
	[sflag:s0] =	ssyncset.done @!p0 $0x0  }
0x4a1: {  	[sflag:s0] =	ssyncadd.s32 @!p0 s1  }
0x4a2: {  	[bflag:$0x3] =	sbarrier.arrive $0xFFFF  }
0x4a3: {  	_ =	shalt  }

// kernel: kernel.7.cloned.1.call-start
scs
__scs_entry_jumppad:
0x0: {  	(pc) =	sbr.rel $0x88, $3  }
0x1: {  	(tag) =	ssettag $0x0;
	lr =	simm.s32 $0x1  }
0x2: {  	[smem:$0x3F96] =	sst lr;
	_ =	strace $0xD0000000  }
0x3: {  	_ = 	snop  }
0x4: {  	_ = 	snop  }
0x5: {  	_ = 	snop  }
0x6: {  	_ = 	snop  }
0x7: {  	_ = 	snop  }
__scs_overlays_trampoline_lowered:
0x8: {  	[smem:$0x3FA5] =	sst s0  }
0x9: {  	[smem:$0x3FA6] =	sst s1  }
0xa: {  	[smem:$0x3FA7] =	sst s2  }
0xb: {  	[smem:$0x3FA8] =	sst s3  }
0xc: {  	[smem:$0x3FA9] =	sst s4  }
0xd: {  	[smem:$0x3FAA] =	sst s5  }
0xe: {  	[smem:$0x3FAB] =	sst s6  }
0xf: {  	[smem:$0x3FAC] =	sst s7  }
0x10: {  	[smem:$0x3FAD] =	sst s8  }
0x11: {  	[smem:$0x3FAE] =	sst s9;
	s0 =	simm.s32 @!p0 $0x0  }
0x12: {  	s1 =	sld [smem:$0x3F94];
	s0 =	simm.s32 @p0 $0x1  }
0x13: {  	[smem:$0x3FAF] =	sst s0;
	s0 =	simm.s32 @!p1 $0x0  }
0x14: {  	s2 =	sld [smem:$0x3F93];
	s0 =	simm.s32 @p1 $0x1  }
0x15: {  	[smem:$0x3FB0] =	sst s0;
	s0 =	simm.s32 @!p2 $0x0  }
0x16: {  	s3 =	sld [smem:$0x3FDB];
	s0 =	simm.s32 @p2 $0x1  }
0x17: {  	s4 =	simm.s32 $0x1BF5;
	[smem:$0x3FB2] =	sst s0  }
0x18: {  	s0 =	sld [smem:$0x3F95];
	_ =	swait.ge [sflag:s4], $0x0  }
0x19: {  	s7 =	sld [smem:$0x3F96]  }
0x1a: {  	s8 =	sadd.s32 $0xFFFFE003, lr  }
0x1b: {  	s9 =	sadd.s32 $0xFFFFFEF7, lr;
	s5 =	simm.s32 $0xFFFFFFFF;
	p2 =	slt.u32 s8, $0xFFFFF086  }
0x1c: {  	p1 =	slt.u32 s9, $0xF7A;
	s5 =	simm.s32 @!p2 $0x0  }
0x1d: {  	s5 =	simm.s32 @p1 $0x1;
	p0 =	seq.s32 s7, s2  }
0x1e: {  	s7 =	smul.u32 @!p0 $0xF7A, s2;
	p2 =	seq.s32 @!p0 s5, $0x0  }
0x1f: {  	s9 =	smul.u32 $0xF7A, s1;
	s8 =	simm.s32 @!p0 $0x1BF5;
	p2 =	por !p2, p0  }
0x20: {  	[sflag:s8] =	ssyncset.s32 @!p0 $0xFFFFF086;
	s6 =	sadd.s32 @!p0 s3, s7;
	s7 =	simm.s32 @!p0 $0x108  }
0x21: {  	s3 =	sadd.s32 s3, s9;
	s6 =	sadd.s32 @!p0 $0x88, s6;
	s7 =	simm.s32 @p2 $0x1082  }
0x22: {  	[simem:s7], [sflag:s8] =	dma.local @!p0 [hbm:s6], $0xF7A  }
0x23: {  	s9 =	sor.u32 $0xD0000000, s2;
	s6 =	simm.s32 $0x108;
	_ =	swait.ge @!p0 [sflag:s8], $0x0  }
0x24: {  	s3 =	sadd.s32 $0x88, s3;
	s6 =	simm.s32 @!p1 $0x1082;
	[sflag:s4] =	ssyncset.s32 $0xFFFFF086  }
0x25: {  	[simem:s6], [sflag:s4] =	dma.local [hbm:s3], $0xF7A  }
0x26: {  	[smem:$0x3F96] =	sst s1;
	(tag) =	ssettag s2;
	_ =	strace s9  }
0x27: {  	s1 =	sld [smem:$0x3FA6]  }
0x28: {  	s2 =	sld [smem:$0x3FA7]  }
0x29: {  	s4 =	sld [smem:$0x3FA9]  }
0x2a: {  	p0 =	seq.s32 s5, $0x0;
	s5 =	sld [smem:$0x3FAA]  }
0x2b: {  	s6 =	sld [smem:$0x3FAB]  }
0x2c: {  	s7 =	sld [smem:$0x3FAC]  }
0x2d: {  	s3 =	simm.s32 $0x108;
	s8 =	sld [smem:$0x3FAD]  }
0x2e: {  	s3 =	simm.s32 @!p0 $0x1082;
	s9 =	sld [smem:$0x3FAE]  }
0x2f: {  	lr =	sadd.s32 s0, s3;
	s0 =	sld [smem:$0x3FA5]  }
0x30: {  	s3 =	sld [smem:$0x3FA8]  }
0x31: {  	[smem:$0x3FB1] =	sst s10  }
0x32: {  	s10 =	sld [smem:$0x3FAF];
	_ =	sdelay $0x3  }
0x33: {  	p0 =	seq.s32 s10, $0x1;
	s10 =	sld [smem:$0x3FB1];
	_ =	sdelay $0x3  }
0x34: {  	[smem:$0x3FB1] =	sst s10  }
0x35: {  	s10 =	sld [smem:$0x3FB0];
	_ =	sdelay $0x3  }
0x36: {  	p1 =	seq.s32 s10, $0x1;
	s10 =	sld [smem:$0x3FB1];
	_ =	sdelay $0x3  }
0x37: {  	[smem:$0x3FB1] =	sst s10  }
0x38: {  	s10 =	sld [smem:$0x3FB2]  }
0x39: {  	_ = 	snop;
	(pc) =	sbr.ind lr, $3  }
0x3a: {  	_ = 	snop  }
0x3b: {  	_ = 	snop  }
0x3c: {  	p2 =	seq.s32 s10, $0x1;
	s10 =	sld [smem:$0x3FB1]  }
0x3d: {  	_ =	shalt  }
0x3e: {  	_ =	shalt  }
0x3f: {  	_ =	shalt  }
0x40: {  	_ =	shalt  }
0x41: {  	_ =	shalt  }
0x42: {  	_ =	shalt  }
0x43: {  	_ =	shalt  }
0x44: {  	_ =	shalt  }
0x45: {  	_ =	shalt  }
0x46: {  	_ =	shalt  }
0x47: {  	_ =	shalt  }
0x48: {  	_ =	shalt  }
0x49: {  	_ =	shalt  }
0x4a: {  	_ =	shalt  }
0x4b: {  	_ =	shalt  }
0x4c: {  	_ =	shalt  }
0x4d: {  	_ =	shalt  }
0x4e: {  	_ =	shalt  }
0x4f: {  	_ =	shalt  }
0x50: {  	_ =	shalt  }
0x51: {  	_ =	shalt  }
0x52: {  	_ =	shalt  }
0x53: {  	_ =	shalt  }
0x54: {  	_ =	shalt  }
0x55: {  	_ =	shalt  }
0x56: {  	_ =	shalt  }
0x57: {  	_ =	shalt  }
0x58: {  	_ =	shalt  }
0x59: {  	_ =	shalt  }
0x5a: {  	_ =	shalt  }
0x5b: {  	_ =	shalt  }
0x5c: {  	_ =	shalt  }
0x5d: {  	_ =	shalt  }
0x5e: {  	_ =	shalt  }
0x5f: {  	_ =	shalt  }
0x60: {  	_ =	shalt  }
0x61: {  	_ =	shalt  }
0x62: {  	_ =	shalt  }
0x63: {  	_ =	shalt  }
0x64: {  	_ =	shalt  }
0x65: {  	_ =	shalt  }
0x66: {  	_ =	shalt  }
0x67: {  	_ =	shalt  }
0x68: {  	_ =	shalt  }
0x69: {  	_ =	shalt  }
0x6a: {  	_ =	shalt  }
0x6b: {  	_ =	shalt  }
0x6c: {  	_ =	shalt  }
0x6d: {  	_ =	shalt  }
0x6e: {  	_ =	shalt  }
0x6f: {  	_ =	shalt  }
0x70: {  	_ =	shalt  }
0x71: {  	_ =	shalt  }
0x72: {  	_ =	shalt  }
0x73: {  	_ =	shalt  }
0x74: {  	_ =	shalt  }
0x75: {  	_ =	shalt  }
0x76: {  	_ =	shalt  }
0x77: {  	_ =	shalt  }
0x78: {  	_ =	shalt  }
0x79: {  	_ =	shalt  }
0x7a: {  	_ =	shalt  }
0x7b: {  	_ =	shalt  }
0x7c: {  	_ =	shalt  }
0x7d: {  	_ =	shalt  }
0x7e: {  	_ =	shalt  }
0x7f: {  	_ =	shalt  }
0x80: {  	_ =	shalt  }
0x81: {  	_ =	shalt  }
0x82: {  	_ =	shalt  }
0x83: {  	_ =	shalt  }
0x84: {  	_ =	shalt  }
0x85: {  	_ =	shalt  }
0x86: {  	_ =	shalt  }
0x87: {  	_ =	shalt  }
.Lfunc_end0:
.L_simem_size_0:
called_computation.1_lowered:
.L_overlay_start_0:
0x88: {  	s2 =	sld [smem:$0x3FD9]  }
0x89: {  	s3 =	sld [smem:$0x3FFE];
	_ =	sdelay $0x1  }
0x8a: {  	s1 =	srdreg.scid  }
0x8b: {  	s0 =	sand.u32 $0x1, s1  }
0x8c: {  	s17 =	sshll.u32 s0, $0xA;
	s2 =	sadd.s32 s3, s2  }
0x8d: {  	s2 =	sadd.s32 s2, s17  }
0x8e: {  	[smem:$0x3FBD] =	sst s2  }
0x8f: {  	_ = 	snop  }
0x90: {  	s2 =	sld [smem:$0x3FD0];
	(tm) =	ssettm $0x1  }
0x91: {  	s18 =	sld [smem:$0x3FFB];
	_ =	sdelay $0x3  }
0x92: {  	_ =	strace s18  }
0x93: {  	s3 =	sld [smem:$0x3FFC];
	_ =	sdelay $0x3  }
0x94: {  	_ =	strace s3  }
0x95: {  	s3 =	sld [smem:$0x3FFD];
	_ =	sdelay $0x3  }
0x96: {  	_ =	strace s3  }
0x97: {  	_ =	strace $0x8FFFFFFF  }
0x98: {  	s19 =	sld [smem:$0x3FDB];
	_ =	sdelay $0x1  }
0x99: {  	s4 =	simm.s32 $_scs_section_size  }
0x9a: {  	s5 =	simm.s32 $_size__tile_overlayer_lowered;
	s6 =	simm.s32 $_tile_overlayer_lowered  }
0x9b: {  	s22 =	simm.s32 $0x1BFF;
	s21 =	sshll.u32 s6, $0x1;
	s3 =	sadd.s32 s4, s19  }
0x9c: {  	s7 =	simm.s32 $0x0;
	s20 =	sshll.u32 s5, $0x1;
	s5 =	sadd.s32 s21, s3  }
0x9d: {  	[timem:s7], [sflag:s22] =	dma.local [hbm:s5], s20  }
0x9e: {  	_ =	swait.ge [sflag:s22], s20  }
0x9f: {  	s4 =	ssub.s32 $0x0, s20;
	[sflag:s22] =	ssyncset.done $0x0  }
0xa0: {  	[sflag:s22] =	ssyncadd.s32 s4;
	_ =	sdelay $0x1  }
0xa1: {  	s23 =	simm.s32 $0x1B8B  }
0xa2: {  	_ =	swait.ge [sflag:s23], $0x1  }
0xa3: {  	[sflag:s23] =	ssyncset.done $0x0  }
0xa4: {  	s25 =	simm.s32 $0x1B8E;
	s24 =	sld [smem:$0x3FFE];
	[sflag:s23] =	ssyncadd.s32 $0xFFFFFFFF  }
0xa5: {  	s26 =	simm.s32 $execute0_lowered;
	[smem:$0x3FD2] =	sst s25  }
0xa6: {  	s5 =	sshll.u32 s26, $0x1;
	_ =	strace $0x80000049;
	[dreg:$0x1] =	wrdreg $0xFFFFFFFF  }
0xa7: {  	s28 =	simm.s32 $_size_execute0_lowered;
	s3 =	sadd.s32 s3, s5;
	[dreg:$0x0] =	wrdreg $0x0  }
0xa8: {  	s5 =	sshll.u32 s28, $0x1;
	[dreg:$0x2] =	wrdreg s3  }
0xa9: {  	[dreg:$0x3] =	wrdreg s5  }
0xaa: {  	[dreg:$0x4] =	wrdreg $0xC0  }
0xab: {  	_ =	task [dreg:s7], $0x5FFFF  }
0xac: {  	[dreg:$0x1] =	wrdreg $0xFFFFFFFF  }
0xad: {  	[dreg:$0x0] =	wrdreg $0x60  }
0xae: {  	[dreg:$0x2] =	wrdreg s2  }
0xaf: {  	[dreg:$0x3] =	wrdreg s24  }
0xb0: {  	[dreg:$0x4] =	wrdreg $0x9  }
0xb1: {  	_ =	task.clear_ibuf [dreg:s7], $0x5FFFF;
	_ =	strace $0x90000049  }
0xb2: {  	s29 =	simm.s32 $0x9;
	_ =	strace $0x8000004B  }
0xb3: {  	_ =	swait.ge [sflag:s29], $0x1  }
0xb4: {  	[sflag:s29] =	ssyncadd.s32 $0xFFFFFFFF  }
0xb5: {  	_ =	strace $0x9000004B  }
0xb6: {  	_ =	sfence  }
0xb7: {  	s30 =	sld [smem:$0x0];
	_ =	sdelay $0x2  }
0xb8: {  	s31 =	sshll.u32 s1, $0xD;
	s1 =	sshrl.u32 s1, $0x2  }
0xb9: {  	s3 =	sand.u32 $0x4000, s31;
	s1 =	sadd.s32 s1, s30  }
0xba: {  	s0 =	sor.u32 s3, s0;
	s1 =	sshll.u32 s1, $0x11  }
0xbb: {  	s0 =	sor.u32 s1, s0  }
0xbc: {  	s0 =	sadd.s32 $0x8F2B, s0  }
0xbd: {  	[sflag:s0] =	ssyncadd.remote.s32 $0x1  }
0xbe: {  	_ =	sfence.sel $0xFFFF  }
0xbf: {  	[dreg:$0x0] =	wrdreg $0xFFFFFFFF;
	(pc) =	sbr.abs _section_cstart, $3  }
0xc0: {  	[dreg:$0x1] =	wrdreg $0xFFFFFFFF  }
0xc1: {  	_ =	task.clear_ibuf [dreg:s7], $0x2FFFF;
	_ =	strace $0x9FFFFFFF  }
0xc2: {  	(tm) =	ssettm $0x7FFFFFFF  }
0xc3: {  	_ =	shalt  }
tec
execute0_lowered:
.L_overlay_start_1:
0x0: {  	(tag) =	ssettag $0x1  }
0x1: {  	s0 =	srdreg.scid  }
0x2: {  	s1 =	stileid.u32;
	s3 =	rddreg [dreg:$0x0]  }
0x3: {  	s2 =	simm.s32 $0x0;
	s4 =	sand.u32 $0x1, s0;
	s19 =	sshll.u32 s1, $0x1  }
0x4: {  	s29 =	simm.s32 $0x3;
	s30 =	simm.s32 $0xA400;
	s5 =	sor.u32 s4, s19  }
0x5: {  	p0 =	por $0x0, $0x0;
	[smem:$0x7FF] =	sst s2;
	s1 =	smul.u32 $0x140, s5  }
0x6: {  	s31 =	simm.s32 $0x9;
	s0 =	rddreg [dreg:$0x1];
	_ =	strace $0x8000004A  }
0x7: {  	s4 =	ssub.s32 $0x2, s4;
	s13 =	smul.u32 $0x5000, s5;
	s6 =	sshrl.u32 s1, $0x3  }
0x8: {  	s10 =	sor.u32 $0x10, s1;
	s11 =	sor.u32 $0x20, s1;
	s12 =	sor.u32 $0x30, s1  }
0x9: {  	s8 =	sadd.s32 $0x40, s1;
	s5 =	sadd.s32 $0x70, s1;
	s15 =	sand.u32 $0x1F000, s13  }
0xa: {  	s6 =	sadd.s32 s0, s6;
	s7 =	sshrl.u32 s10, $0x3;
	s21 =	sshrl.u32 s11, $0x3  }
0xb: {  	s22 =	sshrl.u32 s12, $0x3;
	s15 =	sadd.s32 s3, s15;
	[dreg:$0x3] =	wrdreg s6  }
0xc: {  	s24 =	sshrl.u32 s8, $0x3;
	s20 =	sadd.s32 s0, s7;
	[smem:$0x7F5] =	sst s15  }
0xd: {  	s14 =	sshrl.u32 s5, $0x3;
	s6 =	sadd.s32 s0, s21;
	[dreg:$0x4] =	wrdreg s20  }
0xe: {  	s10 =	sshll.u32 s10, $0x6;
	s23 =	sadd.s32 s0, s22;
	[dreg:$0x5] =	wrdreg s6  }
0xf: {  	s11 =	sshll.u32 s11, $0x6;
	s25 =	sadd.s32 s0, s24;
	[dreg:$0x6] =	wrdreg s23  }
0x10: {  	s12 =	sshll.u32 s12, $0x6;
	s14 =	sadd.s32 s0, s14;
	[dreg:$0x7] =	wrdreg s25  }
0x11: {  	s8 =	sshll.u32 s8, $0x6;
	s3 =	sadd.s32 $0x400, s15;
	[dreg:$0xa] =	wrdreg s14  }
0x12: {  	s5 =	sshll.u32 s5, $0x6;
	s16 =	sadd.s32 $0x800, s15;
	[dreg:$0xb] =	wrdreg s3  }
0x13: {  	s7 =	sadd.s32 $0x50, s1;
	s17 =	sadd.s32 $0xC00, s15;
	[dreg:$0xc] =	wrdreg s16  }
0x14: {  	s18 =	sadd.s32 $0x1000, s15;
	s19 =	sadd.s32 $0x1400, s15;
	[dreg:$0xd] =	wrdreg s17  }
0x15: {  	s21 =	sadd.s32 $0x1C00, s15;
	s26 =	sshrl.u32 s7, $0x3;
	[dreg:$0xe] =	wrdreg s18  }
0x16: {  	s6 =	sadd.s32 $0x60, s1;
	s3 =	sadd.s32 $0x20800, s0;
	[dreg:$0xf] =	wrdreg s19  }
0x17: {  	s20 =	sadd.s32 $0x1800, s15;
	[dreg:$0x11] =	wrdreg s21;
	s25 =	sadd.s32 $0x2000, s15  }
0x18: {  	s16 =	sadd.s32 $0x2400, s15;
	s7 =	sshll.u32 s7, $0x6;
	[dreg:$0x10] =	wrdreg s20  }
0x19: {  	s9 =	sadd.s32 s0, s26;
	s28 =	sshrl.u32 s6, $0x3;
	[dreg:$0x15] =	wrdreg s25  }
0x1a: {  	s13 =	sadd.s32 s3, s13;
	s24 =	sadd.s32 s3, s10;
	[dreg:$0x18] =	wrdreg s16  }
0x1b: {  	s10 =	sadd.s32 $0x90, s1;
	s14 =	sadd.s32 s3, s11;
	[dreg:$0x8] =	wrdreg s9  }
0x1c: {  	s11 =	sadd.s32 $0xA0, s1;
	s19 =	sadd.s32 s3, s12;
	[dreg:$0x12] =	wrdreg s13  }
0x1d: {  	s12 =	sadd.s32 $0xB0, s1;
	s20 =	sadd.s32 $0x2800, s15;
	[dreg:$0x14] =	wrdreg s24  }
0x1e: {  	s6 =	sshll.u32 s6, $0x6;
	s5 =	sadd.s32 s3, s5;
	[dreg:$0x17] =	wrdreg s14  }
0x1f: {  	s9 =	sadd.s32 s0, s28;
	s26 =	sshrl.u32 s10, $0x3;
	[dreg:$0x1a] =	wrdreg s19  }
0x20: {  	s17 =	sshrl.u32 s11, $0x3;
	s21 =	sshrl.u32 s12, $0x3;
	[dreg:$0x1b] =	wrdreg s20  }
0x21: {  	s24 =	sadd.s32 $0x2C00, s15;
	s14 =	sadd.s32 $0x3000, s15;
	[smem:$0x7E5] =	sst s5  }
0x22: {  	s6 =	sadd.s32 s3, s6;
	s13 =	sadd.s32 $0xE0, s1;
	[dreg:$0x9] =	wrdreg s9  }
0x23: {  	s10 =	sshll.u32 s10, $0x6;
	s11 =	sshll.u32 s11, $0x6;
	[dreg:$0x1e] =	wrdreg s24  }
0x24: {  	s12 =	sshll.u32 s12, $0x6;
	s9 =	sadd.s32 $0x80, s1;
	[smem:$0x7E0] =	sst s14  }
0x25: {  	s28 =	sadd.s32 s0, s26;
	s18 =	sadd.s32 s0, s17;
	[smem:$0x7E2] =	sst s6  }
0x26: {  	s19 =	sshrl.u32 s13, $0x3;
	s6 =	sadd.s32 $0xF0, s1;
	s14 =	sadd.s32 s3, s10  }
0x27: {  	s10 =	sadd.s32 $0x110, s1;
	s22 =	sshrl.u32 s9, $0x3;
	[dreg:$0x16] =	wrdreg s28  }
0x28: {  	[dreg:$0x19] =	wrdreg s18;
	s28 =	sadd.s32 s3, s7;
	s7 =	sadd.s32 $0xD0, s1  }
0x29: {  	s18 =	sadd.s32 $0x3400, s15;
	s20 =	sadd.s32 s0, s19;
	[smem:$0x7EB] =	sst s14  }
0x2a: {  	s9 =	sshll.u32 s9, $0x6;
	s19 =	sadd.s32 s3, s11;
	[smem:$0x7DF] =	sst s28  }
0x2b: {  	s11 =	sadd.s32 $0x120, s1;
	s23 =	sadd.s32 s0, s22;
	[smem:$0x7E3] =	sst s18  }
0x2c: {  	s22 =	sadd.s32 s0, s21;
	s16 =	sshrl.u32 s7, $0x3;
	[smem:$0x7E4] =	sst s20  }
0x2d: {  	s21 =	sadd.s32 $0x3800, s15;
	s24 =	sadd.s32 s3, s9;
	[smem:$0x7EE] =	sst s19  }
0x2e: {  	s9 =	sadd.s32 $0x100, s1;
	s20 =	sadd.s32 $0x4400, s15;
	[dreg:$0x13] =	wrdreg s23  }
0x2f: {  	s14 =	sshll.u32 s7, $0x6;
	s7 =	simm.s32 $0x6400;
	[dreg:$0x1c] =	wrdreg s22  }
0x30: {  	s23 =	sadd.s32 s3, s8;
	s8 =	sadd.s32 $0xC0, s1;
	[smem:$0x7E6] =	sst s21  }
0x31: {  	s17 =	sadd.s32 s0, s16;
	s22 =	sshrl.u32 s6, $0x3;
	[smem:$0x7E8] =	sst s24  }
0x32: {  	s16 =	sadd.s32 $0x4000, s15;
	s21 =	sshrl.u32 s11, $0x3;
	[smem:$0x7EF] =	sst s20  }
0x33: {  	s1 =	sadd.s32 $0x130, s1;
	s24 =	sadd.s32 $0x4800, s15;
	[dreg:$0x1d] =	wrdreg s23  }
0x34: {  	s20 =	sshll.u32 s9, $0x6;
	s25 =	sshrl.u32 s8, $0x3;
	[smem:$0x7E1] =	sst s17  }
0x35: {  	s23 =	sadd.s32 s0, s22;
	s17 =	sshrl.u32 s10, $0x3;
	[smem:$0x7EC] =	sst s16  }
0x36: {  	s22 =	sadd.s32 s0, s21;
	[smem:$0x7F2] =	sst s24;
	s16 =	sshll.u32 s13, $0x6  }
0x37: {  	s21 =	sadd.s32 s3, s20;
	s24 =	sshll.u32 s11, $0x6;
	[smem:$0x7E7] =	sst s23  }
0x38: {  	s20 =	simm.s32 $0x200;
	s11 =	simm.s32 $0xE400;
	[smem:$0x7F0] =	sst s22  }
0x39: {  	s13 =	simm.s32 $0xC;
	s26 =	sadd.s32 s0, s25;
	[smem:$0x7FA] =	sst s21  }
0x3a: {  	s25 =	sadd.s32 $0x3C00, s15;
	s18 =	sadd.s32 s0, s17;
	[dreg:$0x1f] =	wrdreg s26  }
0x3b: {  	s23 =	sadd.s32 s3, s12;
	s12 =	sadd.s32 $0x4C00, s15;
	[smem:$0x7E9] =	sst s25  }
0x3c: {  	s15 =	sadd.s32 s3, s14;
	s17 =	sadd.s32 s3, s16;
	[smem:$0x7ED] =	sst s18  }
0x3d: {  	s22 =	sshll.u32 s10, $0x6;
	s10 =	simm.s32 $0x400;
	[smem:$0x7F1] =	sst s23  }
0x3e: {  	s16 =	simm.s32 $0xB;
	s14 =	simm.s32 $0x16;
	[smem:$0x7F6] =	sst s12  }
0x3f: {  	s26 =	sshrl.u32 s9, $0x3;
	s25 =	sshrl.u32 s1, $0x3;
	[smem:$0x7F7] =	sst s15  }
0x40: {  	s18 =	sshll.u32 s6, $0x6;
	[smem:$0x7F8] =	sst s17;
	s23 =	sadd.s32 s3, s22  }
0x41: {  	s1 =	sshll.u32 s1, $0x6;
	s22 =	simm.s32 $0x1;
	s9 =	simm.s32 $0x2400  }
0x42: {  	s17 =	simm.s32 $0xA;
	s6 =	simm.s32 $0x11;
	s15 =	simm.s32 $0x15  }
0x43: {  	s12 =	simm.s32 $0x17;
	s28 =	sadd.s32 s0, s26;
	s0 =	sadd.s32 s0, s25  }
0x44: {  	s26 =	sshll.u32 s8, $0x6;
	[smem:$0x7EA] =	sst s28;
	s28 =	sshrl.u32 s4, $0x1  }
0x45: {  	s19 =	sadd.s32 s3, s18;
	[smem:$0x7FB] =	sst s23;
	s4 =	ssub.s32 s4, s28  }
0x46: {  	s25 =	sadd.s32 s3, s24;
	s24 =	rddreg [dreg:$0x3];
	s28 =	smax.u32 s4, $0x1  }
0x47: {  	s18 =	simm.s32 $0x180;
	[smem:$0x7F3] =	sst s0;
	p1 =	sne.s32 s28, $0x1  }
.Ltmp0:
0x48: {  	s8 =	simm.s32 $0x4400;
	[smem:$0x7F9] =	sst s19;
	(pc) =	sbr.rel @!p1 .LBB2_1-.Ltmp0, $4  }
0x49: {  	s23 =	simm.s32 $0x4;
	s5 =	sadd.s32 s3, s26;
	[smem:$0x7FC] =	sst s25  }
0x4a: {  	s26 =	sadd.s32 s3, s1;
	s0 =	simm.s32 $0x2;
	[smem:$0x7F4] =	sst s5  }
0x4b: {  	s25 =	simm.s32 $0xC400;
	s3 =	simm.s32 $0x14;
	[smem:$0x7FD] =	sst s26  }
0x4c: {  	s5 =	simm.s32 $0x12;
	s4 =	simm.s32 $0x13;
	s1 =	sadd.s32 $0xFFFFFFFF, s28  }
0x4d: {  	[tilespmem:s2], [sflag:$0x1] =	stream.linear.gather [hbm4b:s24+s2], $0x10, $0x38;
	[tilespmem:$0x10400] =	vst v63  }
0x4e: {  	s21 =	rddreg [dreg:$0x4];
	s3 =	simm.s32 $0x80  }
0x4f: {  	[tilespmem:s3], [sflag:$0x2] =	stream.linear.gather [hbm4b:s21+s2], $0x10, $0x38;
	[tilespmem:$0x10400] =	vst v63  }
0x50: {  	s6 =	rddreg [dreg:$0x5];
	s16 =	simm.s32 $0x100  }
0x51: {  	[tilespmem:s16], [sflag:$0x3] =	stream.linear.gather [hbm4b:s6+s2], $0x10, $0x38;
	[tilespmem:$0x10400] =	vst v63  }
0x52: {  	s13 =	rddreg [dreg:$0x6]  }
0x53: {  	[tilespmem:s18], [sflag:$0x4] =	stream.linear.gather [hbm4b:s13+s2], $0x10, $0x38;
	[tilespmem:$0x10400] =	vst v63  }
0x54: {  	s17 =	rddreg [dreg:$0x7]  }
0x55: {  	[tilespmem:s20], [sflag:$0x5] =	stream.linear.gather [hbm4b:s17+s2], $0x10, $0x38;
	[tilespmem:$0x10400] =	vst v63  }
0x56: {  	s19 =	rddreg [dreg:$0x8];
	s28 =	simm.s32 $0x280  }
0x57: {  	[tilespmem:s28], [sflag:$0x6] =	stream.linear.gather [hbm4b:s19+s2], $0x10, $0x38;
	[tilespmem:$0x10400] =	vst v63  }
0x58: {  	s26 =	rddreg [dreg:$0x9];
	s5 =	simm.s32 $0x300  }
0x59: {  	[tilespmem:s5], [sflag:$0x7] =	stream.linear.gather [hbm4b:s26+s2], $0x10, $0x38;
	[tilespmem:$0x10400] =	vst v63  }
0x5a: {  	s4 =	rddreg [dreg:$0xa];
	s6 =	simm.s32 $0x380  }
0x5b: {  	[tilespmem:s6], [sflag:$0x8] =	stream.linear.gather [hbm4b:s4+s2], $0x10, $0x38;
	[tilespmem:$0x10400] =	vst v63  }
0x5c: {  	_ =	swait.ge [sflag:s22], $0x10  }
0x5d: {  	s13 =	sld [smem:$0x7F5]  }
0x5e: {  	[sflag:s22] =	ssyncset.done $0x0  }
0x5f: {  	[sflag:s22] =	ssyncadd.s32 $0xFFFFFFF0  }
0x60: {  	[tilespmem:s10], [sflag:$0x9] =	stream.linear.gather [hbm4b:s13+s2], $0x2000, $0x38;
	[tilespmem:$0x10400] =	vst v63  }
0x61: {  	_ =	swait.ge [sflag:s0], $0x10  }
0x62: {  	[sflag:s0] =	ssyncset.done $0x0  }
0x63: {  	s16 =	rddreg [dreg:$0xb];
	[sflag:s0] =	ssyncadd.s32 $0xFFFFFFF0  }
0x64: {  	[tilespmem:s9], [sflag:$0xA] =	stream.linear.gather [hbm4b:s16+s2], $0x2000, $0x38;
	[tilespmem:$0x10400] =	vst v63  }
0x65: {  	_ =	swait.ge [sflag:s29], $0x10  }
0x66: {  	[sflag:s29] =	ssyncset.done $0x0  }
0x67: {  	s17 =	rddreg [dreg:$0xc];
	[sflag:s29] =	ssyncadd.s32 $0xFFFFFFF0  }
0x68: {  	[tilespmem:s8], [sflag:$0xB] =	stream.linear.gather [hbm4b:s17+s2], $0x2000, $0x38;
	[tilespmem:$0x10400] =	vst v63  }
0x69: {  	_ =	swait.ge [sflag:s23], $0x10  }
0x6a: {  	[sflag:s23] =	ssyncset.done $0x0  }
0x6b: {  	s28 =	simm.s32 $0x5;
	s18 =	rddreg [dreg:$0xd];
	[sflag:s23] =	ssyncadd.s32 $0xFFFFFFF0  }
0x6c: {  	[tilespmem:s7], [sflag:$0xC] =	stream.linear.gather [hbm4b:s18+s2], $0x2000, $0x38;
	[tilespmem:$0x10400] =	vst v63  }
0x6d: {  	_ =	swait.ge [sflag:s28], $0x10  }
0x6e: {  	s16 =	simm.s32 $0x6;
	s19 =	rddreg [dreg:$0xe];
	[sflag:s28] =	ssyncset.done $0x0  }
0x6f: {  	[smem:$0x7DE] =	sst s1;
	s1 =	simm.s32 $0x8400;
	[sflag:s28] =	ssyncadd.s32 $0xFFFFFFF0  }
0x70: {  	[tilespmem:s1], [sflag:$0xD] =	stream.linear.gather [hbm4b:s19+s2], $0x2000, $0x38;
	[tilespmem:$0x10400] =	vst v63  }
0x71: {  	_ =	swait.ge [sflag:s16], $0x10  }
0x72: {  	[sflag:s16] =	ssyncset.done $0x0  }
0x73: {  	s3 =	simm.s32 $0x7;
	s22 =	rddreg [dreg:$0xf];
	[sflag:s16] =	ssyncadd.s32 $0xFFFFFFF0  }
0x74: {  	[tilespmem:s30], [sflag:$0xE] =	stream.linear.gather [hbm4b:s22+s2], $0x2000, $0x38;
	[tilespmem:$0x10400] =	vst v63  }
0x75: {  	_ =	swait.ge [sflag:s3], $0x10  }
0x76: {  	[sflag:s3] =	ssyncset.done $0x0  }
0x77: {  	s23 =	rddreg [dreg:$0x10];
	[sflag:s3] =	ssyncadd.s32 $0xFFFFFFF0  }
0x78: {  	[tilespmem:s25], [sflag:$0xF] =	stream.linear.gather [hbm4b:s23+s2], $0x2000, $0x38;
	[tilespmem:$0x10400] =	vst v63  }
0x79: {  	s23 =	simm.s32 $0x8  }
0x7a: {  	_ =	swait.ge [sflag:s23], $0x10  }
0x7b: {  	[sflag:s23] =	ssyncset.done $0x0  }
0x7c: {  	s24 =	simm.s32 $0x9;
	s21 =	rddreg [dreg:$0x11];
	[sflag:s23] =	ssyncadd.s32 $0xFFFFFFF0  }
0x7d: {  	[tilespmem:s11], [sflag:$0x10] =	stream.linear.gather [hbm4b:s21+s2], $0x2000, $0x38;
	[tilespmem:$0x10400] =	vst v63  }
0x7e: {  	_ =	swait.ge [sflag:s24], $0x2000  }
0x7f: {  	[sflag:s24] =	ssyncset.done $0x0  }
0x80: {  	s21 =	rddreg [dreg:$0x12];
	[sflag:s24] =	ssyncadd.s32 $0xFFFFE000  }
0x81: {  	[hbm4b:s21+s2] =	stream.linear.scatter [tilespmem:s10], [sflag:$0x11], $0x2000, $0x38;
	[tilespmem:$0x10400] =	vst v63  }
0x82: {  	s18 =	simm.s32 $0xA;
	s24 =	rddreg [dreg:$0x13]  }
0x83: {  	[tilespmem:s2], [sflag:$0x1] =	stream.linear.gather [hbm4b:s24+s2], $0x10, $0x38;
	[tilespmem:$0x10400] =	vst v63  }
0x84: {  	_ =	swait.ge [sflag:s18], $0x2000  }
0x85: {  	[sflag:s18] =	ssyncset.done $0x0  }
0x86: {  	s7 =	simm.s32 $0x1;
	s24 =	rddreg [dreg:$0x14];
	[sflag:s18] =	ssyncadd.s32 $0xFFFFE000  }
0x87: {  	[hbm4b:s24+s2] =	stream.linear.scatter [tilespmem:s9], [sflag:$0x12], $0x2000, $0x38;
	[tilespmem:$0x10400] =	vst v63  }
0x88: {  	_ =	swait.ge [sflag:s7], $0x10  }
0x89: {  	[sflag:s7] =	ssyncset.done $0x0  }
0x8a: {  	s13 =	simm.s32 $0x11;
	[sflag:s7] =	ssyncadd.s32 $0xFFFFFFF0  }
0x8b: {  	_ =	swait.ge [sflag:s13], $0x2000  }
0x8c: {  	[sflag:s13] =	ssyncset.done $0x0  }
0x8d: {  	s7 =	rddreg [dreg:$0x15];
	[sflag:s13] =	ssyncadd.s32 $0xFFFFE000  }
0x8e: {  	[tilespmem:s10], [sflag:$0x9] =	stream.linear.gather [hbm4b:s7+s2], $0x2000, $0x38;
	[tilespmem:$0x10400] =	vst v63  }
0x8f: {  	s17 =	simm.s32 $0xB;
	s21 =	simm.s32 $0x80;
	s18 =	rddreg [dreg:$0x16]  }
0x90: {  	[tilespmem:s21], [sflag:$0x2] =	stream.linear.gather [hbm4b:s18+s2], $0x10, $0x38;
	[tilespmem:$0x10400] =	vst v63  }
0x91: {  	_ =	swait.ge [sflag:s17], $0x2000  }
0x92: {  	[sflag:s17] =	ssyncset.done $0x0  }
0x93: {  	s22 =	simm.s32 $0x2;
	s24 =	rddreg [dreg:$0x17];
	[sflag:s17] =	ssyncadd.s32 $0xFFFFE000  }
0x94: {  	[hbm4b:s24+s2] =	stream.linear.scatter [tilespmem:s8], [sflag:$0x13], $0x2000, $0x38;
	[tilespmem:$0x10400] =	vst v63  }
0x95: {  	_ =	swait.ge [sflag:s22], $0x10  }
0x96: {  	[sflag:s22] =	ssyncset.done $0x0  }
0x97: {  	s6 =	simm.s32 $0x12;
	[sflag:s22] =	ssyncadd.s32 $0xFFFFFFF0  }
0x98: {  	_ =	swait.ge [sflag:s6], $0x2000  }
0x99: {  	[sflag:s6] =	ssyncset.done $0x0  }
0x9a: {  	s7 =	rddreg [dreg:$0x18];
	[sflag:s6] =	ssyncadd.s32 $0xFFFFE000  }
0x9b: {  	[tilespmem:s9], [sflag:$0xA] =	stream.linear.gather [hbm4b:s7+s2], $0x2000, $0x38;
	[tilespmem:$0x10400] =	vst v63  }
0x9c: {  	s13 =	simm.s32 $0xC;
	s21 =	simm.s32 $0x100;
	s18 =	rddreg [dreg:$0x19]  }
0x9d: {  	[tilespmem:s21], [sflag:$0x3] =	stream.linear.gather [hbm4b:s18+s2], $0x10, $0x38;
	[tilespmem:$0x10400] =	vst v63  }
0x9e: {  	_ =	swait.ge [sflag:s13], $0x2000  }
0x9f: {  	s26 =	simm.s32 $0x6400;
	[sflag:s13] =	ssyncset.done $0x0  }
0xa0: {  	s0 =	simm.s32 $0x3;
	s24 =	rddreg [dreg:$0x1a];
	[sflag:s13] =	ssyncadd.s32 $0xFFFFE000  }
0xa1: {  	[hbm4b:s24+s2] =	stream.linear.scatter [tilespmem:s26], [sflag:$0x14], $0x2000, $0x38;
	[tilespmem:$0x10400] =	vst v63  }
0xa2: {  	_ =	swait.ge [sflag:s0], $0x10  }
0xa3: {  	[sflag:s0] =	ssyncset.done $0x0  }
0xa4: {  	s5 =	simm.s32 $0x13;
	[sflag:s0] =	ssyncadd.s32 $0xFFFFFFF0  }
0xa5: {  	_ =	swait.ge [sflag:s5], $0x2000  }
0xa6: {  	[sflag:s5] =	ssyncset.done $0x0  }
0xa7: {  	s7 =	rddreg [dreg:$0x1b];
	[sflag:s5] =	ssyncadd.s32 $0xFFFFE000  }
0xa8: {  	[tilespmem:s8], [sflag:$0xB] =	stream.linear.gather [hbm4b:s7+s2], $0x2000, $0x38;
	[tilespmem:$0x10400] =	vst v63  }
0xa9: {  	s19 =	simm.s32 $0x180;
	s18 =	rddreg [dreg:$0x1c];
	s7 =	simm.s32 $0xD  }
0xaa: {  	[tilespmem:s19], [sflag:$0x4] =	stream.linear.gather [hbm4b:s18+s2], $0x10, $0x38;
	[tilespmem:$0x10400] =	vst v63  }
0xab: {  	_ =	swait.ge [sflag:s7], $0x2000  }
0xac: {  	[sflag:s7] =	ssyncset.done $0x0  }
0xad: {  	s29 =	simm.s32 $0x4;
	s24 =	rddreg [dreg:$0x1d];
	[sflag:s7] =	ssyncadd.s32 $0xFFFFE000  }
0xae: {  	[hbm4b:s24+s2] =	stream.linear.scatter [tilespmem:s1], [sflag:$0x15], $0x2000, $0x38;
	[tilespmem:$0x10400] =	vst v63  }
0xaf: {  	_ =	swait.ge [sflag:s29], $0x10  }
0xb0: {  	[sflag:s29] =	ssyncset.done $0x0  }
0xb1: {  	s4 =	simm.s32 $0x14;
	[sflag:s29] =	ssyncadd.s32 $0xFFFFFFF0  }
0xb2: {  	_ =	swait.ge [sflag:s4], $0x2000  }
0xb3: {  	[sflag:s4] =	ssyncset.done $0x0  }
0xb4: {  	s18 =	rddreg [dreg:$0x1e];
	[sflag:s4] =	ssyncadd.s32 $0xFFFFE000  }
0xb5: {  	[tilespmem:s26], [sflag:$0xC] =	stream.linear.gather [hbm4b:s18+s2], $0x2000, $0x38;
	[tilespmem:$0x10400] =	vst v63  }
0xb6: {  	s19 =	rddreg [dreg:$0x1f];
	s18 =	simm.s32 $0xE  }
0xb7: {  	[tilespmem:s20], [sflag:$0x5] =	stream.linear.gather [hbm4b:s19+s2], $0x10, $0x38;
	[tilespmem:$0x10400] =	vst v63  }
0xb8: {  	_ =	swait.ge [sflag:s18], $0x2000  }
0xb9: {  	s24 =	sld [smem:$0x7DF]  }
0xba: {  	[sflag:s18] =	ssyncset.done $0x0  }
0xbb: {  	[sflag:s18] =	ssyncadd.s32 $0xFFFFE000  }
0xbc: {  	[hbm4b:s24+s2] =	stream.linear.scatter [tilespmem:s30], [sflag:$0x16], $0x2000, $0x38;
	[tilespmem:$0x10400] =	vst v63  }
0xbd: {  	_ =	swait.ge [sflag:s28], $0x10  }
0xbe: {  	[sflag:s28] =	ssyncset.done $0x0  }
0xbf: {  	[sflag:s28] =	ssyncadd.s32 $0xFFFFFFF0  }
0xc0: {  	_ =	swait.ge [sflag:s15], $0x2000  }
0xc1: {  	s19 =	sld [smem:$0x7E0]  }
0xc2: {  	[sflag:s15] =	ssyncset.done $0x0  }
0xc3: {  	s20 =	sld [smem:$0x7E1];
	[sflag:s15] =	ssyncadd.s32 $0xFFFFE000  }
0xc4: {  	[tilespmem:s1], [sflag:$0xD] =	stream.linear.gather [hbm4b:s19+s2], $0x2000, $0x38;
	[tilespmem:$0x10400] =	vst v63  }
0xc5: {  	s21 =	simm.s32 $0x280;
	s19 =	simm.s32 $0xF  }
0xc6: {  	[tilespmem:s21], [sflag:$0x6] =	stream.linear.gather [hbm4b:s20+s2], $0x10, $0x38;
	[tilespmem:$0x10400] =	vst v63  }
0xc7: {  	_ =	swait.ge [sflag:s19], $0x2000  }
0xc8: {  	s24 =	sld [smem:$0x7E2]  }
0xc9: {  	[sflag:s19] =	ssyncset.done $0x0  }
0xca: {  	[sflag:s19] =	ssyncadd.s32 $0xFFFFE000  }
0xcb: {  	[hbm4b:s24+s2] =	stream.linear.scatter [tilespmem:s25], [sflag:$0x17], $0x2000, $0x38;
	[tilespmem:$0x10400] =	vst v63  }
0xcc: {  	_ =	swait.ge [sflag:s16], $0x10  }
0xcd: {  	[sflag:s16] =	ssyncset.done $0x0  }
0xce: {  	[sflag:s16] =	ssyncadd.s32 $0xFFFFFFF0  }
0xcf: {  	_ =	swait.ge [sflag:s14], $0x2000  }
0xd0: {  	s28 =	sld [smem:$0x7E3]  }
0xd1: {  	[sflag:s14] =	ssyncset.done $0x0  }
0xd2: {  	s20 =	sld [smem:$0x7E4];
	[sflag:s14] =	ssyncadd.s32 $0xFFFFE000  }
0xd3: {  	[tilespmem:s30], [sflag:$0xE] =	stream.linear.gather [hbm4b:s28+s2], $0x2000, $0x38;
	[tilespmem:$0x10400] =	vst v63  }
0xd4: {  	s21 =	simm.s32 $0x300  }
0xd5: {  	[tilespmem:s21], [sflag:$0x7] =	stream.linear.gather [hbm4b:s20+s2], $0x10, $0x38;
	[tilespmem:$0x10400] =	vst v63  }
0xd6: {  	s20 =	simm.s32 $0x10  }
0xd7: {  	_ =	swait.ge [sflag:s20], $0x2000  }
0xd8: {  	s24 =	sld [smem:$0x7E5]  }
0xd9: {  	[sflag:s20] =	ssyncset.done $0x0  }
0xda: {  	[sflag:s20] =	ssyncadd.s32 $0xFFFFE000  }
0xdb: {  	[hbm4b:s24+s2] =	stream.linear.scatter [tilespmem:s11], [sflag:$0x18], $0x2000, $0x38;
	[tilespmem:$0x10400] =	vst v63  }
0xdc: {  	_ =	swait.ge [sflag:s3], $0x10  }
0xdd: {  	[sflag:s3] =	ssyncset.done $0x0  }
0xde: {  	[sflag:s3] =	ssyncadd.s32 $0xFFFFFFF0  }
0xdf: {  	_ =	swait.ge [sflag:s12], $0x2000  }
0xe0: {  	s28 =	sld [smem:$0x7E6]  }
0xe1: {  	[sflag:s12] =	ssyncset.done $0x0  }
0xe2: {  	s24 =	sld [smem:$0x7E7];
	[sflag:s12] =	ssyncadd.s32 $0xFFFFE000  }
0xe3: {  	[tilespmem:s25], [sflag:$0xF] =	stream.linear.gather [hbm4b:s28+s2], $0x2000, $0x38;
	[tilespmem:$0x10400] =	vst v63  }
0xe4: {  	s31 =	simm.s32 $0x9;
	s28 =	simm.s32 $0x380  }
0xe5: {  	[tilespmem:s28], [sflag:$0x8] =	stream.linear.gather [hbm4b:s24+s2], $0x10, $0x38;
	[tilespmem:$0x10400] =	vst v63  }
0xe6: {  	_ =	swait.ge [sflag:s31], $0x2000  }
0xe7: {  	s24 =	sld [smem:$0x7E8]  }
0xe8: {  	[sflag:s31] =	ssyncset.done $0x0  }
0xe9: {  	[sflag:s31] =	ssyncadd.s32 $0xFFFFE000  }
0xea: {  	[hbm4b:s24+s2] =	stream.linear.scatter [tilespmem:s10], [sflag:$0x11], $0x2000, $0x38;
	[tilespmem:$0x10400] =	vst v63  }
0xeb: {  	_ =	swait.ge [sflag:s23], $0x10  }
0xec: {  	[sflag:s23] =	ssyncset.done $0x0  }
0xed: {  	s28 =	simm.s32 $0x18;
	[sflag:s23] =	ssyncadd.s32 $0xFFFFFFF0  }
0xee: {  	_ =	swait.ge [sflag:s28], $0x2000  }
0xef: {  	s21 =	sld [smem:$0x7E9]  }
0xf0: {  	[sflag:s28] =	ssyncset.done $0x0  }
0xf1: {  	s24 =	sld [smem:$0x7EA];
	[sflag:s28] =	ssyncadd.s32 $0xFFFFE000  }
0xf2: {  	[tilespmem:s11], [sflag:$0x10] =	stream.linear.gather [hbm4b:s21+s2], $0x2000, $0x38;
	[tilespmem:$0x10400] =	vst v63  }
0xf3: {  	s17 =	simm.s32 $0xA  }
0xf4: {  	[tilespmem:s2], [sflag:$0x1] =	stream.linear.gather [hbm4b:s24+s2], $0x10, $0x38;
	[tilespmem:$0x10400] =	vst v63  }
0xf5: {  	_ =	swait.ge [sflag:s17], $0x2000  }
0xf6: {  	s24 =	sld [smem:$0x7EB]  }
0xf7: {  	[sflag:s17] =	ssyncset.done $0x0  }
0xf8: {  	s22 =	simm.s32 $0x1;
	[sflag:s17] =	ssyncadd.s32 $0xFFFFE000  }
0xf9: {  	[hbm4b:s24+s2] =	stream.linear.scatter [tilespmem:s9], [sflag:$0x12], $0x2000, $0x38;
	[tilespmem:$0x10400] =	vst v63  }
0xfa: {  	_ =	swait.ge [sflag:s22], $0x10  }
0xfb: {  	[sflag:s22] =	ssyncset.done $0x0  }
0xfc: {  	s6 =	simm.s32 $0x11;
	[sflag:s22] =	ssyncadd.s32 $0xFFFFFFF0  }
0xfd: {  	_ =	swait.ge [sflag:s6], $0x2000  }
0xfe: {  	s21 =	sld [smem:$0x7EC]  }
0xff: {  	[sflag:s6] =	ssyncset.done $0x0  }
0x100: {  	s24 =	sld [smem:$0x7ED];
	[sflag:s6] =	ssyncadd.s32 $0xFFFFE000  }
0x101: {  	[tilespmem:s10], [sflag:$0x9] =	stream.linear.gather [hbm4b:s21+s2], $0x2000, $0x38;
	[tilespmem:$0x10400] =	vst v63  }
0x102: {  	s16 =	simm.s32 $0xB;
	s21 =	simm.s32 $0x80  }
0x103: {  	[tilespmem:s21], [sflag:$0x2] =	stream.linear.gather [hbm4b:s24+s2], $0x10, $0x38;
	[tilespmem:$0x10400] =	vst v63  }
0x104: {  	_ =	swait.ge [sflag:s16], $0x2000  }
0x105: {  	s24 =	sld [smem:$0x7EE]  }
0x106: {  	[sflag:s16] =	ssyncset.done $0x0  }
0x107: {  	s0 =	simm.s32 $0x2;
	[sflag:s16] =	ssyncadd.s32 $0xFFFFE000  }
0x108: {  	[hbm4b:s24+s2] =	stream.linear.scatter [tilespmem:s8], [sflag:$0x13], $0x2000, $0x38;
	[tilespmem:$0x10400] =	vst v63  }
0x109: {  	_ =	swait.ge [sflag:s0], $0x10  }
0x10a: {  	[sflag:s0] =	ssyncset.done $0x0  }
0x10b: {  	s5 =	simm.s32 $0x12;
	[sflag:s0] =	ssyncadd.s32 $0xFFFFFFF0  }
0x10c: {  	_ =	swait.ge [sflag:s5], $0x2000  }
0x10d: {  	s21 =	sld [smem:$0x7EF]  }
0x10e: {  	[sflag:s5] =	ssyncset.done $0x0  }
0x10f: {  	s24 =	sld [smem:$0x7F0];
	[sflag:s5] =	ssyncadd.s32 $0xFFFFE000  }
0x110: {  	[tilespmem:s9], [sflag:$0xA] =	stream.linear.gather [hbm4b:s21+s2], $0x2000, $0x38;
	[tilespmem:$0x10400] =	vst v63  }
0x111: {  	s21 =	simm.s32 $0x100  }
0x112: {  	[tilespmem:s21], [sflag:$0x3] =	stream.linear.gather [hbm4b:s24+s2], $0x10, $0x38;
	[tilespmem:$0x10400] =	vst v63  }
0x113: {  	_ =	swait.ge [sflag:s13], $0x2000  }
0x114: {  	s24 =	sld [smem:$0x7F1]  }
0x115: {  	[sflag:s13] =	ssyncset.done $0x0  }
0x116: {  	s29 =	simm.s32 $0x3;
	[sflag:s13] =	ssyncadd.s32 $0xFFFFE000  }
0x117: {  	[hbm4b:s24+s2] =	stream.linear.scatter [tilespmem:s26], [sflag:$0x14], $0x2000, $0x38;
	[tilespmem:$0x10400] =	vst v63  }
0x118: {  	_ =	swait.ge [sflag:s29], $0x10  }
0x119: {  	[sflag:s29] =	ssyncset.done $0x0  }
0x11a: {  	s4 =	simm.s32 $0x13;
	[sflag:s29] =	ssyncadd.s32 $0xFFFFFFF0  }
0x11b: {  	_ =	swait.ge [sflag:s4], $0x2000  }
0x11c: {  	s21 =	sld [smem:$0x7F2]  }
0x11d: {  	[sflag:s4] =	ssyncset.done $0x0  }
0x11e: {  	s24 =	sld [smem:$0x7F3];
	[sflag:s4] =	ssyncadd.s32 $0xFFFFE000  }
0x11f: {  	[tilespmem:s8], [sflag:$0xB] =	stream.linear.gather [hbm4b:s21+s2], $0x2000, $0x38;
	[tilespmem:$0x10400] =	vst v63  }
0x120: {  	s21 =	simm.s32 $0x180  }
0x121: {  	[tilespmem:s21], [sflag:$0x4] =	stream.linear.gather [hbm4b:s24+s2], $0x10, $0x38;
	[tilespmem:$0x10400] =	vst v63  }
0x122: {  	_ =	swait.ge [sflag:s7], $0x2000  }
0x123: {  	s24 =	sld [smem:$0x7F4]  }
0x124: {  	[sflag:s7] =	ssyncset.done $0x0  }
0x125: {  	s23 =	simm.s32 $0x4;
	[sflag:s7] =	ssyncadd.s32 $0xFFFFE000  }
0x126: {  	[hbm4b:s24+s2] =	stream.linear.scatter [tilespmem:s1], [sflag:$0x15], $0x2000, $0x38;
	[tilespmem:$0x10400] =	vst v63  }
0x127: {  	_ =	swait.ge [sflag:s23], $0x10  }
0x128: {  	[sflag:s23] =	ssyncset.done $0x0  }
0x129: {  	s3 =	simm.s32 $0x14;
	[sflag:s23] =	ssyncadd.s32 $0xFFFFFFF0  }
0x12a: {  	_ =	swait.ge [sflag:s3], $0x2000  }
0x12b: {  	s24 =	sld [smem:$0x7F6]  }
0x12c: {  	[sflag:s3] =	ssyncset.done $0x0  }
0x12d: {  	[sflag:s3] =	ssyncadd.s32 $0xFFFFE000  }
0x12e: {  	[tilespmem:s26], [sflag:$0xC] =	stream.linear.gather [hbm4b:s24+s2], $0x2000, $0x38;
	[tilespmem:$0x10400] =	vst v63  }
0x12f: {  	_ =	swait.ge [sflag:s18], $0x2000  }
0x130: {  	s1 =	sld [smem:$0x7F7]  }
0x131: {  	[sflag:s18] =	ssyncset.done $0x0  }
0x132: {  	[sflag:s18] =	ssyncadd.s32 $0xFFFFE000  }
0x133: {  	[hbm4b:s1+s2] =	stream.linear.scatter [tilespmem:s30], [sflag:$0x16], $0x2000, $0x38;
	[tilespmem:$0x10400] =	vst v63  }
0x134: {  	_ =	swait.ge [sflag:s19], $0x2000  }
0x135: {  	s7 =	sld [smem:$0x7F8]  }
0x136: {  	[sflag:s19] =	ssyncset.done $0x0  }
0x137: {  	[sflag:s19] =	ssyncadd.s32 $0xFFFFE000  }
0x138: {  	[hbm4b:s7+s2] =	stream.linear.scatter [tilespmem:s25], [sflag:$0x17], $0x2000, $0x38;
	[tilespmem:$0x10400] =	vst v63  }
0x139: {  	_ =	swait.ge [sflag:s20], $0x2000  }
0x13a: {  	s18 =	sld [smem:$0x7F9]  }
0x13b: {  	[sflag:s20] =	ssyncset.done $0x0  }
0x13c: {  	[sflag:s20] =	ssyncadd.s32 $0xFFFFE000  }
0x13d: {  	[hbm4b:s18+s2] =	stream.linear.scatter [tilespmem:s11], [sflag:$0x18], $0x2000, $0x38;
	[tilespmem:$0x10400] =	vst v63  }
0x13e: {  	_ =	swait.ge [sflag:s31], $0x2000  }
0x13f: {  	s19 =	sld [smem:$0x7FA]  }
0x140: {  	[sflag:s31] =	ssyncset.done $0x0  }
0x141: {  	[sflag:s31] =	ssyncadd.s32 $0xFFFFE000  }
0x142: {  	[hbm4b:s19+s2] =	stream.linear.scatter [tilespmem:s10], [sflag:$0x11], $0x2000, $0x38;
	[tilespmem:$0x10400] =	vst v63  }
0x143: {  	_ =	swait.ge [sflag:s17], $0x2000  }
0x144: {  	s20 =	sld [smem:$0x7FB]  }
0x145: {  	[sflag:s17] =	ssyncset.done $0x0  }
0x146: {  	[sflag:s17] =	ssyncadd.s32 $0xFFFFE000  }
0x147: {  	[hbm4b:s20+s2] =	stream.linear.scatter [tilespmem:s9], [sflag:$0x12], $0x2000, $0x38;
	[tilespmem:$0x10400] =	vst v63  }
0x148: {  	_ =	swait.ge [sflag:s16], $0x2000  }
0x149: {  	s24 =	sld [smem:$0x7FC]  }
0x14a: {  	[sflag:s16] =	ssyncset.done $0x0  }
0x14b: {  	[sflag:s16] =	ssyncadd.s32 $0xFFFFE000  }
0x14c: {  	[hbm4b:s24+s2] =	stream.linear.scatter [tilespmem:s8], [sflag:$0x13], $0x2000, $0x38;
	[tilespmem:$0x10400] =	vst v63  }
0x14d: {  	_ =	swait.ge [sflag:s13], $0x2000  }
0x14e: {  	s25 =	sld [smem:$0x7FD]  }
0x14f: {  	[sflag:s13] =	ssyncset.done $0x0  }
0x150: {  	[sflag:s13] =	ssyncadd.s32 $0xFFFFE000  }
0x151: {  	[hbm4b:s25+s2] =	stream.linear.scatter [tilespmem:s26], [sflag:$0x14], $0x2000, $0x38;
	[tilespmem:$0x10400] =	vst v63  }
0x152: {  	_ =	swait.ge [sflag:s15], $0x2000  }
0x153: {  	[sflag:s15] =	ssyncset.done $0x0  }
0x154: {  	[sflag:s15] =	ssyncadd.s32 $0xFFFFE000  }
0x155: {  	_ =	swait.ge [sflag:s14], $0x2000  }
0x156: {  	[sflag:s14] =	ssyncset.done $0x0  }
0x157: {  	[sflag:s14] =	ssyncadd.s32 $0xFFFFE000  }
0x158: {  	_ =	swait.ge [sflag:s12], $0x2000  }
0x159: {  	[sflag:s12] =	ssyncset.done $0x0  }
0x15a: {  	s28 =	simm.s32 $0x18;
	[sflag:s12] =	ssyncadd.s32 $0xFFFFE000  }
0x15b: {  	_ =	swait.ge [sflag:s28], $0x2000  }
0x15c: {  	[sflag:s28] =	ssyncset.done $0x0  }
0x15d: {  	[sflag:s28] =	ssyncadd.s32 $0xFFFFE000  }
0x15e: {  	_ =	swait.ge [sflag:s6], $0x2000  }
0x15f: {  	[sflag:s6] =	ssyncset.done $0x0  }
0x160: {  	[sflag:s6] =	ssyncadd.s32 $0xFFFFE000  }
0x161: {  	_ =	swait.ge [sflag:s5], $0x2000  }
0x162: {  	[sflag:s5] =	ssyncset.done $0x0  }
0x163: {  	[sflag:s5] =	ssyncadd.s32 $0xFFFFE000  }
0x164: {  	_ =	swait.ge [sflag:s4], $0x2000  }
0x165: {  	s30 =	sld [smem:$0x7DE];
	_ =	sdelay $0x2  }
0x166: {  	p1 =	sne.s32 s30, $0x1  }
.Ltmp1:
0x167: {  	_ = 	snop;
	(pc) =	sbr.rel @!p1 .LBB2_7-.Ltmp1, $4  }
0x168: {  	[sflag:s4] =	ssyncset.done $0x0  }
0x169: {  	[sflag:s4] =	ssyncadd.s32 $0xFFFFE000  }
0x16a: {  	p0 =	por $0x1, $0x1;
	_ =	swait.ge [sflag:s3], $0x2000  }
0x16b: {  	s21 =	sadd.s32 $0xFFFFFFFF, s30;
	s24 =	rddreg [dreg:$0x3];
	[sflag:s3] =	ssyncset.done $0x0  }
0x16c: {  	s9 =	simm.s32 $0x6400;
	s14 =	simm.s32 $0x400  }
0x16d: {  	s11 =	simm.s32 $0x2400;
	s12 =	simm.s32 $0x8400;
	s30 =	simm.s32 $0xC400  }
.LBB2_4:
0x16e: {  	[sflag:s3] =	ssyncadd.s32 $0xFFFFE000  }
0x16f: {  	[tilespmem:s2], [sflag:$0x1] =	stream.linear.gather [hbm4b:s24+s2], $0x10, $0x38;
	[tilespmem:$0x10400] =	vst v63  }
0x170: {  	s7 =	rddreg [dreg:$0x4];
	s1 =	simm.s32 $0x80  }
0x171: {  	[tilespmem:s1], [sflag:$0x2] =	stream.linear.gather [hbm4b:s7+s2], $0x10, $0x38;
	[tilespmem:$0x10400] =	vst v63  }
0x172: {  	s5 =	rddreg [dreg:$0x5];
	s10 =	simm.s32 $0x100  }
0x173: {  	[tilespmem:s10], [sflag:$0x3] =	stream.linear.gather [hbm4b:s5+s2], $0x10, $0x38;
	[tilespmem:$0x10400] =	vst v63  }
0x174: {  	s6 =	rddreg [dreg:$0x6];
	s15 =	simm.s32 $0x180  }
0x175: {  	[tilespmem:s15], [sflag:$0x4] =	stream.linear.gather [hbm4b:s6+s2], $0x10, $0x38;
	[tilespmem:$0x10400] =	vst v63  }
0x176: {  	s13 =	rddreg [dreg:$0x7];
	s26 =	simm.s32 $0x200  }
0x177: {  	[tilespmem:s26], [sflag:$0x5] =	stream.linear.gather [hbm4b:s13+s2], $0x10, $0x38;
	[tilespmem:$0x10400] =	vst v63  }
0x178: {  	s16 =	rddreg [dreg:$0x8];
	s19 =	simm.s32 $0x280  }
0x179: {  	[tilespmem:s19], [sflag:$0x6] =	stream.linear.gather [hbm4b:s16+s2], $0x10, $0x38;
	[tilespmem:$0x10400] =	vst v63  }
0x17a: {  	s17 =	rddreg [dreg:$0x9];
	s20 =	simm.s32 $0x300  }
0x17b: {  	[tilespmem:s20], [sflag:$0x7] =	stream.linear.gather [hbm4b:s17+s2], $0x10, $0x38;
	[tilespmem:$0x10400] =	vst v63  }
0x17c: {  	s18 =	rddreg [dreg:$0xa];
	s28 =	simm.s32 $0x380  }
0x17d: {  	[tilespmem:s28], [sflag:$0x8] =	stream.linear.gather [hbm4b:s18+s2], $0x10, $0x38;
	[tilespmem:$0x10400] =	vst v63  }
0x17e: {  	_ =	swait.ge [sflag:s22], $0x10  }
0x17f: {  	s3 =	sld [smem:$0x7F5]  }
0x180: {  	[sflag:s22] =	ssyncset.done $0x0  }
0x181: {  	[sflag:s22] =	ssyncadd.s32 $0xFFFFFFF0  }
0x182: {  	[tilespmem:s14], [sflag:$0x9] =	stream.linear.gather [hbm4b:s3+s2], $0x2000, $0x38;
	[tilespmem:$0x10400] =	vst v63  }
0x183: {  	_ =	swait.ge [sflag:s0], $0x10  }
0x184: {  	[sflag:s0] =	ssyncset.done $0x0  }
0x185: {  	s4 =	rddreg [dreg:$0xb];
	[sflag:s0] =	ssyncadd.s32 $0xFFFFFFF0  }
0x186: {  	[tilespmem:s11], [sflag:$0xA] =	stream.linear.gather [hbm4b:s4+s2], $0x2000, $0x38;
	[tilespmem:$0x10400] =	vst v63  }
0x187: {  	_ =	swait.ge [sflag:s29], $0x10  }
0x188: {  	[sflag:s29] =	ssyncset.done $0x0  }
0x189: {  	s1 =	simm.s32 $0x4400;
	s5 =	rddreg [dreg:$0xc];
	[sflag:s29] =	ssyncadd.s32 $0xFFFFFFF0  }
0x18a: {  	[tilespmem:s1], [sflag:$0xB] =	stream.linear.gather [hbm4b:s5+s2], $0x2000, $0x38;
	[tilespmem:$0x10400] =	vst v63  }
0x18b: {  	_ =	swait.ge [sflag:s23], $0x10  }
0x18c: {  	[sflag:s23] =	ssyncset.done $0x0  }
0x18d: {  	s28 =	simm.s32 $0x5;
	s6 =	rddreg [dreg:$0xd];
	[sflag:s23] =	ssyncadd.s32 $0xFFFFFFF0  }
0x18e: {  	[tilespmem:s9], [sflag:$0xC] =	stream.linear.gather [hbm4b:s6+s2], $0x2000, $0x38;
	[tilespmem:$0x10400] =	vst v63  }
0x18f: {  	_ =	swait.ge [sflag:s28], $0x10  }
0x190: {  	[sflag:s28] =	ssyncset.done $0x0  }
0x191: {  	s16 =	simm.s32 $0x6;
	s10 =	rddreg [dreg:$0xe];
	[sflag:s28] =	ssyncadd.s32 $0xFFFFFFF0  }
0x192: {  	[tilespmem:s12], [sflag:$0xD] =	stream.linear.gather [hbm4b:s10+s2], $0x2000, $0x38;
	[tilespmem:$0x10400] =	vst v63  }
0x193: {  	_ =	swait.ge [sflag:s16], $0x10  }
0x194: {  	s22 =	simm.s32 $0xA400;
	[sflag:s16] =	ssyncset.done $0x0  }
0x195: {  	s3 =	simm.s32 $0x7;
	s13 =	rddreg [dreg:$0xf];
	[sflag:s16] =	ssyncadd.s32 $0xFFFFFFF0  }
0x196: {  	[tilespmem:s22], [sflag:$0xE] =	stream.linear.gather [hbm4b:s13+s2], $0x2000, $0x38;
	[tilespmem:$0x10400] =	vst v63  }
0x197: {  	_ =	swait.ge [sflag:s3], $0x10  }
0x198: {  	[sflag:s3] =	ssyncset.done $0x0  }
0x199: {  	s23 =	rddreg [dreg:$0x10];
	[sflag:s3] =	ssyncadd.s32 $0xFFFFFFF0  }
0x19a: {  	[tilespmem:s30], [sflag:$0xF] =	stream.linear.gather [hbm4b:s23+s2], $0x2000, $0x38;
	[tilespmem:$0x10400] =	vst v63  }
0x19b: {  	s23 =	simm.s32 $0x8  }
0x19c: {  	_ =	swait.ge [sflag:s23], $0x10  }
0x19d: {  	s31 =	simm.s32 $0xE400;
	[sflag:s23] =	ssyncset.done $0x0  }
0x19e: {  	s24 =	simm.s32 $0x9;
	s7 =	rddreg [dreg:$0x11];
	[sflag:s23] =	ssyncadd.s32 $0xFFFFFFF0  }
0x19f: {  	[tilespmem:s31], [sflag:$0x10] =	stream.linear.gather [hbm4b:s7+s2], $0x2000, $0x38;
	[tilespmem:$0x10400] =	vst v63  }
0x1a0: {  	_ =	swait.ge [sflag:s24], $0x2000  }
0x1a1: {  	[sflag:s24] =	ssyncset.done $0x0  }
0x1a2: {  	s7 =	rddreg [dreg:$0x12];
	[sflag:s24] =	ssyncadd.s32 $0xFFFFE000  }
0x1a3: {  	[hbm4b:s7+s2] =	stream.linear.scatter [tilespmem:s14], [sflag:$0x11], $0x2000, $0x38;
	[tilespmem:$0x10400] =	vst v63  }
0x1a4: {  	s18 =	simm.s32 $0xA;
	s24 =	rddreg [dreg:$0x13]  }
0x1a5: {  	[tilespmem:s2], [sflag:$0x1] =	stream.linear.gather [hbm4b:s24+s2], $0x10, $0x38;
	[tilespmem:$0x10400] =	vst v63  }
0x1a6: {  	_ =	swait.ge [sflag:s18], $0x2000  }
0x1a7: {  	[sflag:s18] =	ssyncset.done $0x0  }
0x1a8: {  	s10 =	simm.s32 $0x1;
	s24 =	rddreg [dreg:$0x14];
	[sflag:s18] =	ssyncadd.s32 $0xFFFFE000  }
0x1a9: {  	[hbm4b:s24+s2] =	stream.linear.scatter [tilespmem:s11], [sflag:$0x12], $0x2000, $0x38;
	[tilespmem:$0x10400] =	vst v63  }
0x1aa: {  	_ =	swait.ge [sflag:s10], $0x10  }
0x1ab: {  	[sflag:s10] =	ssyncset.done $0x0  }
0x1ac: {  	s13 =	simm.s32 $0x11;
	[sflag:s10] =	ssyncadd.s32 $0xFFFFFFF0  }
0x1ad: {  	_ =	swait.ge [sflag:s13], $0x2000  }
0x1ae: {  	[sflag:s13] =	ssyncset.done $0x0  }
0x1af: {  	s10 =	rddreg [dreg:$0x15];
	[sflag:s13] =	ssyncadd.s32 $0xFFFFE000  }
0x1b0: {  	[tilespmem:s14], [sflag:$0x9] =	stream.linear.gather [hbm4b:s10+s2], $0x2000, $0x38;
	[tilespmem:$0x10400] =	vst v63  }
0x1b1: {  	s8 =	simm.s32 $0x80;
	s17 =	simm.s32 $0xB;
	s18 =	rddreg [dreg:$0x16]  }
0x1b2: {  	[tilespmem:s8], [sflag:$0x2] =	stream.linear.gather [hbm4b:s18+s2], $0x10, $0x38;
	[tilespmem:$0x10400] =	vst v63  }
0x1b3: {  	_ =	swait.ge [sflag:s17], $0x2000  }
0x1b4: {  	[sflag:s17] =	ssyncset.done $0x0  }
0x1b5: {  	s22 =	simm.s32 $0x2;
	s24 =	rddreg [dreg:$0x17];
	[sflag:s17] =	ssyncadd.s32 $0xFFFFE000  }
0x1b6: {  	[hbm4b:s24+s2] =	stream.linear.scatter [tilespmem:s1], [sflag:$0x13], $0x2000, $0x38;
	[tilespmem:$0x10400] =	vst v63  }
0x1b7: {  	_ =	swait.ge [sflag:s22], $0x10  }
0x1b8: {  	[sflag:s22] =	ssyncset.done $0x0  }
0x1b9: {  	s6 =	simm.s32 $0x12;
	[sflag:s22] =	ssyncadd.s32 $0xFFFFFFF0  }
0x1ba: {  	_ =	swait.ge [sflag:s6], $0x2000  }
0x1bb: {  	[sflag:s6] =	ssyncset.done $0x0  }
0x1bc: {  	s8 =	rddreg [dreg:$0x18];
	[sflag:s6] =	ssyncadd.s32 $0xFFFFE000  }
0x1bd: {  	[tilespmem:s11], [sflag:$0xA] =	stream.linear.gather [hbm4b:s8+s2], $0x2000, $0x38;
	[tilespmem:$0x10400] =	vst v63  }
0x1be: {  	s25 =	simm.s32 $0x100;
	s13 =	simm.s32 $0xC;
	s10 =	rddreg [dreg:$0x19]  }
0x1bf: {  	[tilespmem:s25], [sflag:$0x3] =	stream.linear.gather [hbm4b:s10+s2], $0x10, $0x38;
	[tilespmem:$0x10400] =	vst v63  }
0x1c0: {  	_ =	swait.ge [sflag:s13], $0x2000  }
0x1c1: {  	[sflag:s13] =	ssyncset.done $0x0  }
0x1c2: {  	s0 =	simm.s32 $0x3;
	s18 =	rddreg [dreg:$0x1a];
	[sflag:s13] =	ssyncadd.s32 $0xFFFFE000  }
0x1c3: {  	[hbm4b:s18+s2] =	stream.linear.scatter [tilespmem:s9], [sflag:$0x14], $0x2000, $0x38;
	[tilespmem:$0x10400] =	vst v63  }
0x1c4: {  	_ =	swait.ge [sflag:s0], $0x10  }
0x1c5: {  	[sflag:s0] =	ssyncset.done $0x0  }
0x1c6: {  	s5 =	simm.s32 $0x13;
	[sflag:s0] =	ssyncadd.s32 $0xFFFFFFF0  }
0x1c7: {  	_ =	swait.ge [sflag:s5], $0x2000  }
0x1c8: {  	[sflag:s5] =	ssyncset.done $0x0  }
0x1c9: {  	s24 =	rddreg [dreg:$0x1b];
	[sflag:s5] =	ssyncadd.s32 $0xFFFFE000  }
0x1ca: {  	[tilespmem:s1], [sflag:$0xB] =	stream.linear.gather [hbm4b:s24+s2], $0x2000, $0x38;
	[tilespmem:$0x10400] =	vst v63  }
0x1cb: {  	s15 =	simm.s32 $0x180;
	s10 =	simm.s32 $0xD;
	s25 =	rddreg [dreg:$0x1c]  }
0x1cc: {  	[tilespmem:s15], [sflag:$0x4] =	stream.linear.gather [hbm4b:s25+s2], $0x10, $0x38;
	[tilespmem:$0x10400] =	vst v63  }
0x1cd: {  	_ =	swait.ge [sflag:s10], $0x2000  }
0x1ce: {  	[sflag:s10] =	ssyncset.done $0x0  }
0x1cf: {  	s29 =	simm.s32 $0x4;
	s8 =	rddreg [dreg:$0x1d];
	[sflag:s10] =	ssyncadd.s32 $0xFFFFE000  }
0x1d0: {  	[hbm4b:s8+s2] =	stream.linear.scatter [tilespmem:s12], [sflag:$0x15], $0x2000, $0x38;
	[tilespmem:$0x10400] =	vst v63  }
0x1d1: {  	_ =	swait.ge [sflag:s29], $0x10  }
0x1d2: {  	[sflag:s29] =	ssyncset.done $0x0  }
0x1d3: {  	s4 =	simm.s32 $0x14;
	[sflag:s29] =	ssyncadd.s32 $0xFFFFFFF0  }
0x1d4: {  	_ =	swait.ge [sflag:s4], $0x2000  }
0x1d5: {  	[sflag:s4] =	ssyncset.done $0x0  }
0x1d6: {  	s15 =	rddreg [dreg:$0x1e];
	[sflag:s4] =	ssyncadd.s32 $0xFFFFE000  }
0x1d7: {  	[tilespmem:s9], [sflag:$0xC] =	stream.linear.gather [hbm4b:s15+s2], $0x2000, $0x38;
	[tilespmem:$0x10400] =	vst v63  }
0x1d8: {  	s18 =	rddreg [dreg:$0x1f]  }
0x1d9: {  	[tilespmem:s26], [sflag:$0x5] =	stream.linear.gather [hbm4b:s18+s2], $0x10, $0x38;
	[tilespmem:$0x10400] =	vst v63  }
0x1da: {  	s26 =	simm.s32 $0xE  }
0x1db: {  	_ =	swait.ge [sflag:s26], $0x2000  }
0x1dc: {  	s25 =	sld [smem:$0x7DF]  }
0x1dd: {  	[sflag:s26] =	ssyncset.done $0x0  }
0x1de: {  	s15 =	simm.s32 $0xA400;
	[sflag:s26] =	ssyncadd.s32 $0xFFFFE000  }
0x1df: {  	[hbm4b:s25+s2] =	stream.linear.scatter [tilespmem:s15], [sflag:$0x16], $0x2000, $0x38;
	[tilespmem:$0x10400] =	vst v63  }
0x1e0: {  	_ =	swait.ge [sflag:s28], $0x10  }
0x1e1: {  	[sflag:s28] =	ssyncset.done $0x0  }
0x1e2: {  	s18 =	simm.s32 $0x15;
	[sflag:s28] =	ssyncadd.s32 $0xFFFFFFF0  }
0x1e3: {  	_ =	swait.ge [sflag:s18], $0x2000  }
0x1e4: {  	s28 =	sld [smem:$0x7E0]  }
0x1e5: {  	[sflag:s18] =	ssyncset.done $0x0  }
0x1e6: {  	s8 =	sld [smem:$0x7E1];
	[sflag:s18] =	ssyncadd.s32 $0xFFFFE000  }
0x1e7: {  	[tilespmem:s12], [sflag:$0xD] =	stream.linear.gather [hbm4b:s28+s2], $0x2000, $0x38;
	[tilespmem:$0x10400] =	vst v63  }
0x1e8: {  	_ = 	snop  }
0x1e9: {  	[tilespmem:s19], [sflag:$0x6] =	stream.linear.gather [hbm4b:s8+s2], $0x10, $0x38;
	[tilespmem:$0x10400] =	vst v63  }
0x1ea: {  	s19 =	simm.s32 $0xF  }
0x1eb: {  	_ =	swait.ge [sflag:s19], $0x2000  }
0x1ec: {  	s25 =	sld [smem:$0x7E2]  }
0x1ed: {  	[sflag:s19] =	ssyncset.done $0x0  }
0x1ee: {  	[sflag:s19] =	ssyncadd.s32 $0xFFFFE000  }
0x1ef: {  	[hbm4b:s25+s2] =	stream.linear.scatter [tilespmem:s30], [sflag:$0x17], $0x2000, $0x38;
	[tilespmem:$0x10400] =	vst v63  }
0x1f0: {  	_ =	swait.ge [sflag:s16], $0x10  }
0x1f1: {  	[sflag:s16] =	ssyncset.done $0x0  }
0x1f2: {  	s25 =	simm.s32 $0x16;
	[sflag:s16] =	ssyncadd.s32 $0xFFFFFFF0  }
0x1f3: {  	_ =	swait.ge [sflag:s25], $0x2000  }
0x1f4: {  	s28 =	sld [smem:$0x7E3]  }
0x1f5: {  	[sflag:s25] =	ssyncset.done $0x0  }
0x1f6: {  	s8 =	sld [smem:$0x7E4];
	[sflag:s25] =	ssyncadd.s32 $0xFFFFE000  }
0x1f7: {  	[tilespmem:s15], [sflag:$0xE] =	stream.linear.gather [hbm4b:s28+s2], $0x2000, $0x38;
	[tilespmem:$0x10400] =	vst v63  }
0x1f8: {  	_ = 	snop  }
0x1f9: {  	[tilespmem:s20], [sflag:$0x7] =	stream.linear.gather [hbm4b:s8+s2], $0x10, $0x38;
	[tilespmem:$0x10400] =	vst v63  }
0x1fa: {  	s20 =	simm.s32 $0x10  }
0x1fb: {  	_ =	swait.ge [sflag:s20], $0x2000  }
0x1fc: {  	s24 =	sld [smem:$0x7E5]  }
0x1fd: {  	[sflag:s20] =	ssyncset.done $0x0  }
0x1fe: {  	s8 =	simm.s32 $0xE400;
	[sflag:s20] =	ssyncadd.s32 $0xFFFFE000  }
0x1ff: {  	[hbm4b:s24+s2] =	stream.linear.scatter [tilespmem:s8], [sflag:$0x18], $0x2000, $0x38;
	[tilespmem:$0x10400] =	vst v63  }
0x200: {  	_ =	swait.ge [sflag:s3], $0x10  }
0x201: {  	[sflag:s3] =	ssyncset.done $0x0  }
0x202: {  	s15 =	simm.s32 $0x17;
	[sflag:s3] =	ssyncadd.s32 $0xFFFFFFF0  }
0x203: {  	_ =	swait.ge [sflag:s15], $0x2000  }
0x204: {  	s28 =	sld [smem:$0x7E6]  }
0x205: {  	[sflag:s15] =	ssyncset.done $0x0  }
0x206: {  	s24 =	sld [smem:$0x7E7];
	[sflag:s15] =	ssyncadd.s32 $0xFFFFE000  }
0x207: {  	[tilespmem:s30], [sflag:$0xF] =	stream.linear.gather [hbm4b:s28+s2], $0x2000, $0x38;
	[tilespmem:$0x10400] =	vst v63  }
0x208: {  	s31 =	simm.s32 $0x9;
	s28 =	simm.s32 $0x380  }
0x209: {  	[tilespmem:s28], [sflag:$0x8] =	stream.linear.gather [hbm4b:s24+s2], $0x10, $0x38;
	[tilespmem:$0x10400] =	vst v63  }
0x20a: {  	_ =	swait.ge [sflag:s31], $0x2000  }
0x20b: {  	s28 =	sld [smem:$0x7E8]  }
0x20c: {  	[sflag:s31] =	ssyncset.done $0x0  }
0x20d: {  	[sflag:s31] =	ssyncadd.s32 $0xFFFFE000  }
0x20e: {  	[hbm4b:s28+s2] =	stream.linear.scatter [tilespmem:s14], [sflag:$0x11], $0x2000, $0x38;
	[tilespmem:$0x10400] =	vst v63  }
0x20f: {  	_ =	swait.ge [sflag:s23], $0x10  }
0x210: {  	[sflag:s23] =	ssyncset.done $0x0  }
0x211: {  	s28 =	simm.s32 $0x18;
	[sflag:s23] =	ssyncadd.s32 $0xFFFFFFF0  }
0x212: {  	_ =	swait.ge [sflag:s28], $0x2000  }
0x213: {  	s7 =	sld [smem:$0x7E9]  }
0x214: {  	[sflag:s28] =	ssyncset.done $0x0  }
0x215: {  	s24 =	sld [smem:$0x7EA];
	[sflag:s28] =	ssyncadd.s32 $0xFFFFE000  }
0x216: {  	[tilespmem:s8], [sflag:$0x10] =	stream.linear.gather [hbm4b:s7+s2], $0x2000, $0x38;
	[tilespmem:$0x10400] =	vst v63  }
0x217: {  	s17 =	simm.s32 $0xA  }
0x218: {  	[tilespmem:s2], [sflag:$0x1] =	stream.linear.gather [hbm4b:s24+s2], $0x10, $0x38;
	[tilespmem:$0x10400] =	vst v63  }
0x219: {  	_ =	swait.ge [sflag:s17], $0x2000  }
0x21a: {  	s24 =	sld [smem:$0x7EB]  }
0x21b: {  	[sflag:s17] =	ssyncset.done $0x0  }
0x21c: {  	s22 =	simm.s32 $0x1;
	[sflag:s17] =	ssyncadd.s32 $0xFFFFE000  }
0x21d: {  	[hbm4b:s24+s2] =	stream.linear.scatter [tilespmem:s11], [sflag:$0x12], $0x2000, $0x38;
	[tilespmem:$0x10400] =	vst v63  }
0x21e: {  	_ =	swait.ge [sflag:s22], $0x10  }
0x21f: {  	[sflag:s22] =	ssyncset.done $0x0  }
0x220: {  	s6 =	simm.s32 $0x11;
	[sflag:s22] =	ssyncadd.s32 $0xFFFFFFF0  }
0x221: {  	_ =	swait.ge [sflag:s6], $0x2000  }
0x222: {  	s7 =	sld [smem:$0x7EC]  }
0x223: {  	[sflag:s6] =	ssyncset.done $0x0  }
0x224: {  	s24 =	sld [smem:$0x7ED];
	[sflag:s6] =	ssyncadd.s32 $0xFFFFE000  }
0x225: {  	[tilespmem:s14], [sflag:$0x9] =	stream.linear.gather [hbm4b:s7+s2], $0x2000, $0x38;
	[tilespmem:$0x10400] =	vst v63  }
0x226: {  	s16 =	simm.s32 $0xB;
	s7 =	simm.s32 $0x80  }
0x227: {  	[tilespmem:s7], [sflag:$0x2] =	stream.linear.gather [hbm4b:s24+s2], $0x10, $0x38;
	[tilespmem:$0x10400] =	vst v63  }
0x228: {  	_ =	swait.ge [sflag:s16], $0x2000  }
0x229: {  	s24 =	sld [smem:$0x7EE]  }
0x22a: {  	[sflag:s16] =	ssyncset.done $0x0  }
0x22b: {  	s0 =	simm.s32 $0x2;
	[sflag:s16] =	ssyncadd.s32 $0xFFFFE000  }
0x22c: {  	[hbm4b:s24+s2] =	stream.linear.scatter [tilespmem:s1], [sflag:$0x13], $0x2000, $0x38;
	[tilespmem:$0x10400] =	vst v63  }
0x22d: {  	_ =	swait.ge [sflag:s0], $0x10  }
0x22e: {  	[sflag:s0] =	ssyncset.done $0x0  }
0x22f: {  	s5 =	simm.s32 $0x12;
	[sflag:s0] =	ssyncadd.s32 $0xFFFFFFF0  }
0x230: {  	_ =	swait.ge [sflag:s5], $0x2000  }
0x231: {  	s7 =	sld [smem:$0x7EF]  }
0x232: {  	[sflag:s5] =	ssyncset.done $0x0  }
0x233: {  	s24 =	sld [smem:$0x7F0];
	[sflag:s5] =	ssyncadd.s32 $0xFFFFE000  }
0x234: {  	[tilespmem:s11], [sflag:$0xA] =	stream.linear.gather [hbm4b:s7+s2], $0x2000, $0x38;
	[tilespmem:$0x10400] =	vst v63  }
0x235: {  	s7 =	simm.s32 $0x100  }
0x236: {  	[tilespmem:s7], [sflag:$0x3] =	stream.linear.gather [hbm4b:s24+s2], $0x10, $0x38;
	[tilespmem:$0x10400] =	vst v63  }
0x237: {  	_ =	swait.ge [sflag:s13], $0x2000  }
0x238: {  	s24 =	sld [smem:$0x7F1]  }
0x239: {  	[sflag:s13] =	ssyncset.done $0x0  }
0x23a: {  	s29 =	simm.s32 $0x3;
	[sflag:s13] =	ssyncadd.s32 $0xFFFFE000  }
0x23b: {  	[hbm4b:s24+s2] =	stream.linear.scatter [tilespmem:s9], [sflag:$0x14], $0x2000, $0x38;
	[tilespmem:$0x10400] =	vst v63  }
0x23c: {  	_ =	swait.ge [sflag:s29], $0x10  }
0x23d: {  	[sflag:s29] =	ssyncset.done $0x0  }
0x23e: {  	s4 =	simm.s32 $0x13;
	[sflag:s29] =	ssyncadd.s32 $0xFFFFFFF0  }
0x23f: {  	_ =	swait.ge [sflag:s4], $0x2000  }
0x240: {  	s7 =	sld [smem:$0x7F2]  }
0x241: {  	[sflag:s4] =	ssyncset.done $0x0  }
0x242: {  	s24 =	sld [smem:$0x7F3];
	[sflag:s4] =	ssyncadd.s32 $0xFFFFE000  }
0x243: {  	[tilespmem:s1], [sflag:$0xB] =	stream.linear.gather [hbm4b:s7+s2], $0x2000, $0x38;
	[tilespmem:$0x10400] =	vst v63  }
0x244: {  	s7 =	simm.s32 $0x180  }
0x245: {  	[tilespmem:s7], [sflag:$0x4] =	stream.linear.gather [hbm4b:s24+s2], $0x10, $0x38;
	[tilespmem:$0x10400] =	vst v63  }
0x246: {  	_ =	swait.ge [sflag:s10], $0x2000  }
0x247: {  	s24 =	sld [smem:$0x7F4]  }
0x248: {  	[sflag:s10] =	ssyncset.done $0x0  }
0x249: {  	s23 =	simm.s32 $0x4;
	[sflag:s10] =	ssyncadd.s32 $0xFFFFE000  }
0x24a: {  	[hbm4b:s24+s2] =	stream.linear.scatter [tilespmem:s12], [sflag:$0x15], $0x2000, $0x38;
	[tilespmem:$0x10400] =	vst v63  }
0x24b: {  	_ =	swait.ge [sflag:s23], $0x10  }
0x24c: {  	[sflag:s23] =	ssyncset.done $0x0  }
0x24d: {  	s3 =	simm.s32 $0x14;
	[sflag:s23] =	ssyncadd.s32 $0xFFFFFFF0  }
0x24e: {  	_ =	swait.ge [sflag:s3], $0x2000  }
0x24f: {  	s24 =	sld [smem:$0x7F6]  }
0x250: {  	[sflag:s3] =	ssyncset.done $0x0  }
0x251: {  	[sflag:s3] =	ssyncadd.s32 $0xFFFFE000  }
0x252: {  	[tilespmem:s9], [sflag:$0xC] =	stream.linear.gather [hbm4b:s24+s2], $0x2000, $0x38;
	[tilespmem:$0x10400] =	vst v63  }
0x253: {  	_ =	swait.ge [sflag:s26], $0x2000  }
0x254: {  	s10 =	sld [smem:$0x7F7]  }
0x255: {  	[sflag:s26] =	ssyncset.done $0x0  }
0x256: {  	s24 =	simm.s32 $0xA400;
	[sflag:s26] =	ssyncadd.s32 $0xFFFFE000  }
0x257: {  	[hbm4b:s10+s2] =	stream.linear.scatter [tilespmem:s24], [sflag:$0x16], $0x2000, $0x38;
	[tilespmem:$0x10400] =	vst v63  }
0x258: {  	_ =	swait.ge [sflag:s19], $0x2000  }
0x259: {  	s26 =	sld [smem:$0x7F8]  }
0x25a: {  	[sflag:s19] =	ssyncset.done $0x0  }
0x25b: {  	[sflag:s19] =	ssyncadd.s32 $0xFFFFE000  }
0x25c: {  	[hbm4b:s26+s2] =	stream.linear.scatter [tilespmem:s30], [sflag:$0x17], $0x2000, $0x38;
	[tilespmem:$0x10400] =	vst v63  }
0x25d: {  	_ =	swait.ge [sflag:s20], $0x2000  }
0x25e: {  	s10 =	sld [smem:$0x7F9]  }
0x25f: {  	[sflag:s20] =	ssyncset.done $0x0  }
0x260: {  	s8 =	simm.s32 $0xE400;
	[sflag:s20] =	ssyncadd.s32 $0xFFFFE000  }
0x261: {  	[hbm4b:s10+s2] =	stream.linear.scatter [tilespmem:s8], [sflag:$0x18], $0x2000, $0x38;
	[tilespmem:$0x10400] =	vst v63  }
0x262: {  	_ =	swait.ge [sflag:s31], $0x2000  }
0x263: {  	s19 =	sld [smem:$0x7FA]  }
0x264: {  	[sflag:s31] =	ssyncset.done $0x0  }
0x265: {  	[sflag:s31] =	ssyncadd.s32 $0xFFFFE000  }
0x266: {  	[hbm4b:s19+s2] =	stream.linear.scatter [tilespmem:s14], [sflag:$0x11], $0x2000, $0x38;
	[tilespmem:$0x10400] =	vst v63  }
0x267: {  	_ =	swait.ge [sflag:s17], $0x2000  }
0x268: {  	s20 =	sld [smem:$0x7FB]  }
0x269: {  	[sflag:s17] =	ssyncset.done $0x0  }
0x26a: {  	[sflag:s17] =	ssyncadd.s32 $0xFFFFE000  }
0x26b: {  	[hbm4b:s20+s2] =	stream.linear.scatter [tilespmem:s11], [sflag:$0x12], $0x2000, $0x38;
	[tilespmem:$0x10400] =	vst v63  }
0x26c: {  	_ =	swait.ge [sflag:s16], $0x2000  }
0x26d: {  	s24 =	sld [smem:$0x7FC]  }
0x26e: {  	[sflag:s16] =	ssyncset.done $0x0  }
0x26f: {  	[sflag:s16] =	ssyncadd.s32 $0xFFFFE000  }
0x270: {  	[hbm4b:s24+s2] =	stream.linear.scatter [tilespmem:s1], [sflag:$0x13], $0x2000, $0x38;
	[tilespmem:$0x10400] =	vst v63  }
0x271: {  	_ =	swait.ge [sflag:s13], $0x2000  }
0x272: {  	s26 =	sld [smem:$0x7FD]  }
0x273: {  	[sflag:s13] =	ssyncset.done $0x0  }
0x274: {  	[sflag:s13] =	ssyncadd.s32 $0xFFFFE000  }
0x275: {  	[hbm4b:s26+s2] =	stream.linear.scatter [tilespmem:s9], [sflag:$0x14], $0x2000, $0x38;
	[tilespmem:$0x10400] =	vst v63  }
0x276: {  	_ =	swait.ge [sflag:s18], $0x2000  }
0x277: {  	[sflag:s18] =	ssyncset.done $0x0  }
0x278: {  	[sflag:s18] =	ssyncadd.s32 $0xFFFFE000  }
0x279: {  	_ =	swait.ge [sflag:s25], $0x2000  }
0x27a: {  	[sflag:s25] =	ssyncset.done $0x0  }
0x27b: {  	[sflag:s25] =	ssyncadd.s32 $0xFFFFE000  }
0x27c: {  	_ =	swait.ge [sflag:s15], $0x2000  }
0x27d: {  	[sflag:s15] =	ssyncset.done $0x0  }
0x27e: {  	[sflag:s15] =	ssyncadd.s32 $0xFFFFE000  }
0x27f: {  	_ =	swait.ge [sflag:s28], $0x2000  }
0x280: {  	[sflag:s28] =	ssyncset.done $0x0  }
0x281: {  	[sflag:s28] =	ssyncadd.s32 $0xFFFFE000  }
0x282: {  	_ =	swait.ge [sflag:s6], $0x2000  }
0x283: {  	[sflag:s6] =	ssyncset.done $0x0  }
0x284: {  	[sflag:s6] =	ssyncadd.s32 $0xFFFFE000  }
0x285: {  	_ =	swait.ge [sflag:s5], $0x2000  }
0x286: {  	[sflag:s5] =	ssyncset.done $0x0  }
0x287: {  	p1 =	sne.s32 s21, $0x1;
	[sflag:s5] =	ssyncadd.s32 $0xFFFFE000  }
.Ltmp2:
0x288: {  	_ =	swait.ge [sflag:s4], $0x2000;
	(pc) =	sbr.rel @p1 .LBB2_4-.Ltmp2, $4  }
0x289: {  	[sflag:s4] =	ssyncset.done $0x0  }
0x28a: {  	[sflag:s4] =	ssyncadd.s32 $0xFFFFE000  }
0x28b: {  	_ =	swait.ge [sflag:s3], $0x2000  }
0x28c: {  	s21 =	sadd.s32 $0xFFFFFFFF, s21;
	s24 =	rddreg [dreg:$0x3];
	[sflag:s3] =	ssyncset.done $0x0  }
0x28d: {  	s1 =	sld [smem:$0x7F5];
	s8 =	simm.s32 $0x4400;
	s9 =	simm.s32 $0x2400  }
0x28e: {  	s10 =	simm.s32 $0x400;
	s12 =	simm.s32 $0x17;
	s14 =	simm.s32 $0x16  }
0x28f: {  	s15 =	simm.s32 $0x15;
	s25 =	simm.s32 $0xC400;
	s11 =	simm.s32 $0xE400  }
0x290: {  	s30 =	simm.s32 $0xA400;
	s18 =	simm.s32 $0x180;
	s20 =	simm.s32 $0x200  }
.LBB2_6:
0x291: {  	[sflag:s3] =	ssyncadd.s32 @p0 $0xFFFFE000  }
0x292: {  	[tilespmem:s2], [sflag:$0x1] =	stream.linear.gather [hbm4b:s24+s2], $0x10, $0x38;
	[tilespmem:$0x10400] =	vst v63  }
0x293: {  	s7 =	rddreg [dreg:$0x4];
	s19 =	simm.s32 $0x80  }
0x294: {  	[tilespmem:s19], [sflag:$0x2] =	stream.linear.gather [hbm4b:s7+s2], $0x10, $0x38;
	[tilespmem:$0x10400] =	vst v63  }
0x295: {  	s21 =	rddreg [dreg:$0x5];
	s26 =	simm.s32 $0x100  }
0x296: {  	[tilespmem:s26], [sflag:$0x3] =	stream.linear.gather [hbm4b:s21+s2], $0x10, $0x38;
	[tilespmem:$0x10400] =	vst v63  }
0x297: {  	s24 =	rddreg [dreg:$0x6]  }
0x298: {  	[tilespmem:s18], [sflag:$0x4] =	stream.linear.gather [hbm4b:s24+s2], $0x10, $0x38;
	[tilespmem:$0x10400] =	vst v63  }
0x299: {  	s28 =	rddreg [dreg:$0x7]  }
0x29a: {  	[tilespmem:s20], [sflag:$0x5] =	stream.linear.gather [hbm4b:s28+s2], $0x10, $0x38;
	[tilespmem:$0x10400] =	vst v63  }
0x29b: {  	s18 =	rddreg [dreg:$0x8];
	s20 =	simm.s32 $0x280  }
0x29c: {  	[tilespmem:s20], [sflag:$0x6] =	stream.linear.gather [hbm4b:s18+s2], $0x10, $0x38;
	[tilespmem:$0x10400] =	vst v63  }
0x29d: {  	s19 =	rddreg [dreg:$0x9];
	s26 =	simm.s32 $0x300  }
0x29e: {  	[tilespmem:s26], [sflag:$0x7] =	stream.linear.gather [hbm4b:s19+s2], $0x10, $0x38;
	[tilespmem:$0x10400] =	vst v63  }
0x29f: {  	s24 =	rddreg [dreg:$0xa];
	s28 =	simm.s32 $0x380  }
0x2a0: {  	[tilespmem:s28], [sflag:$0x8] =	stream.linear.gather [hbm4b:s24+s2], $0x10, $0x38;
	[tilespmem:$0x10400] =	vst v63  }
0x2a1: {  	_ =	swait.ge [sflag:s22], $0x10  }
0x2a2: {  	[sflag:s22] =	ssyncset.done $0x0  }
0x2a3: {  	[sflag:s22] =	ssyncadd.s32 $0xFFFFFFF0  }
0x2a4: {  	[tilespmem:s10], [sflag:$0x9] =	stream.linear.gather [hbm4b:s1+s2], $0x2000, $0x38;
	[tilespmem:$0x10400] =	vst v63  }
0x2a5: {  	_ =	swait.ge [sflag:s0], $0x10  }
0x2a6: {  	[sflag:s0] =	ssyncset.done $0x0  }
0x2a7: {  	s1 =	rddreg [dreg:$0xb];
	[sflag:s0] =	ssyncadd.s32 $0xFFFFFFF0  }
0x2a8: {  	[tilespmem:s9], [sflag:$0xA] =	stream.linear.gather [hbm4b:s1+s2], $0x2000, $0x38;
	[tilespmem:$0x10400] =	vst v63  }
0x2a9: {  	_ =	swait.ge [sflag:s29], $0x10  }
0x2aa: {  	[sflag:s29] =	ssyncset.done $0x0  }
0x2ab: {  	s10 =	rddreg [dreg:$0xc];
	[sflag:s29] =	ssyncadd.s32 $0xFFFFFFF0  }
0x2ac: {  	[tilespmem:s8], [sflag:$0xB] =	stream.linear.gather [hbm4b:s10+s2], $0x2000, $0x38;
	[tilespmem:$0x10400] =	vst v63  }
0x2ad: {  	_ =	swait.ge [sflag:s23], $0x10  }
0x2ae: {  	s20 =	simm.s32 $0x5;
	[sflag:s23] =	ssyncset.done $0x0  }
0x2af: {  	s24 =	simm.s32 $0x6400;
	s18 =	rddreg [dreg:$0xd];
	[sflag:s23] =	ssyncadd.s32 $0xFFFFFFF0  }
0x2b0: {  	[tilespmem:s24], [sflag:$0xC] =	stream.linear.gather [hbm4b:s18+s2], $0x2000, $0x38;
	[tilespmem:$0x10400] =	vst v63  }
0x2b1: {  	_ =	swait.ge [sflag:s20], $0x10  }
0x2b2: {  	s21 =	simm.s32 $0x8400;
	[sflag:s20] =	ssyncset.done $0x0  }
0x2b3: {  	s18 =	simm.s32 $0x6;
	s19 =	rddreg [dreg:$0xe];
	[sflag:s20] =	ssyncadd.s32 $0xFFFFFFF0  }
0x2b4: {  	[tilespmem:s21], [sflag:$0xD] =	stream.linear.gather [hbm4b:s19+s2], $0x2000, $0x38;
	[tilespmem:$0x10400] =	vst v63  }
0x2b5: {  	_ =	swait.ge [sflag:s18], $0x10  }
0x2b6: {  	[sflag:s18] =	ssyncset.done $0x0  }
0x2b7: {  	s1 =	rddreg [dreg:$0xf];
	[sflag:s18] =	ssyncadd.s32 $0xFFFFFFF0  }
0x2b8: {  	[tilespmem:s30], [sflag:$0xE] =	stream.linear.gather [hbm4b:s1+s2], $0x2000, $0x38;
	[tilespmem:$0x10400] =	vst v63  }
0x2b9: {  	s1 =	simm.s32 $0x7  }
0x2ba: {  	_ =	swait.ge [sflag:s1], $0x10  }
0x2bb: {  	[sflag:s1] =	ssyncset.done $0x0  }
0x2bc: {  	s10 =	rddreg [dreg:$0x10];
	[sflag:s1] =	ssyncadd.s32 $0xFFFFFFF0  }
0x2bd: {  	[tilespmem:s25], [sflag:$0xF] =	stream.linear.gather [hbm4b:s10+s2], $0x2000, $0x38;
	[tilespmem:$0x10400] =	vst v63  }
0x2be: {  	s10 =	simm.s32 $0x8  }
0x2bf: {  	_ =	swait.ge [sflag:s10], $0x10  }
0x2c0: {  	[sflag:s10] =	ssyncset.done $0x0  }
0x2c1: {  	s21 =	rddreg [dreg:$0x11];
	[sflag:s10] =	ssyncadd.s32 $0xFFFFFFF0  }
0x2c2: {  	[tilespmem:s11], [sflag:$0x10] =	stream.linear.gather [hbm4b:s21+s2], $0x2000, $0x38;
	[tilespmem:$0x10400] =	vst v63  }
0x2c3: {  	_ =	swait.ge [sflag:s31], $0x2000  }
0x2c4: {  	[sflag:s31] =	ssyncset.done $0x0  }
0x2c5: {  	s26 =	simm.s32 $0x400;
	s7 =	rddreg [dreg:$0x12];
	[sflag:s31] =	ssyncadd.s32 $0xFFFFE000  }
0x2c6: {  	[hbm4b:s7+s2] =	stream.linear.scatter [tilespmem:s26], [sflag:$0x11], $0x2000, $0x38;
	[tilespmem:$0x10400] =	vst v63  }
0x2c7: {  	s21 =	rddreg [dreg:$0x13]  }
0x2c8: {  	[tilespmem:s2], [sflag:$0x1] =	stream.linear.gather [hbm4b:s21+s2], $0x10, $0x38;
	[tilespmem:$0x10400] =	vst v63  }
0x2c9: {  	_ =	swait.ge [sflag:s17], $0x2000  }
0x2ca: {  	[sflag:s17] =	ssyncset.done $0x0  }
0x2cb: {  	s28 =	simm.s32 $0x2400;
	s21 =	rddreg [dreg:$0x14];
	[sflag:s17] =	ssyncadd.s32 $0xFFFFE000  }
0x2cc: {  	[hbm4b:s21+s2] =	stream.linear.scatter [tilespmem:s28], [sflag:$0x12], $0x2000, $0x38;
	[tilespmem:$0x10400] =	vst v63  }
0x2cd: {  	_ =	swait.ge [sflag:s22], $0x10  }
0x2ce: {  	[sflag:s22] =	ssyncset.done $0x0  }
0x2cf: {  	[sflag:s22] =	ssyncadd.s32 $0xFFFFFFF0  }
0x2d0: {  	_ =	swait.ge [sflag:s6], $0x2000  }
0x2d1: {  	[sflag:s6] =	ssyncset.done $0x0  }
0x2d2: {  	s7 =	rddreg [dreg:$0x15];
	[sflag:s6] =	ssyncadd.s32 $0xFFFFE000  }
0x2d3: {  	[tilespmem:s26], [sflag:$0x9] =	stream.linear.gather [hbm4b:s7+s2], $0x2000, $0x38;
	[tilespmem:$0x10400] =	vst v63  }
0x2d4: {  	s21 =	rddreg [dreg:$0x16];
	s7 =	simm.s32 $0x80  }
0x2d5: {  	[tilespmem:s7], [sflag:$0x2] =	stream.linear.gather [hbm4b:s21+s2], $0x10, $0x38;
	[tilespmem:$0x10400] =	vst v63  }
0x2d6: {  	_ =	swait.ge [sflag:s16], $0x2000  }
0x2d7: {  	[sflag:s16] =	ssyncset.done $0x0  }
0x2d8: {  	s9 =	simm.s32 $0x4400;
	s21 =	rddreg [dreg:$0x17];
	[sflag:s16] =	ssyncadd.s32 $0xFFFFE000  }
0x2d9: {  	[hbm4b:s21+s2] =	stream.linear.scatter [tilespmem:s9], [sflag:$0x13], $0x2000, $0x38;
	[tilespmem:$0x10400] =	vst v63  }
0x2da: {  	_ =	swait.ge [sflag:s0], $0x10  }
0x2db: {  	[sflag:s0] =	ssyncset.done $0x0  }
0x2dc: {  	[sflag:s0] =	ssyncadd.s32 $0xFFFFFFF0  }
0x2dd: {  	_ =	swait.ge [sflag:s5], $0x2000  }
0x2de: {  	[sflag:s5] =	ssyncset.done $0x0  }
0x2df: {  	s7 =	rddreg [dreg:$0x18];
	[sflag:s5] =	ssyncadd.s32 $0xFFFFE000  }
0x2e0: {  	[tilespmem:s28], [sflag:$0xA] =	stream.linear.gather [hbm4b:s7+s2], $0x2000, $0x38;
	[tilespmem:$0x10400] =	vst v63  }
0x2e1: {  	s21 =	rddreg [dreg:$0x19];
	s7 =	simm.s32 $0x100  }
0x2e2: {  	[tilespmem:s7], [sflag:$0x3] =	stream.linear.gather [hbm4b:s21+s2], $0x10, $0x38;
	[tilespmem:$0x10400] =	vst v63  }
0x2e3: {  	_ =	swait.ge [sflag:s13], $0x2000  }
0x2e4: {  	[sflag:s13] =	ssyncset.done $0x0  }
0x2e5: {  	s21 =	rddreg [dreg:$0x1a];
	[sflag:s13] =	ssyncadd.s32 $0xFFFFE000  }
0x2e6: {  	[hbm4b:s21+s2] =	stream.linear.scatter [tilespmem:s24], [sflag:$0x14], $0x2000, $0x38;
	[tilespmem:$0x10400] =	vst v63  }
0x2e7: {  	_ =	swait.ge [sflag:s29], $0x10  }
0x2e8: {  	[sflag:s29] =	ssyncset.done $0x0  }
0x2e9: {  	[sflag:s29] =	ssyncadd.s32 $0xFFFFFFF0  }
0x2ea: {  	_ =	swait.ge [sflag:s4], $0x2000  }
0x2eb: {  	[sflag:s4] =	ssyncset.done $0x0  }
0x2ec: {  	s7 =	rddreg [dreg:$0x1b];
	[sflag:s4] =	ssyncadd.s32 $0xFFFFE000  }
0x2ed: {  	[tilespmem:s9], [sflag:$0xB] =	stream.linear.gather [hbm4b:s7+s2], $0x2000, $0x38;
	[tilespmem:$0x10400] =	vst v63  }
0x2ee: {  	s8 =	simm.s32 $0x180;
	s21 =	rddreg [dreg:$0x1c];
	s9 =	simm.s32 $0xD  }
0x2ef: {  	[tilespmem:s8], [sflag:$0x4] =	stream.linear.gather [hbm4b:s21+s2], $0x10, $0x38;
	[tilespmem:$0x10400] =	vst v63  }
0x2f0: {  	_ =	swait.ge [sflag:s9], $0x2000  }
0x2f1: {  	[sflag:s9] =	ssyncset.done $0x0  }
0x2f2: {  	s19 =	simm.s32 $0x8400;
	s21 =	rddreg [dreg:$0x1d];
	[sflag:s9] =	ssyncadd.s32 $0xFFFFE000  }
0x2f3: {  	[hbm4b:s21+s2] =	stream.linear.scatter [tilespmem:s19], [sflag:$0x15], $0x2000, $0x38;
	[tilespmem:$0x10400] =	vst v63  }
0x2f4: {  	_ =	swait.ge [sflag:s23], $0x10  }
0x2f5: {  	[sflag:s23] =	ssyncset.done $0x0  }
0x2f6: {  	[sflag:s23] =	ssyncadd.s32 $0xFFFFFFF0  }
0x2f7: {  	_ =	swait.ge [sflag:s3], $0x2000  }
0x2f8: {  	[sflag:s3] =	ssyncset.done $0x0  }
0x2f9: {  	s8 =	rddreg [dreg:$0x1e];
	[sflag:s3] =	ssyncadd.s32 $0xFFFFE000  }
0x2fa: {  	[tilespmem:s24], [sflag:$0xC] =	stream.linear.gather [hbm4b:s8+s2], $0x2000, $0x38;
	[tilespmem:$0x10400] =	vst v63  }
0x2fb: {  	s21 =	rddreg [dreg:$0x1f];
	s8 =	simm.s32 $0x200  }
0x2fc: {  	[tilespmem:s8], [sflag:$0x5] =	stream.linear.gather [hbm4b:s21+s2], $0x10, $0x38;
	[tilespmem:$0x10400] =	vst v63  }
0x2fd: {  	s8 =	simm.s32 $0xE  }
0x2fe: {  	_ =	swait.ge [sflag:s8], $0x2000  }
0x2ff: {  	s21 =	sld [smem:$0x7DF]  }
0x300: {  	[sflag:s8] =	ssyncset.done $0x0  }
0x301: {  	[sflag:s8] =	ssyncadd.s32 $0xFFFFE000  }
0x302: {  	[hbm4b:s21+s2] =	stream.linear.scatter [tilespmem:s30], [sflag:$0x16], $0x2000, $0x38;
	[tilespmem:$0x10400] =	vst v63  }
0x303: {  	_ =	swait.ge [sflag:s20], $0x10  }
0x304: {  	[sflag:s20] =	ssyncset.done $0x0  }
0x305: {  	[sflag:s20] =	ssyncadd.s32 $0xFFFFFFF0  }
0x306: {  	_ =	swait.ge [sflag:s15], $0x2000  }
0x307: {  	s20 =	sld [smem:$0x7E0]  }
0x308: {  	[sflag:s15] =	ssyncset.done $0x0  }
0x309: {  	s21 =	sld [smem:$0x7E1];
	[sflag:s15] =	ssyncadd.s32 $0xFFFFE000  }
0x30a: {  	[tilespmem:s19], [sflag:$0xD] =	stream.linear.gather [hbm4b:s20+s2], $0x2000, $0x38;
	[tilespmem:$0x10400] =	vst v63  }
0x30b: {  	s15 =	simm.s32 $0x280  }
0x30c: {  	[tilespmem:s15], [sflag:$0x6] =	stream.linear.gather [hbm4b:s21+s2], $0x10, $0x38;
	[tilespmem:$0x10400] =	vst v63  }
0x30d: {  	s21 =	simm.s32 $0xF  }
0x30e: {  	_ =	swait.ge [sflag:s21], $0x2000  }
0x30f: {  	s19 =	sld [smem:$0x7E2]  }
0x310: {  	[sflag:s21] =	ssyncset.done $0x0  }
0x311: {  	[sflag:s21] =	ssyncadd.s32 $0xFFFFE000  }
0x312: {  	[hbm4b:s19+s2] =	stream.linear.scatter [tilespmem:s25], [sflag:$0x17], $0x2000, $0x38;
	[tilespmem:$0x10400] =	vst v63  }
0x313: {  	_ =	swait.ge [sflag:s18], $0x10  }
0x314: {  	[sflag:s18] =	ssyncset.done $0x0  }
0x315: {  	[sflag:s18] =	ssyncadd.s32 $0xFFFFFFF0  }
0x316: {  	_ =	swait.ge [sflag:s14], $0x2000  }
0x317: {  	s20 =	sld [smem:$0x7E3]  }
0x318: {  	[sflag:s14] =	ssyncset.done $0x0  }
0x319: {  	s15 =	sld [smem:$0x7E4];
	[sflag:s14] =	ssyncadd.s32 $0xFFFFE000  }
0x31a: {  	[tilespmem:s30], [sflag:$0xE] =	stream.linear.gather [hbm4b:s20+s2], $0x2000, $0x38;
	[tilespmem:$0x10400] =	vst v63  }
0x31b: {  	s18 =	simm.s32 $0x300;
	s20 =	simm.s32 $0x10  }
0x31c: {  	[tilespmem:s18], [sflag:$0x7] =	stream.linear.gather [hbm4b:s15+s2], $0x10, $0x38;
	[tilespmem:$0x10400] =	vst v63  }
0x31d: {  	_ =	swait.ge [sflag:s20], $0x2000  }
0x31e: {  	s19 =	sld [smem:$0x7E5]  }
0x31f: {  	[sflag:s20] =	ssyncset.done $0x0  }
0x320: {  	[sflag:s20] =	ssyncadd.s32 $0xFFFFE000  }
0x321: {  	[hbm4b:s19+s2] =	stream.linear.scatter [tilespmem:s11], [sflag:$0x18], $0x2000, $0x38;
	[tilespmem:$0x10400] =	vst v63  }
0x322: {  	_ =	swait.ge [sflag:s1], $0x10  }
0x323: {  	[sflag:s1] =	ssyncset.done $0x0  }
0x324: {  	[sflag:s1] =	ssyncadd.s32 $0xFFFFFFF0  }
0x325: {  	_ =	swait.ge [sflag:s12], $0x2000  }
0x326: {  	s14 =	sld [smem:$0x7E6]  }
0x327: {  	[sflag:s12] =	ssyncset.done $0x0  }
0x328: {  	s15 =	sld [smem:$0x7E7];
	[sflag:s12] =	ssyncadd.s32 $0xFFFFE000  }
0x329: {  	[tilespmem:s25], [sflag:$0xF] =	stream.linear.gather [hbm4b:s14+s2], $0x2000, $0x38;
	[tilespmem:$0x10400] =	vst v63  }
0x32a: {  	s18 =	simm.s32 $0x380  }
0x32b: {  	[tilespmem:s18], [sflag:$0x8] =	stream.linear.gather [hbm4b:s15+s2], $0x10, $0x38;
	[tilespmem:$0x10400] =	vst v63  }
0x32c: {  	_ =	swait.ge [sflag:s31], $0x2000  }
0x32d: {  	s19 =	sld [smem:$0x7E8]  }
0x32e: {  	[sflag:s31] =	ssyncset.done $0x0  }
0x32f: {  	[sflag:s31] =	ssyncadd.s32 $0xFFFFE000  }
0x330: {  	[hbm4b:s19+s2] =	stream.linear.scatter [tilespmem:s26], [sflag:$0x11], $0x2000, $0x38;
	[tilespmem:$0x10400] =	vst v63  }
0x331: {  	_ =	swait.ge [sflag:s10], $0x10  }
0x332: {  	[sflag:s10] =	ssyncset.done $0x0  }
0x333: {  	s12 =	simm.s32 $0x18;
	[sflag:s10] =	ssyncadd.s32 $0xFFFFFFF0  }
0x334: {  	_ =	swait.ge [sflag:s12], $0x2000  }
0x335: {  	s7 =	sld [smem:$0x7E9]  }
0x336: {  	[sflag:s12] =	ssyncset.done $0x0  }
0x337: {  	s10 =	sld [smem:$0x7EA];
	[sflag:s12] =	ssyncadd.s32 $0xFFFFE000  }
0x338: {  	[tilespmem:s11], [sflag:$0x10] =	stream.linear.gather [hbm4b:s7+s2], $0x2000, $0x38;
	[tilespmem:$0x10400] =	vst v63  }
0x339: {  	_ = 	snop  }
0x33a: {  	[tilespmem:s2], [sflag:$0x1] =	stream.linear.gather [hbm4b:s10+s2], $0x10, $0x38;
	[tilespmem:$0x10400] =	vst v63  }
0x33b: {  	_ =	swait.ge [sflag:s17], $0x2000  }
0x33c: {  	s18 =	sld [smem:$0x7EB]  }
0x33d: {  	[sflag:s17] =	ssyncset.done $0x0  }
0x33e: {  	[sflag:s17] =	ssyncadd.s32 $0xFFFFE000  }
0x33f: {  	[hbm4b:s18+s2] =	stream.linear.scatter [tilespmem:s28], [sflag:$0x12], $0x2000, $0x38;
	[tilespmem:$0x10400] =	vst v63  }
0x340: {  	_ =	swait.ge [sflag:s22], $0x10  }
0x341: {  	[sflag:s22] =	ssyncset.done $0x0  }
0x342: {  	[sflag:s22] =	ssyncadd.s32 $0xFFFFFFF0  }
0x343: {  	_ =	swait.ge [sflag:s6], $0x2000  }
0x344: {  	s7 =	sld [smem:$0x7EC]  }
0x345: {  	[sflag:s6] =	ssyncset.done $0x0  }
0x346: {  	s10 =	sld [smem:$0x7ED];
	[sflag:s6] =	ssyncadd.s32 $0xFFFFE000  }
0x347: {  	[tilespmem:s26], [sflag:$0x9] =	stream.linear.gather [hbm4b:s7+s2], $0x2000, $0x38;
	[tilespmem:$0x10400] =	vst v63  }
0x348: {  	s18 =	simm.s32 $0x80  }
0x349: {  	[tilespmem:s18], [sflag:$0x2] =	stream.linear.gather [hbm4b:s10+s2], $0x10, $0x38;
	[tilespmem:$0x10400] =	vst v63  }
0x34a: {  	_ =	swait.ge [sflag:s16], $0x2000  }
0x34b: {  	s22 =	sld [smem:$0x7EE]  }
0x34c: {  	[sflag:s16] =	ssyncset.done $0x0  }
0x34d: {  	s7 =	simm.s32 $0x4400;
	[sflag:s16] =	ssyncadd.s32 $0xFFFFE000  }
0x34e: {  	[hbm4b:s22+s2] =	stream.linear.scatter [tilespmem:s7], [sflag:$0x13], $0x2000, $0x38;
	[tilespmem:$0x10400] =	vst v63  }
0x34f: {  	_ =	swait.ge [sflag:s0], $0x10  }
0x350: {  	[sflag:s0] =	ssyncset.done $0x0  }
0x351: {  	[sflag:s0] =	ssyncadd.s32 $0xFFFFFFF0  }
0x352: {  	_ =	swait.ge [sflag:s5], $0x2000  }
0x353: {  	s10 =	sld [smem:$0x7EF]  }
0x354: {  	[sflag:s5] =	ssyncset.done $0x0  }
0x355: {  	s18 =	sld [smem:$0x7F0];
	[sflag:s5] =	ssyncadd.s32 $0xFFFFE000  }
0x356: {  	[tilespmem:s28], [sflag:$0xA] =	stream.linear.gather [hbm4b:s10+s2], $0x2000, $0x38;
	[tilespmem:$0x10400] =	vst v63  }
0x357: {  	s22 =	simm.s32 $0x100  }
0x358: {  	[tilespmem:s22], [sflag:$0x3] =	stream.linear.gather [hbm4b:s18+s2], $0x10, $0x38;
	[tilespmem:$0x10400] =	vst v63  }
0x359: {  	_ =	swait.ge [sflag:s13], $0x2000  }
0x35a: {  	s10 =	sld [smem:$0x7F1]  }
0x35b: {  	[sflag:s13] =	ssyncset.done $0x0  }
0x35c: {  	[sflag:s13] =	ssyncadd.s32 $0xFFFFE000  }
0x35d: {  	[hbm4b:s10+s2] =	stream.linear.scatter [tilespmem:s24], [sflag:$0x14], $0x2000, $0x38;
	[tilespmem:$0x10400] =	vst v63  }
0x35e: {  	_ =	swait.ge [sflag:s29], $0x10  }
0x35f: {  	[sflag:s29] =	ssyncset.done $0x0  }
0x360: {  	[sflag:s29] =	ssyncadd.s32 $0xFFFFFFF0  }
0x361: {  	_ =	swait.ge [sflag:s4], $0x2000  }
0x362: {  	s18 =	sld [smem:$0x7F2]  }
0x363: {  	[sflag:s4] =	ssyncset.done $0x0  }
0x364: {  	s22 =	sld [smem:$0x7F3];
	[sflag:s4] =	ssyncadd.s32 $0xFFFFE000  }
0x365: {  	[tilespmem:s7], [sflag:$0xB] =	stream.linear.gather [hbm4b:s18+s2], $0x2000, $0x38;
	[tilespmem:$0x10400] =	vst v63  }
0x366: {  	s29 =	simm.s32 $0x180  }
0x367: {  	[tilespmem:s29], [sflag:$0x4] =	stream.linear.gather [hbm4b:s22+s2], $0x10, $0x38;
	[tilespmem:$0x10400] =	vst v63  }
0x368: {  	_ =	swait.ge [sflag:s9], $0x2000  }
0x369: {  	s1 =	sld [smem:$0x7F4]  }
0x36a: {  	[sflag:s9] =	ssyncset.done $0x0  }
0x36b: {  	[sflag:s9] =	ssyncadd.s32 $0xFFFFE000;
	s9 =	simm.s32 $0x8400  }
0x36c: {  	[hbm4b:s1+s2] =	stream.linear.scatter [tilespmem:s9], [sflag:$0x15], $0x2000, $0x38;
	[tilespmem:$0x10400] =	vst v63  }
0x36d: {  	_ =	swait.ge [sflag:s23], $0x10  }
0x36e: {  	[sflag:s23] =	ssyncset.done $0x0  }
0x36f: {  	[sflag:s23] =	ssyncadd.s32 $0xFFFFFFF0  }
0x370: {  	_ =	swait.ge [sflag:s3], $0x2000  }
0x371: {  	s10 =	sld [smem:$0x7F6]  }
0x372: {  	[sflag:s3] =	ssyncset.done $0x0  }
0x373: {  	[sflag:s3] =	ssyncadd.s32 $0xFFFFE000  }
0x374: {  	[tilespmem:s24], [sflag:$0xC] =	stream.linear.gather [hbm4b:s10+s2], $0x2000, $0x38;
	[tilespmem:$0x10400] =	vst v63  }
0x375: {  	_ =	swait.ge [sflag:s8], $0x2000  }
0x376: {  	s18 =	sld [smem:$0x7F7]  }
0x377: {  	[sflag:s8] =	ssyncset.done $0x0  }
0x378: {  	[sflag:s8] =	ssyncadd.s32 $0xFFFFE000  }
0x379: {  	[hbm4b:s18+s2] =	stream.linear.scatter [tilespmem:s30], [sflag:$0x16], $0x2000, $0x38;
	[tilespmem:$0x10400] =	vst v63  }
0x37a: {  	_ =	swait.ge [sflag:s21], $0x2000  }
0x37b: {  	s22 =	sld [smem:$0x7F8]  }
0x37c: {  	[sflag:s21] =	ssyncset.done $0x0  }
0x37d: {  	[sflag:s21] =	ssyncadd.s32 $0xFFFFE000  }
0x37e: {  	[hbm4b:s22+s2] =	stream.linear.scatter [tilespmem:s25], [sflag:$0x17], $0x2000, $0x38;
	[tilespmem:$0x10400] =	vst v63  }
0x37f: {  	_ =	swait.ge [sflag:s20], $0x2000  }
0x380: {  	s23 =	sld [smem:$0x7F9]  }
0x381: {  	[sflag:s20] =	ssyncset.done $0x0  }
0x382: {  	[sflag:s20] =	ssyncadd.s32 $0xFFFFE000  }
0x383: {  	[hbm4b:s23+s2] =	stream.linear.scatter [tilespmem:s11], [sflag:$0x18], $0x2000, $0x38;
	[tilespmem:$0x10400] =	vst v63  }
0x384: {  	_ =	swait.ge [sflag:s31], $0x2000  }
0x385: {  	s25 =	sld [smem:$0x7FA]  }
0x386: {  	[sflag:s31] =	ssyncset.done $0x0  }
0x387: {  	[sflag:s31] =	ssyncadd.s32 $0xFFFFE000  }
0x388: {  	[hbm4b:s25+s2] =	stream.linear.scatter [tilespmem:s26], [sflag:$0x11], $0x2000, $0x38;
	[tilespmem:$0x10400] =	vst v63  }
0x389: {  	_ =	swait.ge [sflag:s17], $0x2000  }
0x38a: {  	s26 =	sld [smem:$0x7FB]  }
0x38b: {  	[sflag:s17] =	ssyncset.done $0x0  }
0x38c: {  	[sflag:s17] =	ssyncadd.s32 $0xFFFFE000  }
0x38d: {  	[hbm4b:s26+s2] =	stream.linear.scatter [tilespmem:s28], [sflag:$0x12], $0x2000, $0x38;
	[tilespmem:$0x10400] =	vst v63  }
0x38e: {  	_ =	swait.ge [sflag:s16], $0x2000  }
0x38f: {  	s29 =	sld [smem:$0x7FC]  }
0x390: {  	[sflag:s16] =	ssyncset.done $0x0  }
0x391: {  	s7 =	simm.s32 $0x4400;
	[sflag:s16] =	ssyncadd.s32 $0xFFFFE000  }
0x392: {  	[hbm4b:s29+s2] =	stream.linear.scatter [tilespmem:s7], [sflag:$0x13], $0x2000, $0x38;
	[tilespmem:$0x10400] =	vst v63  }
0x393: {  	_ =	swait.ge [sflag:s13], $0x2000  }
0x394: {  	s30 =	sld [smem:$0x7FD]  }
0x395: {  	[sflag:s13] =	ssyncset.done $0x0  }
0x396: {  	s19 =	simm.s32 $0x15;
	[sflag:s13] =	ssyncadd.s32 $0xFFFFE000  }
0x397: {  	[hbm4b:s30+s2] =	stream.linear.scatter [tilespmem:s24], [sflag:$0x14], $0x2000, $0x38;
	[tilespmem:$0x10400] =	vst v63  }
0x398: {  	_ =	swait.ge [sflag:s19], $0x2000  }
0x399: {  	[sflag:s19] =	ssyncset.done $0x0  }
0x39a: {  	s15 =	simm.s32 $0x16;
	[sflag:s19] =	ssyncadd.s32 $0xFFFFE000  }
0x39b: {  	_ =	swait.ge [sflag:s15], $0x2000  }
0x39c: {  	[sflag:s15] =	ssyncset.done $0x0  }
0x39d: {  	s14 =	simm.s32 $0x17;
	[sflag:s15] =	ssyncadd.s32 $0xFFFFE000  }
0x39e: {  	_ =	swait.ge [sflag:s14], $0x2000  }
0x39f: {  	[sflag:s14] =	ssyncset.done $0x0  }
0x3a0: {  	[sflag:s14] =	ssyncadd.s32 $0xFFFFE000  }
0x3a1: {  	_ =	swait.ge [sflag:s12], $0x2000  }
0x3a2: {  	[sflag:s12] =	ssyncset.done $0x0  }
0x3a3: {  	[sflag:s12] =	ssyncadd.s32 $0xFFFFE000  }
0x3a4: {  	_ =	swait.ge [sflag:s6], $0x2000  }
0x3a5: {  	[sflag:s6] =	ssyncset.done $0x0  }
0x3a6: {  	[sflag:s6] =	ssyncadd.s32 $0xFFFFE000  }
0x3a7: {  	_ =	swait.ge [sflag:s5], $0x2000  }
0x3a8: {  	[sflag:s5] =	ssyncset.done $0x0  }
0x3a9: {  	[sflag:s5] =	ssyncadd.s32 $0xFFFFE000  }
0x3aa: {  	_ =	swait.ge [sflag:s4], $0x2000  }
0x3ab: {  	[sflag:s4] =	ssyncset.done $0x0  }
0x3ac: {  	[sflag:s4] =	ssyncadd.s32 $0xFFFFE000  }
0x3ad: {  	_ =	swait.ge [sflag:s3], $0x2000  }
0x3ae: {  	[sflag:s3] =	ssyncset.done $0x0  }
0x3af: {  	[sflag:s3] =	ssyncadd.s32 $0xFFFFE000  }
0x3b0: {  	_ =	sfence.sel $0x180000  }
0x3b1: {  	[bflag:$0x0] =	sbarrier.arrive $0xFFFF  }
0x3b2: {  	_ =	strace $0x9000004A  }
0x3b3: {  	s31 =	stileid.u32;
	[bflag:$0x2] =	sbarrier.arrive $0xFFFF  }
0x3b4: {  	p0 =	sne.s32 s31, $0x0;
	s0 =	rddreg [dreg:$0x2]  }
0x3b5: {  	s0 =	sadd.s32 @!p0 $0x100000, s0  }
0x3b6: {  	[sflag:s0] =	ssyncadd.tile.s32 @!p0 $0x1;
	_ =	shalt  }
.LBB2_1:
.Ltmp3:
0x3b7: {  	(pc) =	sbr.rel .LBB2_6-.Ltmp3, $2  }
0x3b8: {  	_ =	sdelay $0x2  }
0x3b9: {  	s1 =	sld [smem:$0x7F5]  }
.LBB2_7:
.Ltmp4:
0x3ba: {  	(pc) =	sbr.rel .LBB2_6-.Ltmp4, $4  }
0x3bb: {  	s1 =	sld [smem:$0x7F5];
	s8 =	simm.s32 $0x4400;
	s9 =	simm.s32 $0x2400  }
0x3bc: {  	s10 =	simm.s32 $0x400;
	s12 =	simm.s32 $0x17;
	s14 =	simm.s32 $0x16  }
0x3bd: {  	s15 =	simm.s32 $0x15;
	s25 =	simm.s32 $0xC400;
	s11 =	simm.s32 $0xE400  }
0x3be: {  	s30 =	simm.s32 $0xA400;
	s18 =	simm.s32 $0x180;
	s20 =	simm.s32 $0x200  }
.Lfunc_end2:
_tile_overlayer_lowered:
.L_overlay_start_2:
0x3bf: {  	(tag) =	ssettag $0x2  }
0x3c0: {  	s0 =	rddreg [dreg:$0x0];
	s2 =	stileid.u32  }
0x3c1: {  	s1 =	rddreg [dreg:$0x1];
	p0 =	sne.s32 s2, $0x0  }
0x3c2: {  	s3 =	rddreg [dreg:$0x2];
	[bflag:$0x3] =	sbarrier.arrive $0xFFFF;
	s2 =	simm.s32 @!p0 $0x1C19  }
0x3c3: {  	[timem:s3], [sflag:s2] =	dma.local @!p0 [hbm:s0], s1  }
0x3c4: {  	s0 =	simm.s32 @!p0 $0x19  }
0x3c5: {  	_ =	swait.ge @!p0 [sflag:s0], s1  }
0x3c6: {  	s1 =	ssub.s32 @!p0 $0x0, s1;
	[sflag:s0] =	ssyncset.done @!p0 $0x0  }
0x3c7: {  	[sflag:s0] =	ssyncadd.s32 @!p0 s1  }
0x3c8: {  	[bflag:$0x3] =	sbarrier.arrive $0xFFFF  }
0x3c9: {  	_ =	shalt  }

</sc_bundles>
